<compile_context>
chip_gen: v7x
topology: tpu7x:2x2x1
jax: 0.10.2.dev20260603
libtpu: 0.0.44.dev20260713+nightly
codegen_flags: <defaults>
</compile_context>

<pallas_src>
import functools

import jax
import jax.numpy as jnp
from jax import lax
from jax.experimental import pallas as pl
from jax.experimental.pallas import tpu as pltpu
from jax.experimental.pallas import tpu_sc as plsc

BATCH = 16384
HALF = BATCH // 2
D = 64
NU = 1_000_000
FOLD = 512_000
NC = 2
NS = 16
LANES = 16
NW = NC * NS
BPW = 512
CPW = 256
FIRE = 16



def _pack_body(lo_ref, hi_ref, out_ref):
    lo = lo_ref[...]
    hi = hi_ref[...]
    eye = jnp.eye(D, dtype=jnp.float32)
    lo_t = lax.dot_general(lo, eye, (((0,), (0,)), ((), ())),
                           precision=lax.Precision.DEFAULT,
                           preferred_element_type=jnp.float32)
    hi_t = lax.dot_general(hi, eye, (((0,), (0,)), ((), ())),
                           precision=lax.Precision.DEFAULT,
                           preferred_element_type=jnp.float32)
    out_ref[...] = jnp.concatenate([lo_t, hi_t], axis=1)


def _pack(ut):
    BU = 10240
    n_hi_blocks = (NU + BU - 1) // BU - 1
    return pl.pallas_call(
        _pack_body,
        grid=(FOLD // BU,),
        in_specs=[
            pl.BlockSpec((D, BU), lambda i: (0, i)),
            pl.BlockSpec((D, BU),
                         lambda i: (0, jnp.minimum(FOLD // BU + i,
                                                   n_hi_blocks))),
        ],
        out_specs=pl.BlockSpec((BU, 128), lambda i: (i, 0)),
        out_shape=jax.ShapeDtypeStruct((FOLD, 128), jnp.float32),
    )(ut, ut)



def _sc_body(uids_hbm, iids_hbm, up_hbm, iemb_hbm, z_hbm,
             uidx_v, iidx_v, urows_v, irows_v, sem_u, sem_i):
    wid = lax.axis_index("s") * NC + lax.axis_index("c")
    base = wid * CPW
    pltpu.sync_copy(uids_hbm.at[pl.ds(base, CPW)], uidx_v.at[pl.ds(0, CPW)])
    pltpu.sync_copy(uids_hbm.at[pl.ds(HALF + base, CPW)],
                    uidx_v.at[pl.ds(CPW, CPW)])
    pltpu.sync_copy(iids_hbm.at[pl.ds(base, CPW)], iidx_v.at[pl.ds(0, CPW)])
    pltpu.sync_copy(iids_hbm.at[pl.ds(HALF + base, CPW)],
                    iidx_v.at[pl.ds(CPW, CPW)])

    def fire(g, carry):
        r0 = g * FIRE
        uvec = uidx_v[pl.ds(r0, FIRE)]
        ivec = iidx_v[pl.ds(r0, FIRE)]
        rvec = jnp.where(uvec >= FOLD, uvec - FOLD, uvec)
        for j in range(FIRE):
            b = r0 + j
            pltpu.async_copy(up_hbm.at[rvec[j]], urows_v.at[b], sem_u)
            q = g * (FIRE // 2) + j // 2
            dst_c = pl.ds((j % 2) * D, D)
            pltpu.async_copy(iemb_hbm.at[ivec[j]], irows_v.at[q, dst_c],
                             sem_i)
        return carry

    lax.fori_loop(0, BPW // FIRE, fire, 0)
    pltpu.make_async_copy(up_hbm.at[pl.ds(0, BPW)], urows_v, sem_u).wait()
    pltpu.make_async_copy(up_hbm.at[pl.ds(0, CPW)], irows_v, sem_i).wait()

    def mul_a(g, carry):
        r0 = g * FIRE
        uvec = uidx_v[pl.ds(r0, FIRE)]
        hvec = jnp.where(uvec >= FOLD, D, 0)
        for j in range(FIRE):
            b = r0 + j
            q = g * (FIRE // 2) + j // 2
            hj = hvec[j]
            for c in range(D // LANES):
                u = urows_v[b, pl.ds(hj + c * LANES, LANES)]
                iv = irows_v[q, pl.ds((j % 2) * D + c * LANES, LANES)]
                urows_v[b, pl.ds(c * LANES, LANES)] = u * iv
        return carry

    def mul_b(g, carry):
        r0 = g * FIRE
        uvec = uidx_v[pl.ds(CPW + r0, FIRE)]
        hvec = jnp.where(uvec >= FOLD, D, 0)
        for j in range(FIRE):
            b = CPW + r0 + j
            q = (CPW + r0 + j) // 2
            hj = hvec[j]
            for c in range(D // LANES):
                u = urows_v[b, pl.ds(hj + c * LANES, LANES)]
                iv = irows_v[q, pl.ds((j % 2) * D + c * LANES, LANES)]
                urows_v[b - CPW, pl.ds(D + c * LANES, LANES)] = u * iv
        return carry

    lax.fori_loop(0, CPW // FIRE, mul_a, 0)
    lax.fori_loop(0, CPW // FIRE, mul_b, 0)
    pltpu.sync_copy(urows_v.at[pl.ds(0, CPW)], z_hbm.at[pl.ds(base, CPW)])


@functools.partial(
    pl.kernel,
    mesh=plsc.VectorSubcoreMesh(core_axis_name="c", subcore_axis_name="s"),
    out_type=jax.ShapeDtypeStruct((HALF, 128), jnp.float32),
    scratch_types=[
        pltpu.VMEM((BPW,), jnp.int32),
        pltpu.VMEM((BPW,), jnp.int32),
        pltpu.VMEM((BPW, 128), jnp.float32),
        pltpu.VMEM((CPW, 128), jnp.float32),
        pltpu.SemaphoreType.DMA,
        pltpu.SemaphoreType.DMA,
    ],
)
def _sc_gather_mul(uids, iids, up, iemb, z, uidx_v, iidx_v, urows_v,
                   irows_v, sem_u, sem_i):
    _sc_body(uids, iids, up, iemb, z, uidx_v, iidx_v, urows_v, irows_v,
             sem_u, sem_i)



def _mlp_body(z_ref, w0_ref, b0_ref, w1_ref, b1_ref, hw_ref, hb_ref, out_ref):
    z = z_ref[...]
    h = lax.dot_general(z, w0_ref[...], (((1,), (0,)), ((), ())),
                        precision=lax.Precision.DEFAULT,
                        preferred_element_type=jnp.float32)
    h = jnp.maximum(h + b0_ref[...], 0.0)
    h = lax.dot_general(h, w1_ref[...], (((1,), (0,)), ((), ())),
                        precision=lax.Precision.DEFAULT,
                        preferred_element_type=jnp.float32)
    h = jnp.maximum(h + b1_ref[...], 0.0)
    e = h * hw_ref[...]
    s0 = jnp.sum(e[:, :D], axis=1, keepdims=True)
    s1 = jnp.sum(e[:, D:], axis=1, keepdims=True)
    out_ref[...] = jnp.concatenate([s0, s1], axis=1) + hb_ref[0, 0]


def _mlp(z, W0p, b0p, W1p, b1p, hWp, hb):
    BLK = 1024
    return pl.pallas_call(
        _mlp_body,
        grid=(HALF // BLK,),
        in_specs=[
            pl.BlockSpec((BLK, 128), lambda i: (i, 0)),
            pl.BlockSpec((128, 128), lambda i: (0, 0)),
            pl.BlockSpec((1, 128), lambda i: (0, 0)),
            pl.BlockSpec((128, 128), lambda i: (0, 0)),
            pl.BlockSpec((1, 128), lambda i: (0, 0)),
            pl.BlockSpec((1, 128), lambda i: (0, 0)),
            pl.BlockSpec(memory_space=pltpu.SMEM),
        ],
        out_specs=pl.BlockSpec((BLK, 2), lambda i: (i, 0)),
        out_shape=jax.ShapeDtypeStruct((HALF, 2), jnp.float32),
    )(z, W0p, b0p, W1p, b1p, hWp, hb.reshape(1, 1))


def kernel(user_ids, item_ids, user_emb, item_emb, W0, b0, W1, b1, hW, hb):
    uids = user_ids.astype(jnp.int32)
    iids = item_ids.astype(jnp.int32)

    up = _pack(user_emb.T)
    z = _sc_gather_mul(uids, iids, up, item_emb)

    zpad = jnp.zeros((D, D), jnp.float32)
    W0p = jnp.block([[W0.T, zpad], [zpad, W0.T]])
    W1p = jnp.block([[W1.T, zpad], [zpad, W1.T]])
    b0p = jnp.tile(b0.reshape(1, D), (1, 2))
    b1p = jnp.tile(b1.reshape(1, D), (1, 2))
    hWp = jnp.tile(hW.reshape(1, D), (1, 2))

    out2 = _mlp(z, W0p, b0p, W1p, b1p, hWp, hb)
    return jnp.concatenate([out2[:, :1], out2[:, 1:]], axis=0)

# --- scband reference (transcript-rebuilt; emitter-appended) ---
"""Pipeline reference for scband-nmf-76338748720071 (READ-ONLY COPY).

The authoritative reference and input builder live on the scoring server;
editing this copy changes nothing except your own understanding.
"""

import jax, jax.numpy as jnp
import numpy as np

NUM_USERS = 1000000
NUM_ITEMS = 1000
EMBED_DIM = 64
BATCH = 16384


def setup_inputs(seed: int = 0) -> dict:
    key = jax.random.key(seed)
    ks = jax.random.split(key, 12)
    user_ids = jax.random.randint(ks[0], (BATCH,), 0, NUM_USERS, dtype=jnp.int64) if jax.config.jax_enable_x64 else jax.random.randint(ks[0], (BATCH,), 0, NUM_USERS, dtype=jnp.int32)
    item_ids = jax.random.randint(ks[1], (BATCH,), 0, NUM_ITEMS, dtype=jnp.int32)
    user_emb = jax.random.normal(ks[2], (NUM_USERS, EMBED_DIM), dtype=jnp.float32)
    item_emb = jax.random.normal(ks[3], (NUM_ITEMS, EMBED_DIM), dtype=jnp.float32)
    s = 1.0 / np.sqrt(EMBED_DIM)
    W0 = jax.random.uniform(ks[4], (EMBED_DIM, EMBED_DIM), dtype=jnp.float32, minval=-s, maxval=s)
    b0 = jax.random.uniform(ks[5], (EMBED_DIM,), dtype=jnp.float32, minval=-s, maxval=s)
    W1 = jax.random.uniform(ks[6], (EMBED_DIM, EMBED_DIM), dtype=jnp.float32, minval=-s, maxval=s)
    b1 = jax.random.uniform(ks[7], (EMBED_DIM,), dtype=jnp.float32, minval=-s, maxval=s)
    hW = jax.random.uniform(ks[8], (1, EMBED_DIM), dtype=jnp.float32, minval=-s, maxval=s)
    hb = jax.random.uniform(ks[9], (1,), dtype=jnp.float32, minval=-s, maxval=s)
    return {"user_ids": user_ids, "item_ids": item_ids, "user_emb": user_emb, "item_emb": item_emb, "W0": W0, "b0": b0, "W1": W1, "b1": b1, "hW": hW, "hb": hb}


def reference(user_ids, item_ids, user_emb, item_emb, W0, b0, W1, b1, hW, hb):
    p = jnp.take(user_emb, user_ids, axis=0)
    q = jnp.take(item_emb, item_ids, axis=0)
    z = p * q
    z = jax.nn.relu(z @ W0.T + b0)
    z = jax.nn.relu(z @ W1.T + b1)
    logit = z @ hW.T + hb
    return logit

if __name__ == "__main__":
    import jax
    _d = setup_inputs()
    print(jax.jit(kernel)(*tuple(_d.values())))

</pallas_src>

<mosaic_0001>
#map = affine_map<(d0, d1) -> (0)>
#map1 = affine_map<(d0, d1) -> (0, 0)>
module attributes {stable_mosaic.version = 14 : i64} {
  func.func @_sc_gather_mul(%arg0: i32, %arg1: i32, %arg2: memref<16384xi32, #tpu.memory_space<hbm>>, %arg3: memref<16384xi32, #tpu.memory_space<hbm>>, %arg4: memref<512000x128xf32, #tpu.memory_space<hbm>>, %arg5: memref<1000x64xf32, #tpu.memory_space<hbm>>, %arg6: memref<8192x128xf32, #tpu.memory_space<hbm>>, %arg7: memref<512xi32, #tpu.memory_space<vmem>>, %arg8: memref<512xi32, #tpu.memory_space<vmem>>, %arg9: memref<512x128xf32, #tpu.memory_space<vmem>>, %arg10: memref<256x128xf32, #tpu.memory_space<vmem>>, %arg11: memref<!tpu.dma_semaphore, #tpu.memory_space<semaphore_mem>>, %arg12: memref<!tpu.dma_semaphore, #tpu.memory_space<semaphore_mem>>) attributes {dimension_semantics = [#tpu.dimension_semantics<core_parallel>, #tpu.dimension_semantics<subcore_parallel>], iteration_bounds = array<i64: 2, 16>, scalar_prefetch = 0 : i64, scratch_operands = 6 : i64, tpu.core_type = #tpu.core_type<sc_vector_subcore>, window_params = [{transform_indices = #map}, {transform_indices = #map}, {transform_indices = #map1}, {transform_indices = #map1}, {transform_indices = #map1}]} {
    %mul3A = arith.constant 2 : i32
    %mul3A_0 = arith.muli %arg1, %mul3A : i32
    %add3A = arith.addi %mul3A_0, %arg0 : i32
    %mul3A_1 = arith.constant 256 : i32
    %mul3A_2 = arith.muli %add3A, %mul3A_1 : i32
    "tpu.region"() ({
      %run_scoped3A = tpu.sem_alloc : memref<!tpu.dma_semaphore, #tpu.memory_space<semaphore_mem>>
      %dma_start3A = arith.constant 0 : i32
      %dma_start3A_35 = tpu.memref_slice %arg7[%dma_start3A] : memref<512xi32, #tpu.memory_space<vmem>> -> memref<256xi32, #tpu.memory_space<vmem>>
      %dma_start3A_36 = tpu.memref_slice %arg2[%mul3A_2] : memref<16384xi32, #tpu.memory_space<hbm>> -> memref<256xi32, #tpu.memory_space<hbm>>
      %dma_start3A_37 = arith.constant 0 : i32
      %dma_start3A_38 = tpu.memref_slice %arg7[%dma_start3A_37] : memref<512xi32, #tpu.memory_space<vmem>> -> memref<256xi32, #tpu.memory_space<vmem>>
      %dma_start3A_39 = tpu.memref_slice %arg2[%mul3A_2] : memref<16384xi32, #tpu.memory_space<hbm>> -> memref<256xi32, #tpu.memory_space<hbm>>
      tpu.enqueue_dma source(%dma_start3A_39 : memref<256xi32, #tpu.memory_space<hbm>>) target(%dma_start3A_38 : memref<256xi32, #tpu.memory_space<vmem>>) target_semaphore(%run_scoped3A : memref<!tpu.dma_semaphore, #tpu.memory_space<semaphore_mem>>)
      %dma_wait3A_40 = arith.constant 0 : i32
      %dma_wait3A_41 = tpu.memref_slice %arg7[%dma_wait3A_40] : memref<512xi32, #tpu.memory_space<vmem>> -> memref<256xi32, #tpu.memory_space<vmem>>
      %dma_wait3A_42 = tpu.memref_slice %arg2[%mul3A_2] : memref<16384xi32, #tpu.memory_space<hbm>> -> memref<256xi32, #tpu.memory_space<hbm>>
      %dma_wait3A_43 = arith.constant 0 : i32
      %dma_wait3A_44 = tpu.memref_slice %arg7[%dma_wait3A_43] : memref<512xi32, #tpu.memory_space<vmem>> -> memref<256xi32, #tpu.memory_space<vmem>>
      %dma_wait3A_45 = tpu.memref_slice %arg2[%mul3A_2] : memref<16384xi32, #tpu.memory_space<hbm>> -> memref<256xi32, #tpu.memory_space<hbm>>
      tpu.wait_dma2 semaphore(%run_scoped3A : memref<!tpu.dma_semaphore, #tpu.memory_space<semaphore_mem>>) src(%dma_wait3A_45 : memref<256xi32, #tpu.memory_space<hbm>>) dst(%dma_wait3A_44 : memref<256xi32, #tpu.memory_space<vmem>>)
      tpu.yield
    }) : () -> ()
    %add3A_3 = arith.constant 8192 : i32
    %add3A_4 = arith.addi %add3A_3, %mul3A_2 : i32
    "tpu.region"() ({
      %run_scoped3A = tpu.sem_alloc : memref<!tpu.dma_semaphore, #tpu.memory_space<semaphore_mem>>
      %dma_start3A = arith.constant 256 : i32
      %dma_start3A_35 = tpu.memref_slice %arg7[%dma_start3A] : memref<512xi32, #tpu.memory_space<vmem>> -> memref<256xi32, #tpu.memory_space<vmem>>
      %dma_start3A_36 = tpu.memref_slice %arg2[%add3A_4] : memref<16384xi32, #tpu.memory_space<hbm>> -> memref<256xi32, #tpu.memory_space<hbm>>
      %dma_start3A_37 = arith.constant 256 : i32
      %dma_start3A_38 = tpu.memref_slice %arg7[%dma_start3A_37] : memref<512xi32, #tpu.memory_space<vmem>> -> memref<256xi32, #tpu.memory_space<vmem>>
      %dma_start3A_39 = tpu.memref_slice %arg2[%add3A_4] : memref<16384xi32, #tpu.memory_space<hbm>> -> memref<256xi32, #tpu.memory_space<hbm>>
      tpu.enqueue_dma source(%dma_start3A_39 : memref<256xi32, #tpu.memory_space<hbm>>) target(%dma_start3A_38 : memref<256xi32, #tpu.memory_space<vmem>>) target_semaphore(%run_scoped3A : memref<!tpu.dma_semaphore, #tpu.memory_space<semaphore_mem>>)
      %dma_wait3A_40 = arith.constant 256 : i32
      %dma_wait3A_41 = tpu.memref_slice %arg7[%dma_wait3A_40] : memref<512xi32, #tpu.memory_space<vmem>> -> memref<256xi32, #tpu.memory_space<vmem>>
      %dma_wait3A_42 = tpu.memref_slice %arg2[%add3A_4] : memref<16384xi32, #tpu.memory_space<hbm>> -> memref<256xi32, #tpu.memory_space<hbm>>
      %dma_wait3A_43 = arith.constant 256 : i32
      %dma_wait3A_44 = tpu.memref_slice %arg7[%dma_wait3A_43] : memref<512xi32, #tpu.memory_space<vmem>> -> memref<256xi32, #tpu.memory_space<vmem>>
      %dma_wait3A_45 = tpu.memref_slice %arg2[%add3A_4] : memref<16384xi32, #tpu.memory_space<hbm>> -> memref<256xi32, #tpu.memory_space<hbm>>
      tpu.wait_dma2 semaphore(%run_scoped3A : memref<!tpu.dma_semaphore, #tpu.memory_space<semaphore_mem>>) src(%dma_wait3A_45 : memref<256xi32, #tpu.memory_space<hbm>>) dst(%dma_wait3A_44 : memref<256xi32, #tpu.memory_space<vmem>>)
      tpu.yield
    }) : () -> ()
    "tpu.region"() ({
      %run_scoped3A = tpu.sem_alloc : memref<!tpu.dma_semaphore, #tpu.memory_space<semaphore_mem>>
      %dma_start3A = arith.constant 0 : i32
      %dma_start3A_35 = tpu.memref_slice %arg8[%dma_start3A] : memref<512xi32, #tpu.memory_space<vmem>> -> memref<256xi32, #tpu.memory_space<vmem>>
      %dma_start3A_36 = tpu.memref_slice %arg3[%mul3A_2] : memref<16384xi32, #tpu.memory_space<hbm>> -> memref<256xi32, #tpu.memory_space<hbm>>
      %dma_start3A_37 = arith.constant 0 : i32
      %dma_start3A_38 = tpu.memref_slice %arg8[%dma_start3A_37] : memref<512xi32, #tpu.memory_space<vmem>> -> memref<256xi32, #tpu.memory_space<vmem>>
      %dma_start3A_39 = tpu.memref_slice %arg3[%mul3A_2] : memref<16384xi32, #tpu.memory_space<hbm>> -> memref<256xi32, #tpu.memory_space<hbm>>
      tpu.enqueue_dma source(%dma_start3A_39 : memref<256xi32, #tpu.memory_space<hbm>>) target(%dma_start3A_38 : memref<256xi32, #tpu.memory_space<vmem>>) target_semaphore(%run_scoped3A : memref<!tpu.dma_semaphore, #tpu.memory_space<semaphore_mem>>)
      %dma_wait3A_40 = arith.constant 0 : i32
      %dma_wait3A_41 = tpu.memref_slice %arg8[%dma_wait3A_40] : memref<512xi32, #tpu.memory_space<vmem>> -> memref<256xi32, #tpu.memory_space<vmem>>
      %dma_wait3A_42 = tpu.memref_slice %arg3[%mul3A_2] : memref<16384xi32, #tpu.memory_space<hbm>> -> memref<256xi32, #tpu.memory_space<hbm>>
      %dma_wait3A_43 = arith.constant 0 : i32
      %dma_wait3A_44 = tpu.memref_slice %arg8[%dma_wait3A_43] : memref<512xi32, #tpu.memory_space<vmem>> -> memref<256xi32, #tpu.memory_space<vmem>>
      %dma_wait3A_45 = tpu.memref_slice %arg3[%mul3A_2] : memref<16384xi32, #tpu.memory_space<hbm>> -> memref<256xi32, #tpu.memory_space<hbm>>
      tpu.wait_dma2 semaphore(%run_scoped3A : memref<!tpu.dma_semaphore, #tpu.memory_space<semaphore_mem>>) src(%dma_wait3A_45 : memref<256xi32, #tpu.memory_space<hbm>>) dst(%dma_wait3A_44 : memref<256xi32, #tpu.memory_space<vmem>>)
      tpu.yield
    }) : () -> ()
    %add3A_5 = arith.constant 8192 : i32
    %add3A_6 = arith.addi %add3A_5, %mul3A_2 : i32
    "tpu.region"() ({
      %run_scoped3A = tpu.sem_alloc : memref<!tpu.dma_semaphore, #tpu.memory_space<semaphore_mem>>
      %dma_start3A = arith.constant 256 : i32
      %dma_start3A_35 = tpu.memref_slice %arg8[%dma_start3A] : memref<512xi32, #tpu.memory_space<vmem>> -> memref<256xi32, #tpu.memory_space<vmem>>
      %dma_start3A_36 = tpu.memref_slice %arg3[%add3A_6] : memref<16384xi32, #tpu.memory_space<hbm>> -> memref<256xi32, #tpu.memory_space<hbm>>
      %dma_start3A_37 = arith.constant 256 : i32
      %dma_start3A_38 = tpu.memref_slice %arg8[%dma_start3A_37] : memref<512xi32, #tpu.memory_space<vmem>> -> memref<256xi32, #tpu.memory_space<vmem>>
      %dma_start3A_39 = tpu.memref_slice %arg3[%add3A_6] : memref<16384xi32, #tpu.memory_space<hbm>> -> memref<256xi32, #tpu.memory_space<hbm>>
      tpu.enqueue_dma source(%dma_start3A_39 : memref<256xi32, #tpu.memory_space<hbm>>) target(%dma_start3A_38 : memref<256xi32, #tpu.memory_space<vmem>>) target_semaphore(%run_scoped3A : memref<!tpu.dma_semaphore, #tpu.memory_space<semaphore_mem>>)
      %dma_wait3A_40 = arith.constant 256 : i32
      %dma_wait3A_41 = tpu.memref_slice %arg8[%dma_wait3A_40] : memref<512xi32, #tpu.memory_space<vmem>> -> memref<256xi32, #tpu.memory_space<vmem>>
      %dma_wait3A_42 = tpu.memref_slice %arg3[%add3A_6] : memref<16384xi32, #tpu.memory_space<hbm>> -> memref<256xi32, #tpu.memory_space<hbm>>
      %dma_wait3A_43 = arith.constant 256 : i32
      %dma_wait3A_44 = tpu.memref_slice %arg8[%dma_wait3A_43] : memref<512xi32, #tpu.memory_space<vmem>> -> memref<256xi32, #tpu.memory_space<vmem>>
      %dma_wait3A_45 = tpu.memref_slice %arg3[%add3A_6] : memref<16384xi32, #tpu.memory_space<hbm>> -> memref<256xi32, #tpu.memory_space<hbm>>
      tpu.wait_dma2 semaphore(%run_scoped3A : memref<!tpu.dma_semaphore, #tpu.memory_space<semaphore_mem>>) src(%dma_wait3A_45 : memref<256xi32, #tpu.memory_space<hbm>>) dst(%dma_wait3A_44 : memref<256xi32, #tpu.memory_space<vmem>>)
      tpu.yield
    }) : () -> ()
    %scan3A = arith.constant 0 : i32
    %scan3A_7 = arith.constant 0 : i32
    %scan3A_8 = arith.constant 32 : i32
    %scan3A_9 = arith.addi %scan3A_7, %scan3A_8 : i32
    %scan3A_10 = arith.constant 1 : i32
    scf.for %scan3A_35 = %scan3A_7 to %scan3A_9 step %scan3A_10  : i32 {
      %mul3A_36 = arith.constant 16 : i32
      %mul3A_37 = arith.muli %scan3A_35, %mul3A_36 : i32
      %get3A = arith.index_cast %mul3A_37 : i32 to index
      %get3A_38 = tpu.vector_load %arg7[%get3A] {strides = array<i32>} : memref<512xi32, #tpu.memory_space<vmem>>, vector<16xi32>,
      %get3A_39 = vector.shape_cast %get3A_38 : vector<16xi32> to vector<16xi32>
      %get3A_40 = arith.index_cast %mul3A_37 : i32 to index
      %get3A_41 = tpu.vector_load %arg8[%get3A_40] {strides = array<i32>} : memref<512xi32, #tpu.memory_space<vmem>>, vector<16xi32>,
      %get3A_42 = vector.shape_cast %get3A_41 : vector<16xi32> to vector<16xi32>
      %ge3A = arith.constant 512000 : i32
      %ge3A_43 = vector.broadcast %ge3A : i32 to vector<16xi32>
      %ge3A_44 = arith.cmpi sge, %get3A_39, %ge3A_43 : vector<16xi32>
      %sub3A = arith.constant 512000 : i32
      %sub3A_45 = vector.broadcast %sub3A : i32 to vector<16xi32>
      %sub3A_46 = arith.subi %get3A_39, %sub3A_45 : vector<16xi32>
      %select_n3A = arith.select %ge3A_44, %sub3A_46, %get3A_39 : vector<16xi1>, vector<16xi32>
      %add3A_47 = arith.constant 0 : i32
      %add3A_48 = arith.addi %mul3A_37, %add3A_47 : i32
      %slice3A = vector.extract_strided_slice %select_n3A {offsets = [0], sizes = [1], strides = [1]} : vector<16xi32> to vector<1xi32>
      %squeeze3A = vector.extract %slice3A[0] : i32 from vector<1xi32>
      %dma_start3A = arith.constant 0 : i32
      %dma_start3A_49 = tpu.memref_slice %arg9[%add3A_48, %dma_start3A] : memref<512x128xf32, #tpu.memory_space<vmem>> -> memref<1x128xf32, #tpu.memory_space<vmem>>
      %dma_start3A_50 = tpu.memref_squeeze %dma_start3A_49 : memref<1x128xf32, #tpu.memory_space<vmem>> -> memref<128xf32, #tpu.memory_space<vmem>>
      %dma_start3A_51 = arith.constant 0 : i32
      %dma_start3A_52 = tpu.memref_slice %arg4[%squeeze3A, %dma_start3A_51] : memref<512000x128xf32, #tpu.memory_space<hbm>> -> memref<1x128xf32, #tpu.memory_space<hbm>>
      %dma_start3A_53 = tpu.memref_squeeze %dma_start3A_52 : memref<1x128xf32, #tpu.memory_space<hbm>> -> memref<128xf32, #tpu.memory_space<hbm>>
      %dma_start3A_54 = arith.constant 0 : i32
      %dma_start3A_55 = tpu.memref_slice %arg9[%add3A_48, %dma_start3A_54] : memref<512x128xf32, #tpu.memory_space<vmem>> -> memref<1x128xf32, #tpu.memory_space<vmem>>
      %dma_start3A_56 = tpu.memref_squeeze %dma_start3A_55 : memref<1x128xf32, #tpu.memory_space<vmem>> -> memref<128xf32, #tpu.memory_space<vmem>>
      %dma_start3A_57 = arith.constant 0 : i32
      %dma_start3A_58 = tpu.memref_slice %arg4[%squeeze3A, %dma_start3A_57] : memref<512000x128xf32, #tpu.memory_space<hbm>> -> memref<1x128xf32, #tpu.memory_space<hbm>>
      %dma_start3A_59 = tpu.memref_squeeze %dma_start3A_58 : memref<1x128xf32, #tpu.memory_space<hbm>> -> memref<128xf32, #tpu.memory_space<hbm>>
      tpu.enqueue_dma source(%dma_start3A_59 : memref<128xf32, #tpu.memory_space<hbm>>) target(%dma_start3A_56 : memref<128xf32, #tpu.memory_space<vmem>>) target_semaphore(%arg11 : memref<!tpu.dma_semaphore, #tpu.memory_space<semaphore_mem>>)
      %mul3A_60 = arith.constant 8 : i32
      %mul3A_61 = arith.muli %scan3A_35, %mul3A_60 : i32
      %add3A_62 = arith.constant 0 : i32
      %add3A_63 = arith.addi %mul3A_61, %add3A_62 : i32
      %slice3A_64 = vector.extract_strided_slice %get3A_42 {offsets = [0], sizes = [1], strides = [1]} : vector<16xi32> to vector<1xi32>
      %squeeze3A_65 = vector.extract %slice3A_64[0] : i32 from vector<1xi32>
      %dma_start3A_66 = arith.constant 0 : i32
      %dma_start3A_67 = tpu.memref_slice %arg10[%add3A_63, %dma_start3A_66] : memref<256x128xf32, #tpu.memory_space<vmem>> -> memref<1x64xf32, #tpu.memory_space<vmem>>
      %dma_start3A_68 = tpu.memref_squeeze %dma_start3A_67 : memref<1x64xf32, #tpu.memory_space<vmem>> -> memref<64xf32, #tpu.memory_space<vmem>>
      %dma_start3A_69 = arith.constant 0 : i32
      %dma_start3A_70 = tpu.memref_slice %arg5[%squeeze3A_65, %dma_start3A_69] : memref<1000x64xf32, #tpu.memory_space<hbm>> -> memref<1x64xf32, #tpu.memory_space<hbm>>
      %dma_start3A_71 = tpu.memref_squeeze %dma_start3A_70 : memref<1x64xf32, #tpu.memory_space<hbm>> -> memref<64xf32, #tpu.memory_space<hbm>>
      %dma_start3A_72 = arith.constant 0 : i32
      %dma_start3A_73 = tpu.memref_slice %arg10[%add3A_63, %dma_start3A_72] : memref<256x128xf32, #tpu.memory_space<vmem>> -> memref<1x64xf32, #tpu.memory_space<vmem>>
      %dma_start3A_74 = tpu.memref_squeeze %dma_start3A_73 : memref<1x64xf32, #tpu.memory_space<vmem>> -> memref<64xf32, #tpu.memory_space<vmem>>
      %dma_start3A_75 = arith.constant 0 : i32
      %dma_start3A_76 = tpu.memref_slice %arg5[%squeeze3A_65, %dma_start3A_75] : memref<1000x64xf32, #tpu.memory_space<hbm>> -> memref<1x64xf32, #tpu.memory_space<hbm>>
      %dma_start3A_77 = tpu.memref_squeeze %dma_start3A_76 : memref<1x64xf32, #tpu.memory_space<hbm>> -> memref<64xf32, #tpu.memory_space<hbm>>
      tpu.enqueue_dma source(%dma_start3A_77 : memref<64xf32, #tpu.memory_space<hbm>>) target(%dma_start3A_74 : memref<64xf32, #tpu.memory_space<vmem>>) target_semaphore(%arg12 : memref<!tpu.dma_semaphore, #tpu.memory_space<semaphore_mem>>)
      %add3A_78 = arith.constant 1 : i32
      %add3A_79 = arith.addi %mul3A_37, %add3A_78 : i32
      %slice3A_80 = vector.extract_strided_slice %select_n3A {offsets = [1], sizes = [1], strides = [1]} : vector<16xi32> to vector<1xi32>
      %squeeze3A_81 = vector.extract %slice3A_80[0] : i32 from vector<1xi32>
      %dma_start3A_82 = arith.constant 0 : i32
      %dma_start3A_83 = tpu.memref_slice %arg9[%add3A_79, %dma_start3A_82] : memref<512x128xf32, #tpu.memory_space<vmem>> -> memref<1x128xf32, #tpu.memory_space<vmem>>
      %dma_start3A_84 = tpu.memref_squeeze %dma_start3A_83 : memref<1x128xf32, #tpu.memory_space<vmem>> -> memref<128xf32, #tpu.memory_space<vmem>>
      %dma_start3A_85 = arith.constant 0 : i32
      %dma_start3A_86 = tpu.memref_slice %arg4[%squeeze3A_81, %dma_start3A_85] : memref<512000x128xf32, #tpu.memory_space<hbm>> -> memref<1x128xf32, #tpu.memory_space<hbm>>
      %dma_start3A_87 = tpu.memref_squeeze %dma_start3A_86 : memref<1x128xf32, #tpu.memory_space<hbm>> -> memref<128xf32, #tpu.memory_space<hbm>>
      %dma_start3A_88 = arith.constant 0 : i32
      %dma_start3A_89 = tpu.memref_slice %arg9[%add3A_79, %dma_start3A_88] : memref<512x128xf32, #tpu.memory_space<vmem>> -> memref<1x128xf32, #tpu.memory_space<vmem>>
      %dma_start3A_90 = tpu.memref_squeeze %dma_start3A_89 : memref<1x128xf32, #tpu.memory_space<vmem>> -> memref<128xf32, #tpu.memory_space<vmem>>
      %dma_start3A_91 = arith.constant 0 : i32
      %dma_start3A_92 = tpu.memref_slice %arg4[%squeeze3A_81, %dma_start3A_91] : memref<512000x128xf32, #tpu.memory_space<hbm>> -> memref<1x128xf32, #tpu.memory_space<hbm>>
      %dma_start3A_93 = tpu.memref_squeeze %dma_start3A_92 : memref<1x128xf32, #tpu.memory_space<hbm>> -> memref<128xf32, #tpu.memory_space<hbm>>
      tpu.enqueue_dma source(%dma_start3A_93 : memref<128xf32, #tpu.memory_space<hbm>>) target(%dma_start3A_90 : memref<128xf32, #tpu.memory_space<vmem>>) target_semaphore(%arg11 : memref<!tpu.dma_semaphore, #tpu.memory_space<semaphore_mem>>)
      %mul3A_94 = arith.constant 8 : i32
      %mul3A_95 = arith.muli %scan3A_35, %mul3A_94 : i32
      %add3A_96 = arith.constant 0 : i32
      %add3A_97 = arith.addi %mul3A_95, %add3A_96 : i32
      %slice3A_98 = vector.extract_strided_slice %get3A_42 {offsets = [1], sizes = [1], strides = [1]} : vector<16xi32> to vector<1xi32>
      %squeeze3A_99 = vector.extract %slice3A_98[0] : i32 from vector<1xi32>
      %dma_start3A_100 = arith.constant 64 : i32
      %dma_start3A_101 = tpu.memref_slice %arg10[%add3A_97, %dma_start3A_100] : memref<256x128xf32, #tpu.memory_space<vmem>> -> memref<1x64xf32, #tpu.memory_space<vmem>>
      %dma_start3A_102 = tpu.memref_squeeze %dma_start3A_101 : memref<1x64xf32, #tpu.memory_space<vmem>> -> memref<64xf32, #tpu.memory_space<vmem>>
      %dma_start3A_103 = arith.constant 0 : i32
      %dma_start3A_104 = tpu.memref_slice %arg5[%squeeze3A_99, %dma_start3A_103] : memref<1000x64xf32, #tpu.memory_space<hbm>> -> memref<1x64xf32, #tpu.memory_space<hbm>>
      %dma_start3A_105 = tpu.memref_squeeze %dma_start3A_104 : memref<1x64xf32, #tpu.memory_space<hbm>> -> memref<64xf32, #tpu.memory_space<hbm>>
      %dma_start3A_106 = arith.constant 64 : i32
      %dma_start3A_107 = tpu.memref_slice %arg10[%add3A_97, %dma_start3A_106] : memref<256x128xf32, #tpu.memory_space<vmem>> -> memref<1x64xf32, #tpu.memory_space<vmem>>
      %dma_start3A_108 = tpu.memref_squeeze %dma_start3A_107 : memref<1x64xf32, #tpu.memory_space<vmem>> -> memref<64xf32, #tpu.memory_space<vmem>>
      %dma_start3A_109 = arith.constant 0 : i32
      %dma_start3A_110 = tpu.memref_slice %arg5[%squeeze3A_99, %dma_start3A_109] : memref<1000x64xf32, #tpu.memory_space<hbm>> -> memref<1x64xf32, #tpu.memory_space<hbm>>
      %dma_start3A_111 = tpu.memref_squeeze %dma_start3A_110 : memref<1x64xf32, #tpu.memory_space<hbm>> -> memref<64xf32, #tpu.memory_space<hbm>>
      tpu.enqueue_dma source(%dma_start3A_111 : memref<64xf32, #tpu.memory_space<hbm>>) target(%dma_start3A_108 : memref<64xf32, #tpu.memory_space<vmem>>) target_semaphore(%arg12 : memref<!tpu.dma_semaphore, #tpu.memory_space<semaphore_mem>>)
      %add3A_112 = arith.constant 2 : i32
      %add3A_113 = arith.addi %mul3A_37, %add3A_112 : i32
      %slice3A_114 = vector.extract_strided_slice %select_n3A {offsets = [2], sizes = [1], strides = [1]} : vector<16xi32> to vector<1xi32>
      %squeeze3A_115 = vector.extract %slice3A_114[0] : i32 from vector<1xi32>
      %dma_start3A_116 = arith.constant 0 : i32
      %dma_start3A_117 = tpu.memref_slice %arg9[%add3A_113, %dma_start3A_116] : memref<512x128xf32, #tpu.memory_space<vmem>> -> memref<1x128xf32, #tpu.memory_space<vmem>>
      %dma_start3A_118 = tpu.memref_squeeze %dma_start3A_117 : memref<1x128xf32, #tpu.memory_space<vmem>> -> memref<128xf32, #tpu.memory_space<vmem>>
      %dma_start3A_119 = arith.constant 0 : i32
      %dma_start3A_120 = tpu.memref_slice %arg4[%squeeze3A_115, %dma_start3A_119] : memref<512000x128xf32, #tpu.memory_space<hbm>> -> memref<1x128xf32, #tpu.memory_space<hbm>>
      %dma_start3A_121 = tpu.memref_squeeze %dma_start3A_120 : memref<1x128xf32, #tpu.memory_space<hbm>> -> memref<128xf32, #tpu.memory_space<hbm>>
      %dma_start3A_122 = arith.constant 0 : i32
      %dma_start3A_123 = tpu.memref_slice %arg9[%add3A_113, %dma_start3A_122] : memref<512x128xf32, #tpu.memory_space<vmem>> -> memref<1x128xf32, #tpu.memory_space<vmem>>
      %dma_start3A_124 = tpu.memref_squeeze %dma_start3A_123 : memref<1x128xf32, #tpu.memory_space<vmem>> -> memref<128xf32, #tpu.memory_space<vmem>>
      %dma_start3A_125 = arith.constant 0 : i32
      %dma_start3A_126 = tpu.memref_slice %arg4[%squeeze3A_115, %dma_start3A_125] : memref<512000x128xf32, #tpu.memory_space<hbm>> -> memref<1x128xf32, #tpu.memory_space<hbm>>
      %dma_start3A_127 = tpu.memref_squeeze %dma_start3A_126 : memref<1x128xf32, #tpu.memory_space<hbm>> -> memref<128xf32, #tpu.memory_space<hbm>>
      tpu.enqueue_dma source(%dma_start3A_127 : memref<128xf32, #tpu.memory_space<hbm>>) target(%dma_start3A_124 : memref<128xf32, #tpu.memory_space<vmem>>) target_semaphore(%arg11 : memref<!tpu.dma_semaphore, #tpu.memory_space<semaphore_mem>>)
      %mul3A_128 = arith.constant 8 : i32
      %mul3A_129 = arith.muli %scan3A_35, %mul3A_128 : i32
      %add3A_130 = arith.constant 1 : i32
      %add3A_131 = arith.addi %mul3A_129, %add3A_130 : i32
      %slice3A_132 = vector.extract_strided_slice %get3A_42 {offsets = [2], sizes = [1], strides = [1]} : vector<16xi32> to vector<1xi32>
      %squeeze3A_133 = vector.extract %slice3A_132[0] : i32 from vector<1xi32>
      %dma_start3A_134 = arith.constant 0 : i32
      %dma_start3A_135 = tpu.memref_slice %arg10[%add3A_131, %dma_start3A_134] : memref<256x128xf32, #tpu.memory_space<vmem>> -> memref<1x64xf32, #tpu.memory_space<vmem>>
      %dma_start3A_136 = tpu.memref_squeeze %dma_start3A_135 : memref<1x64xf32, #tpu.memory_space<vmem>> -> memref<64xf32, #tpu.memory_space<vmem>>
      %dma_start3A_137 = arith.constant 0 : i32
      %dma_start3A_138 = tpu.memref_slice %arg5[%squeeze3A_133, %dma_start3A_137] : memref<1000x64xf32, #tpu.memory_space<hbm>> -> memref<1x64xf32, #tpu.memory_space<hbm>>
      %dma_start3A_139 = tpu.memref_squeeze %dma_start3A_138 : memref<1x64xf32, #tpu.memory_space<hbm>> -> memref<64xf32, #tpu.memory_space<hbm>>
      %dma_start3A_140 = arith.constant 0 : i32
      %dma_start3A_141 = tpu.memref_slice %arg10[%add3A_131, %dma_start3A_140] : memref<256x128xf32, #tpu.memory_space<vmem>> -> memref<1x64xf32, #tpu.memory_space<vmem>>
      %dma_start3A_142 = tpu.memref_squeeze %dma_start3A_141 : memref<1x64xf32, #tpu.memory_space<vmem>> -> memref<64xf32, #tpu.memory_space<vmem>>
      %dma_start3A_143 = arith.constant 0 : i32
      %dma_start3A_144 = tpu.memref_slice %arg5[%squeeze3A_133, %dma_start3A_143] : memref<1000x64xf32, #tpu.memory_space<hbm>> -> memref<1x64xf32, #tpu.memory_space<hbm>>
      %dma_start3A_145 = tpu.memref_squeeze %dma_start3A_144 : memref<1x64xf32, #tpu.memory_space<hbm>> -> memref<64xf32, #tpu.memory_space<hbm>>
      tpu.enqueue_dma source(%dma_start3A_145 : memref<64xf32, #tpu.memory_space<hbm>>) target(%dma_start3A_142 : memref<64xf32, #tpu.memory_space<vmem>>) target_semaphore(%arg12 : memref<!tpu.dma_semaphore, #tpu.memory_space<semaphore_mem>>)
      %add3A_146 = arith.constant 3 : i32
      %add3A_147 = arith.addi %mul3A_37, %add3A_146 : i32
      %slice3A_148 = vector.extract_strided_slice %select_n3A {offsets = [3], sizes = [1], strides = [1]} : vector<16xi32> to vector<1xi32>
      %squeeze3A_149 = vector.extract %slice3A_148[0] : i32 from vector<1xi32>
      %dma_start3A_150 = arith.constant 0 : i32
      %dma_start3A_151 = tpu.memref_slice %arg9[%add3A_147, %dma_start3A_150] : memref<512x128xf32, #tpu.memory_space<vmem>> -> memref<1x128xf32, #tpu.memory_space<vmem>>
      %dma_start3A_152 = tpu.memref_squeeze %dma_start3A_151 : memref<1x128xf32, #tpu.memory_space<vmem>> -> memref<128xf32, #tpu.memory_space<vmem>>
      %dma_start3A_153 = arith.constant 0 : i32
      %dma_start3A_154 = tpu.memref_slice %arg4[%squeeze3A_149, %dma_start3A_153] : memref<512000x128xf32, #tpu.memory_space<hbm>> -> memref<1x128xf32, #tpu.memory_space<hbm>>
      %dma_start3A_155 = tpu.memref_squeeze %dma_start3A_154 : memref<1x128xf32, #tpu.memory_space<hbm>> -> memref<128xf32, #tpu.memory_space<hbm>>
      %dma_start3A_156 = arith.constant 0 : i32
      %dma_start3A_157 = tpu.memref_slice %arg9[%add3A_147, %dma_start3A_156] : memref<512x128xf32, #tpu.memory_space<vmem>> -> memref<1x128xf32, #tpu.memory_space<vmem>>
      %dma_start3A_158 = tpu.memref_squeeze %dma_start3A_157 : memref<1x128xf32, #tpu.memory_space<vmem>> -> memref<128xf32, #tpu.memory_space<vmem>>
      %dma_start3A_159 = arith.constant 0 : i32
      %dma_start3A_160 = tpu.memref_slice %arg4[%squeeze3A_149, %dma_start3A_159] : memref<512000x128xf32, #tpu.memory_space<hbm>> -> memref<1x128xf32, #tpu.memory_space<hbm>>
      %dma_start3A_161 = tpu.memref_squeeze %dma_start3A_160 : memref<1x128xf32, #tpu.memory_space<hbm>> -> memref<128xf32, #tpu.memory_space<hbm>>
      tpu.enqueue_dma source(%dma_start3A_161 : memref<128xf32, #tpu.memory_space<hbm>>) target(%dma_start3A_158 : memref<128xf32, #tpu.memory_space<vmem>>) target_semaphore(%arg11 : memref<!tpu.dma_semaphore, #tpu.memory_space<semaphore_mem>>)
      %mul3A_162 = arith.constant 8 : i32
      %mul3A_163 = arith.muli %scan3A_35, %mul3A_162 : i32
      %add3A_164 = arith.constant 1 : i32
      %add3A_165 = arith.addi %mul3A_163, %add3A_164 : i32
      %slice3A_166 = vector.extract_strided_slice %get3A_42 {offsets = [3], sizes = [1], strides = [1]} : vector<16xi32> to vector<1xi32>
      %squeeze3A_167 = vector.extract %slice3A_166[0] : i32 from vector<1xi32>
      %dma_start3A_168 = arith.constant 64 : i32
      %dma_start3A_169 = tpu.memref_slice %arg10[%add3A_165, %dma_start3A_168] : memref<256x128xf32, #tpu.memory_space<vmem>> -> memref<1x64xf32, #tpu.memory_space<vmem>>
      %dma_start3A_170 = tpu.memref_squeeze %dma_start3A_169 : memref<1x64xf32, #tpu.memory_space<vmem>> -> memref<64xf32, #tpu.memory_space<vmem>>
      %dma_start3A_171 = arith.constant 0 : i32
      %dma_start3A_172 = tpu.memref_slice %arg5[%squeeze3A_167, %dma_start3A_171] : memref<1000x64xf32, #tpu.memory_space<hbm>> -> memref<1x64xf32, #tpu.memory_space<hbm>>
      %dma_start3A_173 = tpu.memref_squeeze %dma_start3A_172 : memref<1x64xf32, #tpu.memory_space<hbm>> -> memref<64xf32, #tpu.memory_space<hbm>>
      %dma_start3A_174 = arith.constant 64 : i32
      %dma_start3A_175 = tpu.memref_slice %arg10[%add3A_165, %dma_start3A_174] : memref<256x128xf32, #tpu.memory_space<vmem>> -> memref<1x64xf32, #tpu.memory_space<vmem>>
      %dma_start3A_176 = tpu.memref_squeeze %dma_start3A_175 : memref<1x64xf32, #tpu.memory_space<vmem>> -> memref<64xf32, #tpu.memory_space<vmem>>
      %dma_start3A_177 = arith.constant 0 : i32
      %dma_start3A_178 = tpu.memref_slice %arg5[%squeeze3A_167, %dma_start3A_177] : memref<1000x64xf32, #tpu.memory_space<hbm>> -> memref<1x64xf32, #tpu.memory_space<hbm>>
      %dma_start3A_179 = tpu.memref_squeeze %dma_start3A_178 : memref<1x64xf32, #tpu.memory_space<hbm>> -> memref<64xf32, #tpu.memory_space<hbm>>
      tpu.enqueue_dma source(%dma_start3A_179 : memref<64xf32, #tpu.memory_space<hbm>>) target(%dma_start3A_176 : memref<64xf32, #tpu.memory_space<vmem>>) target_semaphore(%arg12 : memref<!tpu.dma_semaphore, #tpu.memory_space<semaphore_mem>>)
      %add3A_180 = arith.constant 4 : i32
      %add3A_181 = arith.addi %mul3A_37, %add3A_180 : i32
      %slice3A_182 = vector.extract_strided_slice %select_n3A {offsets = [4], sizes = [1], strides = [1]} : vector<16xi32> to vector<1xi32>
      %squeeze3A_183 = vector.extract %slice3A_182[0] : i32 from vector<1xi32>
      %dma_start3A_184 = arith.constant 0 : i32
      %dma_start3A_185 = tpu.memref_slice %arg9[%add3A_181, %dma_start3A_184] : memref<512x128xf32, #tpu.memory_space<vmem>> -> memref<1x128xf32, #tpu.memory_space<vmem>>
      %dma_start3A_186 = tpu.memref_squeeze %dma_start3A_185 : memref<1x128xf32, #tpu.memory_space<vmem>> -> memref<128xf32, #tpu.memory_space<vmem>>
      %dma_start3A_187 = arith.constant 0 : i32
      %dma_start3A_188 = tpu.memref_slice %arg4[%squeeze3A_183, %dma_start3A_187] : memref<512000x128xf32, #tpu.memory_space<hbm>> -> memref<1x128xf32, #tpu.memory_space<hbm>>
      %dma_start3A_189 = tpu.memref_squeeze %dma_start3A_188 : memref<1x128xf32, #tpu.memory_space<hbm>> -> memref<128xf32, #tpu.memory_space<hbm>>
      %dma_start3A_190 = arith.constant 0 : i32
      %dma_start3A_191 = tpu.memref_slice %arg9[%add3A_181, %dma_start3A_190] : memref<512x128xf32, #tpu.memory_space<vmem>> -> memref<1x128xf32, #tpu.memory_space<vmem>>
      %dma_start3A_192 = tpu.memref_squeeze %dma_start3A_191 : memref<1x128xf32, #tpu.memory_space<vmem>> -> memref<128xf32, #tpu.memory_space<vmem>>
      %dma_start3A_193 = arith.constant 0 : i32
      %dma_start3A_194 = tpu.memref_slice %arg4[%squeeze3A_183, %dma_start3A_193] : memref<512000x128xf32, #tpu.memory_space<hbm>> -> memref<1x128xf32, #tpu.memory_space<hbm>>
      %dma_start3A_195 = tpu.memref_squeeze %dma_start3A_194 : memref<1x128xf32, #tpu.memory_space<hbm>> -> memref<128xf32, #tpu.memory_space<hbm>>
      tpu.enqueue_dma source(%dma_start3A_195 : memref<128xf32, #tpu.memory_space<hbm>>) target(%dma_start3A_192 : memref<128xf32, #tpu.memory_space<vmem>>) target_semaphore(%arg11 : memref<!tpu.dma_semaphore, #tpu.memory_space<semaphore_mem>>)
      %mul3A_196 = arith.constant 8 : i32
      %mul3A_197 = arith.muli %scan3A_35, %mul3A_196 : i32
      %add3A_198 = arith.constant 2 : i32
      %add3A_199 = arith.addi %mul3A_197, %add3A_198 : i32
      %slice3A_200 = vector.extract_strided_slice %get3A_42 {offsets = [4], sizes = [1], strides = [1]} : vector<16xi32> to vector<1xi32>
      %squeeze3A_201 = vector.extract %slice3A_200[0] : i32 from vector<1xi32>
      %dma_start3A_202 = arith.constant 0 : i32
      %dma_start3A_203 = tpu.memref_slice %arg10[%add3A_199, %dma_start3A_202] : memref<256x128xf32, #tpu.memory_space<vmem>> -> memref<1x64xf32, #tpu.memory_space<vmem>>
      %dma_start3A_204 = tpu.memref_squeeze %dma_start3A_203 : memref<1x64xf32, #tpu.memory_space<vmem>> -> memref<64xf32, #tpu.memory_space<vmem>>
      %dma_start3A_205 = arith.constant 0 : i32
      %dma_start3A_206 = tpu.memref_slice %arg5[%squeeze3A_201, %dma_start3A_205] : memref<1000x64xf32, #tpu.memory_space<hbm>> -> memref<1x64xf32, #tpu.memory_space<hbm>>
      %dma_start3A_207 = tpu.memref_squeeze %dma_start3A_206 : memref<1x64xf32, #tpu.memory_space<hbm>> -> memref<64xf32, #tpu.memory_space<hbm>>
      %dma_start3A_208 = arith.constant 0 : i32
      %dma_start3A_209 = tpu.memref_slice %arg10[%add3A_199, %dma_start3A_208] : memref<256x128xf32, #tpu.memory_space<vmem>> -> memref<1x64xf32, #tpu.memory_space<vmem>>
      %dma_start3A_210 = tpu.memref_squeeze %dma_start3A_209 : memref<1x64xf32, #tpu.memory_space<vmem>> -> memref<64xf32, #tpu.memory_space<vmem>>
      %dma_start3A_211 = arith.constant 0 : i32
      %dma_start3A_212 = tpu.memref_slice %arg5[%squeeze3A_201, %dma_start3A_211] : memref<1000x64xf32, #tpu.memory_space<hbm>> -> memref<1x64xf32, #tpu.memory_space<hbm>>
      %dma_start3A_213 = tpu.memref_squeeze %dma_start3A_212 : memref<1x64xf32, #tpu.memory_space<hbm>> -> memref<64xf32, #tpu.memory_space<hbm>>
      tpu.enqueue_dma source(%dma_start3A_213 : memref<64xf32, #tpu.memory_space<hbm>>) target(%dma_start3A_210 : memref<64xf32, #tpu.memory_space<vmem>>) target_semaphore(%arg12 : memref<!tpu.dma_semaphore, #tpu.memory_space<semaphore_mem>>)
      %add3A_214 = arith.constant 5 : i32
      %add3A_215 = arith.addi %mul3A_37, %add3A_214 : i32
      %slice3A_216 = vector.extract_strided_slice %select_n3A {offsets = [5], sizes = [1], strides = [1]} : vector<16xi32> to vector<1xi32>
      %squeeze3A_217 = vector.extract %slice3A_216[0] : i32 from vector<1xi32>
      %dma_start3A_218 = arith.constant 0 : i32
      %dma_start3A_219 = tpu.memref_slice %arg9[%add3A_215, %dma_start3A_218] : memref<512x128xf32, #tpu.memory_space<vmem>> -> memref<1x128xf32, #tpu.memory_space<vmem>>
      %dma_start3A_220 = tpu.memref_squeeze %dma_start3A_219 : memref<1x128xf32, #tpu.memory_space<vmem>> -> memref<128xf32, #tpu.memory_space<vmem>>
      %dma_start3A_221 = arith.constant 0 : i32
      %dma_start3A_222 = tpu.memref_slice %arg4[%squeeze3A_217, %dma_start3A_221] : memref<512000x128xf32, #tpu.memory_space<hbm>> -> memref<1x128xf32, #tpu.memory_space<hbm>>
      %dma_start3A_223 = tpu.memref_squeeze %dma_start3A_222 : memref<1x128xf32, #tpu.memory_space<hbm>> -> memref<128xf32, #tpu.memory_space<hbm>>
      %dma_start3A_224 = arith.constant 0 : i32
      %dma_start3A_225 = tpu.memref_slice %arg9[%add3A_215, %dma_start3A_224] : memref<512x128xf32, #tpu.memory_space<vmem>> -> memref<1x128xf32, #tpu.memory_space<vmem>>
      %dma_start3A_226 = tpu.memref_squeeze %dma_start3A_225 : memref<1x128xf32, #tpu.memory_space<vmem>> -> memref<128xf32, #tpu.memory_space<vmem>>
      %dma_start3A_227 = arith.constant 0 : i32
      %dma_start3A_228 = tpu.memref_slice %arg4[%squeeze3A_217, %dma_start3A_227] : memref<512000x128xf32, #tpu.memory_space<hbm>> -> memref<1x128xf32, #tpu.memory_space<hbm>>
      %dma_start3A_229 = tpu.memref_squeeze %dma_start3A_228 : memref<1x128xf32, #tpu.memory_space<hbm>> -> memref<128xf32, #tpu.memory_space<hbm>>
      tpu.enqueue_dma source(%dma_start3A_229 : memref<128xf32, #tpu.memory_space<hbm>>) target(%dma_start3A_226 : memref<128xf32, #tpu.memory_space<vmem>>) target_semaphore(%arg11 : memref<!tpu.dma_semaphore, #tpu.memory_space<semaphore_mem>>)
      %mul3A_230 = arith.constant 8 : i32
      %mul3A_231 = arith.muli %scan3A_35, %mul3A_230 : i32
      %add3A_232 = arith.constant 2 : i32
      %add3A_233 = arith.addi %mul3A_231, %add3A_232 : i32
      %slice3A_234 = vector.extract_strided_slice %get3A_42 {offsets = [5], sizes = [1], strides = [1]} : vector<16xi32> to vector<1xi32>
      %squeeze3A_235 = vector.extract %slice3A_234[0] : i32 from vector<1xi32>
      %dma_start3A_236 = arith.constant 64 : i32
      %dma_start3A_237 = tpu.memref_slice %arg10[%add3A_233, %dma_start3A_236] : memref<256x128xf32, #tpu.memory_space<vmem>> -> memref<1x64xf32, #tpu.memory_space<vmem>>
      %dma_start3A_238 = tpu.memref_squeeze %dma_start3A_237 : memref<1x64xf32, #tpu.memory_space<vmem>> -> memref<64xf32, #tpu.memory_space<vmem>>
      %dma_start3A_239 = arith.constant 0 : i32
      %dma_start3A_240 = tpu.memref_slice %arg5[%squeeze3A_235, %dma_start3A_239] : memref<1000x64xf32, #tpu.memory_space<hbm>> -> memref<1x64xf32, #tpu.memory_space<hbm>>
      %dma_start3A_241 = tpu.memref_squeeze %dma_start3A_240 : memref<1x64xf32, #tpu.memory_space<hbm>> -> memref<64xf32, #tpu.memory_space<hbm>>
      %dma_start3A_242 = arith.constant 64 : i32
      %dma_start3A_243 = tpu.memref_slice %arg10[%add3A_233, %dma_start3A_242] : memref<256x128xf32, #tpu.memory_space<vmem>> -> memref<1x64xf32, #tpu.memory_space<vmem>>
      %dma_start3A_244 = tpu.memref_squeeze %dma_start3A_243 : memref<1x64xf32, #tpu.memory_space<vmem>> -> memref<64xf32, #tpu.memory_space<vmem>>
      %dma_start3A_245 = arith.constant 0 : i32
      %dma_start3A_246 = tpu.memref_slice %arg5[%squeeze3A_235, %dma_start3A_245] : memref<1000x64xf32, #tpu.memory_space<hbm>> -> memref<1x64xf32, #tpu.memory_space<hbm>>
      %dma_start3A_247 = tpu.memref_squeeze %dma_start3A_246 : memref<1x64xf32, #tpu.memory_space<hbm>> -> memref<64xf32, #tpu.memory_space<hbm>>
      tpu.enqueue_dma source(%dma_start3A_247 : memref<64xf32, #tpu.memory_space<hbm>>) target(%dma_start3A_244 : memref<64xf32, #tpu.memory_space<vmem>>) target_semaphore(%arg12 : memref<!tpu.dma_semaphore, #tpu.memory_space<semaphore_mem>>)
      %add3A_248 = arith.constant 6 : i32
      %add3A_249 = arith.addi %mul3A_37, %add3A_248 : i32
      %slice3A_250 = vector.extract_strided_slice %select_n3A {offsets = [6], sizes = [1], strides = [1]} : vector<16xi32> to vector<1xi32>
      %squeeze3A_251 = vector.extract %slice3A_250[0] : i32 from vector<1xi32>
      %dma_start3A_252 = arith.constant 0 : i32
      %dma_start3A_253 = tpu.memref_slice %arg9[%add3A_249, %dma_start3A_252] : memref<512x128xf32, #tpu.memory_space<vmem>> -> memref<1x128xf32, #tpu.memory_space<vmem>>
      %dma_start3A_254 = tpu.memref_squeeze %dma_start3A_253 : memref<1x128xf32, #tpu.memory_space<vmem>> -> memref<128xf32, #tpu.memory_space<vmem>>
      %dma_start3A_255 = arith.constant 0 : i32
      %dma_start3A_256 = tpu.memref_slice %arg4[%squeeze3A_251, %dma_start3A_255] : memref<512000x128xf32, #tpu.memory_space<hbm>> -> memref<1x128xf32, #tpu.memory_space<hbm>>
      %dma_start3A_257 = tpu.memref_squeeze %dma_start3A_256 : memref<1x128xf32, #tpu.memory_space<hbm>> -> memref<128xf32, #tpu.memory_space<hbm>>
      %dma_start3A_258 = arith.constant 0 : i32
      %dma_start3A_259 = tpu.memref_slice %arg9[%add3A_249, %dma_start3A_258] : memref<512x128xf32, #tpu.memory_space<vmem>> -> memref<1x128xf32, #tpu.memory_space<vmem>>
      %dma_start3A_260 = tpu.memref_squeeze %dma_start3A_259 : memref<1x128xf32, #tpu.memory_space<vmem>> -> memref<128xf32, #tpu.memory_space<vmem>>
      %dma_start3A_261 = arith.constant 0 : i32
      %dma_start3A_262 = tpu.memref_slice %arg4[%squeeze3A_251, %dma_start3A_261] : memref<512000x128xf32, #tpu.memory_space<hbm>> -> memref<1x128xf32, #tpu.memory_space<hbm>>
      %dma_start3A_263 = tpu.memref_squeeze %dma_start3A_262 : memref<1x128xf32, #tpu.memory_space<hbm>> -> memref<128xf32, #tpu.memory_space<hbm>>
      tpu.enqueue_dma source(%dma_start3A_263 : memref<128xf32, #tpu.memory_space<hbm>>) target(%dma_start3A_260 : memref<128xf32, #tpu.memory_space<vmem>>) target_semaphore(%arg11 : memref<!tpu.dma_semaphore, #tpu.memory_space<semaphore_mem>>)
      %mul3A_264 = arith.constant 8 : i32
      %mul3A_265 = arith.muli %scan3A_35, %mul3A_264 : i32
      %add3A_266 = arith.constant 3 : i32
      %add3A_267 = arith.addi %mul3A_265, %add3A_266 : i32
      %slice3A_268 = vector.extract_strided_slice %get3A_42 {offsets = [6], sizes = [1], strides = [1]} : vector<16xi32> to vector<1xi32>
      %squeeze3A_269 = vector.extract %slice3A_268[0] : i32 from vector<1xi32>
      %dma_start3A_270 = arith.constant 0 : i32
      %dma_start3A_271 = tpu.memref_slice %arg10[%add3A_267, %dma_start3A_270] : memref<256x128xf32, #tpu.memory_space<vmem>> -> memref<1x64xf32, #tpu.memory_space<vmem>>
      %dma_start3A_272 = tpu.memref_squeeze %dma_start3A_271 : memref<1x64xf32, #tpu.memory_space<vmem>> -> memref<64xf32, #tpu.memory_space<vmem>>
      %dma_start3A_273 = arith.constant 0 : i32
      %dma_start3A_274 = tpu.memref_slice %arg5[%squeeze3A_269, %dma_start3A_273] : memref<1000x64xf32, #tpu.memory_space<hbm>> -> memref<1x64xf32, #tpu.memory_space<hbm>>
      %dma_start3A_275 = tpu.memref_squeeze %dma_start3A_274 : memref<1x64xf32, #tpu.memory_space<hbm>> -> memref<64xf32, #tpu.memory_space<hbm>>
      %dma_start3A_276 = arith.constant 0 : i32
      %dma_start3A_277 = tpu.memref_slice %arg10[%add3A_267, %dma_start3A_276] : memref<256x128xf32, #tpu.memory_space<vmem>> -> memref<1x64xf32, #tpu.memory_space<vmem>>
      %dma_start3A_278 = tpu.memref_squeeze %dma_start3A_277 : memref<1x64xf32, #tpu.memory_space<vmem>> -> memref<64xf32, #tpu.memory_space<vmem>>
      %dma_start3A_279 = arith.constant 0 : i32
      %dma_start3A_280 = tpu.memref_slice %arg5[%squeeze3A_269, %dma_start3A_279] : memref<1000x64xf32, #tpu.memory_space<hbm>> -> memref<1x64xf32, #tpu.memory_space<hbm>>
      %dma_start3A_281 = tpu.memref_squeeze %dma_start3A_280 : memref<1x64xf32, #tpu.memory_space<hbm>> -> memref<64xf32, #tpu.memory_space<hbm>>
      tpu.enqueue_dma source(%dma_start3A_281 : memref<64xf32, #tpu.memory_space<hbm>>) target(%dma_start3A_278 : memref<64xf32, #tpu.memory_space<vmem>>) target_semaphore(%arg12 : memref<!tpu.dma_semaphore, #tpu.memory_space<semaphore_mem>>)
      %add3A_282 = arith.constant 7 : i32
      %add3A_283 = arith.addi %mul3A_37, %add3A_282 : i32
      %slice3A_284 = vector.extract_strided_slice %select_n3A {offsets = [7], sizes = [1], strides = [1]} : vector<16xi32> to vector<1xi32>
      %squeeze3A_285 = vector.extract %slice3A_284[0] : i32 from vector<1xi32>
      %dma_start3A_286 = arith.constant 0 : i32
      %dma_start3A_287 = tpu.memref_slice %arg9[%add3A_283, %dma_start3A_286] : memref<512x128xf32, #tpu.memory_space<vmem>> -> memref<1x128xf32, #tpu.memory_space<vmem>>
      %dma_start3A_288 = tpu.memref_squeeze %dma_start3A_287 : memref<1x128xf32, #tpu.memory_space<vmem>> -> memref<128xf32, #tpu.memory_space<vmem>>
      %dma_start3A_289 = arith.constant 0 : i32
      %dma_start3A_290 = tpu.memref_slice %arg4[%squeeze3A_285, %dma_start3A_289] : memref<512000x128xf32, #tpu.memory_space<hbm>> -> memref<1x128xf32, #tpu.memory_space<hbm>>
      %dma_start3A_291 = tpu.memref_squeeze %dma_start3A_290 : memref<1x128xf32, #tpu.memory_space<hbm>> -> memref<128xf32, #tpu.memory_space<hbm>>
      %dma_start3A_292 = arith.constant 0 : i32
      %dma_start3A_293 = tpu.memref_slice %arg9[%add3A_283, %dma_start3A_292] : memref<512x128xf32, #tpu.memory_space<vmem>> -> memref<1x128xf32, #tpu.memory_space<vmem>>
      %dma_start3A_294 = tpu.memref_squeeze %dma_start3A_293 : memref<1x128xf32, #tpu.memory_space<vmem>> -> memref<128xf32, #tpu.memory_space<vmem>>
      %dma_start3A_295 = arith.constant 0 : i32
      %dma_start3A_296 = tpu.memref_slice %arg4[%squeeze3A_285, %dma_start3A_295] : memref<512000x128xf32, #tpu.memory_space<hbm>> -> memref<1x128xf32, #tpu.memory_space<hbm>>
      %dma_start3A_297 = tpu.memref_squeeze %dma_start3A_296 : memref<1x128xf32, #tpu.memory_space<hbm>> -> memref<128xf32, #tpu.memory_space<hbm>>
      tpu.enqueue_dma source(%dma_start3A_297 : memref<128xf32, #tpu.memory_space<hbm>>) target(%dma_start3A_294 : memref<128xf32, #tpu.memory_space<vmem>>) target_semaphore(%arg11 : memref<!tpu.dma_semaphore, #tpu.memory_space<semaphore_mem>>)
      %mul3A_298 = arith.constant 8 : i32
      %mul3A_299 = arith.muli %scan3A_35, %mul3A_298 : i32
      %add3A_300 = arith.constant 3 : i32
      %add3A_301 = arith.addi %mul3A_299, %add3A_300 : i32
      %slice3A_302 = vector.extract_strided_slice %get3A_42 {offsets = [7], sizes = [1], strides = [1]} : vector<16xi32> to vector<1xi32>
      %squeeze3A_303 = vector.extract %slice3A_302[0] : i32 from vector<1xi32>
      %dma_start3A_304 = arith.constant 64 : i32
      %dma_start3A_305 = tpu.memref_slice %arg10[%add3A_301, %dma_start3A_304] : memref<256x128xf32, #tpu.memory_space<vmem>> -> memref<1x64xf32, #tpu.memory_space<vmem>>
      %dma_start3A_306 = tpu.memref_squeeze %dma_start3A_305 : memref<1x64xf32, #tpu.memory_space<vmem>> -> memref<64xf32, #tpu.memory_space<vmem>>
      %dma_start3A_307 = arith.constant 0 : i32
      %dma_start3A_308 = tpu.memref_slice %arg5[%squeeze3A_303, %dma_start3A_307] : memref<1000x64xf32, #tpu.memory_space<hbm>> -> memref<1x64xf32, #tpu.memory_space<hbm>>
      %dma_start3A_309 = tpu.memref_squeeze %dma_start3A_308 : memref<1x64xf32, #tpu.memory_space<hbm>> -> memref<64xf32, #tpu.memory_space<hbm>>
      %dma_start3A_310 = arith.constant 64 : i32
      %dma_start3A_311 = tpu.memref_slice %arg10[%add3A_301, %dma_start3A_310] : memref<256x128xf32, #tpu.memory_space<vmem>> -> memref<1x64xf32, #tpu.memory_space<vmem>>
      %dma_start3A_312 = tpu.memref_squeeze %dma_start3A_311 : memref<1x64xf32, #tpu.memory_space<vmem>> -> memref<64xf32, #tpu.memory_space<vmem>>
      %dma_start3A_313 = arith.constant 0 : i32
      %dma_start3A_314 = tpu.memref_slice %arg5[%squeeze3A_303, %dma_start3A_313] : memref<1000x64xf32, #tpu.memory_space<hbm>> -> memref<1x64xf32, #tpu.memory_space<hbm>>
      %dma_start3A_315 = tpu.memref_squeeze %dma_start3A_314 : memref<1x64xf32, #tpu.memory_space<hbm>> -> memref<64xf32, #tpu.memory_space<hbm>>
      tpu.enqueue_dma source(%dma_start3A_315 : memref<64xf32, #tpu.memory_space<hbm>>) target(%dma_start3A_312 : memref<64xf32, #tpu.memory_space<vmem>>) target_semaphore(%arg12 : memref<!tpu.dma_semaphore, #tpu.memory_space<semaphore_mem>>)
      %add3A_316 = arith.constant 8 : i32
      %add3A_317 = arith.addi %mul3A_37, %add3A_316 : i32
      %slice3A_318 = vector.extract_strided_slice %select_n3A {offsets = [8], sizes = [1], strides = [1]} : vector<16xi32> to vector<1xi32>
      %squeeze3A_319 = vector.extract %slice3A_318[0] : i32 from vector<1xi32>
      %dma_start3A_320 = arith.constant 0 : i32
      %dma_start3A_321 = tpu.memref_slice %arg9[%add3A_317, %dma_start3A_320] : memref<512x128xf32, #tpu.memory_space<vmem>> -> memref<1x128xf32, #tpu.memory_space<vmem>>
      %dma_start3A_322 = tpu.memref_squeeze %dma_start3A_321 : memref<1x128xf32, #tpu.memory_space<vmem>> -> memref<128xf32, #tpu.memory_space<vmem>>
      %dma_start3A_323 = arith.constant 0 : i32
      %dma_start3A_324 = tpu.memref_slice %arg4[%squeeze3A_319, %dma_start3A_323] : memref<512000x128xf32, #tpu.memory_space<hbm>> -> memref<1x128xf32, #tpu.memory_space<hbm>>
      %dma_start3A_325 = tpu.memref_squeeze %dma_start3A_324 : memref<1x128xf32, #tpu.memory_space<hbm>> -> memref<128xf32, #tpu.memory_space<hbm>>
      %dma_start3A_326 = arith.constant 0 : i32
      %dma_start3A_327 = tpu.memref_slice %arg9[%add3A_317, %dma_start3A_326] : memref<512x128xf32, #tpu.memory_space<vmem>> -> memref<1x128xf32, #tpu.memory_space<vmem>>
      %dma_start3A_328 = tpu.memref_squeeze %dma_start3A_327 : memref<1x128xf32, #tpu.memory_space<vmem>> -> memref<128xf32, #tpu.memory_space<vmem>>
      %dma_start3A_329 = arith.constant 0 : i32
      %dma_start3A_330 = tpu.memref_slice %arg4[%squeeze3A_319, %dma_start3A_329] : memref<512000x128xf32, #tpu.memory_space<hbm>> -> memref<1x128xf32, #tpu.memory_space<hbm>>
      %dma_start3A_331 = tpu.memref_squeeze %dma_start3A_330 : memref<1x128xf32, #tpu.memory_space<hbm>> -> memref<128xf32, #tpu.memory_space<hbm>>
      tpu.enqueue_dma source(%dma_start3A_331 : memref<128xf32, #tpu.memory_space<hbm>>) target(%dma_start3A_328 : memref<128xf32, #tpu.memory_space<vmem>>) target_semaphore(%arg11 : memref<!tpu.dma_semaphore, #tpu.memory_space<semaphore_mem>>)
      %mul3A_332 = arith.constant 8 : i32
      %mul3A_333 = arith.muli %scan3A_35, %mul3A_332 : i32
      %add3A_334 = arith.constant 4 : i32
      %add3A_335 = arith.addi %mul3A_333, %add3A_334 : i32
      %slice3A_336 = vector.extract_strided_slice %get3A_42 {offsets = [8], sizes = [1], strides = [1]} : vector<16xi32> to vector<1xi32>
      %squeeze3A_337 = vector.extract %slice3A_336[0] : i32 from vector<1xi32>
      %dma_start3A_338 = arith.constant 0 : i32
      %dma_start3A_339 = tpu.memref_slice %arg10[%add3A_335, %dma_start3A_338] : memref<256x128xf32, #tpu.memory_space<vmem>> -> memref<1x64xf32, #tpu.memory_space<vmem>>
      %dma_start3A_340 = tpu.memref_squeeze %dma_start3A_339 : memref<1x64xf32, #tpu.memory_space<vmem>> -> memref<64xf32, #tpu.memory_space<vmem>>
      %dma_start3A_341 = arith.constant 0 : i32
      %dma_start3A_342 = tpu.memref_slice %arg5[%squeeze3A_337, %dma_start3A_341] : memref<1000x64xf32, #tpu.memory_space<hbm>> -> memref<1x64xf32, #tpu.memory_space<hbm>>
      %dma_start3A_343 = tpu.memref_squeeze %dma_start3A_342 : memref<1x64xf32, #tpu.memory_space<hbm>> -> memref<64xf32, #tpu.memory_space<hbm>>
      %dma_start3A_344 = arith.constant 0 : i32
      %dma_start3A_345 = tpu.memref_slice %arg10[%add3A_335, %dma_start3A_344] : memref<256x128xf32, #tpu.memory_space<vmem>> -> memref<1x64xf32, #tpu.memory_space<vmem>>
      %dma_start3A_346 = tpu.memref_squeeze %dma_start3A_345 : memref<1x64xf32, #tpu.memory_space<vmem>> -> memref<64xf32, #tpu.memory_space<vmem>>
      %dma_start3A_347 = arith.constant 0 : i32
      %dma_start3A_348 = tpu.memref_slice %arg5[%squeeze3A_337, %dma_start3A_347] : memref<1000x64xf32, #tpu.memory_space<hbm>> -> memref<1x64xf32, #tpu.memory_space<hbm>>
      %dma_start3A_349 = tpu.memref_squeeze %dma_start3A_348 : memref<1x64xf32, #tpu.memory_space<hbm>> -> memref<64xf32, #tpu.memory_space<hbm>>
      tpu.enqueue_dma source(%dma_start3A_349 : memref<64xf32, #tpu.memory_space<hbm>>) target(%dma_start3A_346 : memref<64xf32, #tpu.memory_space<vmem>>) target_semaphore(%arg12 : memref<!tpu.dma_semaphore, #tpu.memory_space<semaphore_mem>>)
      %add3A_350 = arith.constant 9 : i32
      %add3A_351 = arith.addi %mul3A_37, %add3A_350 : i32
      %slice3A_352 = vector.extract_strided_slice %select_n3A {offsets = [9], sizes = [1], strides = [1]} : vector<16xi32> to vector<1xi32>
      %squeeze3A_353 = vector.extract %slice3A_352[0] : i32 from vector<1xi32>
      %dma_start3A_354 = arith.constant 0 : i32
      %dma_start3A_355 = tpu.memref_slice %arg9[%add3A_351, %dma_start3A_354] : memref<512x128xf32, #tpu.memory_space<vmem>> -> memref<1x128xf32, #tpu.memory_space<vmem>>
      %dma_start3A_356 = tpu.memref_squeeze %dma_start3A_355 : memref<1x128xf32, #tpu.memory_space<vmem>> -> memref<128xf32, #tpu.memory_space<vmem>>
      %dma_start3A_357 = arith.constant 0 : i32
      %dma_start3A_358 = tpu.memref_slice %arg4[%squeeze3A_353, %dma_start3A_357] : memref<512000x128xf32, #tpu.memory_space<hbm>> -> memref<1x128xf32, #tpu.memory_space<hbm>>
      %dma_start3A_359 = tpu.memref_squeeze %dma_start3A_358 : memref<1x128xf32, #tpu.memory_space<hbm>> -> memref<128xf32, #tpu.memory_space<hbm>>
      %dma_start3A_360 = arith.constant 0 : i32
      %dma_start3A_361 = tpu.memref_slice %arg9[%add3A_351, %dma_start3A_360] : memref<512x128xf32, #tpu.memory_space<vmem>> -> memref<1x128xf32, #tpu.memory_space<vmem>>
      %dma_start3A_362 = tpu.memref_squeeze %dma_start3A_361 : memref<1x128xf32, #tpu.memory_space<vmem>> -> memref<128xf32, #tpu.memory_space<vmem>>
      %dma_start3A_363 = arith.constant 0 : i32
      %dma_start3A_364 = tpu.memref_slice %arg4[%squeeze3A_353, %dma_start3A_363] : memref<512000x128xf32, #tpu.memory_space<hbm>> -> memref<1x128xf32, #tpu.memory_space<hbm>>
      %dma_start3A_365 = tpu.memref_squeeze %dma_start3A_364 : memref<1x128xf32, #tpu.memory_space<hbm>> -> memref<128xf32, #tpu.memory_space<hbm>>
      tpu.enqueue_dma source(%dma_start3A_365 : memref<128xf32, #tpu.memory_space<hbm>>) target(%dma_start3A_362 : memref<128xf32, #tpu.memory_space<vmem>>) target_semaphore(%arg11 : memref<!tpu.dma_semaphore, #tpu.memory_space<semaphore_mem>>)
      %mul3A_366 = arith.constant 8 : i32
      %mul3A_367 = arith.muli %scan3A_35, %mul3A_366 : i32
      %add3A_368 = arith.constant 4 : i32
      %add3A_369 = arith.addi %mul3A_367, %add3A_368 : i32
      %slice3A_370 = vector.extract_strided_slice %get3A_42 {offsets = [9], sizes = [1], strides = [1]} : vector<16xi32> to vector<1xi32>
      %squeeze3A_371 = vector.extract %slice3A_370[0] : i32 from vector<1xi32>
      %dma_start3A_372 = arith.constant 64 : i32
      %dma_start3A_373 = tpu.memref_slice %arg10[%add3A_369, %dma_start3A_372] : memref<256x128xf32, #tpu.memory_space<vmem>> -> memref<1x64xf32, #tpu.memory_space<vmem>>
      %dma_start3A_374 = tpu.memref_squeeze %dma_start3A_373 : memref<1x64xf32, #tpu.memory_space<vmem>> -> memref<64xf32, #tpu.memory_space<vmem>>
      %dma_start3A_375 = arith.constant 0 : i32
      %dma_start3A_376 = tpu.memref_slice %arg5[%squeeze3A_371, %dma_start3A_375] : memref<1000x64xf32, #tpu.memory_space<hbm>> -> memref<1x64xf32, #tpu.memory_space<hbm>>
      %dma_start3A_377 = tpu.memref_squeeze %dma_start3A_376 : memref<1x64xf32, #tpu.memory_space<hbm>> -> memref<64xf32, #tpu.memory_space<hbm>>
      %dma_start3A_378 = arith.constant 64 : i32
      %dma_start3A_379 = tpu.memref_slice %arg10[%add3A_369, %dma_start3A_378] : memref<256x128xf32, #tpu.memory_space<vmem>> -> memref<1x64xf32, #tpu.memory_space<vmem>>
      %dma_start3A_380 = tpu.memref_squeeze %dma_start3A_379 : memref<1x64xf32, #tpu.memory_space<vmem>> -> memref<64xf32, #tpu.memory_space<vmem>>
      %dma_start3A_381 = arith.constant 0 : i32
      %dma_start3A_382 = tpu.memref_slice %arg5[%squeeze3A_371, %dma_start3A_381] : memref<1000x64xf32, #tpu.memory_space<hbm>> -> memref<1x64xf32, #tpu.memory_space<hbm>>
      %dma_start3A_383 = tpu.memref_squeeze %dma_start3A_382 : memref<1x64xf32, #tpu.memory_space<hbm>> -> memref<64xf32, #tpu.memory_space<hbm>>
      tpu.enqueue_dma source(%dma_start3A_383 : memref<64xf32, #tpu.memory_space<hbm>>) target(%dma_start3A_380 : memref<64xf32, #tpu.memory_space<vmem>>) target_semaphore(%arg12 : memref<!tpu.dma_semaphore, #tpu.memory_space<semaphore_mem>>)
      %add3A_384 = arith.constant 10 : i32
      %add3A_385 = arith.addi %mul3A_37, %add3A_384 : i32
      %slice3A_386 = vector.extract_strided_slice %select_n3A {offsets = [10], sizes = [1], strides = [1]} : vector<16xi32> to vector<1xi32>
      %squeeze3A_387 = vector.extract %slice3A_386[0] : i32 from vector<1xi32>
      %dma_start3A_388 = arith.constant 0 : i32
      %dma_start3A_389 = tpu.memref_slice %arg9[%add3A_385, %dma_start3A_388] : memref<512x128xf32, #tpu.memory_space<vmem>> -> memref<1x128xf32, #tpu.memory_space<vmem>>
      %dma_start3A_390 = tpu.memref_squeeze %dma_start3A_389 : memref<1x128xf32, #tpu.memory_space<vmem>> -> memref<128xf32, #tpu.memory_space<vmem>>
      %dma_start3A_391 = arith.constant 0 : i32
      %dma_start3A_392 = tpu.memref_slice %arg4[%squeeze3A_387, %dma_start3A_391] : memref<512000x128xf32, #tpu.memory_space<hbm>> -> memref<1x128xf32, #tpu.memory_space<hbm>>
      %dma_start3A_393 = tpu.memref_squeeze %dma_start3A_392 : memref<1x128xf32, #tpu.memory_space<hbm>> -> memref<128xf32, #tpu.memory_space<hbm>>
      %dma_start3A_394 = arith.constant 0 : i32
      %dma_start3A_395 = tpu.memref_slice %arg9[%add3A_385, %dma_start3A_394] : memref<512x128xf32, #tpu.memory_space<vmem>> -> memref<1x128xf32, #tpu.memory_space<vmem>>
      %dma_start3A_396 = tpu.memref_squeeze %dma_start3A_395 : memref<1x128xf32, #tpu.memory_space<vmem>> -> memref<128xf32, #tpu.memory_space<vmem>>
      %dma_start3A_397 = arith.constant 0 : i32
      %dma_start3A_398 = tpu.memref_slice %arg4[%squeeze3A_387, %dma_start3A_397] : memref<512000x128xf32, #tpu.memory_space<hbm>> -> memref<1x128xf32, #tpu.memory_space<hbm>>
      %dma_start3A_399 = tpu.memref_squeeze %dma_start3A_398 : memref<1x128xf32, #tpu.memory_space<hbm>> -> memref<128xf32, #tpu.memory_space<hbm>>
      tpu.enqueue_dma source(%dma_start3A_399 : memref<128xf32, #tpu.memory_space<hbm>>) target(%dma_start3A_396 : memref<128xf32, #tpu.memory_space<vmem>>) target_semaphore(%arg11 : memref<!tpu.dma_semaphore, #tpu.memory_space<semaphore_mem>>)
      %mul3A_400 = arith.constant 8 : i32
      %mul3A_401 = arith.muli %scan3A_35, %mul3A_400 : i32
      %add3A_402 = arith.constant 5 : i32
      %add3A_403 = arith.addi %mul3A_401, %add3A_402 : i32
      %slice3A_404 = vector.extract_strided_slice %get3A_42 {offsets = [10], sizes = [1], strides = [1]} : vector<16xi32> to vector<1xi32>
      %squeeze3A_405 = vector.extract %slice3A_404[0] : i32 from vector<1xi32>
      %dma_start3A_406 = arith.constant 0 : i32
      %dma_start3A_407 = tpu.memref_slice %arg10[%add3A_403, %dma_start3A_406] : memref<256x128xf32, #tpu.memory_space<vmem>> -> memref<1x64xf32, #tpu.memory_space<vmem>>
      %dma_start3A_408 = tpu.memref_squeeze %dma_start3A_407 : memref<1x64xf32, #tpu.memory_space<vmem>> -> memref<64xf32, #tpu.memory_space<vmem>>
      %dma_start3A_409 = arith.constant 0 : i32
      %dma_start3A_410 = tpu.memref_slice %arg5[%squeeze3A_405, %dma_start3A_409] : memref<1000x64xf32, #tpu.memory_space<hbm>> -> memref<1x64xf32, #tpu.memory_space<hbm>>
      %dma_start3A_411 = tpu.memref_squeeze %dma_start3A_410 : memref<1x64xf32, #tpu.memory_space<hbm>> -> memref<64xf32, #tpu.memory_space<hbm>>
      %dma_start3A_412 = arith.constant 0 : i32
      %dma_start3A_413 = tpu.memref_slice %arg10[%add3A_403, %dma_start3A_412] : memref<256x128xf32, #tpu.memory_space<vmem>> -> memref<1x64xf32, #tpu.memory_space<vmem>>
      %dma_start3A_414 = tpu.memref_squeeze %dma_start3A_413 : memref<1x64xf32, #tpu.memory_space<vmem>> -> memref<64xf32, #tpu.memory_space<vmem>>
      %dma_start3A_415 = arith.constant 0 : i32
      %dma_start3A_416 = tpu.memref_slice %arg5[%squeeze3A_405, %dma_start3A_415] : memref<1000x64xf32, #tpu.memory_space<hbm>> -> memref<1x64xf32, #tpu.memory_space<hbm>>
      %dma_start3A_417 = tpu.memref_squeeze %dma_start3A_416 : memref<1x64xf32, #tpu.memory_space<hbm>> -> memref<64xf32, #tpu.memory_space<hbm>>
      tpu.enqueue_dma source(%dma_start3A_417 : memref<64xf32, #tpu.memory_space<hbm>>) target(%dma_start3A_414 : memref<64xf32, #tpu.memory_space<vmem>>) target_semaphore(%arg12 : memref<!tpu.dma_semaphore, #tpu.memory_space<semaphore_mem>>)
      %add3A_418 = arith.constant 11 : i32
      %add3A_419 = arith.addi %mul3A_37, %add3A_418 : i32
      %slice3A_420 = vector.extract_strided_slice %select_n3A {offsets = [11], sizes = [1], strides = [1]} : vector<16xi32> to vector<1xi32>
      %squeeze3A_421 = vector.extract %slice3A_420[0] : i32 from vector<1xi32>
      %dma_start3A_422 = arith.constant 0 : i32
      %dma_start3A_423 = tpu.memref_slice %arg9[%add3A_419, %dma_start3A_422] : memref<512x128xf32, #tpu.memory_space<vmem>> -> memref<1x128xf32, #tpu.memory_space<vmem>>
      %dma_start3A_424 = tpu.memref_squeeze %dma_start3A_423 : memref<1x128xf32, #tpu.memory_space<vmem>> -> memref<128xf32, #tpu.memory_space<vmem>>
      %dma_start3A_425 = arith.constant 0 : i32
      %dma_start3A_426 = tpu.memref_slice %arg4[%squeeze3A_421, %dma_start3A_425] : memref<512000x128xf32, #tpu.memory_space<hbm>> -> memref<1x128xf32, #tpu.memory_space<hbm>>
      %dma_start3A_427 = tpu.memref_squeeze %dma_start3A_426 : memref<1x128xf32, #tpu.memory_space<hbm>> -> memref<128xf32, #tpu.memory_space<hbm>>
      %dma_start3A_428 = arith.constant 0 : i32
      %dma_start3A_429 = tpu.memref_slice %arg9[%add3A_419, %dma_start3A_428] : memref<512x128xf32, #tpu.memory_space<vmem>> -> memref<1x128xf32, #tpu.memory_space<vmem>>
      %dma_start3A_430 = tpu.memref_squeeze %dma_start3A_429 : memref<1x128xf32, #tpu.memory_space<vmem>> -> memref<128xf32, #tpu.memory_space<vmem>>
      %dma_start3A_431 = arith.constant 0 : i32
      %dma_start3A_432 = tpu.memref_slice %arg4[%squeeze3A_421, %dma_start3A_431] : memref<512000x128xf32, #tpu.memory_space<hbm>> -> memref<1x128xf32, #tpu.memory_space<hbm>>
      %dma_start3A_433 = tpu.memref_squeeze %dma_start3A_432 : memref<1x128xf32, #tpu.memory_space<hbm>> -> memref<128xf32, #tpu.memory_space<hbm>>
      tpu.enqueue_dma source(%dma_start3A_433 : memref<128xf32, #tpu.memory_space<hbm>>) target(%dma_start3A_430 : memref<128xf32, #tpu.memory_space<vmem>>) target_semaphore(%arg11 : memref<!tpu.dma_semaphore, #tpu.memory_space<semaphore_mem>>)
      %mul3A_434 = arith.constant 8 : i32
      %mul3A_435 = arith.muli %scan3A_35, %mul3A_434 : i32
      %add3A_436 = arith.constant 5 : i32
      %add3A_437 = arith.addi %mul3A_435, %add3A_436 : i32
      %slice3A_438 = vector.extract_strided_slice %get3A_42 {offsets = [11], sizes = [1], strides = [1]} : vector<16xi32> to vector<1xi32>
      %squeeze3A_439 = vector.extract %slice3A_438[0] : i32 from vector<1xi32>
      %dma_start3A_440 = arith.constant 64 : i32
      %dma_start3A_441 = tpu.memref_slice %arg10[%add3A_437, %dma_start3A_440] : memref<256x128xf32, #tpu.memory_space<vmem>> -> memref<1x64xf32, #tpu.memory_space<vmem>>
      %dma_start3A_442 = tpu.memref_squeeze %dma_start3A_441 : memref<1x64xf32, #tpu.memory_space<vmem>> -> memref<64xf32, #tpu.memory_space<vmem>>
      %dma_start3A_443 = arith.constant 0 : i32
      %dma_start3A_444 = tpu.memref_slice %arg5[%squeeze3A_439, %dma_start3A_443] : memref<1000x64xf32, #tpu.memory_space<hbm>> -> memref<1x64xf32, #tpu.memory_space<hbm>>
      %dma_start3A_445 = tpu.memref_squeeze %dma_start3A_444 : memref<1x64xf32, #tpu.memory_space<hbm>> -> memref<64xf32, #tpu.memory_space<hbm>>
      %dma_start3A_446 = arith.constant 64 : i32
      %dma_start3A_447 = tpu.memref_slice %arg10[%add3A_437, %dma_start3A_446] : memref<256x128xf32, #tpu.memory_space<vmem>> -> memref<1x64xf32, #tpu.memory_space<vmem>>
      %dma_start3A_448 = tpu.memref_squeeze %dma_start3A_447 : memref<1x64xf32, #tpu.memory_space<vmem>> -> memref<64xf32, #tpu.memory_space<vmem>>
      %dma_start3A_449 = arith.constant 0 : i32
      %dma_start3A_450 = tpu.memref_slice %arg5[%squeeze3A_439, %dma_start3A_449] : memref<1000x64xf32, #tpu.memory_space<hbm>> -> memref<1x64xf32, #tpu.memory_space<hbm>>
      %dma_start3A_451 = tpu.memref_squeeze %dma_start3A_450 : memref<1x64xf32, #tpu.memory_space<hbm>> -> memref<64xf32, #tpu.memory_space<hbm>>
      tpu.enqueue_dma source(%dma_start3A_451 : memref<64xf32, #tpu.memory_space<hbm>>) target(%dma_start3A_448 : memref<64xf32, #tpu.memory_space<vmem>>) target_semaphore(%arg12 : memref<!tpu.dma_semaphore, #tpu.memory_space<semaphore_mem>>)
      %add3A_452 = arith.constant 12 : i32
      %add3A_453 = arith.addi %mul3A_37, %add3A_452 : i32
      %slice3A_454 = vector.extract_strided_slice %select_n3A {offsets = [12], sizes = [1], strides = [1]} : vector<16xi32> to vector<1xi32>
      %squeeze3A_455 = vector.extract %slice3A_454[0] : i32 from vector<1xi32>
      %dma_start3A_456 = arith.constant 0 : i32
      %dma_start3A_457 = tpu.memref_slice %arg9[%add3A_453, %dma_start3A_456] : memref<512x128xf32, #tpu.memory_space<vmem>> -> memref<1x128xf32, #tpu.memory_space<vmem>>
      %dma_start3A_458 = tpu.memref_squeeze %dma_start3A_457 : memref<1x128xf32, #tpu.memory_space<vmem>> -> memref<128xf32, #tpu.memory_space<vmem>>
      %dma_start3A_459 = arith.constant 0 : i32
      %dma_start3A_460 = tpu.memref_slice %arg4[%squeeze3A_455, %dma_start3A_459] : memref<512000x128xf32, #tpu.memory_space<hbm>> -> memref<1x128xf32, #tpu.memory_space<hbm>>
      %dma_start3A_461 = tpu.memref_squeeze %dma_start3A_460 : memref<1x128xf32, #tpu.memory_space<hbm>> -> memref<128xf32, #tpu.memory_space<hbm>>
      %dma_start3A_462 = arith.constant 0 : i32
      %dma_start3A_463 = tpu.memref_slice %arg9[%add3A_453, %dma_start3A_462] : memref<512x128xf32, #tpu.memory_space<vmem>> -> memref<1x128xf32, #tpu.memory_space<vmem>>
      %dma_start3A_464 = tpu.memref_squeeze %dma_start3A_463 : memref<1x128xf32, #tpu.memory_space<vmem>> -> memref<128xf32, #tpu.memory_space<vmem>>
      %dma_start3A_465 = arith.constant 0 : i32
      %dma_start3A_466 = tpu.memref_slice %arg4[%squeeze3A_455, %dma_start3A_465] : memref<512000x128xf32, #tpu.memory_space<hbm>> -> memref<1x128xf32, #tpu.memory_space<hbm>>
      %dma_start3A_467 = tpu.memref_squeeze %dma_start3A_466 : memref<1x128xf32, #tpu.memory_space<hbm>> -> memref<128xf32, #tpu.memory_space<hbm>>
      tpu.enqueue_dma source(%dma_start3A_467 : memref<128xf32, #tpu.memory_space<hbm>>) target(%dma_start3A_464 : memref<128xf32, #tpu.memory_space<vmem>>) target_semaphore(%arg11 : memref<!tpu.dma_semaphore, #tpu.memory_space<semaphore_mem>>)
      %mul3A_468 = arith.constant 8 : i32
      %mul3A_469 = arith.muli %scan3A_35, %mul3A_468 : i32
      %add3A_470 = arith.constant 6 : i32
      %add3A_471 = arith.addi %mul3A_469, %add3A_470 : i32
      %slice3A_472 = vector.extract_strided_slice %get3A_42 {offsets = [12], sizes = [1], strides = [1]} : vector<16xi32> to vector<1xi32>
      %squeeze3A_473 = vector.extract %slice3A_472[0] : i32 from vector<1xi32>
      %dma_start3A_474 = arith.constant 0 : i32
      %dma_start3A_475 = tpu.memref_slice %arg10[%add3A_471, %dma_start3A_474] : memref<256x128xf32, #tpu.memory_space<vmem>> -> memref<1x64xf32, #tpu.memory_space<vmem>>
      %dma_start3A_476 = tpu.memref_squeeze %dma_start3A_475 : memref<1x64xf32, #tpu.memory_space<vmem>> -> memref<64xf32, #tpu.memory_space<vmem>>
      %dma_start3A_477 = arith.constant 0 : i32
      %dma_start3A_478 = tpu.memref_slice %arg5[%squeeze3A_473, %dma_start3A_477] : memref<1000x64xf32, #tpu.memory_space<hbm>> -> memref<1x64xf32, #tpu.memory_space<hbm>>
      %dma_start3A_479 = tpu.memref_squeeze %dma_start3A_478 : memref<1x64xf32, #tpu.memory_space<hbm>> -> memref<64xf32, #tpu.memory_space<hbm>>
      %dma_start3A_480 = arith.constant 0 : i32
      %dma_start3A_481 = tpu.memref_slice %arg10[%add3A_471, %dma_start3A_480] : memref<256x128xf32, #tpu.memory_space<vmem>> -> memref<1x64xf32, #tpu.memory_space<vmem>>
      %dma_start3A_482 = tpu.memref_squeeze %dma_start3A_481 : memref<1x64xf32, #tpu.memory_space<vmem>> -> memref<64xf32, #tpu.memory_space<vmem>>
      %dma_start3A_483 = arith.constant 0 : i32
      %dma_start3A_484 = tpu.memref_slice %arg5[%squeeze3A_473, %dma_start3A_483] : memref<1000x64xf32, #tpu.memory_space<hbm>> -> memref<1x64xf32, #tpu.memory_space<hbm>>
      %dma_start3A_485 = tpu.memref_squeeze %dma_start3A_484 : memref<1x64xf32, #tpu.memory_space<hbm>> -> memref<64xf32, #tpu.memory_space<hbm>>
      tpu.enqueue_dma source(%dma_start3A_485 : memref<64xf32, #tpu.memory_space<hbm>>) target(%dma_start3A_482 : memref<64xf32, #tpu.memory_space<vmem>>) target_semaphore(%arg12 : memref<!tpu.dma_semaphore, #tpu.memory_space<semaphore_mem>>)
      %add3A_486 = arith.constant 13 : i32
      %add3A_487 = arith.addi %mul3A_37, %add3A_486 : i32
      %slice3A_488 = vector.extract_strided_slice %select_n3A {offsets = [13], sizes = [1], strides = [1]} : vector<16xi32> to vector<1xi32>
      %squeeze3A_489 = vector.extract %slice3A_488[0] : i32 from vector<1xi32>
      %dma_start3A_490 = arith.constant 0 : i32
      %dma_start3A_491 = tpu.memref_slice %arg9[%add3A_487, %dma_start3A_490] : memref<512x128xf32, #tpu.memory_space<vmem>> -> memref<1x128xf32, #tpu.memory_space<vmem>>
      %dma_start3A_492 = tpu.memref_squeeze %dma_start3A_491 : memref<1x128xf32, #tpu.memory_space<vmem>> -> memref<128xf32, #tpu.memory_space<vmem>>
      %dma_start3A_493 = arith.constant 0 : i32
      %dma_start3A_494 = tpu.memref_slice %arg4[%squeeze3A_489, %dma_start3A_493] : memref<512000x128xf32, #tpu.memory_space<hbm>> -> memref<1x128xf32, #tpu.memory_space<hbm>>
      %dma_start3A_495 = tpu.memref_squeeze %dma_start3A_494 : memref<1x128xf32, #tpu.memory_space<hbm>> -> memref<128xf32, #tpu.memory_space<hbm>>
      %dma_start3A_496 = arith.constant 0 : i32
      %dma_start3A_497 = tpu.memref_slice %arg9[%add3A_487, %dma_start3A_496] : memref<512x128xf32, #tpu.memory_space<vmem>> -> memref<1x128xf32, #tpu.memory_space<vmem>>
      %dma_start3A_498 = tpu.memref_squeeze %dma_start3A_497 : memref<1x128xf32, #tpu.memory_space<vmem>> -> memref<128xf32, #tpu.memory_space<vmem>>
      %dma_start3A_499 = arith.constant 0 : i32
      %dma_start3A_500 = tpu.memref_slice %arg4[%squeeze3A_489, %dma_start3A_499] : memref<512000x128xf32, #tpu.memory_space<hbm>> -> memref<1x128xf32, #tpu.memory_space<hbm>>
      %dma_start3A_501 = tpu.memref_squeeze %dma_start3A_500 : memref<1x128xf32, #tpu.memory_space<hbm>> -> memref<128xf32, #tpu.memory_space<hbm>>
      tpu.enqueue_dma source(%dma_start3A_501 : memref<128xf32, #tpu.memory_space<hbm>>) target(%dma_start3A_498 : memref<128xf32, #tpu.memory_space<vmem>>) target_semaphore(%arg11 : memref<!tpu.dma_semaphore, #tpu.memory_space<semaphore_mem>>)
      %mul3A_502 = arith.constant 8 : i32
      %mul3A_503 = arith.muli %scan3A_35, %mul3A_502 : i32
      %add3A_504 = arith.constant 6 : i32
      %add3A_505 = arith.addi %mul3A_503, %add3A_504 : i32
      %slice3A_506 = vector.extract_strided_slice %get3A_42 {offsets = [13], sizes = [1], strides = [1]} : vector<16xi32> to vector<1xi32>
      %squeeze3A_507 = vector.extract %slice3A_506[0] : i32 from vector<1xi32>
      %dma_start3A_508 = arith.constant 64 : i32
      %dma_start3A_509 = tpu.memref_slice %arg10[%add3A_505, %dma_start3A_508] : memref<256x128xf32, #tpu.memory_space<vmem>> -> memref<1x64xf32, #tpu.memory_space<vmem>>
      %dma_start3A_510 = tpu.memref_squeeze %dma_start3A_509 : memref<1x64xf32, #tpu.memory_space<vmem>> -> memref<64xf32, #tpu.memory_space<vmem>>
      %dma_start3A_511 = arith.constant 0 : i32
      %dma_start3A_512 = tpu.memref_slice %arg5[%squeeze3A_507, %dma_start3A_511] : memref<1000x64xf32, #tpu.memory_space<hbm>> -> memref<1x64xf32, #tpu.memory_space<hbm>>
      %dma_start3A_513 = tpu.memref_squeeze %dma_start3A_512 : memref<1x64xf32, #tpu.memory_space<hbm>> -> memref<64xf32, #tpu.memory_space<hbm>>
      %dma_start3A_514 = arith.constant 64 : i32
      %dma_start3A_515 = tpu.memref_slice %arg10[%add3A_505, %dma_start3A_514] : memref<256x128xf32, #tpu.memory_space<vmem>> -> memref<1x64xf32, #tpu.memory_space<vmem>>
      %dma_start3A_516 = tpu.memref_squeeze %dma_start3A_515 : memref<1x64xf32, #tpu.memory_space<vmem>> -> memref<64xf32, #tpu.memory_space<vmem>>
      %dma_start3A_517 = arith.constant 0 : i32
      %dma_start3A_518 = tpu.memref_slice %arg5[%squeeze3A_507, %dma_start3A_517] : memref<1000x64xf32, #tpu.memory_space<hbm>> -> memref<1x64xf32, #tpu.memory_space<hbm>>
      %dma_start3A_519 = tpu.memref_squeeze %dma_start3A_518 : memref<1x64xf32, #tpu.memory_space<hbm>> -> memref<64xf32, #tpu.memory_space<hbm>>
      tpu.enqueue_dma source(%dma_start3A_519 : memref<64xf32, #tpu.memory_space<hbm>>) target(%dma_start3A_516 : memref<64xf32, #tpu.memory_space<vmem>>) target_semaphore(%arg12 : memref<!tpu.dma_semaphore, #tpu.memory_space<semaphore_mem>>)
      %add3A_520 = arith.constant 14 : i32
      %add3A_521 = arith.addi %mul3A_37, %add3A_520 : i32
      %slice3A_522 = vector.extract_strided_slice %select_n3A {offsets = [14], sizes = [1], strides = [1]} : vector<16xi32> to vector<1xi32>
      %squeeze3A_523 = vector.extract %slice3A_522[0] : i32 from vector<1xi32>
      %dma_start3A_524 = arith.constant 0 : i32
      %dma_start3A_525 = tpu.memref_slice %arg9[%add3A_521, %dma_start3A_524] : memref<512x128xf32, #tpu.memory_space<vmem>> -> memref<1x128xf32, #tpu.memory_space<vmem>>
      %dma_start3A_526 = tpu.memref_squeeze %dma_start3A_525 : memref<1x128xf32, #tpu.memory_space<vmem>> -> memref<128xf32, #tpu.memory_space<vmem>>
      %dma_start3A_527 = arith.constant 0 : i32
      %dma_start3A_528 = tpu.memref_slice %arg4[%squeeze3A_523, %dma_start3A_527] : memref<512000x128xf32, #tpu.memory_space<hbm>> -> memref<1x128xf32, #tpu.memory_space<hbm>>
      %dma_start3A_529 = tpu.memref_squeeze %dma_start3A_528 : memref<1x128xf32, #tpu.memory_space<hbm>> -> memref<128xf32, #tpu.memory_space<hbm>>
      %dma_start3A_530 = arith.constant 0 : i32
      %dma_start3A_531 = tpu.memref_slice %arg9[%add3A_521, %dma_start3A_530] : memref<512x128xf32, #tpu.memory_space<vmem>> -> memref<1x128xf32, #tpu.memory_space<vmem>>
      %dma_start3A_532 = tpu.memref_squeeze %dma_start3A_531 : memref<1x128xf32, #tpu.memory_space<vmem>> -> memref<128xf32, #tpu.memory_space<vmem>>
      %dma_start3A_533 = arith.constant 0 : i32
      %dma_start3A_534 = tpu.memref_slice %arg4[%squeeze3A_523, %dma_start3A_533] : memref<512000x128xf32, #tpu.memory_space<hbm>> -> memref<1x128xf32, #tpu.memory_space<hbm>>
      %dma_start3A_535 = tpu.memref_squeeze %dma_start3A_534 : memref<1x128xf32, #tpu.memory_space<hbm>> -> memref<128xf32, #tpu.memory_space<hbm>>
      tpu.enqueue_dma source(%dma_start3A_535 : memref<128xf32, #tpu.memory_space<hbm>>) target(%dma_start3A_532 : memref<128xf32, #tpu.memory_space<vmem>>) target_semaphore(%arg11 : memref<!tpu.dma_semaphore, #tpu.memory_space<semaphore_mem>>)
      %mul3A_536 = arith.constant 8 : i32
      %mul3A_537 = arith.muli %scan3A_35, %mul3A_536 : i32
      %add3A_538 = arith.constant 7 : i32
      %add3A_539 = arith.addi %mul3A_537, %add3A_538 : i32
      %slice3A_540 = vector.extract_strided_slice %get3A_42 {offsets = [14], sizes = [1], strides = [1]} : vector<16xi32> to vector<1xi32>
      %squeeze3A_541 = vector.extract %slice3A_540[0] : i32 from vector<1xi32>
      %dma_start3A_542 = arith.constant 0 : i32
      %dma_start3A_543 = tpu.memref_slice %arg10[%add3A_539, %dma_start3A_542] : memref<256x128xf32, #tpu.memory_space<vmem>> -> memref<1x64xf32, #tpu.memory_space<vmem>>
      %dma_start3A_544 = tpu.memref_squeeze %dma_start3A_543 : memref<1x64xf32, #tpu.memory_space<vmem>> -> memref<64xf32, #tpu.memory_space<vmem>>
      %dma_start3A_545 = arith.constant 0 : i32
      %dma_start3A_546 = tpu.memref_slice %arg5[%squeeze3A_541, %dma_start3A_545] : memref<1000x64xf32, #tpu.memory_space<hbm>> -> memref<1x64xf32, #tpu.memory_space<hbm>>
      %dma_start3A_547 = tpu.memref_squeeze %dma_start3A_546 : memref<1x64xf32, #tpu.memory_space<hbm>> -> memref<64xf32, #tpu.memory_space<hbm>>
      %dma_start3A_548 = arith.constant 0 : i32
      %dma_start3A_549 = tpu.memref_slice %arg10[%add3A_539, %dma_start3A_548] : memref<256x128xf32, #tpu.memory_space<vmem>> -> memref<1x64xf32, #tpu.memory_space<vmem>>
      %dma_start3A_550 = tpu.memref_squeeze %dma_start3A_549 : memref<1x64xf32, #tpu.memory_space<vmem>> -> memref<64xf32, #tpu.memory_space<vmem>>
      %dma_start3A_551 = arith.constant 0 : i32
      %dma_start3A_552 = tpu.memref_slice %arg5[%squeeze3A_541, %dma_start3A_551] : memref<1000x64xf32, #tpu.memory_space<hbm>> -> memref<1x64xf32, #tpu.memory_space<hbm>>
      %dma_start3A_553 = tpu.memref_squeeze %dma_start3A_552 : memref<1x64xf32, #tpu.memory_space<hbm>> -> memref<64xf32, #tpu.memory_space<hbm>>
      tpu.enqueue_dma source(%dma_start3A_553 : memref<64xf32, #tpu.memory_space<hbm>>) target(%dma_start3A_550 : memref<64xf32, #tpu.memory_space<vmem>>) target_semaphore(%arg12 : memref<!tpu.dma_semaphore, #tpu.memory_space<semaphore_mem>>)
      %add3A_554 = arith.constant 15 : i32
      %add3A_555 = arith.addi %mul3A_37, %add3A_554 : i32
      %slice3A_556 = vector.extract_strided_slice %select_n3A {offsets = [15], sizes = [1], strides = [1]} : vector<16xi32> to vector<1xi32>
      %squeeze3A_557 = vector.extract %slice3A_556[0] : i32 from vector<1xi32>
      %dma_start3A_558 = arith.constant 0 : i32
      %dma_start3A_559 = tpu.memref_slice %arg9[%add3A_555, %dma_start3A_558] : memref<512x128xf32, #tpu.memory_space<vmem>> -> memref<1x128xf32, #tpu.memory_space<vmem>>
      %dma_start3A_560 = tpu.memref_squeeze %dma_start3A_559 : memref<1x128xf32, #tpu.memory_space<vmem>> -> memref<128xf32, #tpu.memory_space<vmem>>
      %dma_start3A_561 = arith.constant 0 : i32
      %dma_start3A_562 = tpu.memref_slice %arg4[%squeeze3A_557, %dma_start3A_561] : memref<512000x128xf32, #tpu.memory_space<hbm>> -> memref<1x128xf32, #tpu.memory_space<hbm>>
      %dma_start3A_563 = tpu.memref_squeeze %dma_start3A_562 : memref<1x128xf32, #tpu.memory_space<hbm>> -> memref<128xf32, #tpu.memory_space<hbm>>
      %dma_start3A_564 = arith.constant 0 : i32
      %dma_start3A_565 = tpu.memref_slice %arg9[%add3A_555, %dma_start3A_564] : memref<512x128xf32, #tpu.memory_space<vmem>> -> memref<1x128xf32, #tpu.memory_space<vmem>>
      %dma_start3A_566 = tpu.memref_squeeze %dma_start3A_565 : memref<1x128xf32, #tpu.memory_space<vmem>> -> memref<128xf32, #tpu.memory_space<vmem>>
      %dma_start3A_567 = arith.constant 0 : i32
      %dma_start3A_568 = tpu.memref_slice %arg4[%squeeze3A_557, %dma_start3A_567] : memref<512000x128xf32, #tpu.memory_space<hbm>> -> memref<1x128xf32, #tpu.memory_space<hbm>>
      %dma_start3A_569 = tpu.memref_squeeze %dma_start3A_568 : memref<1x128xf32, #tpu.memory_space<hbm>> -> memref<128xf32, #tpu.memory_space<hbm>>
      tpu.enqueue_dma source(%dma_start3A_569 : memref<128xf32, #tpu.memory_space<hbm>>) target(%dma_start3A_566 : memref<128xf32, #tpu.memory_space<vmem>>) target_semaphore(%arg11 : memref<!tpu.dma_semaphore, #tpu.memory_space<semaphore_mem>>)
      %mul3A_570 = arith.constant 8 : i32
      %mul3A_571 = arith.muli %scan3A_35, %mul3A_570 : i32
      %add3A_572 = arith.constant 7 : i32
      %add3A_573 = arith.addi %mul3A_571, %add3A_572 : i32
      %slice3A_574 = vector.extract_strided_slice %get3A_42 {offsets = [15], sizes = [1], strides = [1]} : vector<16xi32> to vector<1xi32>
      %squeeze3A_575 = vector.extract %slice3A_574[0] : i32 from vector<1xi32>
      %dma_start3A_576 = arith.constant 64 : i32
      %dma_start3A_577 = tpu.memref_slice %arg10[%add3A_573, %dma_start3A_576] : memref<256x128xf32, #tpu.memory_space<vmem>> -> memref<1x64xf32, #tpu.memory_space<vmem>>
      %dma_start3A_578 = tpu.memref_squeeze %dma_start3A_577 : memref<1x64xf32, #tpu.memory_space<vmem>> -> memref<64xf32, #tpu.memory_space<vmem>>
      %dma_start3A_579 = arith.constant 0 : i32
      %dma_start3A_580 = tpu.memref_slice %arg5[%squeeze3A_575, %dma_start3A_579] : memref<1000x64xf32, #tpu.memory_space<hbm>> -> memref<1x64xf32, #tpu.memory_space<hbm>>
      %dma_start3A_581 = tpu.memref_squeeze %dma_start3A_580 : memref<1x64xf32, #tpu.memory_space<hbm>> -> memref<64xf32, #tpu.memory_space<hbm>>
      %dma_start3A_582 = arith.constant 64 : i32
      %dma_start3A_583 = tpu.memref_slice %arg10[%add3A_573, %dma_start3A_582] : memref<256x128xf32, #tpu.memory_space<vmem>> -> memref<1x64xf32, #tpu.memory_space<vmem>>
      %dma_start3A_584 = tpu.memref_squeeze %dma_start3A_583 : memref<1x64xf32, #tpu.memory_space<vmem>> -> memref<64xf32, #tpu.memory_space<vmem>>
      %dma_start3A_585 = arith.constant 0 : i32
      %dma_start3A_586 = tpu.memref_slice %arg5[%squeeze3A_575, %dma_start3A_585] : memref<1000x64xf32, #tpu.memory_space<hbm>> -> memref<1x64xf32, #tpu.memory_space<hbm>>
      %dma_start3A_587 = tpu.memref_squeeze %dma_start3A_586 : memref<1x64xf32, #tpu.memory_space<hbm>> -> memref<64xf32, #tpu.memory_space<hbm>>
      tpu.enqueue_dma source(%dma_start3A_587 : memref<64xf32, #tpu.memory_space<hbm>>) target(%dma_start3A_584 : memref<64xf32, #tpu.memory_space<vmem>>) target_semaphore(%arg12 : memref<!tpu.dma_semaphore, #tpu.memory_space<semaphore_mem>>)
    }
    %scan3A_11 = arith.constant 32 : i32
    %dma_wait3A = arith.constant 0 : i32
    %dma_wait3A_12 = arith.constant 0 : i32
    %dma_wait3A_13 = tpu.memref_slice %arg4[%dma_wait3A, %dma_wait3A_12] : memref<512000x128xf32, #tpu.memory_space<hbm>> -> memref<512x128xf32, #tpu.memory_space<hbm>>
    %dma_wait3A_14 = arith.constant 0 : i32
    %dma_wait3A_15 = arith.constant 0 : i32
    %dma_wait3A_16 = tpu.memref_slice %arg4[%dma_wait3A_14, %dma_wait3A_15] : memref<512000x128xf32, #tpu.memory_space<hbm>> -> memref<512x128xf32, #tpu.memory_space<hbm>>
    tpu.wait_dma2 semaphore(%arg11 : memref<!tpu.dma_semaphore, #tpu.memory_space<semaphore_mem>>) src(%dma_wait3A_16 : memref<512x128xf32, #tpu.memory_space<hbm>>) dst(%arg9 : memref<512x128xf32, #tpu.memory_space<vmem>>)
    %dma_wait3A_17 = arith.constant 0 : i32
    %dma_wait3A_18 = arith.constant 0 : i32
    %dma_wait3A_19 = tpu.memref_slice %arg4[%dma_wait3A_17, %dma_wait3A_18] : memref<512000x128xf32, #tpu.memory_space<hbm>> -> memref<256x128xf32, #tpu.memory_space<hbm>>
    %dma_wait3A_20 = arith.constant 0 : i32
    %dma_wait3A_21 = arith.constant 0 : i32
    %dma_wait3A_22 = tpu.memref_slice %arg4[%dma_wait3A_20, %dma_wait3A_21] : memref<512000x128xf32, #tpu.memory_space<hbm>> -> memref<256x128xf32, #tpu.memory_space<hbm>>
    tpu.wait_dma2 semaphore(%arg12 : memref<!tpu.dma_semaphore, #tpu.memory_space<semaphore_mem>>) src(%dma_wait3A_22 : memref<256x128xf32, #tpu.memory_space<hbm>>) dst(%arg10 : memref<256x128xf32, #tpu.memory_space<vmem>>)
    %scan3A_23 = arith.constant 0 : i32
    %scan3A_24 = arith.constant 0 : i32
    %scan3A_25 = arith.constant 16 : i32
    %scan3A_26 = arith.addi %scan3A_24, %scan3A_25 : i32
    %scan3A_27 = arith.constant 1 : i32
    scf.for %scan3A_35 = %scan3A_24 to %scan3A_26 step %scan3A_27  : i32 {
      %mul3A_36 = arith.constant 16 : i32
      %mul3A_37 = arith.muli %scan3A_35, %mul3A_36 : i32
      %get3A = arith.index_cast %mul3A_37 : i32 to index
      %get3A_38 = tpu.vector_load %arg7[%get3A] {strides = array<i32>} : memref<512xi32, #tpu.memory_space<vmem>>, vector<16xi32>,
      %get3A_39 = vector.shape_cast %get3A_38 : vector<16xi32> to vector<16xi32>
      %ge3A = arith.constant 512000 : i32
      %ge3A_40 = vector.broadcast %ge3A : i32 to vector<16xi32>
      %ge3A_41 = arith.cmpi sge, %get3A_39, %ge3A_40 : vector<16xi32>
      %jit3A = arith.constant 64 : i32
      %jit3A_42 = arith.constant 0 : i32
      %broadcast_in_dim3A = vector.broadcast %jit3A : i32 to vector<16xi32>
      %broadcast_in_dim3A_43 = vector.broadcast %jit3A_42 : i32 to vector<16xi32>
      %select_n3A = arith.select %ge3A_41, %broadcast_in_dim3A, %broadcast_in_dim3A_43 : vector<16xi1>, vector<16xi32>
      %add3A_44 = arith.constant 0 : i32
      %add3A_45 = arith.addi %mul3A_37, %add3A_44 : i32
      %mul3A_46 = arith.constant 8 : i32
      %mul3A_47 = arith.muli %scan3A_35, %mul3A_46 : i32
      %add3A_48 = arith.constant 0 : i32
      %add3A_49 = arith.addi %mul3A_47, %add3A_48 : i32
      %slice3A = vector.extract_strided_slice %select_n3A {offsets = [0], sizes = [1], strides = [1]} : vector<16xi32> to vector<1xi32>
      %squeeze3A = vector.extract %slice3A[0] : i32 from vector<1xi32>
      %add3A_50 = arith.constant 0 : i32
      %add3A_51 = arith.addi %squeeze3A, %add3A_50 : i32
      %get3A_52 = arith.index_cast %add3A_45 : i32 to index
      %get3A_53 = arith.index_cast %add3A_51 : i32 to index
      %get3A_54 = tpu.vector_load %arg9[%get3A_52, %get3A_53] {strides = array<i32>} : memref<512x128xf32, #tpu.memory_space<vmem>>, vector<1x16xf32>,
      %get3A_55 = vector.shape_cast %get3A_54 : vector<1x16xf32> to vector<16xf32>
      %get3A_56 = arith.index_cast %add3A_49 : i32 to index
      %get3A_57 = arith.constant 0 : index
      %get3A_58 = tpu.vector_load %arg10[%get3A_56, %get3A_57] {strides = array<i32>} : memref<256x128xf32, #tpu.memory_space<vmem>>, vector<1x16xf32>,
      %get3A_59 = vector.shape_cast %get3A_58 : vector<1x16xf32> to vector<16xf32>
      %mul3A_60 = arith.mulf %get3A_55, %get3A_59 : vector<16xf32>
      %swap3A = arith.index_cast %add3A_45 : i32 to index
      %swap3A_61 = arith.constant 0 : index
      %swap3A_62 = tpu.vector_load %arg9[%swap3A, %swap3A_61] {strides = array<i32>} : memref<512x128xf32, #tpu.memory_space<vmem>>, vector<1x16xf32>,
      %swap3A_63 = vector.shape_cast %swap3A_62 : vector<1x16xf32> to vector<16xf32>
      %swap3A_64 = vector.shape_cast %mul3A_60 : vector<16xf32> to vector<1x16xf32>
      tpu.vector_store %arg9[%swap3A, %swap3A_61], %swap3A_64 {strides = array<i32>} : memref<512x128xf32, #tpu.memory_space<vmem>>, vector<1x16xf32>,
      %add3A_65 = arith.constant 16 : i32
      %add3A_66 = arith.addi %squeeze3A, %add3A_65 : i32
      %get3A_67 = arith.index_cast %add3A_45 : i32 to index
      %get3A_68 = arith.index_cast %add3A_66 : i32 to index
      %get3A_69 = tpu.vector_load %arg9[%get3A_67, %get3A_68] {strides = array<i32>} : memref<512x128xf32, #tpu.memory_space<vmem>>, vector<1x16xf32>,
      %get3A_70 = vector.shape_cast %get3A_69 : vector<1x16xf32> to vector<16xf32>
      %get3A_71 = arith.index_cast %add3A_49 : i32 to index
      %get3A_72 = arith.constant 16 : index
      %get3A_73 = tpu.vector_load %arg10[%get3A_71, %get3A_72] {strides = array<i32>} : memref<256x128xf32, #tpu.memory_space<vmem>>, vector<1x16xf32>,
      %get3A_74 = vector.shape_cast %get3A_73 : vector<1x16xf32> to vector<16xf32>
      %mul3A_75 = arith.mulf %get3A_70, %get3A_74 : vector<16xf32>
      %swap3A_76 = arith.index_cast %add3A_45 : i32 to index
      %swap3A_77 = arith.constant 16 : index
      %swap3A_78 = tpu.vector_load %arg9[%swap3A_76, %swap3A_77] {strides = array<i32>} : memref<512x128xf32, #tpu.memory_space<vmem>>, vector<1x16xf32>,
      %swap3A_79 = vector.shape_cast %swap3A_78 : vector<1x16xf32> to vector<16xf32>
      %swap3A_80 = vector.shape_cast %mul3A_75 : vector<16xf32> to vector<1x16xf32>
      tpu.vector_store %arg9[%swap3A_76, %swap3A_77], %swap3A_80 {strides = array<i32>} : memref<512x128xf32, #tpu.memory_space<vmem>>, vector<1x16xf32>,
      %add3A_81 = arith.constant 32 : i32
      %add3A_82 = arith.addi %squeeze3A, %add3A_81 : i32
      %get3A_83 = arith.index_cast %add3A_45 : i32 to index
      %get3A_84 = arith.index_cast %add3A_82 : i32 to index
      %get3A_85 = tpu.vector_load %arg9[%get3A_83, %get3A_84] {strides = array<i32>} : memref<512x128xf32, #tpu.memory_space<vmem>>, vector<1x16xf32>,
      %get3A_86 = vector.shape_cast %get3A_85 : vector<1x16xf32> to vector<16xf32>
      %get3A_87 = arith.index_cast %add3A_49 : i32 to index
      %get3A_88 = arith.constant 32 : index
      %get3A_89 = tpu.vector_load %arg10[%get3A_87, %get3A_88] {strides = array<i32>} : memref<256x128xf32, #tpu.memory_space<vmem>>, vector<1x16xf32>,
      %get3A_90 = vector.shape_cast %get3A_89 : vector<1x16xf32> to vector<16xf32>
      %mul3A_91 = arith.mulf %get3A_86, %get3A_90 : vector<16xf32>
      %swap3A_92 = arith.index_cast %add3A_45 : i32 to index
      %swap3A_93 = arith.constant 32 : index
      %swap3A_94 = tpu.vector_load %arg9[%swap3A_92, %swap3A_93] {strides = array<i32>} : memref<512x128xf32, #tpu.memory_space<vmem>>, vector<1x16xf32>,
      %swap3A_95 = vector.shape_cast %swap3A_94 : vector<1x16xf32> to vector<16xf32>
      %swap3A_96 = vector.shape_cast %mul3A_91 : vector<16xf32> to vector<1x16xf32>
      tpu.vector_store %arg9[%swap3A_92, %swap3A_93], %swap3A_96 {strides = array<i32>} : memref<512x128xf32, #tpu.memory_space<vmem>>, vector<1x16xf32>,
      %add3A_97 = arith.constant 48 : i32
      %add3A_98 = arith.addi %squeeze3A, %add3A_97 : i32
      %get3A_99 = arith.index_cast %add3A_45 : i32 to index
      %get3A_100 = arith.index_cast %add3A_98 : i32 to index
      %get3A_101 = tpu.vector_load %arg9[%get3A_99, %get3A_100] {strides = array<i32>} : memref<512x128xf32, #tpu.memory_space<vmem>>, vector<1x16xf32>,
      %get3A_102 = vector.shape_cast %get3A_101 : vector<1x16xf32> to vector<16xf32>
      %get3A_103 = arith.index_cast %add3A_49 : i32 to index
      %get3A_104 = arith.constant 48 : index
      %get3A_105 = tpu.vector_load %arg10[%get3A_103, %get3A_104] {strides = array<i32>} : memref<256x128xf32, #tpu.memory_space<vmem>>, vector<1x16xf32>,
      %get3A_106 = vector.shape_cast %get3A_105 : vector<1x16xf32> to vector<16xf32>
      %mul3A_107 = arith.mulf %get3A_102, %get3A_106 : vector<16xf32>
      %swap3A_108 = arith.index_cast %add3A_45 : i32 to index
      %swap3A_109 = arith.constant 48 : index
      %swap3A_110 = tpu.vector_load %arg9[%swap3A_108, %swap3A_109] {strides = array<i32>} : memref<512x128xf32, #tpu.memory_space<vmem>>, vector<1x16xf32>,
      %swap3A_111 = vector.shape_cast %swap3A_110 : vector<1x16xf32> to vector<16xf32>
      %swap3A_112 = vector.shape_cast %mul3A_107 : vector<16xf32> to vector<1x16xf32>
      tpu.vector_store %arg9[%swap3A_108, %swap3A_109], %swap3A_112 {strides = array<i32>} : memref<512x128xf32, #tpu.memory_space<vmem>>, vector<1x16xf32>,
      %add3A_113 = arith.constant 1 : i32
      %add3A_114 = arith.addi %mul3A_37, %add3A_113 : i32
      %mul3A_115 = arith.constant 8 : i32
      %mul3A_116 = arith.muli %scan3A_35, %mul3A_115 : i32
      %add3A_117 = arith.constant 0 : i32
      %add3A_118 = arith.addi %mul3A_116, %add3A_117 : i32
      %slice3A_119 = vector.extract_strided_slice %select_n3A {offsets = [1], sizes = [1], strides = [1]} : vector<16xi32> to vector<1xi32>
      %squeeze3A_120 = vector.extract %slice3A_119[0] : i32 from vector<1xi32>
      %add3A_121 = arith.constant 0 : i32
      %add3A_122 = arith.addi %squeeze3A_120, %add3A_121 : i32
      %get3A_123 = arith.index_cast %add3A_114 : i32 to index
      %get3A_124 = arith.index_cast %add3A_122 : i32 to index
      %get3A_125 = tpu.vector_load %arg9[%get3A_123, %get3A_124] {strides = array<i32>} : memref<512x128xf32, #tpu.memory_space<vmem>>, vector<1x16xf32>,
      %get3A_126 = vector.shape_cast %get3A_125 : vector<1x16xf32> to vector<16xf32>
      %get3A_127 = arith.index_cast %add3A_118 : i32 to index
      %get3A_128 = arith.constant 64 : index
      %get3A_129 = tpu.vector_load %arg10[%get3A_127, %get3A_128] {strides = array<i32>} : memref<256x128xf32, #tpu.memory_space<vmem>>, vector<1x16xf32>,
      %get3A_130 = vector.shape_cast %get3A_129 : vector<1x16xf32> to vector<16xf32>
      %mul3A_131 = arith.mulf %get3A_126, %get3A_130 : vector<16xf32>
      %swap3A_132 = arith.index_cast %add3A_114 : i32 to index
      %swap3A_133 = arith.constant 0 : index
      %swap3A_134 = tpu.vector_load %arg9[%swap3A_132, %swap3A_133] {strides = array<i32>} : memref<512x128xf32, #tpu.memory_space<vmem>>, vector<1x16xf32>,
      %swap3A_135 = vector.shape_cast %swap3A_134 : vector<1x16xf32> to vector<16xf32>
      %swap3A_136 = vector.shape_cast %mul3A_131 : vector<16xf32> to vector<1x16xf32>
      tpu.vector_store %arg9[%swap3A_132, %swap3A_133], %swap3A_136 {strides = array<i32>} : memref<512x128xf32, #tpu.memory_space<vmem>>, vector<1x16xf32>,
      %add3A_137 = arith.constant 16 : i32
      %add3A_138 = arith.addi %squeeze3A_120, %add3A_137 : i32
      %get3A_139 = arith.index_cast %add3A_114 : i32 to index
      %get3A_140 = arith.index_cast %add3A_138 : i32 to index
      %get3A_141 = tpu.vector_load %arg9[%get3A_139, %get3A_140] {strides = array<i32>} : memref<512x128xf32, #tpu.memory_space<vmem>>, vector<1x16xf32>,
      %get3A_142 = vector.shape_cast %get3A_141 : vector<1x16xf32> to vector<16xf32>
      %get3A_143 = arith.index_cast %add3A_118 : i32 to index
      %get3A_144 = arith.constant 80 : index
      %get3A_145 = tpu.vector_load %arg10[%get3A_143, %get3A_144] {strides = array<i32>} : memref<256x128xf32, #tpu.memory_space<vmem>>, vector<1x16xf32>,
      %get3A_146 = vector.shape_cast %get3A_145 : vector<1x16xf32> to vector<16xf32>
      %mul3A_147 = arith.mulf %get3A_142, %get3A_146 : vector<16xf32>
      %swap3A_148 = arith.index_cast %add3A_114 : i32 to index
      %swap3A_149 = arith.constant 16 : index
      %swap3A_150 = tpu.vector_load %arg9[%swap3A_148, %swap3A_149] {strides = array<i32>} : memref<512x128xf32, #tpu.memory_space<vmem>>, vector<1x16xf32>,
      %swap3A_151 = vector.shape_cast %swap3A_150 : vector<1x16xf32> to vector<16xf32>
      %swap3A_152 = vector.shape_cast %mul3A_147 : vector<16xf32> to vector<1x16xf32>
      tpu.vector_store %arg9[%swap3A_148, %swap3A_149], %swap3A_152 {strides = array<i32>} : memref<512x128xf32, #tpu.memory_space<vmem>>, vector<1x16xf32>,
      %add3A_153 = arith.constant 32 : i32
      %add3A_154 = arith.addi %squeeze3A_120, %add3A_153 : i32
      %get3A_155 = arith.index_cast %add3A_114 : i32 to index
      %get3A_156 = arith.index_cast %add3A_154 : i32 to index
      %get3A_157 = tpu.vector_load %arg9[%get3A_155, %get3A_156] {strides = array<i32>} : memref<512x128xf32, #tpu.memory_space<vmem>>, vector<1x16xf32>,
      %get3A_158 = vector.shape_cast %get3A_157 : vector<1x16xf32> to vector<16xf32>
      %get3A_159 = arith.index_cast %add3A_118 : i32 to index
      %get3A_160 = arith.constant 96 : index
      %get3A_161 = tpu.vector_load %arg10[%get3A_159, %get3A_160] {strides = array<i32>} : memref<256x128xf32, #tpu.memory_space<vmem>>, vector<1x16xf32>,
      %get3A_162 = vector.shape_cast %get3A_161 : vector<1x16xf32> to vector<16xf32>
      %mul3A_163 = arith.mulf %get3A_158, %get3A_162 : vector<16xf32>
      %swap3A_164 = arith.index_cast %add3A_114 : i32 to index
      %swap3A_165 = arith.constant 32 : index
      %swap3A_166 = tpu.vector_load %arg9[%swap3A_164, %swap3A_165] {strides = array<i32>} : memref<512x128xf32, #tpu.memory_space<vmem>>, vector<1x16xf32>,
      %swap3A_167 = vector.shape_cast %swap3A_166 : vector<1x16xf32> to vector<16xf32>
      %swap3A_168 = vector.shape_cast %mul3A_163 : vector<16xf32> to vector<1x16xf32>
      tpu.vector_store %arg9[%swap3A_164, %swap3A_165], %swap3A_168 {strides = array<i32>} : memref<512x128xf32, #tpu.memory_space<vmem>>, vector<1x16xf32>,
      %add3A_169 = arith.constant 48 : i32
      %add3A_170 = arith.addi %squeeze3A_120, %add3A_169 : i32
      %get3A_171 = arith.index_cast %add3A_114 : i32 to index
      %get3A_172 = arith.index_cast %add3A_170 : i32 to index
      %get3A_173 = tpu.vector_load %arg9[%get3A_171, %get3A_172] {strides = array<i32>} : memref<512x128xf32, #tpu.memory_space<vmem>>, vector<1x16xf32>,
      %get3A_174 = vector.shape_cast %get3A_173 : vector<1x16xf32> to vector<16xf32>
      %get3A_175 = arith.index_cast %add3A_118 : i32 to index
      %get3A_176 = arith.constant 112 : index
      %get3A_177 = tpu.vector_load %arg10[%get3A_175, %get3A_176] {strides = array<i32>} : memref<256x128xf32, #tpu.memory_space<vmem>>, vector<1x16xf32>,
      %get3A_178 = vector.shape_cast %get3A_177 : vector<1x16xf32> to vector<16xf32>
      %mul3A_179 = arith.mulf %get3A_174, %get3A_178 : vector<16xf32>
      %swap3A_180 = arith.index_cast %add3A_114 : i32 to index
      %swap3A_181 = arith.constant 48 : index
      %swap3A_182 = tpu.vector_load %arg9[%swap3A_180, %swap3A_181] {strides = array<i32>} : memref<512x128xf32, #tpu.memory_space<vmem>>, vector<1x16xf32>,
      %swap3A_183 = vector.shape_cast %swap3A_182 : vector<1x16xf32> to vector<16xf32>
      %swap3A_184 = vector.shape_cast %mul3A_179 : vector<16xf32> to vector<1x16xf32>
      tpu.vector_store %arg9[%swap3A_180, %swap3A_181], %swap3A_184 {strides = array<i32>} : memref<512x128xf32, #tpu.memory_space<vmem>>, vector<1x16xf32>,
      %add3A_185 = arith.constant 2 : i32
      %add3A_186 = arith.addi %mul3A_37, %add3A_185 : i32
      %mul3A_187 = arith.constant 8 : i32
      %mul3A_188 = arith.muli %scan3A_35, %mul3A_187 : i32
      %add3A_189 = arith.constant 1 : i32
      %add3A_190 = arith.addi %mul3A_188, %add3A_189 : i32
      %slice3A_191 = vector.extract_strided_slice %select_n3A {offsets = [2], sizes = [1], strides = [1]} : vector<16xi32> to vector<1xi32>
      %squeeze3A_192 = vector.extract %slice3A_191[0] : i32 from vector<1xi32>
      %add3A_193 = arith.constant 0 : i32
      %add3A_194 = arith.addi %squeeze3A_192, %add3A_193 : i32
      %get3A_195 = arith.index_cast %add3A_186 : i32 to index
      %get3A_196 = arith.index_cast %add3A_194 : i32 to index
      %get3A_197 = tpu.vector_load %arg9[%get3A_195, %get3A_196] {strides = array<i32>} : memref<512x128xf32, #tpu.memory_space<vmem>>, vector<1x16xf32>,
      %get3A_198 = vector.shape_cast %get3A_197 : vector<1x16xf32> to vector<16xf32>
      %get3A_199 = arith.index_cast %add3A_190 : i32 to index
      %get3A_200 = arith.constant 0 : index
      %get3A_201 = tpu.vector_load %arg10[%get3A_199, %get3A_200] {strides = array<i32>} : memref<256x128xf32, #tpu.memory_space<vmem>>, vector<1x16xf32>,
      %get3A_202 = vector.shape_cast %get3A_201 : vector<1x16xf32> to vector<16xf32>
      %mul3A_203 = arith.mulf %get3A_198, %get3A_202 : vector<16xf32>
      %swap3A_204 = arith.index_cast %add3A_186 : i32 to index
      %swap3A_205 = arith.constant 0 : index
      %swap3A_206 = tpu.vector_load %arg9[%swap3A_204, %swap3A_205] {strides = array<i32>} : memref<512x128xf32, #tpu.memory_space<vmem>>, vector<1x16xf32>,
      %swap3A_207 = vector.shape_cast %swap3A_206 : vector<1x16xf32> to vector<16xf32>
      %swap3A_208 = vector.shape_cast %mul3A_203 : vector<16xf32> to vector<1x16xf32>
      tpu.vector_store %arg9[%swap3A_204, %swap3A_205], %swap3A_208 {strides = array<i32>} : memref<512x128xf32, #tpu.memory_space<vmem>>, vector<1x16xf32>,
      %add3A_209 = arith.constant 16 : i32
      %add3A_210 = arith.addi %squeeze3A_192, %add3A_209 : i32
      %get3A_211 = arith.index_cast %add3A_186 : i32 to index
      %get3A_212 = arith.index_cast %add3A_210 : i32 to index
      %get3A_213 = tpu.vector_load %arg9[%get3A_211, %get3A_212] {strides = array<i32>} : memref<512x128xf32, #tpu.memory_space<vmem>>, vector<1x16xf32>,
      %get3A_214 = vector.shape_cast %get3A_213 : vector<1x16xf32> to vector<16xf32>
      %get3A_215 = arith.index_cast %add3A_190 : i32 to index
      %get3A_216 = arith.constant 16 : index
      %get3A_217 = tpu.vector_load %arg10[%get3A_215, %get3A_216] {strides = array<i32>} : memref<256x128xf32, #tpu.memory_space<vmem>>, vector<1x16xf32>,
      %get3A_218 = vector.shape_cast %get3A_217 : vector<1x16xf32> to vector<16xf32>
      %mul3A_219 = arith.mulf %get3A_214, %get3A_218 : vector<16xf32>
      %swap3A_220 = arith.index_cast %add3A_186 : i32 to index
      %swap3A_221 = arith.constant 16 : index
      %swap3A_222 = tpu.vector_load %arg9[%swap3A_220, %swap3A_221] {strides = array<i32>} : memref<512x128xf32, #tpu.memory_space<vmem>>, vector<1x16xf32>,
      %swap3A_223 = vector.shape_cast %swap3A_222 : vector<1x16xf32> to vector<16xf32>
      %swap3A_224 = vector.shape_cast %mul3A_219 : vector<16xf32> to vector<1x16xf32>
      tpu.vector_store %arg9[%swap3A_220, %swap3A_221], %swap3A_224 {strides = array<i32>} : memref<512x128xf32, #tpu.memory_space<vmem>>, vector<1x16xf32>,
      %add3A_225 = arith.constant 32 : i32
      %add3A_226 = arith.addi %squeeze3A_192, %add3A_225 : i32
      %get3A_227 = arith.index_cast %add3A_186 : i32 to index
      %get3A_228 = arith.index_cast %add3A_226 : i32 to index
      %get3A_229 = tpu.vector_load %arg9[%get3A_227, %get3A_228] {strides = array<i32>} : memref<512x128xf32, #tpu.memory_space<vmem>>, vector<1x16xf32>,
      %get3A_230 = vector.shape_cast %get3A_229 : vector<1x16xf32> to vector<16xf32>
      %get3A_231 = arith.index_cast %add3A_190 : i32 to index
      %get3A_232 = arith.constant 32 : index
      %get3A_233 = tpu.vector_load %arg10[%get3A_231, %get3A_232] {strides = array<i32>} : memref<256x128xf32, #tpu.memory_space<vmem>>, vector<1x16xf32>,
      %get3A_234 = vector.shape_cast %get3A_233 : vector<1x16xf32> to vector<16xf32>
      %mul3A_235 = arith.mulf %get3A_230, %get3A_234 : vector<16xf32>
      %swap3A_236 = arith.index_cast %add3A_186 : i32 to index
      %swap3A_237 = arith.constant 32 : index
      %swap3A_238 = tpu.vector_load %arg9[%swap3A_236, %swap3A_237] {strides = array<i32>} : memref<512x128xf32, #tpu.memory_space<vmem>>, vector<1x16xf32>,
      %swap3A_239 = vector.shape_cast %swap3A_238 : vector<1x16xf32> to vector<16xf32>
      %swap3A_240 = vector.shape_cast %mul3A_235 : vector<16xf32> to vector<1x16xf32>
      tpu.vector_store %arg9[%swap3A_236, %swap3A_237], %swap3A_240 {strides = array<i32>} : memref<512x128xf32, #tpu.memory_space<vmem>>, vector<1x16xf32>,
      %add3A_241 = arith.constant 48 : i32
      %add3A_242 = arith.addi %squeeze3A_192, %add3A_241 : i32
      %get3A_243 = arith.index_cast %add3A_186 : i32 to index
      %get3A_244 = arith.index_cast %add3A_242 : i32 to index
      %get3A_245 = tpu.vector_load %arg9[%get3A_243, %get3A_244] {strides = array<i32>} : memref<512x128xf32, #tpu.memory_space<vmem>>, vector<1x16xf32>,
      %get3A_246 = vector.shape_cast %get3A_245 : vector<1x16xf32> to vector<16xf32>
      %get3A_247 = arith.index_cast %add3A_190 : i32 to index
      %get3A_248 = arith.constant 48 : index
      %get3A_249 = tpu.vector_load %arg10[%get3A_247, %get3A_248] {strides = array<i32>} : memref<256x128xf32, #tpu.memory_space<vmem>>, vector<1x16xf32>,
      %get3A_250 = vector.shape_cast %get3A_249 : vector<1x16xf32> to vector<16xf32>
      %mul3A_251 = arith.mulf %get3A_246, %get3A_250 : vector<16xf32>
      %swap3A_252 = arith.index_cast %add3A_186 : i32 to index
      %swap3A_253 = arith.constant 48 : index
      %swap3A_254 = tpu.vector_load %arg9[%swap3A_252, %swap3A_253] {strides = array<i32>} : memref<512x128xf32, #tpu.memory_space<vmem>>, vector<1x16xf32>,
      %swap3A_255 = vector.shape_cast %swap3A_254 : vector<1x16xf32> to vector<16xf32>
      %swap3A_256 = vector.shape_cast %mul3A_251 : vector<16xf32> to vector<1x16xf32>
      tpu.vector_store %arg9[%swap3A_252, %swap3A_253], %swap3A_256 {strides = array<i32>} : memref<512x128xf32, #tpu.memory_space<vmem>>, vector<1x16xf32>,
      %add3A_257 = arith.constant 3 : i32
      %add3A_258 = arith.addi %mul3A_37, %add3A_257 : i32
      %mul3A_259 = arith.constant 8 : i32
      %mul3A_260 = arith.muli %scan3A_35, %mul3A_259 : i32
      %add3A_261 = arith.constant 1 : i32
      %add3A_262 = arith.addi %mul3A_260, %add3A_261 : i32
      %slice3A_263 = vector.extract_strided_slice %select_n3A {offsets = [3], sizes = [1], strides = [1]} : vector<16xi32> to vector<1xi32>
      %squeeze3A_264 = vector.extract %slice3A_263[0] : i32 from vector<1xi32>
      %add3A_265 = arith.constant 0 : i32
      %add3A_266 = arith.addi %squeeze3A_264, %add3A_265 : i32
      %get3A_267 = arith.index_cast %add3A_258 : i32 to index
      %get3A_268 = arith.index_cast %add3A_266 : i32 to index
      %get3A_269 = tpu.vector_load %arg9[%get3A_267, %get3A_268] {strides = array<i32>} : memref<512x128xf32, #tpu.memory_space<vmem>>, vector<1x16xf32>,
      %get3A_270 = vector.shape_cast %get3A_269 : vector<1x16xf32> to vector<16xf32>
      %get3A_271 = arith.index_cast %add3A_262 : i32 to index
      %get3A_272 = arith.constant 64 : index
      %get3A_273 = tpu.vector_load %arg10[%get3A_271, %get3A_272] {strides = array<i32>} : memref<256x128xf32, #tpu.memory_space<vmem>>, vector<1x16xf32>,
      %get3A_274 = vector.shape_cast %get3A_273 : vector<1x16xf32> to vector<16xf32>
      %mul3A_275 = arith.mulf %get3A_270, %get3A_274 : vector<16xf32>
      %swap3A_276 = arith.index_cast %add3A_258 : i32 to index
      %swap3A_277 = arith.constant 0 : index
      %swap3A_278 = tpu.vector_load %arg9[%swap3A_276, %swap3A_277] {strides = array<i32>} : memref<512x128xf32, #tpu.memory_space<vmem>>, vector<1x16xf32>,
      %swap3A_279 = vector.shape_cast %swap3A_278 : vector<1x16xf32> to vector<16xf32>
      %swap3A_280 = vector.shape_cast %mul3A_275 : vector<16xf32> to vector<1x16xf32>
      tpu.vector_store %arg9[%swap3A_276, %swap3A_277], %swap3A_280 {strides = array<i32>} : memref<512x128xf32, #tpu.memory_space<vmem>>, vector<1x16xf32>,
      %add3A_281 = arith.constant 16 : i32
      %add3A_282 = arith.addi %squeeze3A_264, %add3A_281 : i32
      %get3A_283 = arith.index_cast %add3A_258 : i32 to index
      %get3A_284 = arith.index_cast %add3A_282 : i32 to index
      %get3A_285 = tpu.vector_load %arg9[%get3A_283, %get3A_284] {strides = array<i32>} : memref<512x128xf32, #tpu.memory_space<vmem>>, vector<1x16xf32>,
      %get3A_286 = vector.shape_cast %get3A_285 : vector<1x16xf32> to vector<16xf32>
      %get3A_287 = arith.index_cast %add3A_262 : i32 to index
      %get3A_288 = arith.constant 80 : index
      %get3A_289 = tpu.vector_load %arg10[%get3A_287, %get3A_288] {strides = array<i32>} : memref<256x128xf32, #tpu.memory_space<vmem>>, vector<1x16xf32>,
      %get3A_290 = vector.shape_cast %get3A_289 : vector<1x16xf32> to vector<16xf32>
      %mul3A_291 = arith.mulf %get3A_286, %get3A_290 : vector<16xf32>
      %swap3A_292 = arith.index_cast %add3A_258 : i32 to index
      %swap3A_293 = arith.constant 16 : index
      %swap3A_294 = tpu.vector_load %arg9[%swap3A_292, %swap3A_293] {strides = array<i32>} : memref<512x128xf32, #tpu.memory_space<vmem>>, vector<1x16xf32>,
      %swap3A_295 = vector.shape_cast %swap3A_294 : vector<1x16xf32> to vector<16xf32>
      %swap3A_296 = vector.shape_cast %mul3A_291 : vector<16xf32> to vector<1x16xf32>
      tpu.vector_store %arg9[%swap3A_292, %swap3A_293], %swap3A_296 {strides = array<i32>} : memref<512x128xf32, #tpu.memory_space<vmem>>, vector<1x16xf32>,
      %add3A_297 = arith.constant 32 : i32
      %add3A_298 = arith.addi %squeeze3A_264, %add3A_297 : i32
      %get3A_299 = arith.index_cast %add3A_258 : i32 to index
      %get3A_300 = arith.index_cast %add3A_298 : i32 to index
      %get3A_301 = tpu.vector_load %arg9[%get3A_299, %get3A_300] {strides = array<i32>} : memref<512x128xf32, #tpu.memory_space<vmem>>, vector<1x16xf32>,
      %get3A_302 = vector.shape_cast %get3A_301 : vector<1x16xf32> to vector<16xf32>
      %get3A_303 = arith.index_cast %add3A_262 : i32 to index
      %get3A_304 = arith.constant 96 : index
      %get3A_305 = tpu.vector_load %arg10[%get3A_303, %get3A_304] {strides = array<i32>} : memref<256x128xf32, #tpu.memory_space<vmem>>, vector<1x16xf32>,
      %get3A_306 = vector.shape_cast %get3A_305 : vector<1x16xf32> to vector<16xf32>
      %mul3A_307 = arith.mulf %get3A_302, %get3A_306 : vector<16xf32>
      %swap3A_308 = arith.index_cast %add3A_258 : i32 to index
      %swap3A_309 = arith.constant 32 : index
      %swap3A_310 = tpu.vector_load %arg9[%swap3A_308, %swap3A_309] {strides = array<i32>} : memref<512x128xf32, #tpu.memory_space<vmem>>, vector<1x16xf32>,
      %swap3A_311 = vector.shape_cast %swap3A_310 : vector<1x16xf32> to vector<16xf32>
      %swap3A_312 = vector.shape_cast %mul3A_307 : vector<16xf32> to vector<1x16xf32>
      tpu.vector_store %arg9[%swap3A_308, %swap3A_309], %swap3A_312 {strides = array<i32>} : memref<512x128xf32, #tpu.memory_space<vmem>>, vector<1x16xf32>,
      %add3A_313 = arith.constant 48 : i32
      %add3A_314 = arith.addi %squeeze3A_264, %add3A_313 : i32
      %get3A_315 = arith.index_cast %add3A_258 : i32 to index
      %get3A_316 = arith.index_cast %add3A_314 : i32 to index
      %get3A_317 = tpu.vector_load %arg9[%get3A_315, %get3A_316] {strides = array<i32>} : memref<512x128xf32, #tpu.memory_space<vmem>>, vector<1x16xf32>,
      %get3A_318 = vector.shape_cast %get3A_317 : vector<1x16xf32> to vector<16xf32>
      %get3A_319 = arith.index_cast %add3A_262 : i32 to index
      %get3A_320 = arith.constant 112 : index
      %get3A_321 = tpu.vector_load %arg10[%get3A_319, %get3A_320] {strides = array<i32>} : memref<256x128xf32, #tpu.memory_space<vmem>>, vector<1x16xf32>,
      %get3A_322 = vector.shape_cast %get3A_321 : vector<1x16xf32> to vector<16xf32>
      %mul3A_323 = arith.mulf %get3A_318, %get3A_322 : vector<16xf32>
      %swap3A_324 = arith.index_cast %add3A_258 : i32 to index
      %swap3A_325 = arith.constant 48 : index
      %swap3A_326 = tpu.vector_load %arg9[%swap3A_324, %swap3A_325] {strides = array<i32>} : memref<512x128xf32, #tpu.memory_space<vmem>>, vector<1x16xf32>,
      %swap3A_327 = vector.shape_cast %swap3A_326 : vector<1x16xf32> to vector<16xf32>
      %swap3A_328 = vector.shape_cast %mul3A_323 : vector<16xf32> to vector<1x16xf32>
      tpu.vector_store %arg9[%swap3A_324, %swap3A_325], %swap3A_328 {strides = array<i32>} : memref<512x128xf32, #tpu.memory_space<vmem>>, vector<1x16xf32>,
      %add3A_329 = arith.constant 4 : i32
      %add3A_330 = arith.addi %mul3A_37, %add3A_329 : i32
      %mul3A_331 = arith.constant 8 : i32
      %mul3A_332 = arith.muli %scan3A_35, %mul3A_331 : i32
      %add3A_333 = arith.constant 2 : i32
      %add3A_334 = arith.addi %mul3A_332, %add3A_333 : i32
      %slice3A_335 = vector.extract_strided_slice %select_n3A {offsets = [4], sizes = [1], strides = [1]} : vector<16xi32> to vector<1xi32>
      %squeeze3A_336 = vector.extract %slice3A_335[0] : i32 from vector<1xi32>
      %add3A_337 = arith.constant 0 : i32
      %add3A_338 = arith.addi %squeeze3A_336, %add3A_337 : i32
      %get3A_339 = arith.index_cast %add3A_330 : i32 to index
      %get3A_340 = arith.index_cast %add3A_338 : i32 to index
      %get3A_341 = tpu.vector_load %arg9[%get3A_339, %get3A_340] {strides = array<i32>} : memref<512x128xf32, #tpu.memory_space<vmem>>, vector<1x16xf32>,
      %get3A_342 = vector.shape_cast %get3A_341 : vector<1x16xf32> to vector<16xf32>
      %get3A_343 = arith.index_cast %add3A_334 : i32 to index
      %get3A_344 = arith.constant 0 : index
      %get3A_345 = tpu.vector_load %arg10[%get3A_343, %get3A_344] {strides = array<i32>} : memref<256x128xf32, #tpu.memory_space<vmem>>, vector<1x16xf32>,
      %get3A_346 = vector.shape_cast %get3A_345 : vector<1x16xf32> to vector<16xf32>
      %mul3A_347 = arith.mulf %get3A_342, %get3A_346 : vector<16xf32>
      %swap3A_348 = arith.index_cast %add3A_330 : i32 to index
      %swap3A_349 = arith.constant 0 : index
      %swap3A_350 = tpu.vector_load %arg9[%swap3A_348, %swap3A_349] {strides = array<i32>} : memref<512x128xf32, #tpu.memory_space<vmem>>, vector<1x16xf32>,
      %swap3A_351 = vector.shape_cast %swap3A_350 : vector<1x16xf32> to vector<16xf32>
      %swap3A_352 = vector.shape_cast %mul3A_347 : vector<16xf32> to vector<1x16xf32>
      tpu.vector_store %arg9[%swap3A_348, %swap3A_349], %swap3A_352 {strides = array<i32>} : memref<512x128xf32, #tpu.memory_space<vmem>>, vector<1x16xf32>,
      %add3A_353 = arith.constant 16 : i32
      %add3A_354 = arith.addi %squeeze3A_336, %add3A_353 : i32
      %get3A_355 = arith.index_cast %add3A_330 : i32 to index
      %get3A_356 = arith.index_cast %add3A_354 : i32 to index
      %get3A_357 = tpu.vector_load %arg9[%get3A_355, %get3A_356] {strides = array<i32>} : memref<512x128xf32, #tpu.memory_space<vmem>>, vector<1x16xf32>,
      %get3A_358 = vector.shape_cast %get3A_357 : vector<1x16xf32> to vector<16xf32>
      %get3A_359 = arith.index_cast %add3A_334 : i32 to index
      %get3A_360 = arith.constant 16 : index
      %get3A_361 = tpu.vector_load %arg10[%get3A_359, %get3A_360] {strides = array<i32>} : memref<256x128xf32, #tpu.memory_space<vmem>>, vector<1x16xf32>,
      %get3A_362 = vector.shape_cast %get3A_361 : vector<1x16xf32> to vector<16xf32>
      %mul3A_363 = arith.mulf %get3A_358, %get3A_362 : vector<16xf32>
      %swap3A_364 = arith.index_cast %add3A_330 : i32 to index
      %swap3A_365 = arith.constant 16 : index
      %swap3A_366 = tpu.vector_load %arg9[%swap3A_364, %swap3A_365] {strides = array<i32>} : memref<512x128xf32, #tpu.memory_space<vmem>>, vector<1x16xf32>,
      %swap3A_367 = vector.shape_cast %swap3A_366 : vector<1x16xf32> to vector<16xf32>
      %swap3A_368 = vector.shape_cast %mul3A_363 : vector<16xf32> to vector<1x16xf32>
      tpu.vector_store %arg9[%swap3A_364, %swap3A_365], %swap3A_368 {strides = array<i32>} : memref<512x128xf32, #tpu.memory_space<vmem>>, vector<1x16xf32>,
      %add3A_369 = arith.constant 32 : i32
      %add3A_370 = arith.addi %squeeze3A_336, %add3A_369 : i32
      %get3A_371 = arith.index_cast %add3A_330 : i32 to index
      %get3A_372 = arith.index_cast %add3A_370 : i32 to index
      %get3A_373 = tpu.vector_load %arg9[%get3A_371, %get3A_372] {strides = array<i32>} : memref<512x128xf32, #tpu.memory_space<vmem>>, vector<1x16xf32>,
      %get3A_374 = vector.shape_cast %get3A_373 : vector<1x16xf32> to vector<16xf32>
      %get3A_375 = arith.index_cast %add3A_334 : i32 to index
      %get3A_376 = arith.constant 32 : index
      %get3A_377 = tpu.vector_load %arg10[%get3A_375, %get3A_376] {strides = array<i32>} : memref<256x128xf32, #tpu.memory_space<vmem>>, vector<1x16xf32>,
      %get3A_378 = vector.shape_cast %get3A_377 : vector<1x16xf32> to vector<16xf32>
      %mul3A_379 = arith.mulf %get3A_374, %get3A_378 : vector<16xf32>
      %swap3A_380 = arith.index_cast %add3A_330 : i32 to index
      %swap3A_381 = arith.constant 32 : index
      %swap3A_382 = tpu.vector_load %arg9[%swap3A_380, %swap3A_381] {strides = array<i32>} : memref<512x128xf32, #tpu.memory_space<vmem>>, vector<1x16xf32>,
      %swap3A_383 = vector.shape_cast %swap3A_382 : vector<1x16xf32> to vector<16xf32>
      %swap3A_384 = vector.shape_cast %mul3A_379 : vector<16xf32> to vector<1x16xf32>
      tpu.vector_store %arg9[%swap3A_380, %swap3A_381], %swap3A_384 {strides = array<i32>} : memref<512x128xf32, #tpu.memory_space<vmem>>, vector<1x16xf32>,
      %add3A_385 = arith.constant 48 : i32
      %add3A_386 = arith.addi %squeeze3A_336, %add3A_385 : i32
      %get3A_387 = arith.index_cast %add3A_330 : i32 to index
      %get3A_388 = arith.index_cast %add3A_386 : i32 to index
      %get3A_389 = tpu.vector_load %arg9[%get3A_387, %get3A_388] {strides = array<i32>} : memref<512x128xf32, #tpu.memory_space<vmem>>, vector<1x16xf32>,
      %get3A_390 = vector.shape_cast %get3A_389 : vector<1x16xf32> to vector<16xf32>
      %get3A_391 = arith.index_cast %add3A_334 : i32 to index
      %get3A_392 = arith.constant 48 : index
      %get3A_393 = tpu.vector_load %arg10[%get3A_391, %get3A_392] {strides = array<i32>} : memref<256x128xf32, #tpu.memory_space<vmem>>, vector<1x16xf32>,
      %get3A_394 = vector.shape_cast %get3A_393 : vector<1x16xf32> to vector<16xf32>
      %mul3A_395 = arith.mulf %get3A_390, %get3A_394 : vector<16xf32>
      %swap3A_396 = arith.index_cast %add3A_330 : i32 to index
      %swap3A_397 = arith.constant 48 : index
      %swap3A_398 = tpu.vector_load %arg9[%swap3A_396, %swap3A_397] {strides = array<i32>} : memref<512x128xf32, #tpu.memory_space<vmem>>, vector<1x16xf32>,
      %swap3A_399 = vector.shape_cast %swap3A_398 : vector<1x16xf32> to vector<16xf32>
      %swap3A_400 = vector.shape_cast %mul3A_395 : vector<16xf32> to vector<1x16xf32>
      tpu.vector_store %arg9[%swap3A_396, %swap3A_397], %swap3A_400 {strides = array<i32>} : memref<512x128xf32, #tpu.memory_space<vmem>>, vector<1x16xf32>,
      %add3A_401 = arith.constant 5 : i32
      %add3A_402 = arith.addi %mul3A_37, %add3A_401 : i32
      %mul3A_403 = arith.constant 8 : i32
      %mul3A_404 = arith.muli %scan3A_35, %mul3A_403 : i32
      %add3A_405 = arith.constant 2 : i32
      %add3A_406 = arith.addi %mul3A_404, %add3A_405 : i32
      %slice3A_407 = vector.extract_strided_slice %select_n3A {offsets = [5], sizes = [1], strides = [1]} : vector<16xi32> to vector<1xi32>
      %squeeze3A_408 = vector.extract %slice3A_407[0] : i32 from vector<1xi32>
      %add3A_409 = arith.constant 0 : i32
      %add3A_410 = arith.addi %squeeze3A_408, %add3A_409 : i32
      %get3A_411 = arith.index_cast %add3A_402 : i32 to index
      %get3A_412 = arith.index_cast %add3A_410 : i32 to index
      %get3A_413 = tpu.vector_load %arg9[%get3A_411, %get3A_412] {strides = array<i32>} : memref<512x128xf32, #tpu.memory_space<vmem>>, vector<1x16xf32>,
      %get3A_414 = vector.shape_cast %get3A_413 : vector<1x16xf32> to vector<16xf32>
      %get3A_415 = arith.index_cast %add3A_406 : i32 to index
      %get3A_416 = arith.constant 64 : index
      %get3A_417 = tpu.vector_load %arg10[%get3A_415, %get3A_416] {strides = array<i32>} : memref<256x128xf32, #tpu.memory_space<vmem>>, vector<1x16xf32>,
      %get3A_418 = vector.shape_cast %get3A_417 : vector<1x16xf32> to vector<16xf32>
      %mul3A_419 = arith.mulf %get3A_414, %get3A_418 : vector<16xf32>
      %swap3A_420 = arith.index_cast %add3A_402 : i32 to index
      %swap3A_421 = arith.constant 0 : index
      %swap3A_422 = tpu.vector_load %arg9[%swap3A_420, %swap3A_421] {strides = array<i32>} : memref<512x128xf32, #tpu.memory_space<vmem>>, vector<1x16xf32>,
      %swap3A_423 = vector.shape_cast %swap3A_422 : vector<1x16xf32> to vector<16xf32>
      %swap3A_424 = vector.shape_cast %mul3A_419 : vector<16xf32> to vector<1x16xf32>
      tpu.vector_store %arg9[%swap3A_420, %swap3A_421], %swap3A_424 {strides = array<i32>} : memref<512x128xf32, #tpu.memory_space<vmem>>, vector<1x16xf32>,
      %add3A_425 = arith.constant 16 : i32
      %add3A_426 = arith.addi %squeeze3A_408, %add3A_425 : i32
      %get3A_427 = arith.index_cast %add3A_402 : i32 to index
      %get3A_428 = arith.index_cast %add3A_426 : i32 to index
      %get3A_429 = tpu.vector_load %arg9[%get3A_427, %get3A_428] {strides = array<i32>} : memref<512x128xf32, #tpu.memory_space<vmem>>, vector<1x16xf32>,
      %get3A_430 = vector.shape_cast %get3A_429 : vector<1x16xf32> to vector<16xf32>
      %get3A_431 = arith.index_cast %add3A_406 : i32 to index
      %get3A_432 = arith.constant 80 : index
      %get3A_433 = tpu.vector_load %arg10[%get3A_431, %get3A_432] {strides = array<i32>} : memref<256x128xf32, #tpu.memory_space<vmem>>, vector<1x16xf32>,
      %get3A_434 = vector.shape_cast %get3A_433 : vector<1x16xf32> to vector<16xf32>
      %mul3A_435 = arith.mulf %get3A_430, %get3A_434 : vector<16xf32>
      %swap3A_436 = arith.index_cast %add3A_402 : i32 to index
      %swap3A_437 = arith.constant 16 : index
      %swap3A_438 = tpu.vector_load %arg9[%swap3A_436, %swap3A_437] {strides = array<i32>} : memref<512x128xf32, #tpu.memory_space<vmem>>, vector<1x16xf32>,
      %swap3A_439 = vector.shape_cast %swap3A_438 : vector<1x16xf32> to vector<16xf32>
      %swap3A_440 = vector.shape_cast %mul3A_435 : vector<16xf32> to vector<1x16xf32>
      tpu.vector_store %arg9[%swap3A_436, %swap3A_437], %swap3A_440 {strides = array<i32>} : memref<512x128xf32, #tpu.memory_space<vmem>>, vector<1x16xf32>,
      %add3A_441 = arith.constant 32 : i32
      %add3A_442 = arith.addi %squeeze3A_408, %add3A_441 : i32
      %get3A_443 = arith.index_cast %add3A_402 : i32 to index
      %get3A_444 = arith.index_cast %add3A_442 : i32 to index
      %get3A_445 = tpu.vector_load %arg9[%get3A_443, %get3A_444] {strides = array<i32>} : memref<512x128xf32, #tpu.memory_space<vmem>>, vector<1x16xf32>,
      %get3A_446 = vector.shape_cast %get3A_445 : vector<1x16xf32> to vector<16xf32>
      %get3A_447 = arith.index_cast %add3A_406 : i32 to index
      %get3A_448 = arith.constant 96 : index
      %get3A_449 = tpu.vector_load %arg10[%get3A_447, %get3A_448] {strides = array<i32>} : memref<256x128xf32, #tpu.memory_space<vmem>>, vector<1x16xf32>,
      %get3A_450 = vector.shape_cast %get3A_449 : vector<1x16xf32> to vector<16xf32>
      %mul3A_451 = arith.mulf %get3A_446, %get3A_450 : vector<16xf32>
      %swap3A_452 = arith.index_cast %add3A_402 : i32 to index
      %swap3A_453 = arith.constant 32 : index
      %swap3A_454 = tpu.vector_load %arg9[%swap3A_452, %swap3A_453] {strides = array<i32>} : memref<512x128xf32, #tpu.memory_space<vmem>>, vector<1x16xf32>,
      %swap3A_455 = vector.shape_cast %swap3A_454 : vector<1x16xf32> to vector<16xf32>
      %swap3A_456 = vector.shape_cast %mul3A_451 : vector<16xf32> to vector<1x16xf32>
      tpu.vector_store %arg9[%swap3A_452, %swap3A_453], %swap3A_456 {strides = array<i32>} : memref<512x128xf32, #tpu.memory_space<vmem>>, vector<1x16xf32>,
      %add3A_457 = arith.constant 48 : i32
      %add3A_458 = arith.addi %squeeze3A_408, %add3A_457 : i32
      %get3A_459 = arith.index_cast %add3A_402 : i32 to index
      %get3A_460 = arith.index_cast %add3A_458 : i32 to index
      %get3A_461 = tpu.vector_load %arg9[%get3A_459, %get3A_460] {strides = array<i32>} : memref<512x128xf32, #tpu.memory_space<vmem>>, vector<1x16xf32>,
      %get3A_462 = vector.shape_cast %get3A_461 : vector<1x16xf32> to vector<16xf32>
      %get3A_463 = arith.index_cast %add3A_406 : i32 to index
      %get3A_464 = arith.constant 112 : index
      %get3A_465 = tpu.vector_load %arg10[%get3A_463, %get3A_464] {strides = array<i32>} : memref<256x128xf32, #tpu.memory_space<vmem>>, vector<1x16xf32>,
      %get3A_466 = vector.shape_cast %get3A_465 : vector<1x16xf32> to vector<16xf32>
      %mul3A_467 = arith.mulf %get3A_462, %get3A_466 : vector<16xf32>
      %swap3A_468 = arith.index_cast %add3A_402 : i32 to index
      %swap3A_469 = arith.constant 48 : index
      %swap3A_470 = tpu.vector_load %arg9[%swap3A_468, %swap3A_469] {strides = array<i32>} : memref<512x128xf32, #tpu.memory_space<vmem>>, vector<1x16xf32>,
      %swap3A_471 = vector.shape_cast %swap3A_470 : vector<1x16xf32> to vector<16xf32>
      %swap3A_472 = vector.shape_cast %mul3A_467 : vector<16xf32> to vector<1x16xf32>
      tpu.vector_store %arg9[%swap3A_468, %swap3A_469], %swap3A_472 {strides = array<i32>} : memref<512x128xf32, #tpu.memory_space<vmem>>, vector<1x16xf32>,
      %add3A_473 = arith.constant 6 : i32
      %add3A_474 = arith.addi %mul3A_37, %add3A_473 : i32
      %mul3A_475 = arith.constant 8 : i32
      %mul3A_476 = arith.muli %scan3A_35, %mul3A_475 : i32
      %add3A_477 = arith.constant 3 : i32
      %add3A_478 = arith.addi %mul3A_476, %add3A_477 : i32
      %slice3A_479 = vector.extract_strided_slice %select_n3A {offsets = [6], sizes = [1], strides = [1]} : vector<16xi32> to vector<1xi32>
      %squeeze3A_480 = vector.extract %slice3A_479[0] : i32 from vector<1xi32>
      %add3A_481 = arith.constant 0 : i32
      %add3A_482 = arith.addi %squeeze3A_480, %add3A_481 : i32
      %get3A_483 = arith.index_cast %add3A_474 : i32 to index
      %get3A_484 = arith.index_cast %add3A_482 : i32 to index
      %get3A_485 = tpu.vector_load %arg9[%get3A_483, %get3A_484] {strides = array<i32>} : memref<512x128xf32, #tpu.memory_space<vmem>>, vector<1x16xf32>,
      %get3A_486 = vector.shape_cast %get3A_485 : vector<1x16xf32> to vector<16xf32>
      %get3A_487 = arith.index_cast %add3A_478 : i32 to index
      %get3A_488 = arith.constant 0 : index
      %get3A_489 = tpu.vector_load %arg10[%get3A_487, %get3A_488] {strides = array<i32>} : memref<256x128xf32, #tpu.memory_space<vmem>>, vector<1x16xf32>,
      %get3A_490 = vector.shape_cast %get3A_489 : vector<1x16xf32> to vector<16xf32>
      %mul3A_491 = arith.mulf %get3A_486, %get3A_490 : vector<16xf32>
      %swap3A_492 = arith.index_cast %add3A_474 : i32 to index
      %swap3A_493 = arith.constant 0 : index
      %swap3A_494 = tpu.vector_load %arg9[%swap3A_492, %swap3A_493] {strides = array<i32>} : memref<512x128xf32, #tpu.memory_space<vmem>>, vector<1x16xf32>,
      %swap3A_495 = vector.shape_cast %swap3A_494 : vector<1x16xf32> to vector<16xf32>
      %swap3A_496 = vector.shape_cast %mul3A_491 : vector<16xf32> to vector<1x16xf32>
      tpu.vector_store %arg9[%swap3A_492, %swap3A_493], %swap3A_496 {strides = array<i32>} : memref<512x128xf32, #tpu.memory_space<vmem>>, vector<1x16xf32>,
      %add3A_497 = arith.constant 16 : i32
      %add3A_498 = arith.addi %squeeze3A_480, %add3A_497 : i32
      %get3A_499 = arith.index_cast %add3A_474 : i32 to index
      %get3A_500 = arith.index_cast %add3A_498 : i32 to index
      %get3A_501 = tpu.vector_load %arg9[%get3A_499, %get3A_500] {strides = array<i32>} : memref<512x128xf32, #tpu.memory_space<vmem>>, vector<1x16xf32>,
      %get3A_502 = vector.shape_cast %get3A_501 : vector<1x16xf32> to vector<16xf32>
      %get3A_503 = arith.index_cast %add3A_478 : i32 to index
      %get3A_504 = arith.constant 16 : index
      %get3A_505 = tpu.vector_load %arg10[%get3A_503, %get3A_504] {strides = array<i32>} : memref<256x128xf32, #tpu.memory_space<vmem>>, vector<1x16xf32>,
      %get3A_506 = vector.shape_cast %get3A_505 : vector<1x16xf32> to vector<16xf32>
      %mul3A_507 = arith.mulf %get3A_502, %get3A_506 : vector<16xf32>
      %swap3A_508 = arith.index_cast %add3A_474 : i32 to index
      %swap3A_509 = arith.constant 16 : index
      %swap3A_510 = tpu.vector_load %arg9[%swap3A_508, %swap3A_509] {strides = array<i32>} : memref<512x128xf32, #tpu.memory_space<vmem>>, vector<1x16xf32>,
      %swap3A_511 = vector.shape_cast %swap3A_510 : vector<1x16xf32> to vector<16xf32>
      %swap3A_512 = vector.shape_cast %mul3A_507 : vector<16xf32> to vector<1x16xf32>
      tpu.vector_store %arg9[%swap3A_508, %swap3A_509], %swap3A_512 {strides = array<i32>} : memref<512x128xf32, #tpu.memory_space<vmem>>, vector<1x16xf32>,
      %add3A_513 = arith.constant 32 : i32
      %add3A_514 = arith.addi %squeeze3A_480, %add3A_513 : i32
      %get3A_515 = arith.index_cast %add3A_474 : i32 to index
      %get3A_516 = arith.index_cast %add3A_514 : i32 to index
      %get3A_517 = tpu.vector_load %arg9[%get3A_515, %get3A_516] {strides = array<i32>} : memref<512x128xf32, #tpu.memory_space<vmem>>, vector<1x16xf32>,
      %get3A_518 = vector.shape_cast %get3A_517 : vector<1x16xf32> to vector<16xf32>
      %get3A_519 = arith.index_cast %add3A_478 : i32 to index
      %get3A_520 = arith.constant 32 : index
      %get3A_521 = tpu.vector_load %arg10[%get3A_519, %get3A_520] {strides = array<i32>} : memref<256x128xf32, #tpu.memory_space<vmem>>, vector<1x16xf32>,
      %get3A_522 = vector.shape_cast %get3A_521 : vector<1x16xf32> to vector<16xf32>
      %mul3A_523 = arith.mulf %get3A_518, %get3A_522 : vector<16xf32>
      %swap3A_524 = arith.index_cast %add3A_474 : i32 to index
      %swap3A_525 = arith.constant 32 : index
      %swap3A_526 = tpu.vector_load %arg9[%swap3A_524, %swap3A_525] {strides = array<i32>} : memref<512x128xf32, #tpu.memory_space<vmem>>, vector<1x16xf32>,
      %swap3A_527 = vector.shape_cast %swap3A_526 : vector<1x16xf32> to vector<16xf32>
      %swap3A_528 = vector.shape_cast %mul3A_523 : vector<16xf32> to vector<1x16xf32>
      tpu.vector_store %arg9[%swap3A_524, %swap3A_525], %swap3A_528 {strides = array<i32>} : memref<512x128xf32, #tpu.memory_space<vmem>>, vector<1x16xf32>,
      %add3A_529 = arith.constant 48 : i32
      %add3A_530 = arith.addi %squeeze3A_480, %add3A_529 : i32
      %get3A_531 = arith.index_cast %add3A_474 : i32 to index
      %get3A_532 = arith.index_cast %add3A_530 : i32 to index
      %get3A_533 = tpu.vector_load %arg9[%get3A_531, %get3A_532] {strides = array<i32>} : memref<512x128xf32, #tpu.memory_space<vmem>>, vector<1x16xf32>,
      %get3A_534 = vector.shape_cast %get3A_533 : vector<1x16xf32> to vector<16xf32>
      %get3A_535 = arith.index_cast %add3A_478 : i32 to index
      %get3A_536 = arith.constant 48 : index
      %get3A_537 = tpu.vector_load %arg10[%get3A_535, %get3A_536] {strides = array<i32>} : memref<256x128xf32, #tpu.memory_space<vmem>>, vector<1x16xf32>,
      %get3A_538 = vector.shape_cast %get3A_537 : vector<1x16xf32> to vector<16xf32>
      %mul3A_539 = arith.mulf %get3A_534, %get3A_538 : vector<16xf32>
      %swap3A_540 = arith.index_cast %add3A_474 : i32 to index
      %swap3A_541 = arith.constant 48 : index
      %swap3A_542 = tpu.vector_load %arg9[%swap3A_540, %swap3A_541] {strides = array<i32>} : memref<512x128xf32, #tpu.memory_space<vmem>>, vector<1x16xf32>,
      %swap3A_543 = vector.shape_cast %swap3A_542 : vector<1x16xf32> to vector<16xf32>
      %swap3A_544 = vector.shape_cast %mul3A_539 : vector<16xf32> to vector<1x16xf32>
      tpu.vector_store %arg9[%swap3A_540, %swap3A_541], %swap3A_544 {strides = array<i32>} : memref<512x128xf32, #tpu.memory_space<vmem>>, vector<1x16xf32>,
      %add3A_545 = arith.constant 7 : i32
      %add3A_546 = arith.addi %mul3A_37, %add3A_545 : i32
      %mul3A_547 = arith.constant 8 : i32
      %mul3A_548 = arith.muli %scan3A_35, %mul3A_547 : i32
      %add3A_549 = arith.constant 3 : i32
      %add3A_550 = arith.addi %mul3A_548, %add3A_549 : i32
      %slice3A_551 = vector.extract_strided_slice %select_n3A {offsets = [7], sizes = [1], strides = [1]} : vector<16xi32> to vector<1xi32>
      %squeeze3A_552 = vector.extract %slice3A_551[0] : i32 from vector<1xi32>
      %add3A_553 = arith.constant 0 : i32
      %add3A_554 = arith.addi %squeeze3A_552, %add3A_553 : i32
      %get3A_555 = arith.index_cast %add3A_546 : i32 to index
      %get3A_556 = arith.index_cast %add3A_554 : i32 to index
      %get3A_557 = tpu.vector_load %arg9[%get3A_555, %get3A_556] {strides = array<i32>} : memref<512x128xf32, #tpu.memory_space<vmem>>, vector<1x16xf32>,
      %get3A_558 = vector.shape_cast %get3A_557 : vector<1x16xf32> to vector<16xf32>
      %get3A_559 = arith.index_cast %add3A_550 : i32 to index
      %get3A_560 = arith.constant 64 : index
      %get3A_561 = tpu.vector_load %arg10[%get3A_559, %get3A_560] {strides = array<i32>} : memref<256x128xf32, #tpu.memory_space<vmem>>, vector<1x16xf32>,
      %get3A_562 = vector.shape_cast %get3A_561 : vector<1x16xf32> to vector<16xf32>
      %mul3A_563 = arith.mulf %get3A_558, %get3A_562 : vector<16xf32>
      %swap3A_564 = arith.index_cast %add3A_546 : i32 to index
      %swap3A_565 = arith.constant 0 : index
      %swap3A_566 = tpu.vector_load %arg9[%swap3A_564, %swap3A_565] {strides = array<i32>} : memref<512x128xf32, #tpu.memory_space<vmem>>, vector<1x16xf32>,
      %swap3A_567 = vector.shape_cast %swap3A_566 : vector<1x16xf32> to vector<16xf32>
      %swap3A_568 = vector.shape_cast %mul3A_563 : vector<16xf32> to vector<1x16xf32>
      tpu.vector_store %arg9[%swap3A_564, %swap3A_565], %swap3A_568 {strides = array<i32>} : memref<512x128xf32, #tpu.memory_space<vmem>>, vector<1x16xf32>,
      %add3A_569 = arith.constant 16 : i32
      %add3A_570 = arith.addi %squeeze3A_552, %add3A_569 : i32
      %get3A_571 = arith.index_cast %add3A_546 : i32 to index
      %get3A_572 = arith.index_cast %add3A_570 : i32 to index
      %get3A_573 = tpu.vector_load %arg9[%get3A_571, %get3A_572] {strides = array<i32>} : memref<512x128xf32, #tpu.memory_space<vmem>>, vector<1x16xf32>,
      %get3A_574 = vector.shape_cast %get3A_573 : vector<1x16xf32> to vector<16xf32>
      %get3A_575 = arith.index_cast %add3A_550 : i32 to index
      %get3A_576 = arith.constant 80 : index
      %get3A_577 = tpu.vector_load %arg10[%get3A_575, %get3A_576] {strides = array<i32>} : memref<256x128xf32, #tpu.memory_space<vmem>>, vector<1x16xf32>,
      %get3A_578 = vector.shape_cast %get3A_577 : vector<1x16xf32> to vector<16xf32>
      %mul3A_579 = arith.mulf %get3A_574, %get3A_578 : vector<16xf32>
      %swap3A_580 = arith.index_cast %add3A_546 : i32 to index
      %swap3A_581 = arith.constant 16 : index
      %swap3A_582 = tpu.vector_load %arg9[%swap3A_580, %swap3A_581] {strides = array<i32>} : memref<512x128xf32, #tpu.memory_space<vmem>>, vector<1x16xf32>,
      %swap3A_583 = vector.shape_cast %swap3A_582 : vector<1x16xf32> to vector<16xf32>
      %swap3A_584 = vector.shape_cast %mul3A_579 : vector<16xf32> to vector<1x16xf32>
      tpu.vector_store %arg9[%swap3A_580, %swap3A_581], %swap3A_584 {strides = array<i32>} : memref<512x128xf32, #tpu.memory_space<vmem>>, vector<1x16xf32>,
      %add3A_585 = arith.constant 32 : i32
      %add3A_586 = arith.addi %squeeze3A_552, %add3A_585 : i32
      %get3A_587 = arith.index_cast %add3A_546 : i32 to index
      %get3A_588 = arith.index_cast %add3A_586 : i32 to index
      %get3A_589 = tpu.vector_load %arg9[%get3A_587, %get3A_588] {strides = array<i32>} : memref<512x128xf32, #tpu.memory_space<vmem>>, vector<1x16xf32>,
      %get3A_590 = vector.shape_cast %get3A_589 : vector<1x16xf32> to vector<16xf32>
      %get3A_591 = arith.index_cast %add3A_550 : i32 to index
      %get3A_592 = arith.constant 96 : index
      %get3A_593 = tpu.vector_load %arg10[%get3A_591, %get3A_592] {strides = array<i32>} : memref<256x128xf32, #tpu.memory_space<vmem>>, vector<1x16xf32>,
      %get3A_594 = vector.shape_cast %get3A_593 : vector<1x16xf32> to vector<16xf32>
      %mul3A_595 = arith.mulf %get3A_590, %get3A_594 : vector<16xf32>
      %swap3A_596 = arith.index_cast %add3A_546 : i32 to index
      %swap3A_597 = arith.constant 32 : index
      %swap3A_598 = tpu.vector_load %arg9[%swap3A_596, %swap3A_597] {strides = array<i32>} : memref<512x128xf32, #tpu.memory_space<vmem>>, vector<1x16xf32>,
      %swap3A_599 = vector.shape_cast %swap3A_598 : vector<1x16xf32> to vector<16xf32>
      %swap3A_600 = vector.shape_cast %mul3A_595 : vector<16xf32> to vector<1x16xf32>
      tpu.vector_store %arg9[%swap3A_596, %swap3A_597], %swap3A_600 {strides = array<i32>} : memref<512x128xf32, #tpu.memory_space<vmem>>, vector<1x16xf32>,
      %add3A_601 = arith.constant 48 : i32
      %add3A_602 = arith.addi %squeeze3A_552, %add3A_601 : i32
      %get3A_603 = arith.index_cast %add3A_546 : i32 to index
      %get3A_604 = arith.index_cast %add3A_602 : i32 to index
      %get3A_605 = tpu.vector_load %arg9[%get3A_603, %get3A_604] {strides = array<i32>} : memref<512x128xf32, #tpu.memory_space<vmem>>, vector<1x16xf32>,
      %get3A_606 = vector.shape_cast %get3A_605 : vector<1x16xf32> to vector<16xf32>
      %get3A_607 = arith.index_cast %add3A_550 : i32 to index
      %get3A_608 = arith.constant 112 : index
      %get3A_609 = tpu.vector_load %arg10[%get3A_607, %get3A_608] {strides = array<i32>} : memref<256x128xf32, #tpu.memory_space<vmem>>, vector<1x16xf32>,
      %get3A_610 = vector.shape_cast %get3A_609 : vector<1x16xf32> to vector<16xf32>
      %mul3A_611 = arith.mulf %get3A_606, %get3A_610 : vector<16xf32>
      %swap3A_612 = arith.index_cast %add3A_546 : i32 to index
      %swap3A_613 = arith.constant 48 : index
      %swap3A_614 = tpu.vector_load %arg9[%swap3A_612, %swap3A_613] {strides = array<i32>} : memref<512x128xf32, #tpu.memory_space<vmem>>, vector<1x16xf32>,
      %swap3A_615 = vector.shape_cast %swap3A_614 : vector<1x16xf32> to vector<16xf32>
      %swap3A_616 = vector.shape_cast %mul3A_611 : vector<16xf32> to vector<1x16xf32>
      tpu.vector_store %arg9[%swap3A_612, %swap3A_613], %swap3A_616 {strides = array<i32>} : memref<512x128xf32, #tpu.memory_space<vmem>>, vector<1x16xf32>,
      %add3A_617 = arith.constant 8 : i32
      %add3A_618 = arith.addi %mul3A_37, %add3A_617 : i32
      %mul3A_619 = arith.constant 8 : i32
      %mul3A_620 = arith.muli %scan3A_35, %mul3A_619 : i32
      %add3A_621 = arith.constant 4 : i32
      %add3A_622 = arith.addi %mul3A_620, %add3A_621 : i32
      %slice3A_623 = vector.extract_strided_slice %select_n3A {offsets = [8], sizes = [1], strides = [1]} : vector<16xi32> to vector<1xi32>
      %squeeze3A_624 = vector.extract %slice3A_623[0] : i32 from vector<1xi32>
      %add3A_625 = arith.constant 0 : i32
      %add3A_626 = arith.addi %squeeze3A_624, %add3A_625 : i32
      %get3A_627 = arith.index_cast %add3A_618 : i32 to index
      %get3A_628 = arith.index_cast %add3A_626 : i32 to index
      %get3A_629 = tpu.vector_load %arg9[%get3A_627, %get3A_628] {strides = array<i32>} : memref<512x128xf32, #tpu.memory_space<vmem>>, vector<1x16xf32>,
      %get3A_630 = vector.shape_cast %get3A_629 : vector<1x16xf32> to vector<16xf32>
      %get3A_631 = arith.index_cast %add3A_622 : i32 to index
      %get3A_632 = arith.constant 0 : index
      %get3A_633 = tpu.vector_load %arg10[%get3A_631, %get3A_632] {strides = array<i32>} : memref<256x128xf32, #tpu.memory_space<vmem>>, vector<1x16xf32>,
      %get3A_634 = vector.shape_cast %get3A_633 : vector<1x16xf32> to vector<16xf32>
      %mul3A_635 = arith.mulf %get3A_630, %get3A_634 : vector<16xf32>
      %swap3A_636 = arith.index_cast %add3A_618 : i32 to index
      %swap3A_637 = arith.constant 0 : index
      %swap3A_638 = tpu.vector_load %arg9[%swap3A_636, %swap3A_637] {strides = array<i32>} : memref<512x128xf32, #tpu.memory_space<vmem>>, vector<1x16xf32>,
      %swap3A_639 = vector.shape_cast %swap3A_638 : vector<1x16xf32> to vector<16xf32>
      %swap3A_640 = vector.shape_cast %mul3A_635 : vector<16xf32> to vector<1x16xf32>
      tpu.vector_store %arg9[%swap3A_636, %swap3A_637], %swap3A_640 {strides = array<i32>} : memref<512x128xf32, #tpu.memory_space<vmem>>, vector<1x16xf32>,
      %add3A_641 = arith.constant 16 : i32
      %add3A_642 = arith.addi %squeeze3A_624, %add3A_641 : i32
      %get3A_643 = arith.index_cast %add3A_618 : i32 to index
      %get3A_644 = arith.index_cast %add3A_642 : i32 to index
      %get3A_645 = tpu.vector_load %arg9[%get3A_643, %get3A_644] {strides = array<i32>} : memref<512x128xf32, #tpu.memory_space<vmem>>, vector<1x16xf32>,
      %get3A_646 = vector.shape_cast %get3A_645 : vector<1x16xf32> to vector<16xf32>
      %get3A_647 = arith.index_cast %add3A_622 : i32 to index
      %get3A_648 = arith.constant 16 : index
      %get3A_649 = tpu.vector_load %arg10[%get3A_647, %get3A_648] {strides = array<i32>} : memref<256x128xf32, #tpu.memory_space<vmem>>, vector<1x16xf32>,
      %get3A_650 = vector.shape_cast %get3A_649 : vector<1x16xf32> to vector<16xf32>
      %mul3A_651 = arith.mulf %get3A_646, %get3A_650 : vector<16xf32>
      %swap3A_652 = arith.index_cast %add3A_618 : i32 to index
      %swap3A_653 = arith.constant 16 : index
      %swap3A_654 = tpu.vector_load %arg9[%swap3A_652, %swap3A_653] {strides = array<i32>} : memref<512x128xf32, #tpu.memory_space<vmem>>, vector<1x16xf32>,
      %swap3A_655 = vector.shape_cast %swap3A_654 : vector<1x16xf32> to vector<16xf32>
      %swap3A_656 = vector.shape_cast %mul3A_651 : vector<16xf32> to vector<1x16xf32>
      tpu.vector_store %arg9[%swap3A_652, %swap3A_653], %swap3A_656 {strides = array<i32>} : memref<512x128xf32, #tpu.memory_space<vmem>>, vector<1x16xf32>,
      %add3A_657 = arith.constant 32 : i32
      %add3A_658 = arith.addi %squeeze3A_624, %add3A_657 : i32
      %get3A_659 = arith.index_cast %add3A_618 : i32 to index
      %get3A_660 = arith.index_cast %add3A_658 : i32 to index
      %get3A_661 = tpu.vector_load %arg9[%get3A_659, %get3A_660] {strides = array<i32>} : memref<512x128xf32, #tpu.memory_space<vmem>>, vector<1x16xf32>,
      %get3A_662 = vector.shape_cast %get3A_661 : vector<1x16xf32> to vector<16xf32>
      %get3A_663 = arith.index_cast %add3A_622 : i32 to index
      %get3A_664 = arith.constant 32 : index
      %get3A_665 = tpu.vector_load %arg10[%get3A_663, %get3A_664] {strides = array<i32>} : memref<256x128xf32, #tpu.memory_space<vmem>>, vector<1x16xf32>,
      %get3A_666 = vector.shape_cast %get3A_665 : vector<1x16xf32> to vector<16xf32>
      %mul3A_667 = arith.mulf %get3A_662, %get3A_666 : vector<16xf32>
      %swap3A_668 = arith.index_cast %add3A_618 : i32 to index
      %swap3A_669 = arith.constant 32 : index
      %swap3A_670 = tpu.vector_load %arg9[%swap3A_668, %swap3A_669] {strides = array<i32>} : memref<512x128xf32, #tpu.memory_space<vmem>>, vector<1x16xf32>,
      %swap3A_671 = vector.shape_cast %swap3A_670 : vector<1x16xf32> to vector<16xf32>
      %swap3A_672 = vector.shape_cast %mul3A_667 : vector<16xf32> to vector<1x16xf32>
      tpu.vector_store %arg9[%swap3A_668, %swap3A_669], %swap3A_672 {strides = array<i32>} : memref<512x128xf32, #tpu.memory_space<vmem>>, vector<1x16xf32>,
      %add3A_673 = arith.constant 48 : i32
      %add3A_674 = arith.addi %squeeze3A_624, %add3A_673 : i32
      %get3A_675 = arith.index_cast %add3A_618 : i32 to index
      %get3A_676 = arith.index_cast %add3A_674 : i32 to index
      %get3A_677 = tpu.vector_load %arg9[%get3A_675, %get3A_676] {strides = array<i32>} : memref<512x128xf32, #tpu.memory_space<vmem>>, vector<1x16xf32>,
      %get3A_678 = vector.shape_cast %get3A_677 : vector<1x16xf32> to vector<16xf32>
      %get3A_679 = arith.index_cast %add3A_622 : i32 to index
      %get3A_680 = arith.constant 48 : index
      %get3A_681 = tpu.vector_load %arg10[%get3A_679, %get3A_680] {strides = array<i32>} : memref<256x128xf32, #tpu.memory_space<vmem>>, vector<1x16xf32>,
      %get3A_682 = vector.shape_cast %get3A_681 : vector<1x16xf32> to vector<16xf32>
      %mul3A_683 = arith.mulf %get3A_678, %get3A_682 : vector<16xf32>
      %swap3A_684 = arith.index_cast %add3A_618 : i32 to index
      %swap3A_685 = arith.constant 48 : index
      %swap3A_686 = tpu.vector_load %arg9[%swap3A_684, %swap3A_685] {strides = array<i32>} : memref<512x128xf32, #tpu.memory_space<vmem>>, vector<1x16xf32>,
      %swap3A_687 = vector.shape_cast %swap3A_686 : vector<1x16xf32> to vector<16xf32>
      %swap3A_688 = vector.shape_cast %mul3A_683 : vector<16xf32> to vector<1x16xf32>
      tpu.vector_store %arg9[%swap3A_684, %swap3A_685], %swap3A_688 {strides = array<i32>} : memref<512x128xf32, #tpu.memory_space<vmem>>, vector<1x16xf32>,
      %add3A_689 = arith.constant 9 : i32
      %add3A_690 = arith.addi %mul3A_37, %add3A_689 : i32
      %mul3A_691 = arith.constant 8 : i32
      %mul3A_692 = arith.muli %scan3A_35, %mul3A_691 : i32
      %add3A_693 = arith.constant 4 : i32
      %add3A_694 = arith.addi %mul3A_692, %add3A_693 : i32
      %slice3A_695 = vector.extract_strided_slice %select_n3A {offsets = [9], sizes = [1], strides = [1]} : vector<16xi32> to vector<1xi32>
      %squeeze3A_696 = vector.extract %slice3A_695[0] : i32 from vector<1xi32>
      %add3A_697 = arith.constant 0 : i32
      %add3A_698 = arith.addi %squeeze3A_696, %add3A_697 : i32
      %get3A_699 = arith.index_cast %add3A_690 : i32 to index
      %get3A_700 = arith.index_cast %add3A_698 : i32 to index
      %get3A_701 = tpu.vector_load %arg9[%get3A_699, %get3A_700] {strides = array<i32>} : memref<512x128xf32, #tpu.memory_space<vmem>>, vector<1x16xf32>,
      %get3A_702 = vector.shape_cast %get3A_701 : vector<1x16xf32> to vector<16xf32>
      %get3A_703 = arith.index_cast %add3A_694 : i32 to index
      %get3A_704 = arith.constant 64 : index
      %get3A_705 = tpu.vector_load %arg10[%get3A_703, %get3A_704] {strides = array<i32>} : memref<256x128xf32, #tpu.memory_space<vmem>>, vector<1x16xf32>,
      %get3A_706 = vector.shape_cast %get3A_705 : vector<1x16xf32> to vector<16xf32>
      %mul3A_707 = arith.mulf %get3A_702, %get3A_706 : vector<16xf32>
      %swap3A_708 = arith.index_cast %add3A_690 : i32 to index
      %swap3A_709 = arith.constant 0 : index
      %swap3A_710 = tpu.vector_load %arg9[%swap3A_708, %swap3A_709] {strides = array<i32>} : memref<512x128xf32, #tpu.memory_space<vmem>>, vector<1x16xf32>,
      %swap3A_711 = vector.shape_cast %swap3A_710 : vector<1x16xf32> to vector<16xf32>
      %swap3A_712 = vector.shape_cast %mul3A_707 : vector<16xf32> to vector<1x16xf32>
      tpu.vector_store %arg9[%swap3A_708, %swap3A_709], %swap3A_712 {strides = array<i32>} : memref<512x128xf32, #tpu.memory_space<vmem>>, vector<1x16xf32>,
      %add3A_713 = arith.constant 16 : i32
      %add3A_714 = arith.addi %squeeze3A_696, %add3A_713 : i32
      %get3A_715 = arith.index_cast %add3A_690 : i32 to index
      %get3A_716 = arith.index_cast %add3A_714 : i32 to index
      %get3A_717 = tpu.vector_load %arg9[%get3A_715, %get3A_716] {strides = array<i32>} : memref<512x128xf32, #tpu.memory_space<vmem>>, vector<1x16xf32>,
      %get3A_718 = vector.shape_cast %get3A_717 : vector<1x16xf32> to vector<16xf32>
      %get3A_719 = arith.index_cast %add3A_694 : i32 to index
      %get3A_720 = arith.constant 80 : index
      %get3A_721 = tpu.vector_load %arg10[%get3A_719, %get3A_720] {strides = array<i32>} : memref<256x128xf32, #tpu.memory_space<vmem>>, vector<1x16xf32>,
      %get3A_722 = vector.shape_cast %get3A_721 : vector<1x16xf32> to vector<16xf32>
      %mul3A_723 = arith.mulf %get3A_718, %get3A_722 : vector<16xf32>
      %swap3A_724 = arith.index_cast %add3A_690 : i32 to index
      %swap3A_725 = arith.constant 16 : index
      %swap3A_726 = tpu.vector_load %arg9[%swap3A_724, %swap3A_725] {strides = array<i32>} : memref<512x128xf32, #tpu.memory_space<vmem>>, vector<1x16xf32>,
      %swap3A_727 = vector.shape_cast %swap3A_726 : vector<1x16xf32> to vector<16xf32>
      %swap3A_728 = vector.shape_cast %mul3A_723 : vector<16xf32> to vector<1x16xf32>
      tpu.vector_store %arg9[%swap3A_724, %swap3A_725], %swap3A_728 {strides = array<i32>} : memref<512x128xf32, #tpu.memory_space<vmem>>, vector<1x16xf32>,
      %add3A_729 = arith.constant 32 : i32
      %add3A_730 = arith.addi %squeeze3A_696, %add3A_729 : i32
      %get3A_731 = arith.index_cast %add3A_690 : i32 to index
      %get3A_732 = arith.index_cast %add3A_730 : i32 to index
      %get3A_733 = tpu.vector_load %arg9[%get3A_731, %get3A_732] {strides = array<i32>} : memref<512x128xf32, #tpu.memory_space<vmem>>, vector<1x16xf32>,
      %get3A_734 = vector.shape_cast %get3A_733 : vector<1x16xf32> to vector<16xf32>
      %get3A_735 = arith.index_cast %add3A_694 : i32 to index
      %get3A_736 = arith.constant 96 : index
      %get3A_737 = tpu.vector_load %arg10[%get3A_735, %get3A_736] {strides = array<i32>} : memref<256x128xf32, #tpu.memory_space<vmem>>, vector<1x16xf32>,
      %get3A_738 = vector.shape_cast %get3A_737 : vector<1x16xf32> to vector<16xf32>
      %mul3A_739 = arith.mulf %get3A_734, %get3A_738 : vector<16xf32>
      %swap3A_740 = arith.index_cast %add3A_690 : i32 to index
      %swap3A_741 = arith.constant 32 : index
      %swap3A_742 = tpu.vector_load %arg9[%swap3A_740, %swap3A_741] {strides = array<i32>} : memref<512x128xf32, #tpu.memory_space<vmem>>, vector<1x16xf32>,
      %swap3A_743 = vector.shape_cast %swap3A_742 : vector<1x16xf32> to vector<16xf32>
      %swap3A_744 = vector.shape_cast %mul3A_739 : vector<16xf32> to vector<1x16xf32>
      tpu.vector_store %arg9[%swap3A_740, %swap3A_741], %swap3A_744 {strides = array<i32>} : memref<512x128xf32, #tpu.memory_space<vmem>>, vector<1x16xf32>,
      %add3A_745 = arith.constant 48 : i32
      %add3A_746 = arith.addi %squeeze3A_696, %add3A_745 : i32
      %get3A_747 = arith.index_cast %add3A_690 : i32 to index
      %get3A_748 = arith.index_cast %add3A_746 : i32 to index
      %get3A_749 = tpu.vector_load %arg9[%get3A_747, %get3A_748] {strides = array<i32>} : memref<512x128xf32, #tpu.memory_space<vmem>>, vector<1x16xf32>,
      %get3A_750 = vector.shape_cast %get3A_749 : vector<1x16xf32> to vector<16xf32>
      %get3A_751 = arith.index_cast %add3A_694 : i32 to index
      %get3A_752 = arith.constant 112 : index
      %get3A_753 = tpu.vector_load %arg10[%get3A_751, %get3A_752] {strides = array<i32>} : memref<256x128xf32, #tpu.memory_space<vmem>>, vector<1x16xf32>,
      %get3A_754 = vector.shape_cast %get3A_753 : vector<1x16xf32> to vector<16xf32>
      %mul3A_755 = arith.mulf %get3A_750, %get3A_754 : vector<16xf32>
      %swap3A_756 = arith.index_cast %add3A_690 : i32 to index
      %swap3A_757 = arith.constant 48 : index
      %swap3A_758 = tpu.vector_load %arg9[%swap3A_756, %swap3A_757] {strides = array<i32>} : memref<512x128xf32, #tpu.memory_space<vmem>>, vector<1x16xf32>,
      %swap3A_759 = vector.shape_cast %swap3A_758 : vector<1x16xf32> to vector<16xf32>
      %swap3A_760 = vector.shape_cast %mul3A_755 : vector<16xf32> to vector<1x16xf32>
      tpu.vector_store %arg9[%swap3A_756, %swap3A_757], %swap3A_760 {strides = array<i32>} : memref<512x128xf32, #tpu.memory_space<vmem>>, vector<1x16xf32>,
      %add3A_761 = arith.constant 10 : i32
      %add3A_762 = arith.addi %mul3A_37, %add3A_761 : i32
      %mul3A_763 = arith.constant 8 : i32
      %mul3A_764 = arith.muli %scan3A_35, %mul3A_763 : i32
      %add3A_765 = arith.constant 5 : i32
      %add3A_766 = arith.addi %mul3A_764, %add3A_765 : i32
      %slice3A_767 = vector.extract_strided_slice %select_n3A {offsets = [10], sizes = [1], strides = [1]} : vector<16xi32> to vector<1xi32>
      %squeeze3A_768 = vector.extract %slice3A_767[0] : i32 from vector<1xi32>
      %add3A_769 = arith.constant 0 : i32
      %add3A_770 = arith.addi %squeeze3A_768, %add3A_769 : i32
      %get3A_771 = arith.index_cast %add3A_762 : i32 to index
      %get3A_772 = arith.index_cast %add3A_770 : i32 to index
      %get3A_773 = tpu.vector_load %arg9[%get3A_771, %get3A_772] {strides = array<i32>} : memref<512x128xf32, #tpu.memory_space<vmem>>, vector<1x16xf32>,
      %get3A_774 = vector.shape_cast %get3A_773 : vector<1x16xf32> to vector<16xf32>
      %get3A_775 = arith.index_cast %add3A_766 : i32 to index
      %get3A_776 = arith.constant 0 : index
      %get3A_777 = tpu.vector_load %arg10[%get3A_775, %get3A_776] {strides = array<i32>} : memref<256x128xf32, #tpu.memory_space<vmem>>, vector<1x16xf32>,
      %get3A_778 = vector.shape_cast %get3A_777 : vector<1x16xf32> to vector<16xf32>
      %mul3A_779 = arith.mulf %get3A_774, %get3A_778 : vector<16xf32>
      %swap3A_780 = arith.index_cast %add3A_762 : i32 to index
      %swap3A_781 = arith.constant 0 : index
      %swap3A_782 = tpu.vector_load %arg9[%swap3A_780, %swap3A_781] {strides = array<i32>} : memref<512x128xf32, #tpu.memory_space<vmem>>, vector<1x16xf32>,
      %swap3A_783 = vector.shape_cast %swap3A_782 : vector<1x16xf32> to vector<16xf32>
      %swap3A_784 = vector.shape_cast %mul3A_779 : vector<16xf32> to vector<1x16xf32>
      tpu.vector_store %arg9[%swap3A_780, %swap3A_781], %swap3A_784 {strides = array<i32>} : memref<512x128xf32, #tpu.memory_space<vmem>>, vector<1x16xf32>,
      %add3A_785 = arith.constant 16 : i32
      %add3A_786 = arith.addi %squeeze3A_768, %add3A_785 : i32
      %get3A_787 = arith.index_cast %add3A_762 : i32 to index
      %get3A_788 = arith.index_cast %add3A_786 : i32 to index
      %get3A_789 = tpu.vector_load %arg9[%get3A_787, %get3A_788] {strides = array<i32>} : memref<512x128xf32, #tpu.memory_space<vmem>>, vector<1x16xf32>,
      %get3A_790 = vector.shape_cast %get3A_789 : vector<1x16xf32> to vector<16xf32>
      %get3A_791 = arith.index_cast %add3A_766 : i32 to index
      %get3A_792 = arith.constant 16 : index
      %get3A_793 = tpu.vector_load %arg10[%get3A_791, %get3A_792] {strides = array<i32>} : memref<256x128xf32, #tpu.memory_space<vmem>>, vector<1x16xf32>,
      %get3A_794 = vector.shape_cast %get3A_793 : vector<1x16xf32> to vector<16xf32>
      %mul3A_795 = arith.mulf %get3A_790, %get3A_794 : vector<16xf32>
      %swap3A_796 = arith.index_cast %add3A_762 : i32 to index
      %swap3A_797 = arith.constant 16 : index
      %swap3A_798 = tpu.vector_load %arg9[%swap3A_796, %swap3A_797] {strides = array<i32>} : memref<512x128xf32, #tpu.memory_space<vmem>>, vector<1x16xf32>,
      %swap3A_799 = vector.shape_cast %swap3A_798 : vector<1x16xf32> to vector<16xf32>
      %swap3A_800 = vector.shape_cast %mul3A_795 : vector<16xf32> to vector<1x16xf32>
      tpu.vector_store %arg9[%swap3A_796, %swap3A_797], %swap3A_800 {strides = array<i32>} : memref<512x128xf32, #tpu.memory_space<vmem>>, vector<1x16xf32>,
      %add3A_801 = arith.constant 32 : i32
      %add3A_802 = arith.addi %squeeze3A_768, %add3A_801 : i32
      %get3A_803 = arith.index_cast %add3A_762 : i32 to index
      %get3A_804 = arith.index_cast %add3A_802 : i32 to index
      %get3A_805 = tpu.vector_load %arg9[%get3A_803, %get3A_804] {strides = array<i32>} : memref<512x128xf32, #tpu.memory_space<vmem>>, vector<1x16xf32>,
      %get3A_806 = vector.shape_cast %get3A_805 : vector<1x16xf32> to vector<16xf32>
      %get3A_807 = arith.index_cast %add3A_766 : i32 to index
      %get3A_808 = arith.constant 32 : index
      %get3A_809 = tpu.vector_load %arg10[%get3A_807, %get3A_808] {strides = array<i32>} : memref<256x128xf32, #tpu.memory_space<vmem>>, vector<1x16xf32>,
      %get3A_810 = vector.shape_cast %get3A_809 : vector<1x16xf32> to vector<16xf32>
      %mul3A_811 = arith.mulf %get3A_806, %get3A_810 : vector<16xf32>
      %swap3A_812 = arith.index_cast %add3A_762 : i32 to index
      %swap3A_813 = arith.constant 32 : index
      %swap3A_814 = tpu.vector_load %arg9[%swap3A_812, %swap3A_813] {strides = array<i32>} : memref<512x128xf32, #tpu.memory_space<vmem>>, vector<1x16xf32>,
      %swap3A_815 = vector.shape_cast %swap3A_814 : vector<1x16xf32> to vector<16xf32>
      %swap3A_816 = vector.shape_cast %mul3A_811 : vector<16xf32> to vector<1x16xf32>
      tpu.vector_store %arg9[%swap3A_812, %swap3A_813], %swap3A_816 {strides = array<i32>} : memref<512x128xf32, #tpu.memory_space<vmem>>, vector<1x16xf32>,
      %add3A_817 = arith.constant 48 : i32
      %add3A_818 = arith.addi %squeeze3A_768, %add3A_817 : i32
      %get3A_819 = arith.index_cast %add3A_762 : i32 to index
      %get3A_820 = arith.index_cast %add3A_818 : i32 to index
      %get3A_821 = tpu.vector_load %arg9[%get3A_819, %get3A_820] {strides = array<i32>} : memref<512x128xf32, #tpu.memory_space<vmem>>, vector<1x16xf32>,
      %get3A_822 = vector.shape_cast %get3A_821 : vector<1x16xf32> to vector<16xf32>
      %get3A_823 = arith.index_cast %add3A_766 : i32 to index
      %get3A_824 = arith.constant 48 : index
      %get3A_825 = tpu.vector_load %arg10[%get3A_823, %get3A_824] {strides = array<i32>} : memref<256x128xf32, #tpu.memory_space<vmem>>, vector<1x16xf32>,
      %get3A_826 = vector.shape_cast %get3A_825 : vector<1x16xf32> to vector<16xf32>
      %mul3A_827 = arith.mulf %get3A_822, %get3A_826 : vector<16xf32>
      %swap3A_828 = arith.index_cast %add3A_762 : i32 to index
      %swap3A_829 = arith.constant 48 : index
      %swap3A_830 = tpu.vector_load %arg9[%swap3A_828, %swap3A_829] {strides = array<i32>} : memref<512x128xf32, #tpu.memory_space<vmem>>, vector<1x16xf32>,
      %swap3A_831 = vector.shape_cast %swap3A_830 : vector<1x16xf32> to vector<16xf32>
      %swap3A_832 = vector.shape_cast %mul3A_827 : vector<16xf32> to vector<1x16xf32>
      tpu.vector_store %arg9[%swap3A_828, %swap3A_829], %swap3A_832 {strides = array<i32>} : memref<512x128xf32, #tpu.memory_space<vmem>>, vector<1x16xf32>,
      %add3A_833 = arith.constant 11 : i32
      %add3A_834 = arith.addi %mul3A_37, %add3A_833 : i32
      %mul3A_835 = arith.constant 8 : i32
      %mul3A_836 = arith.muli %scan3A_35, %mul3A_835 : i32
      %add3A_837 = arith.constant 5 : i32
      %add3A_838 = arith.addi %mul3A_836, %add3A_837 : i32
      %slice3A_839 = vector.extract_strided_slice %select_n3A {offsets = [11], sizes = [1], strides = [1]} : vector<16xi32> to vector<1xi32>
      %squeeze3A_840 = vector.extract %slice3A_839[0] : i32 from vector<1xi32>
      %add3A_841 = arith.constant 0 : i32
      %add3A_842 = arith.addi %squeeze3A_840, %add3A_841 : i32
      %get3A_843 = arith.index_cast %add3A_834 : i32 to index
      %get3A_844 = arith.index_cast %add3A_842 : i32 to index
      %get3A_845 = tpu.vector_load %arg9[%get3A_843, %get3A_844] {strides = array<i32>} : memref<512x128xf32, #tpu.memory_space<vmem>>, vector<1x16xf32>,
      %get3A_846 = vector.shape_cast %get3A_845 : vector<1x16xf32> to vector<16xf32>
      %get3A_847 = arith.index_cast %add3A_838 : i32 to index
      %get3A_848 = arith.constant 64 : index
      %get3A_849 = tpu.vector_load %arg10[%get3A_847, %get3A_848] {strides = array<i32>} : memref<256x128xf32, #tpu.memory_space<vmem>>, vector<1x16xf32>,
      %get3A_850 = vector.shape_cast %get3A_849 : vector<1x16xf32> to vector<16xf32>
      %mul3A_851 = arith.mulf %get3A_846, %get3A_850 : vector<16xf32>
      %swap3A_852 = arith.index_cast %add3A_834 : i32 to index
      %swap3A_853 = arith.constant 0 : index
      %swap3A_854 = tpu.vector_load %arg9[%swap3A_852, %swap3A_853] {strides = array<i32>} : memref<512x128xf32, #tpu.memory_space<vmem>>, vector<1x16xf32>,
      %swap3A_855 = vector.shape_cast %swap3A_854 : vector<1x16xf32> to vector<16xf32>
      %swap3A_856 = vector.shape_cast %mul3A_851 : vector<16xf32> to vector<1x16xf32>
      tpu.vector_store %arg9[%swap3A_852, %swap3A_853], %swap3A_856 {strides = array<i32>} : memref<512x128xf32, #tpu.memory_space<vmem>>, vector<1x16xf32>,
      %add3A_857 = arith.constant 16 : i32
      %add3A_858 = arith.addi %squeeze3A_840, %add3A_857 : i32
      %get3A_859 = arith.index_cast %add3A_834 : i32 to index
      %get3A_860 = arith.index_cast %add3A_858 : i32 to index
      %get3A_861 = tpu.vector_load %arg9[%get3A_859, %get3A_860] {strides = array<i32>} : memref<512x128xf32, #tpu.memory_space<vmem>>, vector<1x16xf32>,
      %get3A_862 = vector.shape_cast %get3A_861 : vector<1x16xf32> to vector<16xf32>
      %get3A_863 = arith.index_cast %add3A_838 : i32 to index
      %get3A_864 = arith.constant 80 : index
      %get3A_865 = tpu.vector_load %arg10[%get3A_863, %get3A_864] {strides = array<i32>} : memref<256x128xf32, #tpu.memory_space<vmem>>, vector<1x16xf32>,
      %get3A_866 = vector.shape_cast %get3A_865 : vector<1x16xf32> to vector<16xf32>
      %mul3A_867 = arith.mulf %get3A_862, %get3A_866 : vector<16xf32>
      %swap3A_868 = arith.index_cast %add3A_834 : i32 to index
      %swap3A_869 = arith.constant 16 : index
      %swap3A_870 = tpu.vector_load %arg9[%swap3A_868, %swap3A_869] {strides = array<i32>} : memref<512x128xf32, #tpu.memory_space<vmem>>, vector<1x16xf32>,
      %swap3A_871 = vector.shape_cast %swap3A_870 : vector<1x16xf32> to vector<16xf32>
      %swap3A_872 = vector.shape_cast %mul3A_867 : vector<16xf32> to vector<1x16xf32>
      tpu.vector_store %arg9[%swap3A_868, %swap3A_869], %swap3A_872 {strides = array<i32>} : memref<512x128xf32, #tpu.memory_space<vmem>>, vector<1x16xf32>,
      %add3A_873 = arith.constant 32 : i32
      %add3A_874 = arith.addi %squeeze3A_840, %add3A_873 : i32
      %get3A_875 = arith.index_cast %add3A_834 : i32 to index
      %get3A_876 = arith.index_cast %add3A_874 : i32 to index
      %get3A_877 = tpu.vector_load %arg9[%get3A_875, %get3A_876] {strides = array<i32>} : memref<512x128xf32, #tpu.memory_space<vmem>>, vector<1x16xf32>,
      %get3A_878 = vector.shape_cast %get3A_877 : vector<1x16xf32> to vector<16xf32>
      %get3A_879 = arith.index_cast %add3A_838 : i32 to index
      %get3A_880 = arith.constant 96 : index
      %get3A_881 = tpu.vector_load %arg10[%get3A_879, %get3A_880] {strides = array<i32>} : memref<256x128xf32, #tpu.memory_space<vmem>>, vector<1x16xf32>,
      %get3A_882 = vector.shape_cast %get3A_881 : vector<1x16xf32> to vector<16xf32>
      %mul3A_883 = arith.mulf %get3A_878, %get3A_882 : vector<16xf32>
      %swap3A_884 = arith.index_cast %add3A_834 : i32 to index
      %swap3A_885 = arith.constant 32 : index
      %swap3A_886 = tpu.vector_load %arg9[%swap3A_884, %swap3A_885] {strides = array<i32>} : memref<512x128xf32, #tpu.memory_space<vmem>>, vector<1x16xf32>,
      %swap3A_887 = vector.shape_cast %swap3A_886 : vector<1x16xf32> to vector<16xf32>
      %swap3A_888 = vector.shape_cast %mul3A_883 : vector<16xf32> to vector<1x16xf32>
      tpu.vector_store %arg9[%swap3A_884, %swap3A_885], %swap3A_888 {strides = array<i32>} : memref<512x128xf32, #tpu.memory_space<vmem>>, vector<1x16xf32>,
      %add3A_889 = arith.constant 48 : i32
      %add3A_890 = arith.addi %squeeze3A_840, %add3A_889 : i32
      %get3A_891 = arith.index_cast %add3A_834 : i32 to index
      %get3A_892 = arith.index_cast %add3A_890 : i32 to index
      %get3A_893 = tpu.vector_load %arg9[%get3A_891, %get3A_892] {strides = array<i32>} : memref<512x128xf32, #tpu.memory_space<vmem>>, vector<1x16xf32>,
      %get3A_894 = vector.shape_cast %get3A_893 : vector<1x16xf32> to vector<16xf32>
      %get3A_895 = arith.index_cast %add3A_838 : i32 to index
      %get3A_896 = arith.constant 112 : index
      %get3A_897 = tpu.vector_load %arg10[%get3A_895, %get3A_896] {strides = array<i32>} : memref<256x128xf32, #tpu.memory_space<vmem>>, vector<1x16xf32>,
      %get3A_898 = vector.shape_cast %get3A_897 : vector<1x16xf32> to vector<16xf32>
      %mul3A_899 = arith.mulf %get3A_894, %get3A_898 : vector<16xf32>
      %swap3A_900 = arith.index_cast %add3A_834 : i32 to index
      %swap3A_901 = arith.constant 48 : index
      %swap3A_902 = tpu.vector_load %arg9[%swap3A_900, %swap3A_901] {strides = array<i32>} : memref<512x128xf32, #tpu.memory_space<vmem>>, vector<1x16xf32>,
      %swap3A_903 = vector.shape_cast %swap3A_902 : vector<1x16xf32> to vector<16xf32>
      %swap3A_904 = vector.shape_cast %mul3A_899 : vector<16xf32> to vector<1x16xf32>
      tpu.vector_store %arg9[%swap3A_900, %swap3A_901], %swap3A_904 {strides = array<i32>} : memref<512x128xf32, #tpu.memory_space<vmem>>, vector<1x16xf32>,
      %add3A_905 = arith.constant 12 : i32
      %add3A_906 = arith.addi %mul3A_37, %add3A_905 : i32
      %mul3A_907 = arith.constant 8 : i32
      %mul3A_908 = arith.muli %scan3A_35, %mul3A_907 : i32
      %add3A_909 = arith.constant 6 : i32
      %add3A_910 = arith.addi %mul3A_908, %add3A_909 : i32
      %slice3A_911 = vector.extract_strided_slice %select_n3A {offsets = [12], sizes = [1], strides = [1]} : vector<16xi32> to vector<1xi32>
      %squeeze3A_912 = vector.extract %slice3A_911[0] : i32 from vector<1xi32>
      %add3A_913 = arith.constant 0 : i32
      %add3A_914 = arith.addi %squeeze3A_912, %add3A_913 : i32
      %get3A_915 = arith.index_cast %add3A_906 : i32 to index
      %get3A_916 = arith.index_cast %add3A_914 : i32 to index
      %get3A_917 = tpu.vector_load %arg9[%get3A_915, %get3A_916] {strides = array<i32>} : memref<512x128xf32, #tpu.memory_space<vmem>>, vector<1x16xf32>,
      %get3A_918 = vector.shape_cast %get3A_917 : vector<1x16xf32> to vector<16xf32>
      %get3A_919 = arith.index_cast %add3A_910 : i32 to index
      %get3A_920 = arith.constant 0 : index
      %get3A_921 = tpu.vector_load %arg10[%get3A_919, %get3A_920] {strides = array<i32>} : memref<256x128xf32, #tpu.memory_space<vmem>>, vector<1x16xf32>,
      %get3A_922 = vector.shape_cast %get3A_921 : vector<1x16xf32> to vector<16xf32>
      %mul3A_923 = arith.mulf %get3A_918, %get3A_922 : vector<16xf32>
      %swap3A_924 = arith.index_cast %add3A_906 : i32 to index
      %swap3A_925 = arith.constant 0 : index
      %swap3A_926 = tpu.vector_load %arg9[%swap3A_924, %swap3A_925] {strides = array<i32>} : memref<512x128xf32, #tpu.memory_space<vmem>>, vector<1x16xf32>,
      %swap3A_927 = vector.shape_cast %swap3A_926 : vector<1x16xf32> to vector<16xf32>
      %swap3A_928 = vector.shape_cast %mul3A_923 : vector<16xf32> to vector<1x16xf32>
      tpu.vector_store %arg9[%swap3A_924, %swap3A_925], %swap3A_928 {strides = array<i32>} : memref<512x128xf32, #tpu.memory_space<vmem>>, vector<1x16xf32>,
      %add3A_929 = arith.constant 16 : i32
      %add3A_930 = arith.addi %squeeze3A_912, %add3A_929 : i32
      %get3A_931 = arith.index_cast %add3A_906 : i32 to index
      %get3A_932 = arith.index_cast %add3A_930 : i32 to index
      %get3A_933 = tpu.vector_load %arg9[%get3A_931, %get3A_932] {strides = array<i32>} : memref<512x128xf32, #tpu.memory_space<vmem>>, vector<1x16xf32>,
      %get3A_934 = vector.shape_cast %get3A_933 : vector<1x16xf32> to vector<16xf32>
      %get3A_935 = arith.index_cast %add3A_910 : i32 to index
      %get3A_936 = arith.constant 16 : index
      %get3A_937 = tpu.vector_load %arg10[%get3A_935, %get3A_936] {strides = array<i32>} : memref<256x128xf32, #tpu.memory_space<vmem>>, vector<1x16xf32>,
      %get3A_938 = vector.shape_cast %get3A_937 : vector<1x16xf32> to vector<16xf32>
      %mul3A_939 = arith.mulf %get3A_934, %get3A_938 : vector<16xf32>
      %swap3A_940 = arith.index_cast %add3A_906 : i32 to index
      %swap3A_941 = arith.constant 16 : index
      %swap3A_942 = tpu.vector_load %arg9[%swap3A_940, %swap3A_941] {strides = array<i32>} : memref<512x128xf32, #tpu.memory_space<vmem>>, vector<1x16xf32>,
      %swap3A_943 = vector.shape_cast %swap3A_942 : vector<1x16xf32> to vector<16xf32>
      %swap3A_944 = vector.shape_cast %mul3A_939 : vector<16xf32> to vector<1x16xf32>
      tpu.vector_store %arg9[%swap3A_940, %swap3A_941], %swap3A_944 {strides = array<i32>} : memref<512x128xf32, #tpu.memory_space<vmem>>, vector<1x16xf32>,
      %add3A_945 = arith.constant 32 : i32
      %add3A_946 = arith.addi %squeeze3A_912, %add3A_945 : i32
      %get3A_947 = arith.index_cast %add3A_906 : i32 to index
      %get3A_948 = arith.index_cast %add3A_946 : i32 to index
      %get3A_949 = tpu.vector_load %arg9[%get3A_947, %get3A_948] {strides = array<i32>} : memref<512x128xf32, #tpu.memory_space<vmem>>, vector<1x16xf32>,
      %get3A_950 = vector.shape_cast %get3A_949 : vector<1x16xf32> to vector<16xf32>
      %get3A_951 = arith.index_cast %add3A_910 : i32 to index
      %get3A_952 = arith.constant 32 : index
      %get3A_953 = tpu.vector_load %arg10[%get3A_951, %get3A_952] {strides = array<i32>} : memref<256x128xf32, #tpu.memory_space<vmem>>, vector<1x16xf32>,
      %get3A_954 = vector.shape_cast %get3A_953 : vector<1x16xf32> to vector<16xf32>
      %mul3A_955 = arith.mulf %get3A_950, %get3A_954 : vector<16xf32>
      %swap3A_956 = arith.index_cast %add3A_906 : i32 to index
      %swap3A_957 = arith.constant 32 : index
      %swap3A_958 = tpu.vector_load %arg9[%swap3A_956, %swap3A_957] {strides = array<i32>} : memref<512x128xf32, #tpu.memory_space<vmem>>, vector<1x16xf32>,
      %swap3A_959 = vector.shape_cast %swap3A_958 : vector<1x16xf32> to vector<16xf32>
      %swap3A_960 = vector.shape_cast %mul3A_955 : vector<16xf32> to vector<1x16xf32>
      tpu.vector_store %arg9[%swap3A_956, %swap3A_957], %swap3A_960 {strides = array<i32>} : memref<512x128xf32, #tpu.memory_space<vmem>>, vector<1x16xf32>,
      %add3A_961 = arith.constant 48 : i32
      %add3A_962 = arith.addi %squeeze3A_912, %add3A_961 : i32
      %get3A_963 = arith.index_cast %add3A_906 : i32 to index
      %get3A_964 = arith.index_cast %add3A_962 : i32 to index
      %get3A_965 = tpu.vector_load %arg9[%get3A_963, %get3A_964] {strides = array<i32>} : memref<512x128xf32, #tpu.memory_space<vmem>>, vector<1x16xf32>,
      %get3A_966 = vector.shape_cast %get3A_965 : vector<1x16xf32> to vector<16xf32>
      %get3A_967 = arith.index_cast %add3A_910 : i32 to index
      %get3A_968 = arith.constant 48 : index
      %get3A_969 = tpu.vector_load %arg10[%get3A_967, %get3A_968] {strides = array<i32>} : memref<256x128xf32, #tpu.memory_space<vmem>>, vector<1x16xf32>,
      %get3A_970 = vector.shape_cast %get3A_969 : vector<1x16xf32> to vector<16xf32>
      %mul3A_971 = arith.mulf %get3A_966, %get3A_970 : vector<16xf32>
      %swap3A_972 = arith.index_cast %add3A_906 : i32 to index
      %swap3A_973 = arith.constant 48 : index
      %swap3A_974 = tpu.vector_load %arg9[%swap3A_972, %swap3A_973] {strides = array<i32>} : memref<512x128xf32, #tpu.memory_space<vmem>>, vector<1x16xf32>,
      %swap3A_975 = vector.shape_cast %swap3A_974 : vector<1x16xf32> to vector<16xf32>
      %swap3A_976 = vector.shape_cast %mul3A_971 : vector<16xf32> to vector<1x16xf32>
      tpu.vector_store %arg9[%swap3A_972, %swap3A_973], %swap3A_976 {strides = array<i32>} : memref<512x128xf32, #tpu.memory_space<vmem>>, vector<1x16xf32>,
      %add3A_977 = arith.constant 13 : i32
      %add3A_978 = arith.addi %mul3A_37, %add3A_977 : i32
      %mul3A_979 = arith.constant 8 : i32
      %mul3A_980 = arith.muli %scan3A_35, %mul3A_979 : i32
      %add3A_981 = arith.constant 6 : i32
      %add3A_982 = arith.addi %mul3A_980, %add3A_981 : i32
      %slice3A_983 = vector.extract_strided_slice %select_n3A {offsets = [13], sizes = [1], strides = [1]} : vector<16xi32> to vector<1xi32>
      %squeeze3A_984 = vector.extract %slice3A_983[0] : i32 from vector<1xi32>
      %add3A_985 = arith.constant 0 : i32
      %add3A_986 = arith.addi %squeeze3A_984, %add3A_985 : i32
      %get3A_987 = arith.index_cast %add3A_978 : i32 to index
      %get3A_988 = arith.index_cast %add3A_986 : i32 to index
      %get3A_989 = tpu.vector_load %arg9[%get3A_987, %get3A_988] {strides = array<i32>} : memref<512x128xf32, #tpu.memory_space<vmem>>, vector<1x16xf32>,
      %get3A_990 = vector.shape_cast %get3A_989 : vector<1x16xf32> to vector<16xf32>
      %get3A_991 = arith.index_cast %add3A_982 : i32 to index
      %get3A_992 = arith.constant 64 : index
      %get3A_993 = tpu.vector_load %arg10[%get3A_991, %get3A_992] {strides = array<i32>} : memref<256x128xf32, #tpu.memory_space<vmem>>, vector<1x16xf32>,
      %get3A_994 = vector.shape_cast %get3A_993 : vector<1x16xf32> to vector<16xf32>
      %mul3A_995 = arith.mulf %get3A_990, %get3A_994 : vector<16xf32>
      %swap3A_996 = arith.index_cast %add3A_978 : i32 to index
      %swap3A_997 = arith.constant 0 : index
      %swap3A_998 = tpu.vector_load %arg9[%swap3A_996, %swap3A_997] {strides = array<i32>} : memref<512x128xf32, #tpu.memory_space<vmem>>, vector<1x16xf32>,
      %swap3A_999 = vector.shape_cast %swap3A_998 : vector<1x16xf32> to vector<16xf32>
      %swap3A_1000 = vector.shape_cast %mul3A_995 : vector<16xf32> to vector<1x16xf32>
      tpu.vector_store %arg9[%swap3A_996, %swap3A_997], %swap3A_1000 {strides = array<i32>} : memref<512x128xf32, #tpu.memory_space<vmem>>, vector<1x16xf32>,
      %add3A_1001 = arith.constant 16 : i32
      %add3A_1002 = arith.addi %squeeze3A_984, %add3A_1001 : i32
      %get3A_1003 = arith.index_cast %add3A_978 : i32 to index
      %get3A_1004 = arith.index_cast %add3A_1002 : i32 to index
      %get3A_1005 = tpu.vector_load %arg9[%get3A_1003, %get3A_1004] {strides = array<i32>} : memref<512x128xf32, #tpu.memory_space<vmem>>, vector<1x16xf32>,
      %get3A_1006 = vector.shape_cast %get3A_1005 : vector<1x16xf32> to vector<16xf32>
      %get3A_1007 = arith.index_cast %add3A_982 : i32 to index
      %get3A_1008 = arith.constant 80 : index
      %get3A_1009 = tpu.vector_load %arg10[%get3A_1007, %get3A_1008] {strides = array<i32>} : memref<256x128xf32, #tpu.memory_space<vmem>>, vector<1x16xf32>,
      %get3A_1010 = vector.shape_cast %get3A_1009 : vector<1x16xf32> to vector<16xf32>
      %mul3A_1011 = arith.mulf %get3A_1006, %get3A_1010 : vector<16xf32>
      %swap3A_1012 = arith.index_cast %add3A_978 : i32 to index
      %swap3A_1013 = arith.constant 16 : index
      %swap3A_1014 = tpu.vector_load %arg9[%swap3A_1012, %swap3A_1013] {strides = array<i32>} : memref<512x128xf32, #tpu.memory_space<vmem>>, vector<1x16xf32>,
      %swap3A_1015 = vector.shape_cast %swap3A_1014 : vector<1x16xf32> to vector<16xf32>
      %swap3A_1016 = vector.shape_cast %mul3A_1011 : vector<16xf32> to vector<1x16xf32>
      tpu.vector_store %arg9[%swap3A_1012, %swap3A_1013], %swap3A_1016 {strides = array<i32>} : memref<512x128xf32, #tpu.memory_space<vmem>>, vector<1x16xf32>,
      %add3A_1017 = arith.constant 32 : i32
      %add3A_1018 = arith.addi %squeeze3A_984, %add3A_1017 : i32
      %get3A_1019 = arith.index_cast %add3A_978 : i32 to index
      %get3A_1020 = arith.index_cast %add3A_1018 : i32 to index
      %get3A_1021 = tpu.vector_load %arg9[%get3A_1019, %get3A_1020] {strides = array<i32>} : memref<512x128xf32, #tpu.memory_space<vmem>>, vector<1x16xf32>,
      %get3A_1022 = vector.shape_cast %get3A_1021 : vector<1x16xf32> to vector<16xf32>
      %get3A_1023 = arith.index_cast %add3A_982 : i32 to index
      %get3A_1024 = arith.constant 96 : index
      %get3A_1025 = tpu.vector_load %arg10[%get3A_1023, %get3A_1024] {strides = array<i32>} : memref<256x128xf32, #tpu.memory_space<vmem>>, vector<1x16xf32>,
      %get3A_1026 = vector.shape_cast %get3A_1025 : vector<1x16xf32> to vector<16xf32>
      %mul3A_1027 = arith.mulf %get3A_1022, %get3A_1026 : vector<16xf32>
      %swap3A_1028 = arith.index_cast %add3A_978 : i32 to index
      %swap3A_1029 = arith.constant 32 : index
      %swap3A_1030 = tpu.vector_load %arg9[%swap3A_1028, %swap3A_1029] {strides = array<i32>} : memref<512x128xf32, #tpu.memory_space<vmem>>, vector<1x16xf32>,
      %swap3A_1031 = vector.shape_cast %swap3A_1030 : vector<1x16xf32> to vector<16xf32>
      %swap3A_1032 = vector.shape_cast %mul3A_1027 : vector<16xf32> to vector<1x16xf32>
      tpu.vector_store %arg9[%swap3A_1028, %swap3A_1029], %swap3A_1032 {strides = array<i32>} : memref<512x128xf32, #tpu.memory_space<vmem>>, vector<1x16xf32>,
      %add3A_1033 = arith.constant 48 : i32
      %add3A_1034 = arith.addi %squeeze3A_984, %add3A_1033 : i32
      %get3A_1035 = arith.index_cast %add3A_978 : i32 to index
      %get3A_1036 = arith.index_cast %add3A_1034 : i32 to index
      %get3A_1037 = tpu.vector_load %arg9[%get3A_1035, %get3A_1036] {strides = array<i32>} : memref<512x128xf32, #tpu.memory_space<vmem>>, vector<1x16xf32>,
      %get3A_1038 = vector.shape_cast %get3A_1037 : vector<1x16xf32> to vector<16xf32>
      %get3A_1039 = arith.index_cast %add3A_982 : i32 to index
      %get3A_1040 = arith.constant 112 : index
      %get3A_1041 = tpu.vector_load %arg10[%get3A_1039, %get3A_1040] {strides = array<i32>} : memref<256x128xf32, #tpu.memory_space<vmem>>, vector<1x16xf32>,
      %get3A_1042 = vector.shape_cast %get3A_1041 : vector<1x16xf32> to vector<16xf32>
      %mul3A_1043 = arith.mulf %get3A_1038, %get3A_1042 : vector<16xf32>
      %swap3A_1044 = arith.index_cast %add3A_978 : i32 to index
      %swap3A_1045 = arith.constant 48 : index
      %swap3A_1046 = tpu.vector_load %arg9[%swap3A_1044, %swap3A_1045] {strides = array<i32>} : memref<512x128xf32, #tpu.memory_space<vmem>>, vector<1x16xf32>,
      %swap3A_1047 = vector.shape_cast %swap3A_1046 : vector<1x16xf32> to vector<16xf32>
      %swap3A_1048 = vector.shape_cast %mul3A_1043 : vector<16xf32> to vector<1x16xf32>
      tpu.vector_store %arg9[%swap3A_1044, %swap3A_1045], %swap3A_1048 {strides = array<i32>} : memref<512x128xf32, #tpu.memory_space<vmem>>, vector<1x16xf32>,
      %add3A_1049 = arith.constant 14 : i32
      %add3A_1050 = arith.addi %mul3A_37, %add3A_1049 : i32
      %mul3A_1051 = arith.constant 8 : i32
      %mul3A_1052 = arith.muli %scan3A_35, %mul3A_1051 : i32
      %add3A_1053 = arith.constant 7 : i32
      %add3A_1054 = arith.addi %mul3A_1052, %add3A_1053 : i32
      %slice3A_1055 = vector.extract_strided_slice %select_n3A {offsets = [14], sizes = [1], strides = [1]} : vector<16xi32> to vector<1xi32>
      %squeeze3A_1056 = vector.extract %slice3A_1055[0] : i32 from vector<1xi32>
      %add3A_1057 = arith.constant 0 : i32
      %add3A_1058 = arith.addi %squeeze3A_1056, %add3A_1057 : i32
      %get3A_1059 = arith.index_cast %add3A_1050 : i32 to index
      %get3A_1060 = arith.index_cast %add3A_1058 : i32 to index
      %get3A_1061 = tpu.vector_load %arg9[%get3A_1059, %get3A_1060] {strides = array<i32>} : memref<512x128xf32, #tpu.memory_space<vmem>>, vector<1x16xf32>,
      %get3A_1062 = vector.shape_cast %get3A_1061 : vector<1x16xf32> to vector<16xf32>
      %get3A_1063 = arith.index_cast %add3A_1054 : i32 to index
      %get3A_1064 = arith.constant 0 : index
      %get3A_1065 = tpu.vector_load %arg10[%get3A_1063, %get3A_1064] {strides = array<i32>} : memref<256x128xf32, #tpu.memory_space<vmem>>, vector<1x16xf32>,
      %get3A_1066 = vector.shape_cast %get3A_1065 : vector<1x16xf32> to vector<16xf32>
      %mul3A_1067 = arith.mulf %get3A_1062, %get3A_1066 : vector<16xf32>
      %swap3A_1068 = arith.index_cast %add3A_1050 : i32 to index
      %swap3A_1069 = arith.constant 0 : index
      %swap3A_1070 = tpu.vector_load %arg9[%swap3A_1068, %swap3A_1069] {strides = array<i32>} : memref<512x128xf32, #tpu.memory_space<vmem>>, vector<1x16xf32>,
      %swap3A_1071 = vector.shape_cast %swap3A_1070 : vector<1x16xf32> to vector<16xf32>
      %swap3A_1072 = vector.shape_cast %mul3A_1067 : vector<16xf32> to vector<1x16xf32>
      tpu.vector_store %arg9[%swap3A_1068, %swap3A_1069], %swap3A_1072 {strides = array<i32>} : memref<512x128xf32, #tpu.memory_space<vmem>>, vector<1x16xf32>,
      %add3A_1073 = arith.constant 16 : i32
      %add3A_1074 = arith.addi %squeeze3A_1056, %add3A_1073 : i32
      %get3A_1075 = arith.index_cast %add3A_1050 : i32 to index
      %get3A_1076 = arith.index_cast %add3A_1074 : i32 to index
      %get3A_1077 = tpu.vector_load %arg9[%get3A_1075, %get3A_1076] {strides = array<i32>} : memref<512x128xf32, #tpu.memory_space<vmem>>, vector<1x16xf32>,
      %get3A_1078 = vector.shape_cast %get3A_1077 : vector<1x16xf32> to vector<16xf32>
      %get3A_1079 = arith.index_cast %add3A_1054 : i32 to index
      %get3A_1080 = arith.constant 16 : index
      %get3A_1081 = tpu.vector_load %arg10[%get3A_1079, %get3A_1080] {strides = array<i32>} : memref<256x128xf32, #tpu.memory_space<vmem>>, vector<1x16xf32>,
      %get3A_1082 = vector.shape_cast %get3A_1081 : vector<1x16xf32> to vector<16xf32>
      %mul3A_1083 = arith.mulf %get3A_1078, %get3A_1082 : vector<16xf32>
      %swap3A_1084 = arith.index_cast %add3A_1050 : i32 to index
      %swap3A_1085 = arith.constant 16 : index
      %swap3A_1086 = tpu.vector_load %arg9[%swap3A_1084, %swap3A_1085] {strides = array<i32>} : memref<512x128xf32, #tpu.memory_space<vmem>>, vector<1x16xf32>,
      %swap3A_1087 = vector.shape_cast %swap3A_1086 : vector<1x16xf32> to vector<16xf32>
      %swap3A_1088 = vector.shape_cast %mul3A_1083 : vector<16xf32> to vector<1x16xf32>
      tpu.vector_store %arg9[%swap3A_1084, %swap3A_1085], %swap3A_1088 {strides = array<i32>} : memref<512x128xf32, #tpu.memory_space<vmem>>, vector<1x16xf32>,
      %add3A_1089 = arith.constant 32 : i32
      %add3A_1090 = arith.addi %squeeze3A_1056, %add3A_1089 : i32
      %get3A_1091 = arith.index_cast %add3A_1050 : i32 to index
      %get3A_1092 = arith.index_cast %add3A_1090 : i32 to index
      %get3A_1093 = tpu.vector_load %arg9[%get3A_1091, %get3A_1092] {strides = array<i32>} : memref<512x128xf32, #tpu.memory_space<vmem>>, vector<1x16xf32>,
      %get3A_1094 = vector.shape_cast %get3A_1093 : vector<1x16xf32> to vector<16xf32>
      %get3A_1095 = arith.index_cast %add3A_1054 : i32 to index
      %get3A_1096 = arith.constant 32 : index
      %get3A_1097 = tpu.vector_load %arg10[%get3A_1095, %get3A_1096] {strides = array<i32>} : memref<256x128xf32, #tpu.memory_space<vmem>>, vector<1x16xf32>,
      %get3A_1098 = vector.shape_cast %get3A_1097 : vector<1x16xf32> to vector<16xf32>
      %mul3A_1099 = arith.mulf %get3A_1094, %get3A_1098 : vector<16xf32>
      %swap3A_1100 = arith.index_cast %add3A_1050 : i32 to index
      %swap3A_1101 = arith.constant 32 : index
      %swap3A_1102 = tpu.vector_load %arg9[%swap3A_1100, %swap3A_1101] {strides = array<i32>} : memref<512x128xf32, #tpu.memory_space<vmem>>, vector<1x16xf32>,
      %swap3A_1103 = vector.shape_cast %swap3A_1102 : vector<1x16xf32> to vector<16xf32>
      %swap3A_1104 = vector.shape_cast %mul3A_1099 : vector<16xf32> to vector<1x16xf32>
      tpu.vector_store %arg9[%swap3A_1100, %swap3A_1101], %swap3A_1104 {strides = array<i32>} : memref<512x128xf32, #tpu.memory_space<vmem>>, vector<1x16xf32>,
      %add3A_1105 = arith.constant 48 : i32
      %add3A_1106 = arith.addi %squeeze3A_1056, %add3A_1105 : i32
      %get3A_1107 = arith.index_cast %add3A_1050 : i32 to index
      %get3A_1108 = arith.index_cast %add3A_1106 : i32 to index
      %get3A_1109 = tpu.vector_load %arg9[%get3A_1107, %get3A_1108] {strides = array<i32>} : memref<512x128xf32, #tpu.memory_space<vmem>>, vector<1x16xf32>,
      %get3A_1110 = vector.shape_cast %get3A_1109 : vector<1x16xf32> to vector<16xf32>
      %get3A_1111 = arith.index_cast %add3A_1054 : i32 to index
      %get3A_1112 = arith.constant 48 : index
      %get3A_1113 = tpu.vector_load %arg10[%get3A_1111, %get3A_1112] {strides = array<i32>} : memref<256x128xf32, #tpu.memory_space<vmem>>, vector<1x16xf32>,
      %get3A_1114 = vector.shape_cast %get3A_1113 : vector<1x16xf32> to vector<16xf32>
      %mul3A_1115 = arith.mulf %get3A_1110, %get3A_1114 : vector<16xf32>
      %swap3A_1116 = arith.index_cast %add3A_1050 : i32 to index
      %swap3A_1117 = arith.constant 48 : index
      %swap3A_1118 = tpu.vector_load %arg9[%swap3A_1116, %swap3A_1117] {strides = array<i32>} : memref<512x128xf32, #tpu.memory_space<vmem>>, vector<1x16xf32>,
      %swap3A_1119 = vector.shape_cast %swap3A_1118 : vector<1x16xf32> to vector<16xf32>
      %swap3A_1120 = vector.shape_cast %mul3A_1115 : vector<16xf32> to vector<1x16xf32>
      tpu.vector_store %arg9[%swap3A_1116, %swap3A_1117], %swap3A_1120 {strides = array<i32>} : memref<512x128xf32, #tpu.memory_space<vmem>>, vector<1x16xf32>,
      %add3A_1121 = arith.constant 15 : i32
      %add3A_1122 = arith.addi %mul3A_37, %add3A_1121 : i32
      %mul3A_1123 = arith.constant 8 : i32
      %mul3A_1124 = arith.muli %scan3A_35, %mul3A_1123 : i32
      %add3A_1125 = arith.constant 7 : i32
      %add3A_1126 = arith.addi %mul3A_1124, %add3A_1125 : i32
      %slice3A_1127 = vector.extract_strided_slice %select_n3A {offsets = [15], sizes = [1], strides = [1]} : vector<16xi32> to vector<1xi32>
      %squeeze3A_1128 = vector.extract %slice3A_1127[0] : i32 from vector<1xi32>
      %add3A_1129 = arith.constant 0 : i32
      %add3A_1130 = arith.addi %squeeze3A_1128, %add3A_1129 : i32
      %get3A_1131 = arith.index_cast %add3A_1122 : i32 to index
      %get3A_1132 = arith.index_cast %add3A_1130 : i32 to index
      %get3A_1133 = tpu.vector_load %arg9[%get3A_1131, %get3A_1132] {strides = array<i32>} : memref<512x128xf32, #tpu.memory_space<vmem>>, vector<1x16xf32>,
      %get3A_1134 = vector.shape_cast %get3A_1133 : vector<1x16xf32> to vector<16xf32>
      %get3A_1135 = arith.index_cast %add3A_1126 : i32 to index
      %get3A_1136 = arith.constant 64 : index
      %get3A_1137 = tpu.vector_load %arg10[%get3A_1135, %get3A_1136] {strides = array<i32>} : memref<256x128xf32, #tpu.memory_space<vmem>>, vector<1x16xf32>,
      %get3A_1138 = vector.shape_cast %get3A_1137 : vector<1x16xf32> to vector<16xf32>
      %mul3A_1139 = arith.mulf %get3A_1134, %get3A_1138 : vector<16xf32>
      %swap3A_1140 = arith.index_cast %add3A_1122 : i32 to index
      %swap3A_1141 = arith.constant 0 : index
      %swap3A_1142 = tpu.vector_load %arg9[%swap3A_1140, %swap3A_1141] {strides = array<i32>} : memref<512x128xf32, #tpu.memory_space<vmem>>, vector<1x16xf32>,
      %swap3A_1143 = vector.shape_cast %swap3A_1142 : vector<1x16xf32> to vector<16xf32>
      %swap3A_1144 = vector.shape_cast %mul3A_1139 : vector<16xf32> to vector<1x16xf32>
      tpu.vector_store %arg9[%swap3A_1140, %swap3A_1141], %swap3A_1144 {strides = array<i32>} : memref<512x128xf32, #tpu.memory_space<vmem>>, vector<1x16xf32>,
      %add3A_1145 = arith.constant 16 : i32
      %add3A_1146 = arith.addi %squeeze3A_1128, %add3A_1145 : i32
      %get3A_1147 = arith.index_cast %add3A_1122 : i32 to index
      %get3A_1148 = arith.index_cast %add3A_1146 : i32 to index
      %get3A_1149 = tpu.vector_load %arg9[%get3A_1147, %get3A_1148] {strides = array<i32>} : memref<512x128xf32, #tpu.memory_space<vmem>>, vector<1x16xf32>,
      %get3A_1150 = vector.shape_cast %get3A_1149 : vector<1x16xf32> to vector<16xf32>
      %get3A_1151 = arith.index_cast %add3A_1126 : i32 to index
      %get3A_1152 = arith.constant 80 : index
      %get3A_1153 = tpu.vector_load %arg10[%get3A_1151, %get3A_1152] {strides = array<i32>} : memref<256x128xf32, #tpu.memory_space<vmem>>, vector<1x16xf32>,
      %get3A_1154 = vector.shape_cast %get3A_1153 : vector<1x16xf32> to vector<16xf32>
      %mul3A_1155 = arith.mulf %get3A_1150, %get3A_1154 : vector<16xf32>
      %swap3A_1156 = arith.index_cast %add3A_1122 : i32 to index
      %swap3A_1157 = arith.constant 16 : index
      %swap3A_1158 = tpu.vector_load %arg9[%swap3A_1156, %swap3A_1157] {strides = array<i32>} : memref<512x128xf32, #tpu.memory_space<vmem>>, vector<1x16xf32>,
      %swap3A_1159 = vector.shape_cast %swap3A_1158 : vector<1x16xf32> to vector<16xf32>
      %swap3A_1160 = vector.shape_cast %mul3A_1155 : vector<16xf32> to vector<1x16xf32>
      tpu.vector_store %arg9[%swap3A_1156, %swap3A_1157], %swap3A_1160 {strides = array<i32>} : memref<512x128xf32, #tpu.memory_space<vmem>>, vector<1x16xf32>,
      %add3A_1161 = arith.constant 32 : i32
      %add3A_1162 = arith.addi %squeeze3A_1128, %add3A_1161 : i32
      %get3A_1163 = arith.index_cast %add3A_1122 : i32 to index
      %get3A_1164 = arith.index_cast %add3A_1162 : i32 to index
      %get3A_1165 = tpu.vector_load %arg9[%get3A_1163, %get3A_1164] {strides = array<i32>} : memref<512x128xf32, #tpu.memory_space<vmem>>, vector<1x16xf32>,
      %get3A_1166 = vector.shape_cast %get3A_1165 : vector<1x16xf32> to vector<16xf32>
      %get3A_1167 = arith.index_cast %add3A_1126 : i32 to index
      %get3A_1168 = arith.constant 96 : index
      %get3A_1169 = tpu.vector_load %arg10[%get3A_1167, %get3A_1168] {strides = array<i32>} : memref<256x128xf32, #tpu.memory_space<vmem>>, vector<1x16xf32>,
      %get3A_1170 = vector.shape_cast %get3A_1169 : vector<1x16xf32> to vector<16xf32>
      %mul3A_1171 = arith.mulf %get3A_1166, %get3A_1170 : vector<16xf32>
      %swap3A_1172 = arith.index_cast %add3A_1122 : i32 to index
      %swap3A_1173 = arith.constant 32 : index
      %swap3A_1174 = tpu.vector_load %arg9[%swap3A_1172, %swap3A_1173] {strides = array<i32>} : memref<512x128xf32, #tpu.memory_space<vmem>>, vector<1x16xf32>,
      %swap3A_1175 = vector.shape_cast %swap3A_1174 : vector<1x16xf32> to vector<16xf32>
      %swap3A_1176 = vector.shape_cast %mul3A_1171 : vector<16xf32> to vector<1x16xf32>
      tpu.vector_store %arg9[%swap3A_1172, %swap3A_1173], %swap3A_1176 {strides = array<i32>} : memref<512x128xf32, #tpu.memory_space<vmem>>, vector<1x16xf32>,
      %add3A_1177 = arith.constant 48 : i32
      %add3A_1178 = arith.addi %squeeze3A_1128, %add3A_1177 : i32
      %get3A_1179 = arith.index_cast %add3A_1122 : i32 to index
      %get3A_1180 = arith.index_cast %add3A_1178 : i32 to index
      %get3A_1181 = tpu.vector_load %arg9[%get3A_1179, %get3A_1180] {strides = array<i32>} : memref<512x128xf32, #tpu.memory_space<vmem>>, vector<1x16xf32>,
      %get3A_1182 = vector.shape_cast %get3A_1181 : vector<1x16xf32> to vector<16xf32>
      %get3A_1183 = arith.index_cast %add3A_1126 : i32 to index
      %get3A_1184 = arith.constant 112 : index
      %get3A_1185 = tpu.vector_load %arg10[%get3A_1183, %get3A_1184] {strides = array<i32>} : memref<256x128xf32, #tpu.memory_space<vmem>>, vector<1x16xf32>,
      %get3A_1186 = vector.shape_cast %get3A_1185 : vector<1x16xf32> to vector<16xf32>
      %mul3A_1187 = arith.mulf %get3A_1182, %get3A_1186 : vector<16xf32>
      %swap3A_1188 = arith.index_cast %add3A_1122 : i32 to index
      %swap3A_1189 = arith.constant 48 : index
      %swap3A_1190 = tpu.vector_load %arg9[%swap3A_1188, %swap3A_1189] {strides = array<i32>} : memref<512x128xf32, #tpu.memory_space<vmem>>, vector<1x16xf32>,
      %swap3A_1191 = vector.shape_cast %swap3A_1190 : vector<1x16xf32> to vector<16xf32>
      %swap3A_1192 = vector.shape_cast %mul3A_1187 : vector<16xf32> to vector<1x16xf32>
      tpu.vector_store %arg9[%swap3A_1188, %swap3A_1189], %swap3A_1192 {strides = array<i32>} : memref<512x128xf32, #tpu.memory_space<vmem>>, vector<1x16xf32>,
    }
    %scan3A_28 = arith.constant 16 : i32
    %scan3A_29 = arith.constant 0 : i32
    %scan3A_30 = arith.constant 0 : i32
    %scan3A_31 = arith.constant 16 : i32
    %scan3A_32 = arith.addi %scan3A_30, %scan3A_31 : i32
    %scan3A_33 = arith.constant 1 : i32
    scf.for %scan3A_35 = %scan3A_30 to %scan3A_32 step %scan3A_33  : i32 {
      %mul3A_36 = arith.constant 16 : i32
      %mul3A_37 = arith.muli %scan3A_35, %mul3A_36 : i32
      %add3A_38 = arith.constant 256 : i32
      %add3A_39 = arith.addi %add3A_38, %mul3A_37 : i32
      %get3A = arith.index_cast %add3A_39 : i32 to index
      %get3A_40 = tpu.vector_load %arg7[%get3A] {strides = array<i32>} : memref<512xi32, #tpu.memory_space<vmem>>, vector<16xi32>,
      %get3A_41 = vector.shape_cast %get3A_40 : vector<16xi32> to vector<16xi32>
      %ge3A = arith.constant 512000 : i32
      %ge3A_42 = vector.broadcast %ge3A : i32 to vector<16xi32>
      %ge3A_43 = arith.cmpi sge, %get3A_41, %ge3A_42 : vector<16xi32>
      %jit3A = arith.constant 64 : i32
      %jit3A_44 = arith.constant 0 : i32
      %broadcast_in_dim3A = vector.broadcast %jit3A : i32 to vector<16xi32>
      %broadcast_in_dim3A_45 = vector.broadcast %jit3A_44 : i32 to vector<16xi32>
      %select_n3A = arith.select %ge3A_43, %broadcast_in_dim3A, %broadcast_in_dim3A_45 : vector<16xi1>, vector<16xi32>
      %add3A_46 = arith.constant 256 : i32
      %add3A_47 = arith.addi %add3A_46, %mul3A_37 : i32
      %add3A_48 = arith.constant 0 : i32
      %add3A_49 = arith.addi %add3A_47, %add3A_48 : i32
      %add3A_50 = arith.constant 256 : i32
      %add3A_51 = arith.addi %add3A_50, %mul3A_37 : i32
      %add3A_52 = arith.constant 0 : i32
      %add3A_53 = arith.addi %add3A_51, %add3A_52 : i32
      %jit3A_54 = arith.constant 2 : i32
      %div3A = arith.divsi %add3A_53, %jit3A_54 : i32
      %sign3A = arith.constant 0 : i32
      %sign3A_55 = arith.cmpi sgt, %add3A_53, %sign3A : i32
      %sign3A_56 = arith.extui %sign3A_55 : i1 to i32
      %sign3A_57 = arith.constant 0 : i32
      %sign3A_58 = arith.cmpi slt, %add3A_53, %sign3A_57 : i32
      %sign3A_59 = arith.extui %sign3A_58 : i1 to i32
      %sign3A_60 = arith.subi %sign3A_56, %sign3A_59 : i32
      %sign3A_61 = arith.constant 0 : i32
      %sign3A_62 = arith.cmpi sgt, %jit3A_54, %sign3A_61 : i32
      %sign3A_63 = arith.extui %sign3A_62 : i1 to i32
      %sign3A_64 = arith.constant 0 : i32
      %sign3A_65 = arith.cmpi slt, %jit3A_54, %sign3A_64 : i32
      %sign3A_66 = arith.extui %sign3A_65 : i1 to i32
      %sign3A_67 = arith.subi %sign3A_63, %sign3A_66 : i32
      %ne3A = arith.cmpi ne, %sign3A_60, %sign3A_67 : i32
      %rem3A = arith.remsi %add3A_53, %jit3A_54 : i32
      %ne3A_68 = arith.constant 0 : i32
      %ne3A_69 = arith.cmpi ne, %rem3A, %ne3A_68 : i32
      %and3A = arith.andi %ne3A, %ne3A_69 : i1
      %sub3A = arith.constant 1 : i32
      %sub3A_70 = arith.subi %div3A, %sub3A : i32
      %select_n3A_71 = arith.select %and3A, %sub3A_70, %div3A : i32
      %slice3A = vector.extract_strided_slice %select_n3A {offsets = [0], sizes = [1], strides = [1]} : vector<16xi32> to vector<1xi32>
      %squeeze3A = vector.extract %slice3A[0] : i32 from vector<1xi32>
      %add3A_72 = arith.constant 0 : i32
      %add3A_73 = arith.addi %squeeze3A, %add3A_72 : i32
      %get3A_74 = arith.index_cast %add3A_49 : i32 to index
      %get3A_75 = arith.index_cast %add3A_73 : i32 to index
      %get3A_76 = tpu.vector_load %arg9[%get3A_74, %get3A_75] {strides = array<i32>} : memref<512x128xf32, #tpu.memory_space<vmem>>, vector<1x16xf32>,
      %get3A_77 = vector.shape_cast %get3A_76 : vector<1x16xf32> to vector<16xf32>
      %get3A_78 = arith.index_cast %select_n3A_71 : i32 to index
      %get3A_79 = arith.constant 0 : index
      %get3A_80 = tpu.vector_load %arg10[%get3A_78, %get3A_79] {strides = array<i32>} : memref<256x128xf32, #tpu.memory_space<vmem>>, vector<1x16xf32>,
      %get3A_81 = vector.shape_cast %get3A_80 : vector<1x16xf32> to vector<16xf32>
      %mul3A_82 = arith.mulf %get3A_77, %get3A_81 : vector<16xf32>
      %sub3A_83 = arith.constant 256 : i32
      %sub3A_84 = arith.subi %add3A_49, %sub3A_83 : i32
      %swap3A = arith.index_cast %sub3A_84 : i32 to index
      %swap3A_85 = arith.constant 64 : index
      %swap3A_86 = tpu.vector_load %arg9[%swap3A, %swap3A_85] {strides = array<i32>} : memref<512x128xf32, #tpu.memory_space<vmem>>, vector<1x16xf32>,
      %swap3A_87 = vector.shape_cast %swap3A_86 : vector<1x16xf32> to vector<16xf32>
      %swap3A_88 = vector.shape_cast %mul3A_82 : vector<16xf32> to vector<1x16xf32>
      tpu.vector_store %arg9[%swap3A, %swap3A_85], %swap3A_88 {strides = array<i32>} : memref<512x128xf32, #tpu.memory_space<vmem>>, vector<1x16xf32>,
      %add3A_89 = arith.constant 16 : i32
      %add3A_90 = arith.addi %squeeze3A, %add3A_89 : i32
      %get3A_91 = arith.index_cast %add3A_49 : i32 to index
      %get3A_92 = arith.index_cast %add3A_90 : i32 to index
      %get3A_93 = tpu.vector_load %arg9[%get3A_91, %get3A_92] {strides = array<i32>} : memref<512x128xf32, #tpu.memory_space<vmem>>, vector<1x16xf32>,
      %get3A_94 = vector.shape_cast %get3A_93 : vector<1x16xf32> to vector<16xf32>
      %get3A_95 = arith.index_cast %select_n3A_71 : i32 to index
      %get3A_96 = arith.constant 16 : index
      %get3A_97 = tpu.vector_load %arg10[%get3A_95, %get3A_96] {strides = array<i32>} : memref<256x128xf32, #tpu.memory_space<vmem>>, vector<1x16xf32>,
      %get3A_98 = vector.shape_cast %get3A_97 : vector<1x16xf32> to vector<16xf32>
      %mul3A_99 = arith.mulf %get3A_94, %get3A_98 : vector<16xf32>
      %sub3A_100 = arith.constant 256 : i32
      %sub3A_101 = arith.subi %add3A_49, %sub3A_100 : i32
      %swap3A_102 = arith.index_cast %sub3A_101 : i32 to index
      %swap3A_103 = arith.constant 80 : index
      %swap3A_104 = tpu.vector_load %arg9[%swap3A_102, %swap3A_103] {strides = array<i32>} : memref<512x128xf32, #tpu.memory_space<vmem>>, vector<1x16xf32>,
      %swap3A_105 = vector.shape_cast %swap3A_104 : vector<1x16xf32> to vector<16xf32>
      %swap3A_106 = vector.shape_cast %mul3A_99 : vector<16xf32> to vector<1x16xf32>
      tpu.vector_store %arg9[%swap3A_102, %swap3A_103], %swap3A_106 {strides = array<i32>} : memref<512x128xf32, #tpu.memory_space<vmem>>, vector<1x16xf32>,
      %add3A_107 = arith.constant 32 : i32
      %add3A_108 = arith.addi %squeeze3A, %add3A_107 : i32
      %get3A_109 = arith.index_cast %add3A_49 : i32 to index
      %get3A_110 = arith.index_cast %add3A_108 : i32 to index
      %get3A_111 = tpu.vector_load %arg9[%get3A_109, %get3A_110] {strides = array<i32>} : memref<512x128xf32, #tpu.memory_space<vmem>>, vector<1x16xf32>,
      %get3A_112 = vector.shape_cast %get3A_111 : vector<1x16xf32> to vector<16xf32>
      %get3A_113 = arith.index_cast %select_n3A_71 : i32 to index
      %get3A_114 = arith.constant 32 : index
      %get3A_115 = tpu.vector_load %arg10[%get3A_113, %get3A_114] {strides = array<i32>} : memref<256x128xf32, #tpu.memory_space<vmem>>, vector<1x16xf32>,
      %get3A_116 = vector.shape_cast %get3A_115 : vector<1x16xf32> to vector<16xf32>
      %mul3A_117 = arith.mulf %get3A_112, %get3A_116 : vector<16xf32>
      %sub3A_118 = arith.constant 256 : i32
      %sub3A_119 = arith.subi %add3A_49, %sub3A_118 : i32
      %swap3A_120 = arith.index_cast %sub3A_119 : i32 to index
      %swap3A_121 = arith.constant 96 : index
      %swap3A_122 = tpu.vector_load %arg9[%swap3A_120, %swap3A_121] {strides = array<i32>} : memref<512x128xf32, #tpu.memory_space<vmem>>, vector<1x16xf32>,
      %swap3A_123 = vector.shape_cast %swap3A_122 : vector<1x16xf32> to vector<16xf32>
      %swap3A_124 = vector.shape_cast %mul3A_117 : vector<16xf32> to vector<1x16xf32>
      tpu.vector_store %arg9[%swap3A_120, %swap3A_121], %swap3A_124 {strides = array<i32>} : memref<512x128xf32, #tpu.memory_space<vmem>>, vector<1x16xf32>,
      %add3A_125 = arith.constant 48 : i32
      %add3A_126 = arith.addi %squeeze3A, %add3A_125 : i32
      %get3A_127 = arith.index_cast %add3A_49 : i32 to index
      %get3A_128 = arith.index_cast %add3A_126 : i32 to index
      %get3A_129 = tpu.vector_load %arg9[%get3A_127, %get3A_128] {strides = array<i32>} : memref<512x128xf32, #tpu.memory_space<vmem>>, vector<1x16xf32>,
      %get3A_130 = vector.shape_cast %get3A_129 : vector<1x16xf32> to vector<16xf32>
      %get3A_131 = arith.index_cast %select_n3A_71 : i32 to index
      %get3A_132 = arith.constant 48 : index
      %get3A_133 = tpu.vector_load %arg10[%get3A_131, %get3A_132] {strides = array<i32>} : memref<256x128xf32, #tpu.memory_space<vmem>>, vector<1x16xf32>,
      %get3A_134 = vector.shape_cast %get3A_133 : vector<1x16xf32> to vector<16xf32>
      %mul3A_135 = arith.mulf %get3A_130, %get3A_134 : vector<16xf32>
      %sub3A_136 = arith.constant 256 : i32
      %sub3A_137 = arith.subi %add3A_49, %sub3A_136 : i32
      %swap3A_138 = arith.index_cast %sub3A_137 : i32 to index
      %swap3A_139 = arith.constant 112 : index
      %swap3A_140 = tpu.vector_load %arg9[%swap3A_138, %swap3A_139] {strides = array<i32>} : memref<512x128xf32, #tpu.memory_space<vmem>>, vector<1x16xf32>,
      %swap3A_141 = vector.shape_cast %swap3A_140 : vector<1x16xf32> to vector<16xf32>
      %swap3A_142 = vector.shape_cast %mul3A_135 : vector<16xf32> to vector<1x16xf32>
      tpu.vector_store %arg9[%swap3A_138, %swap3A_139], %swap3A_142 {strides = array<i32>} : memref<512x128xf32, #tpu.memory_space<vmem>>, vector<1x16xf32>,
      %add3A_143 = arith.constant 256 : i32
      %add3A_144 = arith.addi %add3A_143, %mul3A_37 : i32
      %add3A_145 = arith.constant 1 : i32
      %add3A_146 = arith.addi %add3A_144, %add3A_145 : i32
      %add3A_147 = arith.constant 256 : i32
      %add3A_148 = arith.addi %add3A_147, %mul3A_37 : i32
      %add3A_149 = arith.constant 1 : i32
      %add3A_150 = arith.addi %add3A_148, %add3A_149 : i32
      %jit3A_151 = arith.constant 2 : i32
      %div3A_152 = arith.divsi %add3A_150, %jit3A_151 : i32
      %sign3A_153 = arith.constant 0 : i32
      %sign3A_154 = arith.cmpi sgt, %add3A_150, %sign3A_153 : i32
      %sign3A_155 = arith.extui %sign3A_154 : i1 to i32
      %sign3A_156 = arith.constant 0 : i32
      %sign3A_157 = arith.cmpi slt, %add3A_150, %sign3A_156 : i32
      %sign3A_158 = arith.extui %sign3A_157 : i1 to i32
      %sign3A_159 = arith.subi %sign3A_155, %sign3A_158 : i32
      %sign3A_160 = arith.constant 0 : i32
      %sign3A_161 = arith.cmpi sgt, %jit3A_151, %sign3A_160 : i32
      %sign3A_162 = arith.extui %sign3A_161 : i1 to i32
      %sign3A_163 = arith.constant 0 : i32
      %sign3A_164 = arith.cmpi slt, %jit3A_151, %sign3A_163 : i32
      %sign3A_165 = arith.extui %sign3A_164 : i1 to i32
      %sign3A_166 = arith.subi %sign3A_162, %sign3A_165 : i32
      %ne3A_167 = arith.cmpi ne, %sign3A_159, %sign3A_166 : i32
      %rem3A_168 = arith.remsi %add3A_150, %jit3A_151 : i32
      %ne3A_169 = arith.constant 0 : i32
      %ne3A_170 = arith.cmpi ne, %rem3A_168, %ne3A_169 : i32
      %and3A_171 = arith.andi %ne3A_167, %ne3A_170 : i1
      %sub3A_172 = arith.constant 1 : i32
      %sub3A_173 = arith.subi %div3A_152, %sub3A_172 : i32
      %select_n3A_174 = arith.select %and3A_171, %sub3A_173, %div3A_152 : i32
      %slice3A_175 = vector.extract_strided_slice %select_n3A {offsets = [1], sizes = [1], strides = [1]} : vector<16xi32> to vector<1xi32>
      %squeeze3A_176 = vector.extract %slice3A_175[0] : i32 from vector<1xi32>
      %add3A_177 = arith.constant 0 : i32
      %add3A_178 = arith.addi %squeeze3A_176, %add3A_177 : i32
      %get3A_179 = arith.index_cast %add3A_146 : i32 to index
      %get3A_180 = arith.index_cast %add3A_178 : i32 to index
      %get3A_181 = tpu.vector_load %arg9[%get3A_179, %get3A_180] {strides = array<i32>} : memref<512x128xf32, #tpu.memory_space<vmem>>, vector<1x16xf32>,
      %get3A_182 = vector.shape_cast %get3A_181 : vector<1x16xf32> to vector<16xf32>
      %get3A_183 = arith.index_cast %select_n3A_174 : i32 to index
      %get3A_184 = arith.constant 64 : index
      %get3A_185 = tpu.vector_load %arg10[%get3A_183, %get3A_184] {strides = array<i32>} : memref<256x128xf32, #tpu.memory_space<vmem>>, vector<1x16xf32>,
      %get3A_186 = vector.shape_cast %get3A_185 : vector<1x16xf32> to vector<16xf32>
      %mul3A_187 = arith.mulf %get3A_182, %get3A_186 : vector<16xf32>
      %sub3A_188 = arith.constant 256 : i32
      %sub3A_189 = arith.subi %add3A_146, %sub3A_188 : i32
      %swap3A_190 = arith.index_cast %sub3A_189 : i32 to index
      %swap3A_191 = arith.constant 64 : index
      %swap3A_192 = tpu.vector_load %arg9[%swap3A_190, %swap3A_191] {strides = array<i32>} : memref<512x128xf32, #tpu.memory_space<vmem>>, vector<1x16xf32>,
      %swap3A_193 = vector.shape_cast %swap3A_192 : vector<1x16xf32> to vector<16xf32>
      %swap3A_194 = vector.shape_cast %mul3A_187 : vector<16xf32> to vector<1x16xf32>
      tpu.vector_store %arg9[%swap3A_190, %swap3A_191], %swap3A_194 {strides = array<i32>} : memref<512x128xf32, #tpu.memory_space<vmem>>, vector<1x16xf32>,
      %add3A_195 = arith.constant 16 : i32
      %add3A_196 = arith.addi %squeeze3A_176, %add3A_195 : i32
      %get3A_197 = arith.index_cast %add3A_146 : i32 to index
      %get3A_198 = arith.index_cast %add3A_196 : i32 to index
      %get3A_199 = tpu.vector_load %arg9[%get3A_197, %get3A_198] {strides = array<i32>} : memref<512x128xf32, #tpu.memory_space<vmem>>, vector<1x16xf32>,
      %get3A_200 = vector.shape_cast %get3A_199 : vector<1x16xf32> to vector<16xf32>
      %get3A_201 = arith.index_cast %select_n3A_174 : i32 to index
      %get3A_202 = arith.constant 80 : index
      %get3A_203 = tpu.vector_load %arg10[%get3A_201, %get3A_202] {strides = array<i32>} : memref<256x128xf32, #tpu.memory_space<vmem>>, vector<1x16xf32>,
      %get3A_204 = vector.shape_cast %get3A_203 : vector<1x16xf32> to vector<16xf32>
      %mul3A_205 = arith.mulf %get3A_200, %get3A_204 : vector<16xf32>
      %sub3A_206 = arith.constant 256 : i32
      %sub3A_207 = arith.subi %add3A_146, %sub3A_206 : i32
      %swap3A_208 = arith.index_cast %sub3A_207 : i32 to index
      %swap3A_209 = arith.constant 80 : index
      %swap3A_210 = tpu.vector_load %arg9[%swap3A_208, %swap3A_209] {strides = array<i32>} : memref<512x128xf32, #tpu.memory_space<vmem>>, vector<1x16xf32>,
      %swap3A_211 = vector.shape_cast %swap3A_210 : vector<1x16xf32> to vector<16xf32>
      %swap3A_212 = vector.shape_cast %mul3A_205 : vector<16xf32> to vector<1x16xf32>
      tpu.vector_store %arg9[%swap3A_208, %swap3A_209], %swap3A_212 {strides = array<i32>} : memref<512x128xf32, #tpu.memory_space<vmem>>, vector<1x16xf32>,
      %add3A_213 = arith.constant 32 : i32
      %add3A_214 = arith.addi %squeeze3A_176, %add3A_213 : i32
      %get3A_215 = arith.index_cast %add3A_146 : i32 to index
      %get3A_216 = arith.index_cast %add3A_214 : i32 to index
      %get3A_217 = tpu.vector_load %arg9[%get3A_215, %get3A_216] {strides = array<i32>} : memref<512x128xf32, #tpu.memory_space<vmem>>, vector<1x16xf32>,
      %get3A_218 = vector.shape_cast %get3A_217 : vector<1x16xf32> to vector<16xf32>
      %get3A_219 = arith.index_cast %select_n3A_174 : i32 to index
      %get3A_220 = arith.constant 96 : index
      %get3A_221 = tpu.vector_load %arg10[%get3A_219, %get3A_220] {strides = array<i32>} : memref<256x128xf32, #tpu.memory_space<vmem>>, vector<1x16xf32>,
      %get3A_222 = vector.shape_cast %get3A_221 : vector<1x16xf32> to vector<16xf32>
      %mul3A_223 = arith.mulf %get3A_218, %get3A_222 : vector<16xf32>
      %sub3A_224 = arith.constant 256 : i32
      %sub3A_225 = arith.subi %add3A_146, %sub3A_224 : i32
      %swap3A_226 = arith.index_cast %sub3A_225 : i32 to index
      %swap3A_227 = arith.constant 96 : index
      %swap3A_228 = tpu.vector_load %arg9[%swap3A_226, %swap3A_227] {strides = array<i32>} : memref<512x128xf32, #tpu.memory_space<vmem>>, vector<1x16xf32>,
      %swap3A_229 = vector.shape_cast %swap3A_228 : vector<1x16xf32> to vector<16xf32>
      %swap3A_230 = vector.shape_cast %mul3A_223 : vector<16xf32> to vector<1x16xf32>
      tpu.vector_store %arg9[%swap3A_226, %swap3A_227], %swap3A_230 {strides = array<i32>} : memref<512x128xf32, #tpu.memory_space<vmem>>, vector<1x16xf32>,
      %add3A_231 = arith.constant 48 : i32
      %add3A_232 = arith.addi %squeeze3A_176, %add3A_231 : i32
      %get3A_233 = arith.index_cast %add3A_146 : i32 to index
      %get3A_234 = arith.index_cast %add3A_232 : i32 to index
      %get3A_235 = tpu.vector_load %arg9[%get3A_233, %get3A_234] {strides = array<i32>} : memref<512x128xf32, #tpu.memory_space<vmem>>, vector<1x16xf32>,
      %get3A_236 = vector.shape_cast %get3A_235 : vector<1x16xf32> to vector<16xf32>
      %get3A_237 = arith.index_cast %select_n3A_174 : i32 to index
      %get3A_238 = arith.constant 112 : index
      %get3A_239 = tpu.vector_load %arg10[%get3A_237, %get3A_238] {strides = array<i32>} : memref<256x128xf32, #tpu.memory_space<vmem>>, vector<1x16xf32>,
      %get3A_240 = vector.shape_cast %get3A_239 : vector<1x16xf32> to vector<16xf32>
      %mul3A_241 = arith.mulf %get3A_236, %get3A_240 : vector<16xf32>
      %sub3A_242 = arith.constant 256 : i32
      %sub3A_243 = arith.subi %add3A_146, %sub3A_242 : i32
      %swap3A_244 = arith.index_cast %sub3A_243 : i32 to index
      %swap3A_245 = arith.constant 112 : index
      %swap3A_246 = tpu.vector_load %arg9[%swap3A_244, %swap3A_245] {strides = array<i32>} : memref<512x128xf32, #tpu.memory_space<vmem>>, vector<1x16xf32>,
      %swap3A_247 = vector.shape_cast %swap3A_246 : vector<1x16xf32> to vector<16xf32>
      %swap3A_248 = vector.shape_cast %mul3A_241 : vector<16xf32> to vector<1x16xf32>
      tpu.vector_store %arg9[%swap3A_244, %swap3A_245], %swap3A_248 {strides = array<i32>} : memref<512x128xf32, #tpu.memory_space<vmem>>, vector<1x16xf32>,
      %add3A_249 = arith.constant 256 : i32
      %add3A_250 = arith.addi %add3A_249, %mul3A_37 : i32
      %add3A_251 = arith.constant 2 : i32
      %add3A_252 = arith.addi %add3A_250, %add3A_251 : i32
      %add3A_253 = arith.constant 256 : i32
      %add3A_254 = arith.addi %add3A_253, %mul3A_37 : i32
      %add3A_255 = arith.constant 2 : i32
      %add3A_256 = arith.addi %add3A_254, %add3A_255 : i32
      %jit3A_257 = arith.constant 2 : i32
      %div3A_258 = arith.divsi %add3A_256, %jit3A_257 : i32
      %sign3A_259 = arith.constant 0 : i32
      %sign3A_260 = arith.cmpi sgt, %add3A_256, %sign3A_259 : i32
      %sign3A_261 = arith.extui %sign3A_260 : i1 to i32
      %sign3A_262 = arith.constant 0 : i32
      %sign3A_263 = arith.cmpi slt, %add3A_256, %sign3A_262 : i32
      %sign3A_264 = arith.extui %sign3A_263 : i1 to i32
      %sign3A_265 = arith.subi %sign3A_261, %sign3A_264 : i32
      %sign3A_266 = arith.constant 0 : i32
      %sign3A_267 = arith.cmpi sgt, %jit3A_257, %sign3A_266 : i32
      %sign3A_268 = arith.extui %sign3A_267 : i1 to i32
      %sign3A_269 = arith.constant 0 : i32
      %sign3A_270 = arith.cmpi slt, %jit3A_257, %sign3A_269 : i32
      %sign3A_271 = arith.extui %sign3A_270 : i1 to i32
      %sign3A_272 = arith.subi %sign3A_268, %sign3A_271 : i32
      %ne3A_273 = arith.cmpi ne, %sign3A_265, %sign3A_272 : i32
      %rem3A_274 = arith.remsi %add3A_256, %jit3A_257 : i32
      %ne3A_275 = arith.constant 0 : i32
      %ne3A_276 = arith.cmpi ne, %rem3A_274, %ne3A_275 : i32
      %and3A_277 = arith.andi %ne3A_273, %ne3A_276 : i1
      %sub3A_278 = arith.constant 1 : i32
      %sub3A_279 = arith.subi %div3A_258, %sub3A_278 : i32
      %select_n3A_280 = arith.select %and3A_277, %sub3A_279, %div3A_258 : i32
      %slice3A_281 = vector.extract_strided_slice %select_n3A {offsets = [2], sizes = [1], strides = [1]} : vector<16xi32> to vector<1xi32>
      %squeeze3A_282 = vector.extract %slice3A_281[0] : i32 from vector<1xi32>
      %add3A_283 = arith.constant 0 : i32
      %add3A_284 = arith.addi %squeeze3A_282, %add3A_283 : i32
      %get3A_285 = arith.index_cast %add3A_252 : i32 to index
      %get3A_286 = arith.index_cast %add3A_284 : i32 to index
      %get3A_287 = tpu.vector_load %arg9[%get3A_285, %get3A_286] {strides = array<i32>} : memref<512x128xf32, #tpu.memory_space<vmem>>, vector<1x16xf32>,
      %get3A_288 = vector.shape_cast %get3A_287 : vector<1x16xf32> to vector<16xf32>
      %get3A_289 = arith.index_cast %select_n3A_280 : i32 to index
      %get3A_290 = arith.constant 0 : index
      %get3A_291 = tpu.vector_load %arg10[%get3A_289, %get3A_290] {strides = array<i32>} : memref<256x128xf32, #tpu.memory_space<vmem>>, vector<1x16xf32>,
      %get3A_292 = vector.shape_cast %get3A_291 : vector<1x16xf32> to vector<16xf32>
      %mul3A_293 = arith.mulf %get3A_288, %get3A_292 : vector<16xf32>
      %sub3A_294 = arith.constant 256 : i32
      %sub3A_295 = arith.subi %add3A_252, %sub3A_294 : i32
      %swap3A_296 = arith.index_cast %sub3A_295 : i32 to index
      %swap3A_297 = arith.constant 64 : index
      %swap3A_298 = tpu.vector_load %arg9[%swap3A_296, %swap3A_297] {strides = array<i32>} : memref<512x128xf32, #tpu.memory_space<vmem>>, vector<1x16xf32>,
      %swap3A_299 = vector.shape_cast %swap3A_298 : vector<1x16xf32> to vector<16xf32>
      %swap3A_300 = vector.shape_cast %mul3A_293 : vector<16xf32> to vector<1x16xf32>
      tpu.vector_store %arg9[%swap3A_296, %swap3A_297], %swap3A_300 {strides = array<i32>} : memref<512x128xf32, #tpu.memory_space<vmem>>, vector<1x16xf32>,
      %add3A_301 = arith.constant 16 : i32
      %add3A_302 = arith.addi %squeeze3A_282, %add3A_301 : i32
      %get3A_303 = arith.index_cast %add3A_252 : i32 to index
      %get3A_304 = arith.index_cast %add3A_302 : i32 to index
      %get3A_305 = tpu.vector_load %arg9[%get3A_303, %get3A_304] {strides = array<i32>} : memref<512x128xf32, #tpu.memory_space<vmem>>, vector<1x16xf32>,
      %get3A_306 = vector.shape_cast %get3A_305 : vector<1x16xf32> to vector<16xf32>
      %get3A_307 = arith.index_cast %select_n3A_280 : i32 to index
      %get3A_308 = arith.constant 16 : index
      %get3A_309 = tpu.vector_load %arg10[%get3A_307, %get3A_308] {strides = array<i32>} : memref<256x128xf32, #tpu.memory_space<vmem>>, vector<1x16xf32>,
      %get3A_310 = vector.shape_cast %get3A_309 : vector<1x16xf32> to vector<16xf32>
      %mul3A_311 = arith.mulf %get3A_306, %get3A_310 : vector<16xf32>
      %sub3A_312 = arith.constant 256 : i32
      %sub3A_313 = arith.subi %add3A_252, %sub3A_312 : i32
      %swap3A_314 = arith.index_cast %sub3A_313 : i32 to index
      %swap3A_315 = arith.constant 80 : index
      %swap3A_316 = tpu.vector_load %arg9[%swap3A_314, %swap3A_315] {strides = array<i32>} : memref<512x128xf32, #tpu.memory_space<vmem>>, vector<1x16xf32>,
      %swap3A_317 = vector.shape_cast %swap3A_316 : vector<1x16xf32> to vector<16xf32>
      %swap3A_318 = vector.shape_cast %mul3A_311 : vector<16xf32> to vector<1x16xf32>
      tpu.vector_store %arg9[%swap3A_314, %swap3A_315], %swap3A_318 {strides = array<i32>} : memref<512x128xf32, #tpu.memory_space<vmem>>, vector<1x16xf32>,
      %add3A_319 = arith.constant 32 : i32
      %add3A_320 = arith.addi %squeeze3A_282, %add3A_319 : i32
      %get3A_321 = arith.index_cast %add3A_252 : i32 to index
      %get3A_322 = arith.index_cast %add3A_320 : i32 to index
      %get3A_323 = tpu.vector_load %arg9[%get3A_321, %get3A_322] {strides = array<i32>} : memref<512x128xf32, #tpu.memory_space<vmem>>, vector<1x16xf32>,
      %get3A_324 = vector.shape_cast %get3A_323 : vector<1x16xf32> to vector<16xf32>
      %get3A_325 = arith.index_cast %select_n3A_280 : i32 to index
      %get3A_326 = arith.constant 32 : index
      %get3A_327 = tpu.vector_load %arg10[%get3A_325, %get3A_326] {strides = array<i32>} : memref<256x128xf32, #tpu.memory_space<vmem>>, vector<1x16xf32>,
      %get3A_328 = vector.shape_cast %get3A_327 : vector<1x16xf32> to vector<16xf32>
      %mul3A_329 = arith.mulf %get3A_324, %get3A_328 : vector<16xf32>
      %sub3A_330 = arith.constant 256 : i32
      %sub3A_331 = arith.subi %add3A_252, %sub3A_330 : i32
      %swap3A_332 = arith.index_cast %sub3A_331 : i32 to index
      %swap3A_333 = arith.constant 96 : index
      %swap3A_334 = tpu.vector_load %arg9[%swap3A_332, %swap3A_333] {strides = array<i32>} : memref<512x128xf32, #tpu.memory_space<vmem>>, vector<1x16xf32>,
      %swap3A_335 = vector.shape_cast %swap3A_334 : vector<1x16xf32> to vector<16xf32>
      %swap3A_336 = vector.shape_cast %mul3A_329 : vector<16xf32> to vector<1x16xf32>
      tpu.vector_store %arg9[%swap3A_332, %swap3A_333], %swap3A_336 {strides = array<i32>} : memref<512x128xf32, #tpu.memory_space<vmem>>, vector<1x16xf32>,
      %add3A_337 = arith.constant 48 : i32
      %add3A_338 = arith.addi %squeeze3A_282, %add3A_337 : i32
      %get3A_339 = arith.index_cast %add3A_252 : i32 to index
      %get3A_340 = arith.index_cast %add3A_338 : i32 to index
      %get3A_341 = tpu.vector_load %arg9[%get3A_339, %get3A_340] {strides = array<i32>} : memref<512x128xf32, #tpu.memory_space<vmem>>, vector<1x16xf32>,
      %get3A_342 = vector.shape_cast %get3A_341 : vector<1x16xf32> to vector<16xf32>
      %get3A_343 = arith.index_cast %select_n3A_280 : i32 to index
      %get3A_344 = arith.constant 48 : index
      %get3A_345 = tpu.vector_load %arg10[%get3A_343, %get3A_344] {strides = array<i32>} : memref<256x128xf32, #tpu.memory_space<vmem>>, vector<1x16xf32>,
      %get3A_346 = vector.shape_cast %get3A_345 : vector<1x16xf32> to vector<16xf32>
      %mul3A_347 = arith.mulf %get3A_342, %get3A_346 : vector<16xf32>
      %sub3A_348 = arith.constant 256 : i32
      %sub3A_349 = arith.subi %add3A_252, %sub3A_348 : i32
      %swap3A_350 = arith.index_cast %sub3A_349 : i32 to index
      %swap3A_351 = arith.constant 112 : index
      %swap3A_352 = tpu.vector_load %arg9[%swap3A_350, %swap3A_351] {strides = array<i32>} : memref<512x128xf32, #tpu.memory_space<vmem>>, vector<1x16xf32>,
      %swap3A_353 = vector.shape_cast %swap3A_352 : vector<1x16xf32> to vector<16xf32>
      %swap3A_354 = vector.shape_cast %mul3A_347 : vector<16xf32> to vector<1x16xf32>
      tpu.vector_store %arg9[%swap3A_350, %swap3A_351], %swap3A_354 {strides = array<i32>} : memref<512x128xf32, #tpu.memory_space<vmem>>, vector<1x16xf32>,
      %add3A_355 = arith.constant 256 : i32
      %add3A_356 = arith.addi %add3A_355, %mul3A_37 : i32
      %add3A_357 = arith.constant 3 : i32
      %add3A_358 = arith.addi %add3A_356, %add3A_357 : i32
      %add3A_359 = arith.constant 256 : i32
      %add3A_360 = arith.addi %add3A_359, %mul3A_37 : i32
      %add3A_361 = arith.constant 3 : i32
      %add3A_362 = arith.addi %add3A_360, %add3A_361 : i32
      %jit3A_363 = arith.constant 2 : i32
      %div3A_364 = arith.divsi %add3A_362, %jit3A_363 : i32
      %sign3A_365 = arith.constant 0 : i32
      %sign3A_366 = arith.cmpi sgt, %add3A_362, %sign3A_365 : i32
      %sign3A_367 = arith.extui %sign3A_366 : i1 to i32
      %sign3A_368 = arith.constant 0 : i32
      %sign3A_369 = arith.cmpi slt, %add3A_362, %sign3A_368 : i32
      %sign3A_370 = arith.extui %sign3A_369 : i1 to i32
      %sign3A_371 = arith.subi %sign3A_367, %sign3A_370 : i32
      %sign3A_372 = arith.constant 0 : i32
      %sign3A_373 = arith.cmpi sgt, %jit3A_363, %sign3A_372 : i32
      %sign3A_374 = arith.extui %sign3A_373 : i1 to i32
      %sign3A_375 = arith.constant 0 : i32
      %sign3A_376 = arith.cmpi slt, %jit3A_363, %sign3A_375 : i32
      %sign3A_377 = arith.extui %sign3A_376 : i1 to i32
      %sign3A_378 = arith.subi %sign3A_374, %sign3A_377 : i32
      %ne3A_379 = arith.cmpi ne, %sign3A_371, %sign3A_378 : i32
      %rem3A_380 = arith.remsi %add3A_362, %jit3A_363 : i32
      %ne3A_381 = arith.constant 0 : i32
      %ne3A_382 = arith.cmpi ne, %rem3A_380, %ne3A_381 : i32
      %and3A_383 = arith.andi %ne3A_379, %ne3A_382 : i1
      %sub3A_384 = arith.constant 1 : i32
      %sub3A_385 = arith.subi %div3A_364, %sub3A_384 : i32
      %select_n3A_386 = arith.select %and3A_383, %sub3A_385, %div3A_364 : i32
      %slice3A_387 = vector.extract_strided_slice %select_n3A {offsets = [3], sizes = [1], strides = [1]} : vector<16xi32> to vector<1xi32>
      %squeeze3A_388 = vector.extract %slice3A_387[0] : i32 from vector<1xi32>
      %add3A_389 = arith.constant 0 : i32
      %add3A_390 = arith.addi %squeeze3A_388, %add3A_389 : i32
      %get3A_391 = arith.index_cast %add3A_358 : i32 to index
      %get3A_392 = arith.index_cast %add3A_390 : i32 to index
      %get3A_393 = tpu.vector_load %arg9[%get3A_391, %get3A_392] {strides = array<i32>} : memref<512x128xf32, #tpu.memory_space<vmem>>, vector<1x16xf32>,
      %get3A_394 = vector.shape_cast %get3A_393 : vector<1x16xf32> to vector<16xf32>
      %get3A_395 = arith.index_cast %select_n3A_386 : i32 to index
      %get3A_396 = arith.constant 64 : index
      %get3A_397 = tpu.vector_load %arg10[%get3A_395, %get3A_396] {strides = array<i32>} : memref<256x128xf32, #tpu.memory_space<vmem>>, vector<1x16xf32>,
      %get3A_398 = vector.shape_cast %get3A_397 : vector<1x16xf32> to vector<16xf32>
      %mul3A_399 = arith.mulf %get3A_394, %get3A_398 : vector<16xf32>
      %sub3A_400 = arith.constant 256 : i32
      %sub3A_401 = arith.subi %add3A_358, %sub3A_400 : i32
      %swap3A_402 = arith.index_cast %sub3A_401 : i32 to index
      %swap3A_403 = arith.constant 64 : index
      %swap3A_404 = tpu.vector_load %arg9[%swap3A_402, %swap3A_403] {strides = array<i32>} : memref<512x128xf32, #tpu.memory_space<vmem>>, vector<1x16xf32>,
      %swap3A_405 = vector.shape_cast %swap3A_404 : vector<1x16xf32> to vector<16xf32>
      %swap3A_406 = vector.shape_cast %mul3A_399 : vector<16xf32> to vector<1x16xf32>
      tpu.vector_store %arg9[%swap3A_402, %swap3A_403], %swap3A_406 {strides = array<i32>} : memref<512x128xf32, #tpu.memory_space<vmem>>, vector<1x16xf32>,
      %add3A_407 = arith.constant 16 : i32
      %add3A_408 = arith.addi %squeeze3A_388, %add3A_407 : i32
      %get3A_409 = arith.index_cast %add3A_358 : i32 to index
      %get3A_410 = arith.index_cast %add3A_408 : i32 to index
      %get3A_411 = tpu.vector_load %arg9[%get3A_409, %get3A_410] {strides = array<i32>} : memref<512x128xf32, #tpu.memory_space<vmem>>, vector<1x16xf32>,
      %get3A_412 = vector.shape_cast %get3A_411 : vector<1x16xf32> to vector<16xf32>
      %get3A_413 = arith.index_cast %select_n3A_386 : i32 to index
      %get3A_414 = arith.constant 80 : index
      %get3A_415 = tpu.vector_load %arg10[%get3A_413, %get3A_414] {strides = array<i32>} : memref<256x128xf32, #tpu.memory_space<vmem>>, vector<1x16xf32>,
      %get3A_416 = vector.shape_cast %get3A_415 : vector<1x16xf32> to vector<16xf32>
      %mul3A_417 = arith.mulf %get3A_412, %get3A_416 : vector<16xf32>
      %sub3A_418 = arith.constant 256 : i32
      %sub3A_419 = arith.subi %add3A_358, %sub3A_418 : i32
      %swap3A_420 = arith.index_cast %sub3A_419 : i32 to index
      %swap3A_421 = arith.constant 80 : index
      %swap3A_422 = tpu.vector_load %arg9[%swap3A_420, %swap3A_421] {strides = array<i32>} : memref<512x128xf32, #tpu.memory_space<vmem>>, vector<1x16xf32>,
      %swap3A_423 = vector.shape_cast %swap3A_422 : vector<1x16xf32> to vector<16xf32>
      %swap3A_424 = vector.shape_cast %mul3A_417 : vector<16xf32> to vector<1x16xf32>
      tpu.vector_store %arg9[%swap3A_420, %swap3A_421], %swap3A_424 {strides = array<i32>} : memref<512x128xf32, #tpu.memory_space<vmem>>, vector<1x16xf32>,
      %add3A_425 = arith.constant 32 : i32
      %add3A_426 = arith.addi %squeeze3A_388, %add3A_425 : i32
      %get3A_427 = arith.index_cast %add3A_358 : i32 to index
      %get3A_428 = arith.index_cast %add3A_426 : i32 to index
      %get3A_429 = tpu.vector_load %arg9[%get3A_427, %get3A_428] {strides = array<i32>} : memref<512x128xf32, #tpu.memory_space<vmem>>, vector<1x16xf32>,
      %get3A_430 = vector.shape_cast %get3A_429 : vector<1x16xf32> to vector<16xf32>
      %get3A_431 = arith.index_cast %select_n3A_386 : i32 to index
      %get3A_432 = arith.constant 96 : index
      %get3A_433 = tpu.vector_load %arg10[%get3A_431, %get3A_432] {strides = array<i32>} : memref<256x128xf32, #tpu.memory_space<vmem>>, vector<1x16xf32>,
      %get3A_434 = vector.shape_cast %get3A_433 : vector<1x16xf32> to vector<16xf32>
      %mul3A_435 = arith.mulf %get3A_430, %get3A_434 : vector<16xf32>
      %sub3A_436 = arith.constant 256 : i32
      %sub3A_437 = arith.subi %add3A_358, %sub3A_436 : i32
      %swap3A_438 = arith.index_cast %sub3A_437 : i32 to index
      %swap3A_439 = arith.constant 96 : index
      %swap3A_440 = tpu.vector_load %arg9[%swap3A_438, %swap3A_439] {strides = array<i32>} : memref<512x128xf32, #tpu.memory_space<vmem>>, vector<1x16xf32>,
      %swap3A_441 = vector.shape_cast %swap3A_440 : vector<1x16xf32> to vector<16xf32>
      %swap3A_442 = vector.shape_cast %mul3A_435 : vector<16xf32> to vector<1x16xf32>
      tpu.vector_store %arg9[%swap3A_438, %swap3A_439], %swap3A_442 {strides = array<i32>} : memref<512x128xf32, #tpu.memory_space<vmem>>, vector<1x16xf32>,
      %add3A_443 = arith.constant 48 : i32
      %add3A_444 = arith.addi %squeeze3A_388, %add3A_443 : i32
      %get3A_445 = arith.index_cast %add3A_358 : i32 to index
      %get3A_446 = arith.index_cast %add3A_444 : i32 to index
      %get3A_447 = tpu.vector_load %arg9[%get3A_445, %get3A_446] {strides = array<i32>} : memref<512x128xf32, #tpu.memory_space<vmem>>, vector<1x16xf32>,
      %get3A_448 = vector.shape_cast %get3A_447 : vector<1x16xf32> to vector<16xf32>
      %get3A_449 = arith.index_cast %select_n3A_386 : i32 to index
      %get3A_450 = arith.constant 112 : index
      %get3A_451 = tpu.vector_load %arg10[%get3A_449, %get3A_450] {strides = array<i32>} : memref<256x128xf32, #tpu.memory_space<vmem>>, vector<1x16xf32>,
      %get3A_452 = vector.shape_cast %get3A_451 : vector<1x16xf32> to vector<16xf32>
      %mul3A_453 = arith.mulf %get3A_448, %get3A_452 : vector<16xf32>
      %sub3A_454 = arith.constant 256 : i32
      %sub3A_455 = arith.subi %add3A_358, %sub3A_454 : i32
      %swap3A_456 = arith.index_cast %sub3A_455 : i32 to index
      %swap3A_457 = arith.constant 112 : index
      %swap3A_458 = tpu.vector_load %arg9[%swap3A_456, %swap3A_457] {strides = array<i32>} : memref<512x128xf32, #tpu.memory_space<vmem>>, vector<1x16xf32>,
      %swap3A_459 = vector.shape_cast %swap3A_458 : vector<1x16xf32> to vector<16xf32>
      %swap3A_460 = vector.shape_cast %mul3A_453 : vector<16xf32> to vector<1x16xf32>
      tpu.vector_store %arg9[%swap3A_456, %swap3A_457], %swap3A_460 {strides = array<i32>} : memref<512x128xf32, #tpu.memory_space<vmem>>, vector<1x16xf32>,
      %add3A_461 = arith.constant 256 : i32
      %add3A_462 = arith.addi %add3A_461, %mul3A_37 : i32
      %add3A_463 = arith.constant 4 : i32
      %add3A_464 = arith.addi %add3A_462, %add3A_463 : i32
      %add3A_465 = arith.constant 256 : i32
      %add3A_466 = arith.addi %add3A_465, %mul3A_37 : i32
      %add3A_467 = arith.constant 4 : i32
      %add3A_468 = arith.addi %add3A_466, %add3A_467 : i32
      %jit3A_469 = arith.constant 2 : i32
      %div3A_470 = arith.divsi %add3A_468, %jit3A_469 : i32
      %sign3A_471 = arith.constant 0 : i32
      %sign3A_472 = arith.cmpi sgt, %add3A_468, %sign3A_471 : i32
      %sign3A_473 = arith.extui %sign3A_472 : i1 to i32
      %sign3A_474 = arith.constant 0 : i32
      %sign3A_475 = arith.cmpi slt, %add3A_468, %sign3A_474 : i32
      %sign3A_476 = arith.extui %sign3A_475 : i1 to i32
      %sign3A_477 = arith.subi %sign3A_473, %sign3A_476 : i32
      %sign3A_478 = arith.constant 0 : i32
      %sign3A_479 = arith.cmpi sgt, %jit3A_469, %sign3A_478 : i32
      %sign3A_480 = arith.extui %sign3A_479 : i1 to i32
      %sign3A_481 = arith.constant 0 : i32
      %sign3A_482 = arith.cmpi slt, %jit3A_469, %sign3A_481 : i32
      %sign3A_483 = arith.extui %sign3A_482 : i1 to i32
      %sign3A_484 = arith.subi %sign3A_480, %sign3A_483 : i32
      %ne3A_485 = arith.cmpi ne, %sign3A_477, %sign3A_484 : i32
      %rem3A_486 = arith.remsi %add3A_468, %jit3A_469 : i32
      %ne3A_487 = arith.constant 0 : i32
      %ne3A_488 = arith.cmpi ne, %rem3A_486, %ne3A_487 : i32
      %and3A_489 = arith.andi %ne3A_485, %ne3A_488 : i1
      %sub3A_490 = arith.constant 1 : i32
      %sub3A_491 = arith.subi %div3A_470, %sub3A_490 : i32
      %select_n3A_492 = arith.select %and3A_489, %sub3A_491, %div3A_470 : i32
      %slice3A_493 = vector.extract_strided_slice %select_n3A {offsets = [4], sizes = [1], strides = [1]} : vector<16xi32> to vector<1xi32>
      %squeeze3A_494 = vector.extract %slice3A_493[0] : i32 from vector<1xi32>
      %add3A_495 = arith.constant 0 : i32
      %add3A_496 = arith.addi %squeeze3A_494, %add3A_495 : i32
      %get3A_497 = arith.index_cast %add3A_464 : i32 to index
      %get3A_498 = arith.index_cast %add3A_496 : i32 to index
      %get3A_499 = tpu.vector_load %arg9[%get3A_497, %get3A_498] {strides = array<i32>} : memref<512x128xf32, #tpu.memory_space<vmem>>, vector<1x16xf32>,
      %get3A_500 = vector.shape_cast %get3A_499 : vector<1x16xf32> to vector<16xf32>
      %get3A_501 = arith.index_cast %select_n3A_492 : i32 to index
      %get3A_502 = arith.constant 0 : index
      %get3A_503 = tpu.vector_load %arg10[%get3A_501, %get3A_502] {strides = array<i32>} : memref<256x128xf32, #tpu.memory_space<vmem>>, vector<1x16xf32>,
      %get3A_504 = vector.shape_cast %get3A_503 : vector<1x16xf32> to vector<16xf32>
      %mul3A_505 = arith.mulf %get3A_500, %get3A_504 : vector<16xf32>
      %sub3A_506 = arith.constant 256 : i32
      %sub3A_507 = arith.subi %add3A_464, %sub3A_506 : i32
      %swap3A_508 = arith.index_cast %sub3A_507 : i32 to index
      %swap3A_509 = arith.constant 64 : index
      %swap3A_510 = tpu.vector_load %arg9[%swap3A_508, %swap3A_509] {strides = array<i32>} : memref<512x128xf32, #tpu.memory_space<vmem>>, vector<1x16xf32>,
      %swap3A_511 = vector.shape_cast %swap3A_510 : vector<1x16xf32> to vector<16xf32>
      %swap3A_512 = vector.shape_cast %mul3A_505 : vector<16xf32> to vector<1x16xf32>
      tpu.vector_store %arg9[%swap3A_508, %swap3A_509], %swap3A_512 {strides = array<i32>} : memref<512x128xf32, #tpu.memory_space<vmem>>, vector<1x16xf32>,
      %add3A_513 = arith.constant 16 : i32
      %add3A_514 = arith.addi %squeeze3A_494, %add3A_513 : i32
      %get3A_515 = arith.index_cast %add3A_464 : i32 to index
      %get3A_516 = arith.index_cast %add3A_514 : i32 to index
      %get3A_517 = tpu.vector_load %arg9[%get3A_515, %get3A_516] {strides = array<i32>} : memref<512x128xf32, #tpu.memory_space<vmem>>, vector<1x16xf32>,
      %get3A_518 = vector.shape_cast %get3A_517 : vector<1x16xf32> to vector<16xf32>
      %get3A_519 = arith.index_cast %select_n3A_492 : i32 to index
      %get3A_520 = arith.constant 16 : index
      %get3A_521 = tpu.vector_load %arg10[%get3A_519, %get3A_520] {strides = array<i32>} : memref<256x128xf32, #tpu.memory_space<vmem>>, vector<1x16xf32>,
      %get3A_522 = vector.shape_cast %get3A_521 : vector<1x16xf32> to vector<16xf32>
      %mul3A_523 = arith.mulf %get3A_518, %get3A_522 : vector<16xf32>
      %sub3A_524 = arith.constant 256 : i32
      %sub3A_525 = arith.subi %add3A_464, %sub3A_524 : i32
      %swap3A_526 = arith.index_cast %sub3A_525 : i32 to index
      %swap3A_527 = arith.constant 80 : index
      %swap3A_528 = tpu.vector_load %arg9[%swap3A_526, %swap3A_527] {strides = array<i32>} : memref<512x128xf32, #tpu.memory_space<vmem>>, vector<1x16xf32>,
      %swap3A_529 = vector.shape_cast %swap3A_528 : vector<1x16xf32> to vector<16xf32>
      %swap3A_530 = vector.shape_cast %mul3A_523 : vector<16xf32> to vector<1x16xf32>
      tpu.vector_store %arg9[%swap3A_526, %swap3A_527], %swap3A_530 {strides = array<i32>} : memref<512x128xf32, #tpu.memory_space<vmem>>, vector<1x16xf32>,
      %add3A_531 = arith.constant 32 : i32
      %add3A_532 = arith.addi %squeeze3A_494, %add3A_531 : i32
      %get3A_533 = arith.index_cast %add3A_464 : i32 to index
      %get3A_534 = arith.index_cast %add3A_532 : i32 to index
      %get3A_535 = tpu.vector_load %arg9[%get3A_533, %get3A_534] {strides = array<i32>} : memref<512x128xf32, #tpu.memory_space<vmem>>, vector<1x16xf32>,
      %get3A_536 = vector.shape_cast %get3A_535 : vector<1x16xf32> to vector<16xf32>
      %get3A_537 = arith.index_cast %select_n3A_492 : i32 to index
      %get3A_538 = arith.constant 32 : index
      %get3A_539 = tpu.vector_load %arg10[%get3A_537, %get3A_538] {strides = array<i32>} : memref<256x128xf32, #tpu.memory_space<vmem>>, vector<1x16xf32>,
      %get3A_540 = vector.shape_cast %get3A_539 : vector<1x16xf32> to vector<16xf32>
      %mul3A_541 = arith.mulf %get3A_536, %get3A_540 : vector<16xf32>
      %sub3A_542 = arith.constant 256 : i32
      %sub3A_543 = arith.subi %add3A_464, %sub3A_542 : i32
      %swap3A_544 = arith.index_cast %sub3A_543 : i32 to index
      %swap3A_545 = arith.constant 96 : index
      %swap3A_546 = tpu.vector_load %arg9[%swap3A_544, %swap3A_545] {strides = array<i32>} : memref<512x128xf32, #tpu.memory_space<vmem>>, vector<1x16xf32>,
      %swap3A_547 = vector.shape_cast %swap3A_546 : vector<1x16xf32> to vector<16xf32>
      %swap3A_548 = vector.shape_cast %mul3A_541 : vector<16xf32> to vector<1x16xf32>
      tpu.vector_store %arg9[%swap3A_544, %swap3A_545], %swap3A_548 {strides = array<i32>} : memref<512x128xf32, #tpu.memory_space<vmem>>, vector<1x16xf32>,
      %add3A_549 = arith.constant 48 : i32
      %add3A_550 = arith.addi %squeeze3A_494, %add3A_549 : i32
      %get3A_551 = arith.index_cast %add3A_464 : i32 to index
      %get3A_552 = arith.index_cast %add3A_550 : i32 to index
      %get3A_553 = tpu.vector_load %arg9[%get3A_551, %get3A_552] {strides = array<i32>} : memref<512x128xf32, #tpu.memory_space<vmem>>, vector<1x16xf32>,
      %get3A_554 = vector.shape_cast %get3A_553 : vector<1x16xf32> to vector<16xf32>
      %get3A_555 = arith.index_cast %select_n3A_492 : i32 to index
      %get3A_556 = arith.constant 48 : index
      %get3A_557 = tpu.vector_load %arg10[%get3A_555, %get3A_556] {strides = array<i32>} : memref<256x128xf32, #tpu.memory_space<vmem>>, vector<1x16xf32>,
      %get3A_558 = vector.shape_cast %get3A_557 : vector<1x16xf32> to vector<16xf32>
      %mul3A_559 = arith.mulf %get3A_554, %get3A_558 : vector<16xf32>
      %sub3A_560 = arith.constant 256 : i32
      %sub3A_561 = arith.subi %add3A_464, %sub3A_560 : i32
      %swap3A_562 = arith.index_cast %sub3A_561 : i32 to index
      %swap3A_563 = arith.constant 112 : index
      %swap3A_564 = tpu.vector_load %arg9[%swap3A_562, %swap3A_563] {strides = array<i32>} : memref<512x128xf32, #tpu.memory_space<vmem>>, vector<1x16xf32>,
      %swap3A_565 = vector.shape_cast %swap3A_564 : vector<1x16xf32> to vector<16xf32>
      %swap3A_566 = vector.shape_cast %mul3A_559 : vector<16xf32> to vector<1x16xf32>
      tpu.vector_store %arg9[%swap3A_562, %swap3A_563], %swap3A_566 {strides = array<i32>} : memref<512x128xf32, #tpu.memory_space<vmem>>, vector<1x16xf32>,
      %add3A_567 = arith.constant 256 : i32
      %add3A_568 = arith.addi %add3A_567, %mul3A_37 : i32
      %add3A_569 = arith.constant 5 : i32
      %add3A_570 = arith.addi %add3A_568, %add3A_569 : i32
      %add3A_571 = arith.constant 256 : i32
      %add3A_572 = arith.addi %add3A_571, %mul3A_37 : i32
      %add3A_573 = arith.constant 5 : i32
      %add3A_574 = arith.addi %add3A_572, %add3A_573 : i32
      %jit3A_575 = arith.constant 2 : i32
      %div3A_576 = arith.divsi %add3A_574, %jit3A_575 : i32
      %sign3A_577 = arith.constant 0 : i32
      %sign3A_578 = arith.cmpi sgt, %add3A_574, %sign3A_577 : i32
      %sign3A_579 = arith.extui %sign3A_578 : i1 to i32
      %sign3A_580 = arith.constant 0 : i32
      %sign3A_581 = arith.cmpi slt, %add3A_574, %sign3A_580 : i32
      %sign3A_582 = arith.extui %sign3A_581 : i1 to i32
      %sign3A_583 = arith.subi %sign3A_579, %sign3A_582 : i32
      %sign3A_584 = arith.constant 0 : i32
      %sign3A_585 = arith.cmpi sgt, %jit3A_575, %sign3A_584 : i32
      %sign3A_586 = arith.extui %sign3A_585 : i1 to i32
      %sign3A_587 = arith.constant 0 : i32
      %sign3A_588 = arith.cmpi slt, %jit3A_575, %sign3A_587 : i32
      %sign3A_589 = arith.extui %sign3A_588 : i1 to i32
      %sign3A_590 = arith.subi %sign3A_586, %sign3A_589 : i32
      %ne3A_591 = arith.cmpi ne, %sign3A_583, %sign3A_590 : i32
      %rem3A_592 = arith.remsi %add3A_574, %jit3A_575 : i32
      %ne3A_593 = arith.constant 0 : i32
      %ne3A_594 = arith.cmpi ne, %rem3A_592, %ne3A_593 : i32
      %and3A_595 = arith.andi %ne3A_591, %ne3A_594 : i1
      %sub3A_596 = arith.constant 1 : i32
      %sub3A_597 = arith.subi %div3A_576, %sub3A_596 : i32
      %select_n3A_598 = arith.select %and3A_595, %sub3A_597, %div3A_576 : i32
      %slice3A_599 = vector.extract_strided_slice %select_n3A {offsets = [5], sizes = [1], strides = [1]} : vector<16xi32> to vector<1xi32>
      %squeeze3A_600 = vector.extract %slice3A_599[0] : i32 from vector<1xi32>
      %add3A_601 = arith.constant 0 : i32
      %add3A_602 = arith.addi %squeeze3A_600, %add3A_601 : i32
      %get3A_603 = arith.index_cast %add3A_570 : i32 to index
      %get3A_604 = arith.index_cast %add3A_602 : i32 to index
      %get3A_605 = tpu.vector_load %arg9[%get3A_603, %get3A_604] {strides = array<i32>} : memref<512x128xf32, #tpu.memory_space<vmem>>, vector<1x16xf32>,
      %get3A_606 = vector.shape_cast %get3A_605 : vector<1x16xf32> to vector<16xf32>
      %get3A_607 = arith.index_cast %select_n3A_598 : i32 to index
      %get3A_608 = arith.constant 64 : index
      %get3A_609 = tpu.vector_load %arg10[%get3A_607, %get3A_608] {strides = array<i32>} : memref<256x128xf32, #tpu.memory_space<vmem>>, vector<1x16xf32>,
      %get3A_610 = vector.shape_cast %get3A_609 : vector<1x16xf32> to vector<16xf32>
      %mul3A_611 = arith.mulf %get3A_606, %get3A_610 : vector<16xf32>
      %sub3A_612 = arith.constant 256 : i32
      %sub3A_613 = arith.subi %add3A_570, %sub3A_612 : i32
      %swap3A_614 = arith.index_cast %sub3A_613 : i32 to index
      %swap3A_615 = arith.constant 64 : index
      %swap3A_616 = tpu.vector_load %arg9[%swap3A_614, %swap3A_615] {strides = array<i32>} : memref<512x128xf32, #tpu.memory_space<vmem>>, vector<1x16xf32>,
      %swap3A_617 = vector.shape_cast %swap3A_616 : vector<1x16xf32> to vector<16xf32>
      %swap3A_618 = vector.shape_cast %mul3A_611 : vector<16xf32> to vector<1x16xf32>
      tpu.vector_store %arg9[%swap3A_614, %swap3A_615], %swap3A_618 {strides = array<i32>} : memref<512x128xf32, #tpu.memory_space<vmem>>, vector<1x16xf32>,
      %add3A_619 = arith.constant 16 : i32
      %add3A_620 = arith.addi %squeeze3A_600, %add3A_619 : i32
      %get3A_621 = arith.index_cast %add3A_570 : i32 to index
      %get3A_622 = arith.index_cast %add3A_620 : i32 to index
      %get3A_623 = tpu.vector_load %arg9[%get3A_621, %get3A_622] {strides = array<i32>} : memref<512x128xf32, #tpu.memory_space<vmem>>, vector<1x16xf32>,
      %get3A_624 = vector.shape_cast %get3A_623 : vector<1x16xf32> to vector<16xf32>
      %get3A_625 = arith.index_cast %select_n3A_598 : i32 to index
      %get3A_626 = arith.constant 80 : index
      %get3A_627 = tpu.vector_load %arg10[%get3A_625, %get3A_626] {strides = array<i32>} : memref<256x128xf32, #tpu.memory_space<vmem>>, vector<1x16xf32>,
      %get3A_628 = vector.shape_cast %get3A_627 : vector<1x16xf32> to vector<16xf32>
      %mul3A_629 = arith.mulf %get3A_624, %get3A_628 : vector<16xf32>
      %sub3A_630 = arith.constant 256 : i32
      %sub3A_631 = arith.subi %add3A_570, %sub3A_630 : i32
      %swap3A_632 = arith.index_cast %sub3A_631 : i32 to index
      %swap3A_633 = arith.constant 80 : index
      %swap3A_634 = tpu.vector_load %arg9[%swap3A_632, %swap3A_633] {strides = array<i32>} : memref<512x128xf32, #tpu.memory_space<vmem>>, vector<1x16xf32>,
      %swap3A_635 = vector.shape_cast %swap3A_634 : vector<1x16xf32> to vector<16xf32>
      %swap3A_636 = vector.shape_cast %mul3A_629 : vector<16xf32> to vector<1x16xf32>
      tpu.vector_store %arg9[%swap3A_632, %swap3A_633], %swap3A_636 {strides = array<i32>} : memref<512x128xf32, #tpu.memory_space<vmem>>, vector<1x16xf32>,
      %add3A_637 = arith.constant 32 : i32
      %add3A_638 = arith.addi %squeeze3A_600, %add3A_637 : i32
      %get3A_639 = arith.index_cast %add3A_570 : i32 to index
      %get3A_640 = arith.index_cast %add3A_638 : i32 to index
      %get3A_641 = tpu.vector_load %arg9[%get3A_639, %get3A_640] {strides = array<i32>} : memref<512x128xf32, #tpu.memory_space<vmem>>, vector<1x16xf32>,
      %get3A_642 = vector.shape_cast %get3A_641 : vector<1x16xf32> to vector<16xf32>
      %get3A_643 = arith.index_cast %select_n3A_598 : i32 to index
      %get3A_644 = arith.constant 96 : index
      %get3A_645 = tpu.vector_load %arg10[%get3A_643, %get3A_644] {strides = array<i32>} : memref<256x128xf32, #tpu.memory_space<vmem>>, vector<1x16xf32>,
      %get3A_646 = vector.shape_cast %get3A_645 : vector<1x16xf32> to vector<16xf32>
      %mul3A_647 = arith.mulf %get3A_642, %get3A_646 : vector<16xf32>
      %sub3A_648 = arith.constant 256 : i32
      %sub3A_649 = arith.subi %add3A_570, %sub3A_648 : i32
      %swap3A_650 = arith.index_cast %sub3A_649 : i32 to index
      %swap3A_651 = arith.constant 96 : index
      %swap3A_652 = tpu.vector_load %arg9[%swap3A_650, %swap3A_651] {strides = array<i32>} : memref<512x128xf32, #tpu.memory_space<vmem>>, vector<1x16xf32>,
      %swap3A_653 = vector.shape_cast %swap3A_652 : vector<1x16xf32> to vector<16xf32>
      %swap3A_654 = vector.shape_cast %mul3A_647 : vector<16xf32> to vector<1x16xf32>
      tpu.vector_store %arg9[%swap3A_650, %swap3A_651], %swap3A_654 {strides = array<i32>} : memref<512x128xf32, #tpu.memory_space<vmem>>, vector<1x16xf32>,
      %add3A_655 = arith.constant 48 : i32
      %add3A_656 = arith.addi %squeeze3A_600, %add3A_655 : i32
      %get3A_657 = arith.index_cast %add3A_570 : i32 to index
      %get3A_658 = arith.index_cast %add3A_656 : i32 to index
      %get3A_659 = tpu.vector_load %arg9[%get3A_657, %get3A_658] {strides = array<i32>} : memref<512x128xf32, #tpu.memory_space<vmem>>, vector<1x16xf32>,
      %get3A_660 = vector.shape_cast %get3A_659 : vector<1x16xf32> to vector<16xf32>
      %get3A_661 = arith.index_cast %select_n3A_598 : i32 to index
      %get3A_662 = arith.constant 112 : index
      %get3A_663 = tpu.vector_load %arg10[%get3A_661, %get3A_662] {strides = array<i32>} : memref<256x128xf32, #tpu.memory_space<vmem>>, vector<1x16xf32>,
      %get3A_664 = vector.shape_cast %get3A_663 : vector<1x16xf32> to vector<16xf32>
      %mul3A_665 = arith.mulf %get3A_660, %get3A_664 : vector<16xf32>
      %sub3A_666 = arith.constant 256 : i32
      %sub3A_667 = arith.subi %add3A_570, %sub3A_666 : i32
      %swap3A_668 = arith.index_cast %sub3A_667 : i32 to index
      %swap3A_669 = arith.constant 112 : index
      %swap3A_670 = tpu.vector_load %arg9[%swap3A_668, %swap3A_669] {strides = array<i32>} : memref<512x128xf32, #tpu.memory_space<vmem>>, vector<1x16xf32>,
      %swap3A_671 = vector.shape_cast %swap3A_670 : vector<1x16xf32> to vector<16xf32>
      %swap3A_672 = vector.shape_cast %mul3A_665 : vector<16xf32> to vector<1x16xf32>
      tpu.vector_store %arg9[%swap3A_668, %swap3A_669], %swap3A_672 {strides = array<i32>} : memref<512x128xf32, #tpu.memory_space<vmem>>, vector<1x16xf32>,
      %add3A_673 = arith.constant 256 : i32
      %add3A_674 = arith.addi %add3A_673, %mul3A_37 : i32
      %add3A_675 = arith.constant 6 : i32
      %add3A_676 = arith.addi %add3A_674, %add3A_675 : i32
      %add3A_677 = arith.constant 256 : i32
      %add3A_678 = arith.addi %add3A_677, %mul3A_37 : i32
      %add3A_679 = arith.constant 6 : i32
      %add3A_680 = arith.addi %add3A_678, %add3A_679 : i32
      %jit3A_681 = arith.constant 2 : i32
      %div3A_682 = arith.divsi %add3A_680, %jit3A_681 : i32
      %sign3A_683 = arith.constant 0 : i32
      %sign3A_684 = arith.cmpi sgt, %add3A_680, %sign3A_683 : i32
      %sign3A_685 = arith.extui %sign3A_684 : i1 to i32
      %sign3A_686 = arith.constant 0 : i32
      %sign3A_687 = arith.cmpi slt, %add3A_680, %sign3A_686 : i32
      %sign3A_688 = arith.extui %sign3A_687 : i1 to i32
      %sign3A_689 = arith.subi %sign3A_685, %sign3A_688 : i32
      %sign3A_690 = arith.constant 0 : i32
      %sign3A_691 = arith.cmpi sgt, %jit3A_681, %sign3A_690 : i32
      %sign3A_692 = arith.extui %sign3A_691 : i1 to i32
      %sign3A_693 = arith.constant 0 : i32
      %sign3A_694 = arith.cmpi slt, %jit3A_681, %sign3A_693 : i32
      %sign3A_695 = arith.extui %sign3A_694 : i1 to i32
      %sign3A_696 = arith.subi %sign3A_692, %sign3A_695 : i32
      %ne3A_697 = arith.cmpi ne, %sign3A_689, %sign3A_696 : i32
      %rem3A_698 = arith.remsi %add3A_680, %jit3A_681 : i32
      %ne3A_699 = arith.constant 0 : i32
      %ne3A_700 = arith.cmpi ne, %rem3A_698, %ne3A_699 : i32
      %and3A_701 = arith.andi %ne3A_697, %ne3A_700 : i1
      %sub3A_702 = arith.constant 1 : i32
      %sub3A_703 = arith.subi %div3A_682, %sub3A_702 : i32
      %select_n3A_704 = arith.select %and3A_701, %sub3A_703, %div3A_682 : i32
      %slice3A_705 = vector.extract_strided_slice %select_n3A {offsets = [6], sizes = [1], strides = [1]} : vector<16xi32> to vector<1xi32>
      %squeeze3A_706 = vector.extract %slice3A_705[0] : i32 from vector<1xi32>
      %add3A_707 = arith.constant 0 : i32
      %add3A_708 = arith.addi %squeeze3A_706, %add3A_707 : i32
      %get3A_709 = arith.index_cast %add3A_676 : i32 to index
      %get3A_710 = arith.index_cast %add3A_708 : i32 to index
      %get3A_711 = tpu.vector_load %arg9[%get3A_709, %get3A_710] {strides = array<i32>} : memref<512x128xf32, #tpu.memory_space<vmem>>, vector<1x16xf32>,
      %get3A_712 = vector.shape_cast %get3A_711 : vector<1x16xf32> to vector<16xf32>
      %get3A_713 = arith.index_cast %select_n3A_704 : i32 to index
      %get3A_714 = arith.constant 0 : index
      %get3A_715 = tpu.vector_load %arg10[%get3A_713, %get3A_714] {strides = array<i32>} : memref<256x128xf32, #tpu.memory_space<vmem>>, vector<1x16xf32>,
      %get3A_716 = vector.shape_cast %get3A_715 : vector<1x16xf32> to vector<16xf32>
      %mul3A_717 = arith.mulf %get3A_712, %get3A_716 : vector<16xf32>
      %sub3A_718 = arith.constant 256 : i32
      %sub3A_719 = arith.subi %add3A_676, %sub3A_718 : i32
      %swap3A_720 = arith.index_cast %sub3A_719 : i32 to index
      %swap3A_721 = arith.constant 64 : index
      %swap3A_722 = tpu.vector_load %arg9[%swap3A_720, %swap3A_721] {strides = array<i32>} : memref<512x128xf32, #tpu.memory_space<vmem>>, vector<1x16xf32>,
      %swap3A_723 = vector.shape_cast %swap3A_722 : vector<1x16xf32> to vector<16xf32>
      %swap3A_724 = vector.shape_cast %mul3A_717 : vector<16xf32> to vector<1x16xf32>
      tpu.vector_store %arg9[%swap3A_720, %swap3A_721], %swap3A_724 {strides = array<i32>} : memref<512x128xf32, #tpu.memory_space<vmem>>, vector<1x16xf32>,
      %add3A_725 = arith.constant 16 : i32
      %add3A_726 = arith.addi %squeeze3A_706, %add3A_725 : i32
      %get3A_727 = arith.index_cast %add3A_676 : i32 to index
      %get3A_728 = arith.index_cast %add3A_726 : i32 to index
      %get3A_729 = tpu.vector_load %arg9[%get3A_727, %get3A_728] {strides = array<i32>} : memref<512x128xf32, #tpu.memory_space<vmem>>, vector<1x16xf32>,
      %get3A_730 = vector.shape_cast %get3A_729 : vector<1x16xf32> to vector<16xf32>
      %get3A_731 = arith.index_cast %select_n3A_704 : i32 to index
      %get3A_732 = arith.constant 16 : index
      %get3A_733 = tpu.vector_load %arg10[%get3A_731, %get3A_732] {strides = array<i32>} : memref<256x128xf32, #tpu.memory_space<vmem>>, vector<1x16xf32>,
      %get3A_734 = vector.shape_cast %get3A_733 : vector<1x16xf32> to vector<16xf32>
      %mul3A_735 = arith.mulf %get3A_730, %get3A_734 : vector<16xf32>
      %sub3A_736 = arith.constant 256 : i32
      %sub3A_737 = arith.subi %add3A_676, %sub3A_736 : i32
      %swap3A_738 = arith.index_cast %sub3A_737 : i32 to index
      %swap3A_739 = arith.constant 80 : index
      %swap3A_740 = tpu.vector_load %arg9[%swap3A_738, %swap3A_739] {strides = array<i32>} : memref<512x128xf32, #tpu.memory_space<vmem>>, vector<1x16xf32>,
      %swap3A_741 = vector.shape_cast %swap3A_740 : vector<1x16xf32> to vector<16xf32>
      %swap3A_742 = vector.shape_cast %mul3A_735 : vector<16xf32> to vector<1x16xf32>
      tpu.vector_store %arg9[%swap3A_738, %swap3A_739], %swap3A_742 {strides = array<i32>} : memref<512x128xf32, #tpu.memory_space<vmem>>, vector<1x16xf32>,
      %add3A_743 = arith.constant 32 : i32
      %add3A_744 = arith.addi %squeeze3A_706, %add3A_743 : i32
      %get3A_745 = arith.index_cast %add3A_676 : i32 to index
      %get3A_746 = arith.index_cast %add3A_744 : i32 to index
      %get3A_747 = tpu.vector_load %arg9[%get3A_745, %get3A_746] {strides = array<i32>} : memref<512x128xf32, #tpu.memory_space<vmem>>, vector<1x16xf32>,
      %get3A_748 = vector.shape_cast %get3A_747 : vector<1x16xf32> to vector<16xf32>
      %get3A_749 = arith.index_cast %select_n3A_704 : i32 to index
      %get3A_750 = arith.constant 32 : index
      %get3A_751 = tpu.vector_load %arg10[%get3A_749, %get3A_750] {strides = array<i32>} : memref<256x128xf32, #tpu.memory_space<vmem>>, vector<1x16xf32>,
      %get3A_752 = vector.shape_cast %get3A_751 : vector<1x16xf32> to vector<16xf32>
      %mul3A_753 = arith.mulf %get3A_748, %get3A_752 : vector<16xf32>
      %sub3A_754 = arith.constant 256 : i32
      %sub3A_755 = arith.subi %add3A_676, %sub3A_754 : i32
      %swap3A_756 = arith.index_cast %sub3A_755 : i32 to index
      %swap3A_757 = arith.constant 96 : index
      %swap3A_758 = tpu.vector_load %arg9[%swap3A_756, %swap3A_757] {strides = array<i32>} : memref<512x128xf32, #tpu.memory_space<vmem>>, vector<1x16xf32>,
      %swap3A_759 = vector.shape_cast %swap3A_758 : vector<1x16xf32> to vector<16xf32>
      %swap3A_760 = vector.shape_cast %mul3A_753 : vector<16xf32> to vector<1x16xf32>
      tpu.vector_store %arg9[%swap3A_756, %swap3A_757], %swap3A_760 {strides = array<i32>} : memref<512x128xf32, #tpu.memory_space<vmem>>, vector<1x16xf32>,
      %add3A_761 = arith.constant 48 : i32
      %add3A_762 = arith.addi %squeeze3A_706, %add3A_761 : i32
      %get3A_763 = arith.index_cast %add3A_676 : i32 to index
      %get3A_764 = arith.index_cast %add3A_762 : i32 to index
      %get3A_765 = tpu.vector_load %arg9[%get3A_763, %get3A_764] {strides = array<i32>} : memref<512x128xf32, #tpu.memory_space<vmem>>, vector<1x16xf32>,
      %get3A_766 = vector.shape_cast %get3A_765 : vector<1x16xf32> to vector<16xf32>
      %get3A_767 = arith.index_cast %select_n3A_704 : i32 to index
      %get3A_768 = arith.constant 48 : index
      %get3A_769 = tpu.vector_load %arg10[%get3A_767, %get3A_768] {strides = array<i32>} : memref<256x128xf32, #tpu.memory_space<vmem>>, vector<1x16xf32>,
      %get3A_770 = vector.shape_cast %get3A_769 : vector<1x16xf32> to vector<16xf32>
      %mul3A_771 = arith.mulf %get3A_766, %get3A_770 : vector<16xf32>
      %sub3A_772 = arith.constant 256 : i32
      %sub3A_773 = arith.subi %add3A_676, %sub3A_772 : i32
      %swap3A_774 = arith.index_cast %sub3A_773 : i32 to index
      %swap3A_775 = arith.constant 112 : index
      %swap3A_776 = tpu.vector_load %arg9[%swap3A_774, %swap3A_775] {strides = array<i32>} : memref<512x128xf32, #tpu.memory_space<vmem>>, vector<1x16xf32>,
      %swap3A_777 = vector.shape_cast %swap3A_776 : vector<1x16xf32> to vector<16xf32>
      %swap3A_778 = vector.shape_cast %mul3A_771 : vector<16xf32> to vector<1x16xf32>
      tpu.vector_store %arg9[%swap3A_774, %swap3A_775], %swap3A_778 {strides = array<i32>} : memref<512x128xf32, #tpu.memory_space<vmem>>, vector<1x16xf32>,
      %add3A_779 = arith.constant 256 : i32
      %add3A_780 = arith.addi %add3A_779, %mul3A_37 : i32
      %add3A_781 = arith.constant 7 : i32
      %add3A_782 = arith.addi %add3A_780, %add3A_781 : i32
      %add3A_783 = arith.constant 256 : i32
      %add3A_784 = arith.addi %add3A_783, %mul3A_37 : i32
      %add3A_785 = arith.constant 7 : i32
      %add3A_786 = arith.addi %add3A_784, %add3A_785 : i32
      %jit3A_787 = arith.constant 2 : i32
      %div3A_788 = arith.divsi %add3A_786, %jit3A_787 : i32
      %sign3A_789 = arith.constant 0 : i32
      %sign3A_790 = arith.cmpi sgt, %add3A_786, %sign3A_789 : i32
      %sign3A_791 = arith.extui %sign3A_790 : i1 to i32
      %sign3A_792 = arith.constant 0 : i32
      %sign3A_793 = arith.cmpi slt, %add3A_786, %sign3A_792 : i32
      %sign3A_794 = arith.extui %sign3A_793 : i1 to i32
      %sign3A_795 = arith.subi %sign3A_791, %sign3A_794 : i32
      %sign3A_796 = arith.constant 0 : i32
      %sign3A_797 = arith.cmpi sgt, %jit3A_787, %sign3A_796 : i32
      %sign3A_798 = arith.extui %sign3A_797 : i1 to i32
      %sign3A_799 = arith.constant 0 : i32
      %sign3A_800 = arith.cmpi slt, %jit3A_787, %sign3A_799 : i32
      %sign3A_801 = arith.extui %sign3A_800 : i1 to i32
      %sign3A_802 = arith.subi %sign3A_798, %sign3A_801 : i32
      %ne3A_803 = arith.cmpi ne, %sign3A_795, %sign3A_802 : i32
      %rem3A_804 = arith.remsi %add3A_786, %jit3A_787 : i32
      %ne3A_805 = arith.constant 0 : i32
      %ne3A_806 = arith.cmpi ne, %rem3A_804, %ne3A_805 : i32
      %and3A_807 = arith.andi %ne3A_803, %ne3A_806 : i1
      %sub3A_808 = arith.constant 1 : i32
      %sub3A_809 = arith.subi %div3A_788, %sub3A_808 : i32
      %select_n3A_810 = arith.select %and3A_807, %sub3A_809, %div3A_788 : i32
      %slice3A_811 = vector.extract_strided_slice %select_n3A {offsets = [7], sizes = [1], strides = [1]} : vector<16xi32> to vector<1xi32>
      %squeeze3A_812 = vector.extract %slice3A_811[0] : i32 from vector<1xi32>
      %add3A_813 = arith.constant 0 : i32
      %add3A_814 = arith.addi %squeeze3A_812, %add3A_813 : i32
      %get3A_815 = arith.index_cast %add3A_782 : i32 to index
      %get3A_816 = arith.index_cast %add3A_814 : i32 to index
      %get3A_817 = tpu.vector_load %arg9[%get3A_815, %get3A_816] {strides = array<i32>} : memref<512x128xf32, #tpu.memory_space<vmem>>, vector<1x16xf32>,
      %get3A_818 = vector.shape_cast %get3A_817 : vector<1x16xf32> to vector<16xf32>
      %get3A_819 = arith.index_cast %select_n3A_810 : i32 to index
      %get3A_820 = arith.constant 64 : index
      %get3A_821 = tpu.vector_load %arg10[%get3A_819, %get3A_820] {strides = array<i32>} : memref<256x128xf32, #tpu.memory_space<vmem>>, vector<1x16xf32>,
      %get3A_822 = vector.shape_cast %get3A_821 : vector<1x16xf32> to vector<16xf32>
      %mul3A_823 = arith.mulf %get3A_818, %get3A_822 : vector<16xf32>
      %sub3A_824 = arith.constant 256 : i32
      %sub3A_825 = arith.subi %add3A_782, %sub3A_824 : i32
      %swap3A_826 = arith.index_cast %sub3A_825 : i32 to index
      %swap3A_827 = arith.constant 64 : index
      %swap3A_828 = tpu.vector_load %arg9[%swap3A_826, %swap3A_827] {strides = array<i32>} : memref<512x128xf32, #tpu.memory_space<vmem>>, vector<1x16xf32>,
      %swap3A_829 = vector.shape_cast %swap3A_828 : vector<1x16xf32> to vector<16xf32>
      %swap3A_830 = vector.shape_cast %mul3A_823 : vector<16xf32> to vector<1x16xf32>
      tpu.vector_store %arg9[%swap3A_826, %swap3A_827], %swap3A_830 {strides = array<i32>} : memref<512x128xf32, #tpu.memory_space<vmem>>, vector<1x16xf32>,
      %add3A_831 = arith.constant 16 : i32
      %add3A_832 = arith.addi %squeeze3A_812, %add3A_831 : i32
      %get3A_833 = arith.index_cast %add3A_782 : i32 to index
      %get3A_834 = arith.index_cast %add3A_832 : i32 to index
      %get3A_835 = tpu.vector_load %arg9[%get3A_833, %get3A_834] {strides = array<i32>} : memref<512x128xf32, #tpu.memory_space<vmem>>, vector<1x16xf32>,
      %get3A_836 = vector.shape_cast %get3A_835 : vector<1x16xf32> to vector<16xf32>
      %get3A_837 = arith.index_cast %select_n3A_810 : i32 to index
      %get3A_838 = arith.constant 80 : index
      %get3A_839 = tpu.vector_load %arg10[%get3A_837, %get3A_838] {strides = array<i32>} : memref<256x128xf32, #tpu.memory_space<vmem>>, vector<1x16xf32>,
      %get3A_840 = vector.shape_cast %get3A_839 : vector<1x16xf32> to vector<16xf32>
      %mul3A_841 = arith.mulf %get3A_836, %get3A_840 : vector<16xf32>
      %sub3A_842 = arith.constant 256 : i32
      %sub3A_843 = arith.subi %add3A_782, %sub3A_842 : i32
      %swap3A_844 = arith.index_cast %sub3A_843 : i32 to index
      %swap3A_845 = arith.constant 80 : index
      %swap3A_846 = tpu.vector_load %arg9[%swap3A_844, %swap3A_845] {strides = array<i32>} : memref<512x128xf32, #tpu.memory_space<vmem>>, vector<1x16xf32>,
      %swap3A_847 = vector.shape_cast %swap3A_846 : vector<1x16xf32> to vector<16xf32>
      %swap3A_848 = vector.shape_cast %mul3A_841 : vector<16xf32> to vector<1x16xf32>
      tpu.vector_store %arg9[%swap3A_844, %swap3A_845], %swap3A_848 {strides = array<i32>} : memref<512x128xf32, #tpu.memory_space<vmem>>, vector<1x16xf32>,
      %add3A_849 = arith.constant 32 : i32
      %add3A_850 = arith.addi %squeeze3A_812, %add3A_849 : i32
      %get3A_851 = arith.index_cast %add3A_782 : i32 to index
      %get3A_852 = arith.index_cast %add3A_850 : i32 to index
      %get3A_853 = tpu.vector_load %arg9[%get3A_851, %get3A_852] {strides = array<i32>} : memref<512x128xf32, #tpu.memory_space<vmem>>, vector<1x16xf32>,
      %get3A_854 = vector.shape_cast %get3A_853 : vector<1x16xf32> to vector<16xf32>
      %get3A_855 = arith.index_cast %select_n3A_810 : i32 to index
      %get3A_856 = arith.constant 96 : index
      %get3A_857 = tpu.vector_load %arg10[%get3A_855, %get3A_856] {strides = array<i32>} : memref<256x128xf32, #tpu.memory_space<vmem>>, vector<1x16xf32>,
      %get3A_858 = vector.shape_cast %get3A_857 : vector<1x16xf32> to vector<16xf32>
      %mul3A_859 = arith.mulf %get3A_854, %get3A_858 : vector<16xf32>
      %sub3A_860 = arith.constant 256 : i32
      %sub3A_861 = arith.subi %add3A_782, %sub3A_860 : i32
      %swap3A_862 = arith.index_cast %sub3A_861 : i32 to index
      %swap3A_863 = arith.constant 96 : index
      %swap3A_864 = tpu.vector_load %arg9[%swap3A_862, %swap3A_863] {strides = array<i32>} : memref<512x128xf32, #tpu.memory_space<vmem>>, vector<1x16xf32>,
      %swap3A_865 = vector.shape_cast %swap3A_864 : vector<1x16xf32> to vector<16xf32>
      %swap3A_866 = vector.shape_cast %mul3A_859 : vector<16xf32> to vector<1x16xf32>
      tpu.vector_store %arg9[%swap3A_862, %swap3A_863], %swap3A_866 {strides = array<i32>} : memref<512x128xf32, #tpu.memory_space<vmem>>, vector<1x16xf32>,
      %add3A_867 = arith.constant 48 : i32
      %add3A_868 = arith.addi %squeeze3A_812, %add3A_867 : i32
      %get3A_869 = arith.index_cast %add3A_782 : i32 to index
      %get3A_870 = arith.index_cast %add3A_868 : i32 to index
      %get3A_871 = tpu.vector_load %arg9[%get3A_869, %get3A_870] {strides = array<i32>} : memref<512x128xf32, #tpu.memory_space<vmem>>, vector<1x16xf32>,
      %get3A_872 = vector.shape_cast %get3A_871 : vector<1x16xf32> to vector<16xf32>
      %get3A_873 = arith.index_cast %select_n3A_810 : i32 to index
      %get3A_874 = arith.constant 112 : index
      %get3A_875 = tpu.vector_load %arg10[%get3A_873, %get3A_874] {strides = array<i32>} : memref<256x128xf32, #tpu.memory_space<vmem>>, vector<1x16xf32>,
      %get3A_876 = vector.shape_cast %get3A_875 : vector<1x16xf32> to vector<16xf32>
      %mul3A_877 = arith.mulf %get3A_872, %get3A_876 : vector<16xf32>
      %sub3A_878 = arith.constant 256 : i32
      %sub3A_879 = arith.subi %add3A_782, %sub3A_878 : i32
      %swap3A_880 = arith.index_cast %sub3A_879 : i32 to index
      %swap3A_881 = arith.constant 112 : index
      %swap3A_882 = tpu.vector_load %arg9[%swap3A_880, %swap3A_881] {strides = array<i32>} : memref<512x128xf32, #tpu.memory_space<vmem>>, vector<1x16xf32>,
      %swap3A_883 = vector.shape_cast %swap3A_882 : vector<1x16xf32> to vector<16xf32>
      %swap3A_884 = vector.shape_cast %mul3A_877 : vector<16xf32> to vector<1x16xf32>
      tpu.vector_store %arg9[%swap3A_880, %swap3A_881], %swap3A_884 {strides = array<i32>} : memref<512x128xf32, #tpu.memory_space<vmem>>, vector<1x16xf32>,
      %add3A_885 = arith.constant 256 : i32
      %add3A_886 = arith.addi %add3A_885, %mul3A_37 : i32
      %add3A_887 = arith.constant 8 : i32
      %add3A_888 = arith.addi %add3A_886, %add3A_887 : i32
      %add3A_889 = arith.constant 256 : i32
      %add3A_890 = arith.addi %add3A_889, %mul3A_37 : i32
      %add3A_891 = arith.constant 8 : i32
      %add3A_892 = arith.addi %add3A_890, %add3A_891 : i32
      %jit3A_893 = arith.constant 2 : i32
      %div3A_894 = arith.divsi %add3A_892, %jit3A_893 : i32
      %sign3A_895 = arith.constant 0 : i32
      %sign3A_896 = arith.cmpi sgt, %add3A_892, %sign3A_895 : i32
      %sign3A_897 = arith.extui %sign3A_896 : i1 to i32
      %sign3A_898 = arith.constant 0 : i32
      %sign3A_899 = arith.cmpi slt, %add3A_892, %sign3A_898 : i32
      %sign3A_900 = arith.extui %sign3A_899 : i1 to i32
      %sign3A_901 = arith.subi %sign3A_897, %sign3A_900 : i32
      %sign3A_902 = arith.constant 0 : i32
      %sign3A_903 = arith.cmpi sgt, %jit3A_893, %sign3A_902 : i32
      %sign3A_904 = arith.extui %sign3A_903 : i1 to i32
      %sign3A_905 = arith.constant 0 : i32
      %sign3A_906 = arith.cmpi slt, %jit3A_893, %sign3A_905 : i32
      %sign3A_907 = arith.extui %sign3A_906 : i1 to i32
      %sign3A_908 = arith.subi %sign3A_904, %sign3A_907 : i32
      %ne3A_909 = arith.cmpi ne, %sign3A_901, %sign3A_908 : i32
      %rem3A_910 = arith.remsi %add3A_892, %jit3A_893 : i32
      %ne3A_911 = arith.constant 0 : i32
      %ne3A_912 = arith.cmpi ne, %rem3A_910, %ne3A_911 : i32
      %and3A_913 = arith.andi %ne3A_909, %ne3A_912 : i1
      %sub3A_914 = arith.constant 1 : i32
      %sub3A_915 = arith.subi %div3A_894, %sub3A_914 : i32
      %select_n3A_916 = arith.select %and3A_913, %sub3A_915, %div3A_894 : i32
      %slice3A_917 = vector.extract_strided_slice %select_n3A {offsets = [8], sizes = [1], strides = [1]} : vector<16xi32> to vector<1xi32>
      %squeeze3A_918 = vector.extract %slice3A_917[0] : i32 from vector<1xi32>
      %add3A_919 = arith.constant 0 : i32
      %add3A_920 = arith.addi %squeeze3A_918, %add3A_919 : i32
      %get3A_921 = arith.index_cast %add3A_888 : i32 to index
      %get3A_922 = arith.index_cast %add3A_920 : i32 to index
      %get3A_923 = tpu.vector_load %arg9[%get3A_921, %get3A_922] {strides = array<i32>} : memref<512x128xf32, #tpu.memory_space<vmem>>, vector<1x16xf32>,
      %get3A_924 = vector.shape_cast %get3A_923 : vector<1x16xf32> to vector<16xf32>
      %get3A_925 = arith.index_cast %select_n3A_916 : i32 to index
      %get3A_926 = arith.constant 0 : index
      %get3A_927 = tpu.vector_load %arg10[%get3A_925, %get3A_926] {strides = array<i32>} : memref<256x128xf32, #tpu.memory_space<vmem>>, vector<1x16xf32>,
      %get3A_928 = vector.shape_cast %get3A_927 : vector<1x16xf32> to vector<16xf32>
      %mul3A_929 = arith.mulf %get3A_924, %get3A_928 : vector<16xf32>
      %sub3A_930 = arith.constant 256 : i32
      %sub3A_931 = arith.subi %add3A_888, %sub3A_930 : i32
      %swap3A_932 = arith.index_cast %sub3A_931 : i32 to index
      %swap3A_933 = arith.constant 64 : index
      %swap3A_934 = tpu.vector_load %arg9[%swap3A_932, %swap3A_933] {strides = array<i32>} : memref<512x128xf32, #tpu.memory_space<vmem>>, vector<1x16xf32>,
      %swap3A_935 = vector.shape_cast %swap3A_934 : vector<1x16xf32> to vector<16xf32>
      %swap3A_936 = vector.shape_cast %mul3A_929 : vector<16xf32> to vector<1x16xf32>
      tpu.vector_store %arg9[%swap3A_932, %swap3A_933], %swap3A_936 {strides = array<i32>} : memref<512x128xf32, #tpu.memory_space<vmem>>, vector<1x16xf32>,
      %add3A_937 = arith.constant 16 : i32
      %add3A_938 = arith.addi %squeeze3A_918, %add3A_937 : i32
      %get3A_939 = arith.index_cast %add3A_888 : i32 to index
      %get3A_940 = arith.index_cast %add3A_938 : i32 to index
      %get3A_941 = tpu.vector_load %arg9[%get3A_939, %get3A_940] {strides = array<i32>} : memref<512x128xf32, #tpu.memory_space<vmem>>, vector<1x16xf32>,
      %get3A_942 = vector.shape_cast %get3A_941 : vector<1x16xf32> to vector<16xf32>
      %get3A_943 = arith.index_cast %select_n3A_916 : i32 to index
      %get3A_944 = arith.constant 16 : index
      %get3A_945 = tpu.vector_load %arg10[%get3A_943, %get3A_944] {strides = array<i32>} : memref<256x128xf32, #tpu.memory_space<vmem>>, vector<1x16xf32>,
      %get3A_946 = vector.shape_cast %get3A_945 : vector<1x16xf32> to vector<16xf32>
      %mul3A_947 = arith.mulf %get3A_942, %get3A_946 : vector<16xf32>
      %sub3A_948 = arith.constant 256 : i32
      %sub3A_949 = arith.subi %add3A_888, %sub3A_948 : i32
      %swap3A_950 = arith.index_cast %sub3A_949 : i32 to index
      %swap3A_951 = arith.constant 80 : index
      %swap3A_952 = tpu.vector_load %arg9[%swap3A_950, %swap3A_951] {strides = array<i32>} : memref<512x128xf32, #tpu.memory_space<vmem>>, vector<1x16xf32>,
      %swap3A_953 = vector.shape_cast %swap3A_952 : vector<1x16xf32> to vector<16xf32>
      %swap3A_954 = vector.shape_cast %mul3A_947 : vector<16xf32> to vector<1x16xf32>
      tpu.vector_store %arg9[%swap3A_950, %swap3A_951], %swap3A_954 {strides = array<i32>} : memref<512x128xf32, #tpu.memory_space<vmem>>, vector<1x16xf32>,
      %add3A_955 = arith.constant 32 : i32
      %add3A_956 = arith.addi %squeeze3A_918, %add3A_955 : i32
      %get3A_957 = arith.index_cast %add3A_888 : i32 to index
      %get3A_958 = arith.index_cast %add3A_956 : i32 to index
      %get3A_959 = tpu.vector_load %arg9[%get3A_957, %get3A_958] {strides = array<i32>} : memref<512x128xf32, #tpu.memory_space<vmem>>, vector<1x16xf32>,
      %get3A_960 = vector.shape_cast %get3A_959 : vector<1x16xf32> to vector<16xf32>
      %get3A_961 = arith.index_cast %select_n3A_916 : i32 to index
      %get3A_962 = arith.constant 32 : index
      %get3A_963 = tpu.vector_load %arg10[%get3A_961, %get3A_962] {strides = array<i32>} : memref<256x128xf32, #tpu.memory_space<vmem>>, vector<1x16xf32>,
      %get3A_964 = vector.shape_cast %get3A_963 : vector<1x16xf32> to vector<16xf32>
      %mul3A_965 = arith.mulf %get3A_960, %get3A_964 : vector<16xf32>
      %sub3A_966 = arith.constant 256 : i32
      %sub3A_967 = arith.subi %add3A_888, %sub3A_966 : i32
      %swap3A_968 = arith.index_cast %sub3A_967 : i32 to index
      %swap3A_969 = arith.constant 96 : index
      %swap3A_970 = tpu.vector_load %arg9[%swap3A_968, %swap3A_969] {strides = array<i32>} : memref<512x128xf32, #tpu.memory_space<vmem>>, vector<1x16xf32>,
      %swap3A_971 = vector.shape_cast %swap3A_970 : vector<1x16xf32> to vector<16xf32>
      %swap3A_972 = vector.shape_cast %mul3A_965 : vector<16xf32> to vector<1x16xf32>
      tpu.vector_store %arg9[%swap3A_968, %swap3A_969], %swap3A_972 {strides = array<i32>} : memref<512x128xf32, #tpu.memory_space<vmem>>, vector<1x16xf32>,
      %add3A_973 = arith.constant 48 : i32
      %add3A_974 = arith.addi %squeeze3A_918, %add3A_973 : i32
      %get3A_975 = arith.index_cast %add3A_888 : i32 to index
      %get3A_976 = arith.index_cast %add3A_974 : i32 to index
      %get3A_977 = tpu.vector_load %arg9[%get3A_975, %get3A_976] {strides = array<i32>} : memref<512x128xf32, #tpu.memory_space<vmem>>, vector<1x16xf32>,
      %get3A_978 = vector.shape_cast %get3A_977 : vector<1x16xf32> to vector<16xf32>
      %get3A_979 = arith.index_cast %select_n3A_916 : i32 to index
      %get3A_980 = arith.constant 48 : index
      %get3A_981 = tpu.vector_load %arg10[%get3A_979, %get3A_980] {strides = array<i32>} : memref<256x128xf32, #tpu.memory_space<vmem>>, vector<1x16xf32>,
      %get3A_982 = vector.shape_cast %get3A_981 : vector<1x16xf32> to vector<16xf32>
      %mul3A_983 = arith.mulf %get3A_978, %get3A_982 : vector<16xf32>
      %sub3A_984 = arith.constant 256 : i32
      %sub3A_985 = arith.subi %add3A_888, %sub3A_984 : i32
      %swap3A_986 = arith.index_cast %sub3A_985 : i32 to index
      %swap3A_987 = arith.constant 112 : index
      %swap3A_988 = tpu.vector_load %arg9[%swap3A_986, %swap3A_987] {strides = array<i32>} : memref<512x128xf32, #tpu.memory_space<vmem>>, vector<1x16xf32>,
      %swap3A_989 = vector.shape_cast %swap3A_988 : vector<1x16xf32> to vector<16xf32>
      %swap3A_990 = vector.shape_cast %mul3A_983 : vector<16xf32> to vector<1x16xf32>
      tpu.vector_store %arg9[%swap3A_986, %swap3A_987], %swap3A_990 {strides = array<i32>} : memref<512x128xf32, #tpu.memory_space<vmem>>, vector<1x16xf32>,
      %add3A_991 = arith.constant 256 : i32
      %add3A_992 = arith.addi %add3A_991, %mul3A_37 : i32
      %add3A_993 = arith.constant 9 : i32
      %add3A_994 = arith.addi %add3A_992, %add3A_993 : i32
      %add3A_995 = arith.constant 256 : i32
      %add3A_996 = arith.addi %add3A_995, %mul3A_37 : i32
      %add3A_997 = arith.constant 9 : i32
      %add3A_998 = arith.addi %add3A_996, %add3A_997 : i32
      %jit3A_999 = arith.constant 2 : i32
      %div3A_1000 = arith.divsi %add3A_998, %jit3A_999 : i32
      %sign3A_1001 = arith.constant 0 : i32
      %sign3A_1002 = arith.cmpi sgt, %add3A_998, %sign3A_1001 : i32
      %sign3A_1003 = arith.extui %sign3A_1002 : i1 to i32
      %sign3A_1004 = arith.constant 0 : i32
      %sign3A_1005 = arith.cmpi slt, %add3A_998, %sign3A_1004 : i32
      %sign3A_1006 = arith.extui %sign3A_1005 : i1 to i32
      %sign3A_1007 = arith.subi %sign3A_1003, %sign3A_1006 : i32
      %sign3A_1008 = arith.constant 0 : i32
      %sign3A_1009 = arith.cmpi sgt, %jit3A_999, %sign3A_1008 : i32
      %sign3A_1010 = arith.extui %sign3A_1009 : i1 to i32
      %sign3A_1011 = arith.constant 0 : i32
      %sign3A_1012 = arith.cmpi slt, %jit3A_999, %sign3A_1011 : i32
      %sign3A_1013 = arith.extui %sign3A_1012 : i1 to i32
      %sign3A_1014 = arith.subi %sign3A_1010, %sign3A_1013 : i32
      %ne3A_1015 = arith.cmpi ne, %sign3A_1007, %sign3A_1014 : i32
      %rem3A_1016 = arith.remsi %add3A_998, %jit3A_999 : i32
      %ne3A_1017 = arith.constant 0 : i32
      %ne3A_1018 = arith.cmpi ne, %rem3A_1016, %ne3A_1017 : i32
      %and3A_1019 = arith.andi %ne3A_1015, %ne3A_1018 : i1
      %sub3A_1020 = arith.constant 1 : i32
      %sub3A_1021 = arith.subi %div3A_1000, %sub3A_1020 : i32
      %select_n3A_1022 = arith.select %and3A_1019, %sub3A_1021, %div3A_1000 : i32
      %slice3A_1023 = vector.extract_strided_slice %select_n3A {offsets = [9], sizes = [1], strides = [1]} : vector<16xi32> to vector<1xi32>
      %squeeze3A_1024 = vector.extract %slice3A_1023[0] : i32 from vector<1xi32>
      %add3A_1025 = arith.constant 0 : i32
      %add3A_1026 = arith.addi %squeeze3A_1024, %add3A_1025 : i32
      %get3A_1027 = arith.index_cast %add3A_994 : i32 to index
      %get3A_1028 = arith.index_cast %add3A_1026 : i32 to index
      %get3A_1029 = tpu.vector_load %arg9[%get3A_1027, %get3A_1028] {strides = array<i32>} : memref<512x128xf32, #tpu.memory_space<vmem>>, vector<1x16xf32>,
      %get3A_1030 = vector.shape_cast %get3A_1029 : vector<1x16xf32> to vector<16xf32>
      %get3A_1031 = arith.index_cast %select_n3A_1022 : i32 to index
      %get3A_1032 = arith.constant 64 : index
      %get3A_1033 = tpu.vector_load %arg10[%get3A_1031, %get3A_1032] {strides = array<i32>} : memref<256x128xf32, #tpu.memory_space<vmem>>, vector<1x16xf32>,
      %get3A_1034 = vector.shape_cast %get3A_1033 : vector<1x16xf32> to vector<16xf32>
      %mul3A_1035 = arith.mulf %get3A_1030, %get3A_1034 : vector<16xf32>
      %sub3A_1036 = arith.constant 256 : i32
      %sub3A_1037 = arith.subi %add3A_994, %sub3A_1036 : i32
      %swap3A_1038 = arith.index_cast %sub3A_1037 : i32 to index
      %swap3A_1039 = arith.constant 64 : index
      %swap3A_1040 = tpu.vector_load %arg9[%swap3A_1038, %swap3A_1039] {strides = array<i32>} : memref<512x128xf32, #tpu.memory_space<vmem>>, vector<1x16xf32>,
      %swap3A_1041 = vector.shape_cast %swap3A_1040 : vector<1x16xf32> to vector<16xf32>
      %swap3A_1042 = vector.shape_cast %mul3A_1035 : vector<16xf32> to vector<1x16xf32>
      tpu.vector_store %arg9[%swap3A_1038, %swap3A_1039], %swap3A_1042 {strides = array<i32>} : memref<512x128xf32, #tpu.memory_space<vmem>>, vector<1x16xf32>,
      %add3A_1043 = arith.constant 16 : i32
      %add3A_1044 = arith.addi %squeeze3A_1024, %add3A_1043 : i32
      %get3A_1045 = arith.index_cast %add3A_994 : i32 to index
      %get3A_1046 = arith.index_cast %add3A_1044 : i32 to index
      %get3A_1047 = tpu.vector_load %arg9[%get3A_1045, %get3A_1046] {strides = array<i32>} : memref<512x128xf32, #tpu.memory_space<vmem>>, vector<1x16xf32>,
      %get3A_1048 = vector.shape_cast %get3A_1047 : vector<1x16xf32> to vector<16xf32>
      %get3A_1049 = arith.index_cast %select_n3A_1022 : i32 to index
      %get3A_1050 = arith.constant 80 : index
      %get3A_1051 = tpu.vector_load %arg10[%get3A_1049, %get3A_1050] {strides = array<i32>} : memref<256x128xf32, #tpu.memory_space<vmem>>, vector<1x16xf32>,
      %get3A_1052 = vector.shape_cast %get3A_1051 : vector<1x16xf32> to vector<16xf32>
      %mul3A_1053 = arith.mulf %get3A_1048, %get3A_1052 : vector<16xf32>
      %sub3A_1054 = arith.constant 256 : i32
      %sub3A_1055 = arith.subi %add3A_994, %sub3A_1054 : i32
      %swap3A_1056 = arith.index_cast %sub3A_1055 : i32 to index
      %swap3A_1057 = arith.constant 80 : index
      %swap3A_1058 = tpu.vector_load %arg9[%swap3A_1056, %swap3A_1057] {strides = array<i32>} : memref<512x128xf32, #tpu.memory_space<vmem>>, vector<1x16xf32>,
      %swap3A_1059 = vector.shape_cast %swap3A_1058 : vector<1x16xf32> to vector<16xf32>
      %swap3A_1060 = vector.shape_cast %mul3A_1053 : vector<16xf32> to vector<1x16xf32>
      tpu.vector_store %arg9[%swap3A_1056, %swap3A_1057], %swap3A_1060 {strides = array<i32>} : memref<512x128xf32, #tpu.memory_space<vmem>>, vector<1x16xf32>,
      %add3A_1061 = arith.constant 32 : i32
      %add3A_1062 = arith.addi %squeeze3A_1024, %add3A_1061 : i32
      %get3A_1063 = arith.index_cast %add3A_994 : i32 to index
      %get3A_1064 = arith.index_cast %add3A_1062 : i32 to index
      %get3A_1065 = tpu.vector_load %arg9[%get3A_1063, %get3A_1064] {strides = array<i32>} : memref<512x128xf32, #tpu.memory_space<vmem>>, vector<1x16xf32>,
      %get3A_1066 = vector.shape_cast %get3A_1065 : vector<1x16xf32> to vector<16xf32>
      %get3A_1067 = arith.index_cast %select_n3A_1022 : i32 to index
      %get3A_1068 = arith.constant 96 : index
      %get3A_1069 = tpu.vector_load %arg10[%get3A_1067, %get3A_1068] {strides = array<i32>} : memref<256x128xf32, #tpu.memory_space<vmem>>, vector<1x16xf32>,
      %get3A_1070 = vector.shape_cast %get3A_1069 : vector<1x16xf32> to vector<16xf32>
      %mul3A_1071 = arith.mulf %get3A_1066, %get3A_1070 : vector<16xf32>
      %sub3A_1072 = arith.constant 256 : i32
      %sub3A_1073 = arith.subi %add3A_994, %sub3A_1072 : i32
      %swap3A_1074 = arith.index_cast %sub3A_1073 : i32 to index
      %swap3A_1075 = arith.constant 96 : index
      %swap3A_1076 = tpu.vector_load %arg9[%swap3A_1074, %swap3A_1075] {strides = array<i32>} : memref<512x128xf32, #tpu.memory_space<vmem>>, vector<1x16xf32>,
      %swap3A_1077 = vector.shape_cast %swap3A_1076 : vector<1x16xf32> to vector<16xf32>
      %swap3A_1078 = vector.shape_cast %mul3A_1071 : vector<16xf32> to vector<1x16xf32>
      tpu.vector_store %arg9[%swap3A_1074, %swap3A_1075], %swap3A_1078 {strides = array<i32>} : memref<512x128xf32, #tpu.memory_space<vmem>>, vector<1x16xf32>,
      %add3A_1079 = arith.constant 48 : i32
      %add3A_1080 = arith.addi %squeeze3A_1024, %add3A_1079 : i32
      %get3A_1081 = arith.index_cast %add3A_994 : i32 to index
      %get3A_1082 = arith.index_cast %add3A_1080 : i32 to index
      %get3A_1083 = tpu.vector_load %arg9[%get3A_1081, %get3A_1082] {strides = array<i32>} : memref<512x128xf32, #tpu.memory_space<vmem>>, vector<1x16xf32>,
      %get3A_1084 = vector.shape_cast %get3A_1083 : vector<1x16xf32> to vector<16xf32>
      %get3A_1085 = arith.index_cast %select_n3A_1022 : i32 to index
      %get3A_1086 = arith.constant 112 : index
      %get3A_1087 = tpu.vector_load %arg10[%get3A_1085, %get3A_1086] {strides = array<i32>} : memref<256x128xf32, #tpu.memory_space<vmem>>, vector<1x16xf32>,
      %get3A_1088 = vector.shape_cast %get3A_1087 : vector<1x16xf32> to vector<16xf32>
      %mul3A_1089 = arith.mulf %get3A_1084, %get3A_1088 : vector<16xf32>
      %sub3A_1090 = arith.constant 256 : i32
      %sub3A_1091 = arith.subi %add3A_994, %sub3A_1090 : i32
      %swap3A_1092 = arith.index_cast %sub3A_1091 : i32 to index
      %swap3A_1093 = arith.constant 112 : index
      %swap3A_1094 = tpu.vector_load %arg9[%swap3A_1092, %swap3A_1093] {strides = array<i32>} : memref<512x128xf32, #tpu.memory_space<vmem>>, vector<1x16xf32>,
      %swap3A_1095 = vector.shape_cast %swap3A_1094 : vector<1x16xf32> to vector<16xf32>
      %swap3A_1096 = vector.shape_cast %mul3A_1089 : vector<16xf32> to vector<1x16xf32>
      tpu.vector_store %arg9[%swap3A_1092, %swap3A_1093], %swap3A_1096 {strides = array<i32>} : memref<512x128xf32, #tpu.memory_space<vmem>>, vector<1x16xf32>,
      %add3A_1097 = arith.constant 256 : i32
      %add3A_1098 = arith.addi %add3A_1097, %mul3A_37 : i32
      %add3A_1099 = arith.constant 10 : i32
      %add3A_1100 = arith.addi %add3A_1098, %add3A_1099 : i32
      %add3A_1101 = arith.constant 256 : i32
      %add3A_1102 = arith.addi %add3A_1101, %mul3A_37 : i32
      %add3A_1103 = arith.constant 10 : i32
      %add3A_1104 = arith.addi %add3A_1102, %add3A_1103 : i32
      %jit3A_1105 = arith.constant 2 : i32
      %div3A_1106 = arith.divsi %add3A_1104, %jit3A_1105 : i32
      %sign3A_1107 = arith.constant 0 : i32
      %sign3A_1108 = arith.cmpi sgt, %add3A_1104, %sign3A_1107 : i32
      %sign3A_1109 = arith.extui %sign3A_1108 : i1 to i32
      %sign3A_1110 = arith.constant 0 : i32
      %sign3A_1111 = arith.cmpi slt, %add3A_1104, %sign3A_1110 : i32
      %sign3A_1112 = arith.extui %sign3A_1111 : i1 to i32
      %sign3A_1113 = arith.subi %sign3A_1109, %sign3A_1112 : i32
      %sign3A_1114 = arith.constant 0 : i32
      %sign3A_1115 = arith.cmpi sgt, %jit3A_1105, %sign3A_1114 : i32
      %sign3A_1116 = arith.extui %sign3A_1115 : i1 to i32
      %sign3A_1117 = arith.constant 0 : i32
      %sign3A_1118 = arith.cmpi slt, %jit3A_1105, %sign3A_1117 : i32
      %sign3A_1119 = arith.extui %sign3A_1118 : i1 to i32
      %sign3A_1120 = arith.subi %sign3A_1116, %sign3A_1119 : i32
      %ne3A_1121 = arith.cmpi ne, %sign3A_1113, %sign3A_1120 : i32
      %rem3A_1122 = arith.remsi %add3A_1104, %jit3A_1105 : i32
      %ne3A_1123 = arith.constant 0 : i32
      %ne3A_1124 = arith.cmpi ne, %rem3A_1122, %ne3A_1123 : i32
      %and3A_1125 = arith.andi %ne3A_1121, %ne3A_1124 : i1
      %sub3A_1126 = arith.constant 1 : i32
      %sub3A_1127 = arith.subi %div3A_1106, %sub3A_1126 : i32
      %select_n3A_1128 = arith.select %and3A_1125, %sub3A_1127, %div3A_1106 : i32
      %slice3A_1129 = vector.extract_strided_slice %select_n3A {offsets = [10], sizes = [1], strides = [1]} : vector<16xi32> to vector<1xi32>
      %squeeze3A_1130 = vector.extract %slice3A_1129[0] : i32 from vector<1xi32>
      %add3A_1131 = arith.constant 0 : i32
      %add3A_1132 = arith.addi %squeeze3A_1130, %add3A_1131 : i32
      %get3A_1133 = arith.index_cast %add3A_1100 : i32 to index
      %get3A_1134 = arith.index_cast %add3A_1132 : i32 to index
      %get3A_1135 = tpu.vector_load %arg9[%get3A_1133, %get3A_1134] {strides = array<i32>} : memref<512x128xf32, #tpu.memory_space<vmem>>, vector<1x16xf32>,
      %get3A_1136 = vector.shape_cast %get3A_1135 : vector<1x16xf32> to vector<16xf32>
      %get3A_1137 = arith.index_cast %select_n3A_1128 : i32 to index
      %get3A_1138 = arith.constant 0 : index
      %get3A_1139 = tpu.vector_load %arg10[%get3A_1137, %get3A_1138] {strides = array<i32>} : memref<256x128xf32, #tpu.memory_space<vmem>>, vector<1x16xf32>,
      %get3A_1140 = vector.shape_cast %get3A_1139 : vector<1x16xf32> to vector<16xf32>
      %mul3A_1141 = arith.mulf %get3A_1136, %get3A_1140 : vector<16xf32>
      %sub3A_1142 = arith.constant 256 : i32
      %sub3A_1143 = arith.subi %add3A_1100, %sub3A_1142 : i32
      %swap3A_1144 = arith.index_cast %sub3A_1143 : i32 to index
      %swap3A_1145 = arith.constant 64 : index
      %swap3A_1146 = tpu.vector_load %arg9[%swap3A_1144, %swap3A_1145] {strides = array<i32>} : memref<512x128xf32, #tpu.memory_space<vmem>>, vector<1x16xf32>,
      %swap3A_1147 = vector.shape_cast %swap3A_1146 : vector<1x16xf32> to vector<16xf32>
      %swap3A_1148 = vector.shape_cast %mul3A_1141 : vector<16xf32> to vector<1x16xf32>
      tpu.vector_store %arg9[%swap3A_1144, %swap3A_1145], %swap3A_1148 {strides = array<i32>} : memref<512x128xf32, #tpu.memory_space<vmem>>, vector<1x16xf32>,
      %add3A_1149 = arith.constant 16 : i32
      %add3A_1150 = arith.addi %squeeze3A_1130, %add3A_1149 : i32
      %get3A_1151 = arith.index_cast %add3A_1100 : i32 to index
      %get3A_1152 = arith.index_cast %add3A_1150 : i32 to index
      %get3A_1153 = tpu.vector_load %arg9[%get3A_1151, %get3A_1152] {strides = array<i32>} : memref<512x128xf32, #tpu.memory_space<vmem>>, vector<1x16xf32>,
      %get3A_1154 = vector.shape_cast %get3A_1153 : vector<1x16xf32> to vector<16xf32>
      %get3A_1155 = arith.index_cast %select_n3A_1128 : i32 to index
      %get3A_1156 = arith.constant 16 : index
      %get3A_1157 = tpu.vector_load %arg10[%get3A_1155, %get3A_1156] {strides = array<i32>} : memref<256x128xf32, #tpu.memory_space<vmem>>, vector<1x16xf32>,
      %get3A_1158 = vector.shape_cast %get3A_1157 : vector<1x16xf32> to vector<16xf32>
      %mul3A_1159 = arith.mulf %get3A_1154, %get3A_1158 : vector<16xf32>
      %sub3A_1160 = arith.constant 256 : i32
      %sub3A_1161 = arith.subi %add3A_1100, %sub3A_1160 : i32
      %swap3A_1162 = arith.index_cast %sub3A_1161 : i32 to index
      %swap3A_1163 = arith.constant 80 : index
      %swap3A_1164 = tpu.vector_load %arg9[%swap3A_1162, %swap3A_1163] {strides = array<i32>} : memref<512x128xf32, #tpu.memory_space<vmem>>, vector<1x16xf32>,
      %swap3A_1165 = vector.shape_cast %swap3A_1164 : vector<1x16xf32> to vector<16xf32>
      %swap3A_1166 = vector.shape_cast %mul3A_1159 : vector<16xf32> to vector<1x16xf32>
      tpu.vector_store %arg9[%swap3A_1162, %swap3A_1163], %swap3A_1166 {strides = array<i32>} : memref<512x128xf32, #tpu.memory_space<vmem>>, vector<1x16xf32>,
      %add3A_1167 = arith.constant 32 : i32
      %add3A_1168 = arith.addi %squeeze3A_1130, %add3A_1167 : i32
      %get3A_1169 = arith.index_cast %add3A_1100 : i32 to index
      %get3A_1170 = arith.index_cast %add3A_1168 : i32 to index
      %get3A_1171 = tpu.vector_load %arg9[%get3A_1169, %get3A_1170] {strides = array<i32>} : memref<512x128xf32, #tpu.memory_space<vmem>>, vector<1x16xf32>,
      %get3A_1172 = vector.shape_cast %get3A_1171 : vector<1x16xf32> to vector<16xf32>
      %get3A_1173 = arith.index_cast %select_n3A_1128 : i32 to index
      %get3A_1174 = arith.constant 32 : index
      %get3A_1175 = tpu.vector_load %arg10[%get3A_1173, %get3A_1174] {strides = array<i32>} : memref<256x128xf32, #tpu.memory_space<vmem>>, vector<1x16xf32>,
      %get3A_1176 = vector.shape_cast %get3A_1175 : vector<1x16xf32> to vector<16xf32>
      %mul3A_1177 = arith.mulf %get3A_1172, %get3A_1176 : vector<16xf32>
      %sub3A_1178 = arith.constant 256 : i32
      %sub3A_1179 = arith.subi %add3A_1100, %sub3A_1178 : i32
      %swap3A_1180 = arith.index_cast %sub3A_1179 : i32 to index
      %swap3A_1181 = arith.constant 96 : index
      %swap3A_1182 = tpu.vector_load %arg9[%swap3A_1180, %swap3A_1181] {strides = array<i32>} : memref<512x128xf32, #tpu.memory_space<vmem>>, vector<1x16xf32>,
      %swap3A_1183 = vector.shape_cast %swap3A_1182 : vector<1x16xf32> to vector<16xf32>
      %swap3A_1184 = vector.shape_cast %mul3A_1177 : vector<16xf32> to vector<1x16xf32>
      tpu.vector_store %arg9[%swap3A_1180, %swap3A_1181], %swap3A_1184 {strides = array<i32>} : memref<512x128xf32, #tpu.memory_space<vmem>>, vector<1x16xf32>,
      %add3A_1185 = arith.constant 48 : i32
      %add3A_1186 = arith.addi %squeeze3A_1130, %add3A_1185 : i32
      %get3A_1187 = arith.index_cast %add3A_1100 : i32 to index
      %get3A_1188 = arith.index_cast %add3A_1186 : i32 to index
      %get3A_1189 = tpu.vector_load %arg9[%get3A_1187, %get3A_1188] {strides = array<i32>} : memref<512x128xf32, #tpu.memory_space<vmem>>, vector<1x16xf32>,
      %get3A_1190 = vector.shape_cast %get3A_1189 : vector<1x16xf32> to vector<16xf32>
      %get3A_1191 = arith.index_cast %select_n3A_1128 : i32 to index
      %get3A_1192 = arith.constant 48 : index
      %get3A_1193 = tpu.vector_load %arg10[%get3A_1191, %get3A_1192] {strides = array<i32>} : memref<256x128xf32, #tpu.memory_space<vmem>>, vector<1x16xf32>,
      %get3A_1194 = vector.shape_cast %get3A_1193 : vector<1x16xf32> to vector<16xf32>
      %mul3A_1195 = arith.mulf %get3A_1190, %get3A_1194 : vector<16xf32>
      %sub3A_1196 = arith.constant 256 : i32
      %sub3A_1197 = arith.subi %add3A_1100, %sub3A_1196 : i32
      %swap3A_1198 = arith.index_cast %sub3A_1197 : i32 to index
      %swap3A_1199 = arith.constant 112 : index
      %swap3A_1200 = tpu.vector_load %arg9[%swap3A_1198, %swap3A_1199] {strides = array<i32>} : memref<512x128xf32, #tpu.memory_space<vmem>>, vector<1x16xf32>,
      %swap3A_1201 = vector.shape_cast %swap3A_1200 : vector<1x16xf32> to vector<16xf32>
      %swap3A_1202 = vector.shape_cast %mul3A_1195 : vector<16xf32> to vector<1x16xf32>
      tpu.vector_store %arg9[%swap3A_1198, %swap3A_1199], %swap3A_1202 {strides = array<i32>} : memref<512x128xf32, #tpu.memory_space<vmem>>, vector<1x16xf32>,
      %add3A_1203 = arith.constant 256 : i32
      %add3A_1204 = arith.addi %add3A_1203, %mul3A_37 : i32
      %add3A_1205 = arith.constant 11 : i32
      %add3A_1206 = arith.addi %add3A_1204, %add3A_1205 : i32
      %add3A_1207 = arith.constant 256 : i32
      %add3A_1208 = arith.addi %add3A_1207, %mul3A_37 : i32
      %add3A_1209 = arith.constant 11 : i32
      %add3A_1210 = arith.addi %add3A_1208, %add3A_1209 : i32
      %jit3A_1211 = arith.constant 2 : i32
      %div3A_1212 = arith.divsi %add3A_1210, %jit3A_1211 : i32
      %sign3A_1213 = arith.constant 0 : i32
      %sign3A_1214 = arith.cmpi sgt, %add3A_1210, %sign3A_1213 : i32
      %sign3A_1215 = arith.extui %sign3A_1214 : i1 to i32
      %sign3A_1216 = arith.constant 0 : i32
      %sign3A_1217 = arith.cmpi slt, %add3A_1210, %sign3A_1216 : i32
      %sign3A_1218 = arith.extui %sign3A_1217 : i1 to i32
      %sign3A_1219 = arith.subi %sign3A_1215, %sign3A_1218 : i32
      %sign3A_1220 = arith.constant 0 : i32
      %sign3A_1221 = arith.cmpi sgt, %jit3A_1211, %sign3A_1220 : i32
      %sign3A_1222 = arith.extui %sign3A_1221 : i1 to i32
      %sign3A_1223 = arith.constant 0 : i32
      %sign3A_1224 = arith.cmpi slt, %jit3A_1211, %sign3A_1223 : i32
      %sign3A_1225 = arith.extui %sign3A_1224 : i1 to i32
      %sign3A_1226 = arith.subi %sign3A_1222, %sign3A_1225 : i32
      %ne3A_1227 = arith.cmpi ne, %sign3A_1219, %sign3A_1226 : i32
      %rem3A_1228 = arith.remsi %add3A_1210, %jit3A_1211 : i32
      %ne3A_1229 = arith.constant 0 : i32
      %ne3A_1230 = arith.cmpi ne, %rem3A_1228, %ne3A_1229 : i32
      %and3A_1231 = arith.andi %ne3A_1227, %ne3A_1230 : i1
      %sub3A_1232 = arith.constant 1 : i32
      %sub3A_1233 = arith.subi %div3A_1212, %sub3A_1232 : i32
      %select_n3A_1234 = arith.select %and3A_1231, %sub3A_1233, %div3A_1212 : i32
      %slice3A_1235 = vector.extract_strided_slice %select_n3A {offsets = [11], sizes = [1], strides = [1]} : vector<16xi32> to vector<1xi32>
      %squeeze3A_1236 = vector.extract %slice3A_1235[0] : i32 from vector<1xi32>
      %add3A_1237 = arith.constant 0 : i32
      %add3A_1238 = arith.addi %squeeze3A_1236, %add3A_1237 : i32
      %get3A_1239 = arith.index_cast %add3A_1206 : i32 to index
      %get3A_1240 = arith.index_cast %add3A_1238 : i32 to index
      %get3A_1241 = tpu.vector_load %arg9[%get3A_1239, %get3A_1240] {strides = array<i32>} : memref<512x128xf32, #tpu.memory_space<vmem>>, vector<1x16xf32>,
      %get3A_1242 = vector.shape_cast %get3A_1241 : vector<1x16xf32> to vector<16xf32>
      %get3A_1243 = arith.index_cast %select_n3A_1234 : i32 to index
      %get3A_1244 = arith.constant 64 : index
      %get3A_1245 = tpu.vector_load %arg10[%get3A_1243, %get3A_1244] {strides = array<i32>} : memref<256x128xf32, #tpu.memory_space<vmem>>, vector<1x16xf32>,
      %get3A_1246 = vector.shape_cast %get3A_1245 : vector<1x16xf32> to vector<16xf32>
      %mul3A_1247 = arith.mulf %get3A_1242, %get3A_1246 : vector<16xf32>
      %sub3A_1248 = arith.constant 256 : i32
      %sub3A_1249 = arith.subi %add3A_1206, %sub3A_1248 : i32
      %swap3A_1250 = arith.index_cast %sub3A_1249 : i32 to index
      %swap3A_1251 = arith.constant 64 : index
      %swap3A_1252 = tpu.vector_load %arg9[%swap3A_1250, %swap3A_1251] {strides = array<i32>} : memref<512x128xf32, #tpu.memory_space<vmem>>, vector<1x16xf32>,
      %swap3A_1253 = vector.shape_cast %swap3A_1252 : vector<1x16xf32> to vector<16xf32>
      %swap3A_1254 = vector.shape_cast %mul3A_1247 : vector<16xf32> to vector<1x16xf32>
      tpu.vector_store %arg9[%swap3A_1250, %swap3A_1251], %swap3A_1254 {strides = array<i32>} : memref<512x128xf32, #tpu.memory_space<vmem>>, vector<1x16xf32>,
      %add3A_1255 = arith.constant 16 : i32
      %add3A_1256 = arith.addi %squeeze3A_1236, %add3A_1255 : i32
      %get3A_1257 = arith.index_cast %add3A_1206 : i32 to index
      %get3A_1258 = arith.index_cast %add3A_1256 : i32 to index
      %get3A_1259 = tpu.vector_load %arg9[%get3A_1257, %get3A_1258] {strides = array<i32>} : memref<512x128xf32, #tpu.memory_space<vmem>>, vector<1x16xf32>,
      %get3A_1260 = vector.shape_cast %get3A_1259 : vector<1x16xf32> to vector<16xf32>
      %get3A_1261 = arith.index_cast %select_n3A_1234 : i32 to index
      %get3A_1262 = arith.constant 80 : index
      %get3A_1263 = tpu.vector_load %arg10[%get3A_1261, %get3A_1262] {strides = array<i32>} : memref<256x128xf32, #tpu.memory_space<vmem>>, vector<1x16xf32>,
      %get3A_1264 = vector.shape_cast %get3A_1263 : vector<1x16xf32> to vector<16xf32>
      %mul3A_1265 = arith.mulf %get3A_1260, %get3A_1264 : vector<16xf32>
      %sub3A_1266 = arith.constant 256 : i32
      %sub3A_1267 = arith.subi %add3A_1206, %sub3A_1266 : i32
      %swap3A_1268 = arith.index_cast %sub3A_1267 : i32 to index
      %swap3A_1269 = arith.constant 80 : index
      %swap3A_1270 = tpu.vector_load %arg9[%swap3A_1268, %swap3A_1269] {strides = array<i32>} : memref<512x128xf32, #tpu.memory_space<vmem>>, vector<1x16xf32>,
      %swap3A_1271 = vector.shape_cast %swap3A_1270 : vector<1x16xf32> to vector<16xf32>
      %swap3A_1272 = vector.shape_cast %mul3A_1265 : vector<16xf32> to vector<1x16xf32>
      tpu.vector_store %arg9[%swap3A_1268, %swap3A_1269], %swap3A_1272 {strides = array<i32>} : memref<512x128xf32, #tpu.memory_space<vmem>>, vector<1x16xf32>,
      %add3A_1273 = arith.constant 32 : i32
      %add3A_1274 = arith.addi %squeeze3A_1236, %add3A_1273 : i32
      %get3A_1275 = arith.index_cast %add3A_1206 : i32 to index
      %get3A_1276 = arith.index_cast %add3A_1274 : i32 to index
      %get3A_1277 = tpu.vector_load %arg9[%get3A_1275, %get3A_1276] {strides = array<i32>} : memref<512x128xf32, #tpu.memory_space<vmem>>, vector<1x16xf32>,
      %get3A_1278 = vector.shape_cast %get3A_1277 : vector<1x16xf32> to vector<16xf32>
      %get3A_1279 = arith.index_cast %select_n3A_1234 : i32 to index
      %get3A_1280 = arith.constant 96 : index
      %get3A_1281 = tpu.vector_load %arg10[%get3A_1279, %get3A_1280] {strides = array<i32>} : memref<256x128xf32, #tpu.memory_space<vmem>>, vector<1x16xf32>,
      %get3A_1282 = vector.shape_cast %get3A_1281 : vector<1x16xf32> to vector<16xf32>
      %mul3A_1283 = arith.mulf %get3A_1278, %get3A_1282 : vector<16xf32>
      %sub3A_1284 = arith.constant 256 : i32
      %sub3A_1285 = arith.subi %add3A_1206, %sub3A_1284 : i32
      %swap3A_1286 = arith.index_cast %sub3A_1285 : i32 to index
      %swap3A_1287 = arith.constant 96 : index
      %swap3A_1288 = tpu.vector_load %arg9[%swap3A_1286, %swap3A_1287] {strides = array<i32>} : memref<512x128xf32, #tpu.memory_space<vmem>>, vector<1x16xf32>,
      %swap3A_1289 = vector.shape_cast %swap3A_1288 : vector<1x16xf32> to vector<16xf32>
      %swap3A_1290 = vector.shape_cast %mul3A_1283 : vector<16xf32> to vector<1x16xf32>
      tpu.vector_store %arg9[%swap3A_1286, %swap3A_1287], %swap3A_1290 {strides = array<i32>} : memref<512x128xf32, #tpu.memory_space<vmem>>, vector<1x16xf32>,
      %add3A_1291 = arith.constant 48 : i32
      %add3A_1292 = arith.addi %squeeze3A_1236, %add3A_1291 : i32
      %get3A_1293 = arith.index_cast %add3A_1206 : i32 to index
      %get3A_1294 = arith.index_cast %add3A_1292 : i32 to index
      %get3A_1295 = tpu.vector_load %arg9[%get3A_1293, %get3A_1294] {strides = array<i32>} : memref<512x128xf32, #tpu.memory_space<vmem>>, vector<1x16xf32>,
      %get3A_1296 = vector.shape_cast %get3A_1295 : vector<1x16xf32> to vector<16xf32>
      %get3A_1297 = arith.index_cast %select_n3A_1234 : i32 to index
      %get3A_1298 = arith.constant 112 : index
      %get3A_1299 = tpu.vector_load %arg10[%get3A_1297, %get3A_1298] {strides = array<i32>} : memref<256x128xf32, #tpu.memory_space<vmem>>, vector<1x16xf32>,
      %get3A_1300 = vector.shape_cast %get3A_1299 : vector<1x16xf32> to vector<16xf32>
      %mul3A_1301 = arith.mulf %get3A_1296, %get3A_1300 : vector<16xf32>
      %sub3A_1302 = arith.constant 256 : i32
      %sub3A_1303 = arith.subi %add3A_1206, %sub3A_1302 : i32
      %swap3A_1304 = arith.index_cast %sub3A_1303 : i32 to index
      %swap3A_1305 = arith.constant 112 : index
      %swap3A_1306 = tpu.vector_load %arg9[%swap3A_1304, %swap3A_1305] {strides = array<i32>} : memref<512x128xf32, #tpu.memory_space<vmem>>, vector<1x16xf32>,
      %swap3A_1307 = vector.shape_cast %swap3A_1306 : vector<1x16xf32> to vector<16xf32>
      %swap3A_1308 = vector.shape_cast %mul3A_1301 : vector<16xf32> to vector<1x16xf32>
      tpu.vector_store %arg9[%swap3A_1304, %swap3A_1305], %swap3A_1308 {strides = array<i32>} : memref<512x128xf32, #tpu.memory_space<vmem>>, vector<1x16xf32>,
      %add3A_1309 = arith.constant 256 : i32
      %add3A_1310 = arith.addi %add3A_1309, %mul3A_37 : i32
      %add3A_1311 = arith.constant 12 : i32
      %add3A_1312 = arith.addi %add3A_1310, %add3A_1311 : i32
      %add3A_1313 = arith.constant 256 : i32
      %add3A_1314 = arith.addi %add3A_1313, %mul3A_37 : i32
      %add3A_1315 = arith.constant 12 : i32
      %add3A_1316 = arith.addi %add3A_1314, %add3A_1315 : i32
      %jit3A_1317 = arith.constant 2 : i32
      %div3A_1318 = arith.divsi %add3A_1316, %jit3A_1317 : i32
      %sign3A_1319 = arith.constant 0 : i32
      %sign3A_1320 = arith.cmpi sgt, %add3A_1316, %sign3A_1319 : i32
      %sign3A_1321 = arith.extui %sign3A_1320 : i1 to i32
      %sign3A_1322 = arith.constant 0 : i32
      %sign3A_1323 = arith.cmpi slt, %add3A_1316, %sign3A_1322 : i32
      %sign3A_1324 = arith.extui %sign3A_1323 : i1 to i32
      %sign3A_1325 = arith.subi %sign3A_1321, %sign3A_1324 : i32
      %sign3A_1326 = arith.constant 0 : i32
      %sign3A_1327 = arith.cmpi sgt, %jit3A_1317, %sign3A_1326 : i32
      %sign3A_1328 = arith.extui %sign3A_1327 : i1 to i32
      %sign3A_1329 = arith.constant 0 : i32
      %sign3A_1330 = arith.cmpi slt, %jit3A_1317, %sign3A_1329 : i32
      %sign3A_1331 = arith.extui %sign3A_1330 : i1 to i32
      %sign3A_1332 = arith.subi %sign3A_1328, %sign3A_1331 : i32
      %ne3A_1333 = arith.cmpi ne, %sign3A_1325, %sign3A_1332 : i32
      %rem3A_1334 = arith.remsi %add3A_1316, %jit3A_1317 : i32
      %ne3A_1335 = arith.constant 0 : i32
      %ne3A_1336 = arith.cmpi ne, %rem3A_1334, %ne3A_1335 : i32
      %and3A_1337 = arith.andi %ne3A_1333, %ne3A_1336 : i1
      %sub3A_1338 = arith.constant 1 : i32
      %sub3A_1339 = arith.subi %div3A_1318, %sub3A_1338 : i32
      %select_n3A_1340 = arith.select %and3A_1337, %sub3A_1339, %div3A_1318 : i32
      %slice3A_1341 = vector.extract_strided_slice %select_n3A {offsets = [12], sizes = [1], strides = [1]} : vector<16xi32> to vector<1xi32>
      %squeeze3A_1342 = vector.extract %slice3A_1341[0] : i32 from vector<1xi32>
      %add3A_1343 = arith.constant 0 : i32
      %add3A_1344 = arith.addi %squeeze3A_1342, %add3A_1343 : i32
      %get3A_1345 = arith.index_cast %add3A_1312 : i32 to index
      %get3A_1346 = arith.index_cast %add3A_1344 : i32 to index
      %get3A_1347 = tpu.vector_load %arg9[%get3A_1345, %get3A_1346] {strides = array<i32>} : memref<512x128xf32, #tpu.memory_space<vmem>>, vector<1x16xf32>,
      %get3A_1348 = vector.shape_cast %get3A_1347 : vector<1x16xf32> to vector<16xf32>
      %get3A_1349 = arith.index_cast %select_n3A_1340 : i32 to index
      %get3A_1350 = arith.constant 0 : index
      %get3A_1351 = tpu.vector_load %arg10[%get3A_1349, %get3A_1350] {strides = array<i32>} : memref<256x128xf32, #tpu.memory_space<vmem>>, vector<1x16xf32>,
      %get3A_1352 = vector.shape_cast %get3A_1351 : vector<1x16xf32> to vector<16xf32>
      %mul3A_1353 = arith.mulf %get3A_1348, %get3A_1352 : vector<16xf32>
      %sub3A_1354 = arith.constant 256 : i32
      %sub3A_1355 = arith.subi %add3A_1312, %sub3A_1354 : i32
      %swap3A_1356 = arith.index_cast %sub3A_1355 : i32 to index
      %swap3A_1357 = arith.constant 64 : index
      %swap3A_1358 = tpu.vector_load %arg9[%swap3A_1356, %swap3A_1357] {strides = array<i32>} : memref<512x128xf32, #tpu.memory_space<vmem>>, vector<1x16xf32>,
      %swap3A_1359 = vector.shape_cast %swap3A_1358 : vector<1x16xf32> to vector<16xf32>
      %swap3A_1360 = vector.shape_cast %mul3A_1353 : vector<16xf32> to vector<1x16xf32>
      tpu.vector_store %arg9[%swap3A_1356, %swap3A_1357], %swap3A_1360 {strides = array<i32>} : memref<512x128xf32, #tpu.memory_space<vmem>>, vector<1x16xf32>,
      %add3A_1361 = arith.constant 16 : i32
      %add3A_1362 = arith.addi %squeeze3A_1342, %add3A_1361 : i32
      %get3A_1363 = arith.index_cast %add3A_1312 : i32 to index
      %get3A_1364 = arith.index_cast %add3A_1362 : i32 to index
      %get3A_1365 = tpu.vector_load %arg9[%get3A_1363, %get3A_1364] {strides = array<i32>} : memref<512x128xf32, #tpu.memory_space<vmem>>, vector<1x16xf32>,
      %get3A_1366 = vector.shape_cast %get3A_1365 : vector<1x16xf32> to vector<16xf32>
      %get3A_1367 = arith.index_cast %select_n3A_1340 : i32 to index
      %get3A_1368 = arith.constant 16 : index
      %get3A_1369 = tpu.vector_load %arg10[%get3A_1367, %get3A_1368] {strides = array<i32>} : memref<256x128xf32, #tpu.memory_space<vmem>>, vector<1x16xf32>,
      %get3A_1370 = vector.shape_cast %get3A_1369 : vector<1x16xf32> to vector<16xf32>
      %mul3A_1371 = arith.mulf %get3A_1366, %get3A_1370 : vector<16xf32>
      %sub3A_1372 = arith.constant 256 : i32
      %sub3A_1373 = arith.subi %add3A_1312, %sub3A_1372 : i32
      %swap3A_1374 = arith.index_cast %sub3A_1373 : i32 to index
      %swap3A_1375 = arith.constant 80 : index
      %swap3A_1376 = tpu.vector_load %arg9[%swap3A_1374, %swap3A_1375] {strides = array<i32>} : memref<512x128xf32, #tpu.memory_space<vmem>>, vector<1x16xf32>,
      %swap3A_1377 = vector.shape_cast %swap3A_1376 : vector<1x16xf32> to vector<16xf32>
      %swap3A_1378 = vector.shape_cast %mul3A_1371 : vector<16xf32> to vector<1x16xf32>
      tpu.vector_store %arg9[%swap3A_1374, %swap3A_1375], %swap3A_1378 {strides = array<i32>} : memref<512x128xf32, #tpu.memory_space<vmem>>, vector<1x16xf32>,
      %add3A_1379 = arith.constant 32 : i32
      %add3A_1380 = arith.addi %squeeze3A_1342, %add3A_1379 : i32
      %get3A_1381 = arith.index_cast %add3A_1312 : i32 to index
      %get3A_1382 = arith.index_cast %add3A_1380 : i32 to index
      %get3A_1383 = tpu.vector_load %arg9[%get3A_1381, %get3A_1382] {strides = array<i32>} : memref<512x128xf32, #tpu.memory_space<vmem>>, vector<1x16xf32>,
      %get3A_1384 = vector.shape_cast %get3A_1383 : vector<1x16xf32> to vector<16xf32>
      %get3A_1385 = arith.index_cast %select_n3A_1340 : i32 to index
      %get3A_1386 = arith.constant 32 : index
      %get3A_1387 = tpu.vector_load %arg10[%get3A_1385, %get3A_1386] {strides = array<i32>} : memref<256x128xf32, #tpu.memory_space<vmem>>, vector<1x16xf32>,
      %get3A_1388 = vector.shape_cast %get3A_1387 : vector<1x16xf32> to vector<16xf32>
      %mul3A_1389 = arith.mulf %get3A_1384, %get3A_1388 : vector<16xf32>
      %sub3A_1390 = arith.constant 256 : i32
      %sub3A_1391 = arith.subi %add3A_1312, %sub3A_1390 : i32
      %swap3A_1392 = arith.index_cast %sub3A_1391 : i32 to index
      %swap3A_1393 = arith.constant 96 : index
      %swap3A_1394 = tpu.vector_load %arg9[%swap3A_1392, %swap3A_1393] {strides = array<i32>} : memref<512x128xf32, #tpu.memory_space<vmem>>, vector<1x16xf32>,
      %swap3A_1395 = vector.shape_cast %swap3A_1394 : vector<1x16xf32> to vector<16xf32>
      %swap3A_1396 = vector.shape_cast %mul3A_1389 : vector<16xf32> to vector<1x16xf32>
      tpu.vector_store %arg9[%swap3A_1392, %swap3A_1393], %swap3A_1396 {strides = array<i32>} : memref<512x128xf32, #tpu.memory_space<vmem>>, vector<1x16xf32>,
      %add3A_1397 = arith.constant 48 : i32
      %add3A_1398 = arith.addi %squeeze3A_1342, %add3A_1397 : i32
      %get3A_1399 = arith.index_cast %add3A_1312 : i32 to index
      %get3A_1400 = arith.index_cast %add3A_1398 : i32 to index
      %get3A_1401 = tpu.vector_load %arg9[%get3A_1399, %get3A_1400] {strides = array<i32>} : memref<512x128xf32, #tpu.memory_space<vmem>>, vector<1x16xf32>,
      %get3A_1402 = vector.shape_cast %get3A_1401 : vector<1x16xf32> to vector<16xf32>
      %get3A_1403 = arith.index_cast %select_n3A_1340 : i32 to index
      %get3A_1404 = arith.constant 48 : index
      %get3A_1405 = tpu.vector_load %arg10[%get3A_1403, %get3A_1404] {strides = array<i32>} : memref<256x128xf32, #tpu.memory_space<vmem>>, vector<1x16xf32>,
      %get3A_1406 = vector.shape_cast %get3A_1405 : vector<1x16xf32> to vector<16xf32>
      %mul3A_1407 = arith.mulf %get3A_1402, %get3A_1406 : vector<16xf32>
      %sub3A_1408 = arith.constant 256 : i32
      %sub3A_1409 = arith.subi %add3A_1312, %sub3A_1408 : i32
      %swap3A_1410 = arith.index_cast %sub3A_1409 : i32 to index
      %swap3A_1411 = arith.constant 112 : index
      %swap3A_1412 = tpu.vector_load %arg9[%swap3A_1410, %swap3A_1411] {strides = array<i32>} : memref<512x128xf32, #tpu.memory_space<vmem>>, vector<1x16xf32>,
      %swap3A_1413 = vector.shape_cast %swap3A_1412 : vector<1x16xf32> to vector<16xf32>
      %swap3A_1414 = vector.shape_cast %mul3A_1407 : vector<16xf32> to vector<1x16xf32>
      tpu.vector_store %arg9[%swap3A_1410, %swap3A_1411], %swap3A_1414 {strides = array<i32>} : memref<512x128xf32, #tpu.memory_space<vmem>>, vector<1x16xf32>,
      %add3A_1415 = arith.constant 256 : i32
      %add3A_1416 = arith.addi %add3A_1415, %mul3A_37 : i32
      %add3A_1417 = arith.constant 13 : i32
      %add3A_1418 = arith.addi %add3A_1416, %add3A_1417 : i32
      %add3A_1419 = arith.constant 256 : i32
      %add3A_1420 = arith.addi %add3A_1419, %mul3A_37 : i32
      %add3A_1421 = arith.constant 13 : i32
      %add3A_1422 = arith.addi %add3A_1420, %add3A_1421 : i32
      %jit3A_1423 = arith.constant 2 : i32
      %div3A_1424 = arith.divsi %add3A_1422, %jit3A_1423 : i32
      %sign3A_1425 = arith.constant 0 : i32
      %sign3A_1426 = arith.cmpi sgt, %add3A_1422, %sign3A_1425 : i32
      %sign3A_1427 = arith.extui %sign3A_1426 : i1 to i32
      %sign3A_1428 = arith.constant 0 : i32
      %sign3A_1429 = arith.cmpi slt, %add3A_1422, %sign3A_1428 : i32
      %sign3A_1430 = arith.extui %sign3A_1429 : i1 to i32
      %sign3A_1431 = arith.subi %sign3A_1427, %sign3A_1430 : i32
      %sign3A_1432 = arith.constant 0 : i32
      %sign3A_1433 = arith.cmpi sgt, %jit3A_1423, %sign3A_1432 : i32
      %sign3A_1434 = arith.extui %sign3A_1433 : i1 to i32
      %sign3A_1435 = arith.constant 0 : i32
      %sign3A_1436 = arith.cmpi slt, %jit3A_1423, %sign3A_1435 : i32
      %sign3A_1437 = arith.extui %sign3A_1436 : i1 to i32
      %sign3A_1438 = arith.subi %sign3A_1434, %sign3A_1437 : i32
      %ne3A_1439 = arith.cmpi ne, %sign3A_1431, %sign3A_1438 : i32
      %rem3A_1440 = arith.remsi %add3A_1422, %jit3A_1423 : i32
      %ne3A_1441 = arith.constant 0 : i32
      %ne3A_1442 = arith.cmpi ne, %rem3A_1440, %ne3A_1441 : i32
      %and3A_1443 = arith.andi %ne3A_1439, %ne3A_1442 : i1
      %sub3A_1444 = arith.constant 1 : i32
      %sub3A_1445 = arith.subi %div3A_1424, %sub3A_1444 : i32
      %select_n3A_1446 = arith.select %and3A_1443, %sub3A_1445, %div3A_1424 : i32
      %slice3A_1447 = vector.extract_strided_slice %select_n3A {offsets = [13], sizes = [1], strides = [1]} : vector<16xi32> to vector<1xi32>
      %squeeze3A_1448 = vector.extract %slice3A_1447[0] : i32 from vector<1xi32>
      %add3A_1449 = arith.constant 0 : i32
      %add3A_1450 = arith.addi %squeeze3A_1448, %add3A_1449 : i32
      %get3A_1451 = arith.index_cast %add3A_1418 : i32 to index
      %get3A_1452 = arith.index_cast %add3A_1450 : i32 to index
      %get3A_1453 = tpu.vector_load %arg9[%get3A_1451, %get3A_1452] {strides = array<i32>} : memref<512x128xf32, #tpu.memory_space<vmem>>, vector<1x16xf32>,
      %get3A_1454 = vector.shape_cast %get3A_1453 : vector<1x16xf32> to vector<16xf32>
      %get3A_1455 = arith.index_cast %select_n3A_1446 : i32 to index
      %get3A_1456 = arith.constant 64 : index
      %get3A_1457 = tpu.vector_load %arg10[%get3A_1455, %get3A_1456] {strides = array<i32>} : memref<256x128xf32, #tpu.memory_space<vmem>>, vector<1x16xf32>,
      %get3A_1458 = vector.shape_cast %get3A_1457 : vector<1x16xf32> to vector<16xf32>
      %mul3A_1459 = arith.mulf %get3A_1454, %get3A_1458 : vector<16xf32>
      %sub3A_1460 = arith.constant 256 : i32
      %sub3A_1461 = arith.subi %add3A_1418, %sub3A_1460 : i32
      %swap3A_1462 = arith.index_cast %sub3A_1461 : i32 to index
      %swap3A_1463 = arith.constant 64 : index
      %swap3A_1464 = tpu.vector_load %arg9[%swap3A_1462, %swap3A_1463] {strides = array<i32>} : memref<512x128xf32, #tpu.memory_space<vmem>>, vector<1x16xf32>,
      %swap3A_1465 = vector.shape_cast %swap3A_1464 : vector<1x16xf32> to vector<16xf32>
      %swap3A_1466 = vector.shape_cast %mul3A_1459 : vector<16xf32> to vector<1x16xf32>
      tpu.vector_store %arg9[%swap3A_1462, %swap3A_1463], %swap3A_1466 {strides = array<i32>} : memref<512x128xf32, #tpu.memory_space<vmem>>, vector<1x16xf32>,
      %add3A_1467 = arith.constant 16 : i32
      %add3A_1468 = arith.addi %squeeze3A_1448, %add3A_1467 : i32
      %get3A_1469 = arith.index_cast %add3A_1418 : i32 to index
      %get3A_1470 = arith.index_cast %add3A_1468 : i32 to index
      %get3A_1471 = tpu.vector_load %arg9[%get3A_1469, %get3A_1470] {strides = array<i32>} : memref<512x128xf32, #tpu.memory_space<vmem>>, vector<1x16xf32>,
      %get3A_1472 = vector.shape_cast %get3A_1471 : vector<1x16xf32> to vector<16xf32>
      %get3A_1473 = arith.index_cast %select_n3A_1446 : i32 to index
      %get3A_1474 = arith.constant 80 : index
      %get3A_1475 = tpu.vector_load %arg10[%get3A_1473, %get3A_1474] {strides = array<i32>} : memref<256x128xf32, #tpu.memory_space<vmem>>, vector<1x16xf32>,
      %get3A_1476 = vector.shape_cast %get3A_1475 : vector<1x16xf32> to vector<16xf32>
      %mul3A_1477 = arith.mulf %get3A_1472, %get3A_1476 : vector<16xf32>
      %sub3A_1478 = arith.constant 256 : i32
      %sub3A_1479 = arith.subi %add3A_1418, %sub3A_1478 : i32
      %swap3A_1480 = arith.index_cast %sub3A_1479 : i32 to index
      %swap3A_1481 = arith.constant 80 : index
      %swap3A_1482 = tpu.vector_load %arg9[%swap3A_1480, %swap3A_1481] {strides = array<i32>} : memref<512x128xf32, #tpu.memory_space<vmem>>, vector<1x16xf32>,
      %swap3A_1483 = vector.shape_cast %swap3A_1482 : vector<1x16xf32> to vector<16xf32>
      %swap3A_1484 = vector.shape_cast %mul3A_1477 : vector<16xf32> to vector<1x16xf32>
      tpu.vector_store %arg9[%swap3A_1480, %swap3A_1481], %swap3A_1484 {strides = array<i32>} : memref<512x128xf32, #tpu.memory_space<vmem>>, vector<1x16xf32>,
      %add3A_1485 = arith.constant 32 : i32
      %add3A_1486 = arith.addi %squeeze3A_1448, %add3A_1485 : i32
      %get3A_1487 = arith.index_cast %add3A_1418 : i32 to index
      %get3A_1488 = arith.index_cast %add3A_1486 : i32 to index
      %get3A_1489 = tpu.vector_load %arg9[%get3A_1487, %get3A_1488] {strides = array<i32>} : memref<512x128xf32, #tpu.memory_space<vmem>>, vector<1x16xf32>,
      %get3A_1490 = vector.shape_cast %get3A_1489 : vector<1x16xf32> to vector<16xf32>
      %get3A_1491 = arith.index_cast %select_n3A_1446 : i32 to index
      %get3A_1492 = arith.constant 96 : index
      %get3A_1493 = tpu.vector_load %arg10[%get3A_1491, %get3A_1492] {strides = array<i32>} : memref<256x128xf32, #tpu.memory_space<vmem>>, vector<1x16xf32>,
      %get3A_1494 = vector.shape_cast %get3A_1493 : vector<1x16xf32> to vector<16xf32>
      %mul3A_1495 = arith.mulf %get3A_1490, %get3A_1494 : vector<16xf32>
      %sub3A_1496 = arith.constant 256 : i32
      %sub3A_1497 = arith.subi %add3A_1418, %sub3A_1496 : i32
      %swap3A_1498 = arith.index_cast %sub3A_1497 : i32 to index
      %swap3A_1499 = arith.constant 96 : index
      %swap3A_1500 = tpu.vector_load %arg9[%swap3A_1498, %swap3A_1499] {strides = array<i32>} : memref<512x128xf32, #tpu.memory_space<vmem>>, vector<1x16xf32>,
      %swap3A_1501 = vector.shape_cast %swap3A_1500 : vector<1x16xf32> to vector<16xf32>
      %swap3A_1502 = vector.shape_cast %mul3A_1495 : vector<16xf32> to vector<1x16xf32>
      tpu.vector_store %arg9[%swap3A_1498, %swap3A_1499], %swap3A_1502 {strides = array<i32>} : memref<512x128xf32, #tpu.memory_space<vmem>>, vector<1x16xf32>,
      %add3A_1503 = arith.constant 48 : i32
      %add3A_1504 = arith.addi %squeeze3A_1448, %add3A_1503 : i32
      %get3A_1505 = arith.index_cast %add3A_1418 : i32 to index
      %get3A_1506 = arith.index_cast %add3A_1504 : i32 to index
      %get3A_1507 = tpu.vector_load %arg9[%get3A_1505, %get3A_1506] {strides = array<i32>} : memref<512x128xf32, #tpu.memory_space<vmem>>, vector<1x16xf32>,
      %get3A_1508 = vector.shape_cast %get3A_1507 : vector<1x16xf32> to vector<16xf32>
      %get3A_1509 = arith.index_cast %select_n3A_1446 : i32 to index
      %get3A_1510 = arith.constant 112 : index
      %get3A_1511 = tpu.vector_load %arg10[%get3A_1509, %get3A_1510] {strides = array<i32>} : memref<256x128xf32, #tpu.memory_space<vmem>>, vector<1x16xf32>,
      %get3A_1512 = vector.shape_cast %get3A_1511 : vector<1x16xf32> to vector<16xf32>
      %mul3A_1513 = arith.mulf %get3A_1508, %get3A_1512 : vector<16xf32>
      %sub3A_1514 = arith.constant 256 : i32
      %sub3A_1515 = arith.subi %add3A_1418, %sub3A_1514 : i32
      %swap3A_1516 = arith.index_cast %sub3A_1515 : i32 to index
      %swap3A_1517 = arith.constant 112 : index
      %swap3A_1518 = tpu.vector_load %arg9[%swap3A_1516, %swap3A_1517] {strides = array<i32>} : memref<512x128xf32, #tpu.memory_space<vmem>>, vector<1x16xf32>,
      %swap3A_1519 = vector.shape_cast %swap3A_1518 : vector<1x16xf32> to vector<16xf32>
      %swap3A_1520 = vector.shape_cast %mul3A_1513 : vector<16xf32> to vector<1x16xf32>
      tpu.vector_store %arg9[%swap3A_1516, %swap3A_1517], %swap3A_1520 {strides = array<i32>} : memref<512x128xf32, #tpu.memory_space<vmem>>, vector<1x16xf32>,
      %add3A_1521 = arith.constant 256 : i32
      %add3A_1522 = arith.addi %add3A_1521, %mul3A_37 : i32
      %add3A_1523 = arith.constant 14 : i32
      %add3A_1524 = arith.addi %add3A_1522, %add3A_1523 : i32
      %add3A_1525 = arith.constant 256 : i32
      %add3A_1526 = arith.addi %add3A_1525, %mul3A_37 : i32
      %add3A_1527 = arith.constant 14 : i32
      %add3A_1528 = arith.addi %add3A_1526, %add3A_1527 : i32
      %jit3A_1529 = arith.constant 2 : i32
      %div3A_1530 = arith.divsi %add3A_1528, %jit3A_1529 : i32
      %sign3A_1531 = arith.constant 0 : i32
      %sign3A_1532 = arith.cmpi sgt, %add3A_1528, %sign3A_1531 : i32
      %sign3A_1533 = arith.extui %sign3A_1532 : i1 to i32
      %sign3A_1534 = arith.constant 0 : i32
      %sign3A_1535 = arith.cmpi slt, %add3A_1528, %sign3A_1534 : i32
      %sign3A_1536 = arith.extui %sign3A_1535 : i1 to i32
      %sign3A_1537 = arith.subi %sign3A_1533, %sign3A_1536 : i32
      %sign3A_1538 = arith.constant 0 : i32
      %sign3A_1539 = arith.cmpi sgt, %jit3A_1529, %sign3A_1538 : i32
      %sign3A_1540 = arith.extui %sign3A_1539 : i1 to i32
      %sign3A_1541 = arith.constant 0 : i32
      %sign3A_1542 = arith.cmpi slt, %jit3A_1529, %sign3A_1541 : i32
      %sign3A_1543 = arith.extui %sign3A_1542 : i1 to i32
      %sign3A_1544 = arith.subi %sign3A_1540, %sign3A_1543 : i32
      %ne3A_1545 = arith.cmpi ne, %sign3A_1537, %sign3A_1544 : i32
      %rem3A_1546 = arith.remsi %add3A_1528, %jit3A_1529 : i32
      %ne3A_1547 = arith.constant 0 : i32
      %ne3A_1548 = arith.cmpi ne, %rem3A_1546, %ne3A_1547 : i32
      %and3A_1549 = arith.andi %ne3A_1545, %ne3A_1548 : i1
      %sub3A_1550 = arith.constant 1 : i32
      %sub3A_1551 = arith.subi %div3A_1530, %sub3A_1550 : i32
      %select_n3A_1552 = arith.select %and3A_1549, %sub3A_1551, %div3A_1530 : i32
      %slice3A_1553 = vector.extract_strided_slice %select_n3A {offsets = [14], sizes = [1], strides = [1]} : vector<16xi32> to vector<1xi32>
      %squeeze3A_1554 = vector.extract %slice3A_1553[0] : i32 from vector<1xi32>
      %add3A_1555 = arith.constant 0 : i32
      %add3A_1556 = arith.addi %squeeze3A_1554, %add3A_1555 : i32
      %get3A_1557 = arith.index_cast %add3A_1524 : i32 to index
      %get3A_1558 = arith.index_cast %add3A_1556 : i32 to index
      %get3A_1559 = tpu.vector_load %arg9[%get3A_1557, %get3A_1558] {strides = array<i32>} : memref<512x128xf32, #tpu.memory_space<vmem>>, vector<1x16xf32>,
      %get3A_1560 = vector.shape_cast %get3A_1559 : vector<1x16xf32> to vector<16xf32>
      %get3A_1561 = arith.index_cast %select_n3A_1552 : i32 to index
      %get3A_1562 = arith.constant 0 : index
      %get3A_1563 = tpu.vector_load %arg10[%get3A_1561, %get3A_1562] {strides = array<i32>} : memref<256x128xf32, #tpu.memory_space<vmem>>, vector<1x16xf32>,
      %get3A_1564 = vector.shape_cast %get3A_1563 : vector<1x16xf32> to vector<16xf32>
      %mul3A_1565 = arith.mulf %get3A_1560, %get3A_1564 : vector<16xf32>
      %sub3A_1566 = arith.constant 256 : i32
      %sub3A_1567 = arith.subi %add3A_1524, %sub3A_1566 : i32
      %swap3A_1568 = arith.index_cast %sub3A_1567 : i32 to index
      %swap3A_1569 = arith.constant 64 : index
      %swap3A_1570 = tpu.vector_load %arg9[%swap3A_1568, %swap3A_1569] {strides = array<i32>} : memref<512x128xf32, #tpu.memory_space<vmem>>, vector<1x16xf32>,
      %swap3A_1571 = vector.shape_cast %swap3A_1570 : vector<1x16xf32> to vector<16xf32>
      %swap3A_1572 = vector.shape_cast %mul3A_1565 : vector<16xf32> to vector<1x16xf32>
      tpu.vector_store %arg9[%swap3A_1568, %swap3A_1569], %swap3A_1572 {strides = array<i32>} : memref<512x128xf32, #tpu.memory_space<vmem>>, vector<1x16xf32>,
      %add3A_1573 = arith.constant 16 : i32
      %add3A_1574 = arith.addi %squeeze3A_1554, %add3A_1573 : i32
      %get3A_1575 = arith.index_cast %add3A_1524 : i32 to index
      %get3A_1576 = arith.index_cast %add3A_1574 : i32 to index
      %get3A_1577 = tpu.vector_load %arg9[%get3A_1575, %get3A_1576] {strides = array<i32>} : memref<512x128xf32, #tpu.memory_space<vmem>>, vector<1x16xf32>,
      %get3A_1578 = vector.shape_cast %get3A_1577 : vector<1x16xf32> to vector<16xf32>
      %get3A_1579 = arith.index_cast %select_n3A_1552 : i32 to index
      %get3A_1580 = arith.constant 16 : index
      %get3A_1581 = tpu.vector_load %arg10[%get3A_1579, %get3A_1580] {strides = array<i32>} : memref<256x128xf32, #tpu.memory_space<vmem>>, vector<1x16xf32>,
      %get3A_1582 = vector.shape_cast %get3A_1581 : vector<1x16xf32> to vector<16xf32>
      %mul3A_1583 = arith.mulf %get3A_1578, %get3A_1582 : vector<16xf32>
      %sub3A_1584 = arith.constant 256 : i32
      %sub3A_1585 = arith.subi %add3A_1524, %sub3A_1584 : i32
      %swap3A_1586 = arith.index_cast %sub3A_1585 : i32 to index
      %swap3A_1587 = arith.constant 80 : index
      %swap3A_1588 = tpu.vector_load %arg9[%swap3A_1586, %swap3A_1587] {strides = array<i32>} : memref<512x128xf32, #tpu.memory_space<vmem>>, vector<1x16xf32>,
      %swap3A_1589 = vector.shape_cast %swap3A_1588 : vector<1x16xf32> to vector<16xf32>
      %swap3A_1590 = vector.shape_cast %mul3A_1583 : vector<16xf32> to vector<1x16xf32>
      tpu.vector_store %arg9[%swap3A_1586, %swap3A_1587], %swap3A_1590 {strides = array<i32>} : memref<512x128xf32, #tpu.memory_space<vmem>>, vector<1x16xf32>,
      %add3A_1591 = arith.constant 32 : i32
      %add3A_1592 = arith.addi %squeeze3A_1554, %add3A_1591 : i32
      %get3A_1593 = arith.index_cast %add3A_1524 : i32 to index
      %get3A_1594 = arith.index_cast %add3A_1592 : i32 to index
      %get3A_1595 = tpu.vector_load %arg9[%get3A_1593, %get3A_1594] {strides = array<i32>} : memref<512x128xf32, #tpu.memory_space<vmem>>, vector<1x16xf32>,
      %get3A_1596 = vector.shape_cast %get3A_1595 : vector<1x16xf32> to vector<16xf32>
      %get3A_1597 = arith.index_cast %select_n3A_1552 : i32 to index
      %get3A_1598 = arith.constant 32 : index
      %get3A_1599 = tpu.vector_load %arg10[%get3A_1597, %get3A_1598] {strides = array<i32>} : memref<256x128xf32, #tpu.memory_space<vmem>>, vector<1x16xf32>,
      %get3A_1600 = vector.shape_cast %get3A_1599 : vector<1x16xf32> to vector<16xf32>
      %mul3A_1601 = arith.mulf %get3A_1596, %get3A_1600 : vector<16xf32>
      %sub3A_1602 = arith.constant 256 : i32
      %sub3A_1603 = arith.subi %add3A_1524, %sub3A_1602 : i32
      %swap3A_1604 = arith.index_cast %sub3A_1603 : i32 to index
      %swap3A_1605 = arith.constant 96 : index
      %swap3A_1606 = tpu.vector_load %arg9[%swap3A_1604, %swap3A_1605] {strides = array<i32>} : memref<512x128xf32, #tpu.memory_space<vmem>>, vector<1x16xf32>,
      %swap3A_1607 = vector.shape_cast %swap3A_1606 : vector<1x16xf32> to vector<16xf32>
      %swap3A_1608 = vector.shape_cast %mul3A_1601 : vector<16xf32> to vector<1x16xf32>
      tpu.vector_store %arg9[%swap3A_1604, %swap3A_1605], %swap3A_1608 {strides = array<i32>} : memref<512x128xf32, #tpu.memory_space<vmem>>, vector<1x16xf32>,
      %add3A_1609 = arith.constant 48 : i32
      %add3A_1610 = arith.addi %squeeze3A_1554, %add3A_1609 : i32
      %get3A_1611 = arith.index_cast %add3A_1524 : i32 to index
      %get3A_1612 = arith.index_cast %add3A_1610 : i32 to index
      %get3A_1613 = tpu.vector_load %arg9[%get3A_1611, %get3A_1612] {strides = array<i32>} : memref<512x128xf32, #tpu.memory_space<vmem>>, vector<1x16xf32>,
      %get3A_1614 = vector.shape_cast %get3A_1613 : vector<1x16xf32> to vector<16xf32>
      %get3A_1615 = arith.index_cast %select_n3A_1552 : i32 to index
      %get3A_1616 = arith.constant 48 : index
      %get3A_1617 = tpu.vector_load %arg10[%get3A_1615, %get3A_1616] {strides = array<i32>} : memref<256x128xf32, #tpu.memory_space<vmem>>, vector<1x16xf32>,
      %get3A_1618 = vector.shape_cast %get3A_1617 : vector<1x16xf32> to vector<16xf32>
      %mul3A_1619 = arith.mulf %get3A_1614, %get3A_1618 : vector<16xf32>
      %sub3A_1620 = arith.constant 256 : i32
      %sub3A_1621 = arith.subi %add3A_1524, %sub3A_1620 : i32
      %swap3A_1622 = arith.index_cast %sub3A_1621 : i32 to index
      %swap3A_1623 = arith.constant 112 : index
      %swap3A_1624 = tpu.vector_load %arg9[%swap3A_1622, %swap3A_1623] {strides = array<i32>} : memref<512x128xf32, #tpu.memory_space<vmem>>, vector<1x16xf32>,
      %swap3A_1625 = vector.shape_cast %swap3A_1624 : vector<1x16xf32> to vector<16xf32>
      %swap3A_1626 = vector.shape_cast %mul3A_1619 : vector<16xf32> to vector<1x16xf32>
      tpu.vector_store %arg9[%swap3A_1622, %swap3A_1623], %swap3A_1626 {strides = array<i32>} : memref<512x128xf32, #tpu.memory_space<vmem>>, vector<1x16xf32>,
      %add3A_1627 = arith.constant 256 : i32
      %add3A_1628 = arith.addi %add3A_1627, %mul3A_37 : i32
      %add3A_1629 = arith.constant 15 : i32
      %add3A_1630 = arith.addi %add3A_1628, %add3A_1629 : i32
      %add3A_1631 = arith.constant 256 : i32
      %add3A_1632 = arith.addi %add3A_1631, %mul3A_37 : i32
      %add3A_1633 = arith.constant 15 : i32
      %add3A_1634 = arith.addi %add3A_1632, %add3A_1633 : i32
      %jit3A_1635 = arith.constant 2 : i32
      %div3A_1636 = arith.divsi %add3A_1634, %jit3A_1635 : i32
      %sign3A_1637 = arith.constant 0 : i32
      %sign3A_1638 = arith.cmpi sgt, %add3A_1634, %sign3A_1637 : i32
      %sign3A_1639 = arith.extui %sign3A_1638 : i1 to i32
      %sign3A_1640 = arith.constant 0 : i32
      %sign3A_1641 = arith.cmpi slt, %add3A_1634, %sign3A_1640 : i32
      %sign3A_1642 = arith.extui %sign3A_1641 : i1 to i32
      %sign3A_1643 = arith.subi %sign3A_1639, %sign3A_1642 : i32
      %sign3A_1644 = arith.constant 0 : i32
      %sign3A_1645 = arith.cmpi sgt, %jit3A_1635, %sign3A_1644 : i32
      %sign3A_1646 = arith.extui %sign3A_1645 : i1 to i32
      %sign3A_1647 = arith.constant 0 : i32
      %sign3A_1648 = arith.cmpi slt, %jit3A_1635, %sign3A_1647 : i32
      %sign3A_1649 = arith.extui %sign3A_1648 : i1 to i32
      %sign3A_1650 = arith.subi %sign3A_1646, %sign3A_1649 : i32
      %ne3A_1651 = arith.cmpi ne, %sign3A_1643, %sign3A_1650 : i32
      %rem3A_1652 = arith.remsi %add3A_1634, %jit3A_1635 : i32
      %ne3A_1653 = arith.constant 0 : i32
      %ne3A_1654 = arith.cmpi ne, %rem3A_1652, %ne3A_1653 : i32
      %and3A_1655 = arith.andi %ne3A_1651, %ne3A_1654 : i1
      %sub3A_1656 = arith.constant 1 : i32
      %sub3A_1657 = arith.subi %div3A_1636, %sub3A_1656 : i32
      %select_n3A_1658 = arith.select %and3A_1655, %sub3A_1657, %div3A_1636 : i32
      %slice3A_1659 = vector.extract_strided_slice %select_n3A {offsets = [15], sizes = [1], strides = [1]} : vector<16xi32> to vector<1xi32>
      %squeeze3A_1660 = vector.extract %slice3A_1659[0] : i32 from vector<1xi32>
      %add3A_1661 = arith.constant 0 : i32
      %add3A_1662 = arith.addi %squeeze3A_1660, %add3A_1661 : i32
      %get3A_1663 = arith.index_cast %add3A_1630 : i32 to index
      %get3A_1664 = arith.index_cast %add3A_1662 : i32 to index
      %get3A_1665 = tpu.vector_load %arg9[%get3A_1663, %get3A_1664] {strides = array<i32>} : memref<512x128xf32, #tpu.memory_space<vmem>>, vector<1x16xf32>,
      %get3A_1666 = vector.shape_cast %get3A_1665 : vector<1x16xf32> to vector<16xf32>
      %get3A_1667 = arith.index_cast %select_n3A_1658 : i32 to index
      %get3A_1668 = arith.constant 64 : index
      %get3A_1669 = tpu.vector_load %arg10[%get3A_1667, %get3A_1668] {strides = array<i32>} : memref<256x128xf32, #tpu.memory_space<vmem>>, vector<1x16xf32>,
      %get3A_1670 = vector.shape_cast %get3A_1669 : vector<1x16xf32> to vector<16xf32>
      %mul3A_1671 = arith.mulf %get3A_1666, %get3A_1670 : vector<16xf32>
      %sub3A_1672 = arith.constant 256 : i32
      %sub3A_1673 = arith.subi %add3A_1630, %sub3A_1672 : i32
      %swap3A_1674 = arith.index_cast %sub3A_1673 : i32 to index
      %swap3A_1675 = arith.constant 64 : index
      %swap3A_1676 = tpu.vector_load %arg9[%swap3A_1674, %swap3A_1675] {strides = array<i32>} : memref<512x128xf32, #tpu.memory_space<vmem>>, vector<1x16xf32>,
      %swap3A_1677 = vector.shape_cast %swap3A_1676 : vector<1x16xf32> to vector<16xf32>
      %swap3A_1678 = vector.shape_cast %mul3A_1671 : vector<16xf32> to vector<1x16xf32>
      tpu.vector_store %arg9[%swap3A_1674, %swap3A_1675], %swap3A_1678 {strides = array<i32>} : memref<512x128xf32, #tpu.memory_space<vmem>>, vector<1x16xf32>,
      %add3A_1679 = arith.constant 16 : i32
      %add3A_1680 = arith.addi %squeeze3A_1660, %add3A_1679 : i32
      %get3A_1681 = arith.index_cast %add3A_1630 : i32 to index
      %get3A_1682 = arith.index_cast %add3A_1680 : i32 to index
      %get3A_1683 = tpu.vector_load %arg9[%get3A_1681, %get3A_1682] {strides = array<i32>} : memref<512x128xf32, #tpu.memory_space<vmem>>, vector<1x16xf32>,
      %get3A_1684 = vector.shape_cast %get3A_1683 : vector<1x16xf32> to vector<16xf32>
      %get3A_1685 = arith.index_cast %select_n3A_1658 : i32 to index
      %get3A_1686 = arith.constant 80 : index
      %get3A_1687 = tpu.vector_load %arg10[%get3A_1685, %get3A_1686] {strides = array<i32>} : memref<256x128xf32, #tpu.memory_space<vmem>>, vector<1x16xf32>,
      %get3A_1688 = vector.shape_cast %get3A_1687 : vector<1x16xf32> to vector<16xf32>
      %mul3A_1689 = arith.mulf %get3A_1684, %get3A_1688 : vector<16xf32>
      %sub3A_1690 = arith.constant 256 : i32
      %sub3A_1691 = arith.subi %add3A_1630, %sub3A_1690 : i32
      %swap3A_1692 = arith.index_cast %sub3A_1691 : i32 to index
      %swap3A_1693 = arith.constant 80 : index
      %swap3A_1694 = tpu.vector_load %arg9[%swap3A_1692, %swap3A_1693] {strides = array<i32>} : memref<512x128xf32, #tpu.memory_space<vmem>>, vector<1x16xf32>,
      %swap3A_1695 = vector.shape_cast %swap3A_1694 : vector<1x16xf32> to vector<16xf32>
      %swap3A_1696 = vector.shape_cast %mul3A_1689 : vector<16xf32> to vector<1x16xf32>
      tpu.vector_store %arg9[%swap3A_1692, %swap3A_1693], %swap3A_1696 {strides = array<i32>} : memref<512x128xf32, #tpu.memory_space<vmem>>, vector<1x16xf32>,
      %add3A_1697 = arith.constant 32 : i32
      %add3A_1698 = arith.addi %squeeze3A_1660, %add3A_1697 : i32
      %get3A_1699 = arith.index_cast %add3A_1630 : i32 to index
      %get3A_1700 = arith.index_cast %add3A_1698 : i32 to index
      %get3A_1701 = tpu.vector_load %arg9[%get3A_1699, %get3A_1700] {strides = array<i32>} : memref<512x128xf32, #tpu.memory_space<vmem>>, vector<1x16xf32>,
      %get3A_1702 = vector.shape_cast %get3A_1701 : vector<1x16xf32> to vector<16xf32>
      %get3A_1703 = arith.index_cast %select_n3A_1658 : i32 to index
      %get3A_1704 = arith.constant 96 : index
      %get3A_1705 = tpu.vector_load %arg10[%get3A_1703, %get3A_1704] {strides = array<i32>} : memref<256x128xf32, #tpu.memory_space<vmem>>, vector<1x16xf32>,
      %get3A_1706 = vector.shape_cast %get3A_1705 : vector<1x16xf32> to vector<16xf32>
      %mul3A_1707 = arith.mulf %get3A_1702, %get3A_1706 : vector<16xf32>
      %sub3A_1708 = arith.constant 256 : i32
      %sub3A_1709 = arith.subi %add3A_1630, %sub3A_1708 : i32
      %swap3A_1710 = arith.index_cast %sub3A_1709 : i32 to index
      %swap3A_1711 = arith.constant 96 : index
      %swap3A_1712 = tpu.vector_load %arg9[%swap3A_1710, %swap3A_1711] {strides = array<i32>} : memref<512x128xf32, #tpu.memory_space<vmem>>, vector<1x16xf32>,
      %swap3A_1713 = vector.shape_cast %swap3A_1712 : vector<1x16xf32> to vector<16xf32>
      %swap3A_1714 = vector.shape_cast %mul3A_1707 : vector<16xf32> to vector<1x16xf32>
      tpu.vector_store %arg9[%swap3A_1710, %swap3A_1711], %swap3A_1714 {strides = array<i32>} : memref<512x128xf32, #tpu.memory_space<vmem>>, vector<1x16xf32>,
      %add3A_1715 = arith.constant 48 : i32
      %add3A_1716 = arith.addi %squeeze3A_1660, %add3A_1715 : i32
      %get3A_1717 = arith.index_cast %add3A_1630 : i32 to index
      %get3A_1718 = arith.index_cast %add3A_1716 : i32 to index
      %get3A_1719 = tpu.vector_load %arg9[%get3A_1717, %get3A_1718] {strides = array<i32>} : memref<512x128xf32, #tpu.memory_space<vmem>>, vector<1x16xf32>,
      %get3A_1720 = vector.shape_cast %get3A_1719 : vector<1x16xf32> to vector<16xf32>
      %get3A_1721 = arith.index_cast %select_n3A_1658 : i32 to index
      %get3A_1722 = arith.constant 112 : index
      %get3A_1723 = tpu.vector_load %arg10[%get3A_1721, %get3A_1722] {strides = array<i32>} : memref<256x128xf32, #tpu.memory_space<vmem>>, vector<1x16xf32>,
      %get3A_1724 = vector.shape_cast %get3A_1723 : vector<1x16xf32> to vector<16xf32>
      %mul3A_1725 = arith.mulf %get3A_1720, %get3A_1724 : vector<16xf32>
      %sub3A_1726 = arith.constant 256 : i32
      %sub3A_1727 = arith.subi %add3A_1630, %sub3A_1726 : i32
      %swap3A_1728 = arith.index_cast %sub3A_1727 : i32 to index
      %swap3A_1729 = arith.constant 112 : index
      %swap3A_1730 = tpu.vector_load %arg9[%swap3A_1728, %swap3A_1729] {strides = array<i32>} : memref<512x128xf32, #tpu.memory_space<vmem>>, vector<1x16xf32>,
      %swap3A_1731 = vector.shape_cast %swap3A_1730 : vector<1x16xf32> to vector<16xf32>
      %swap3A_1732 = vector.shape_cast %mul3A_1725 : vector<16xf32> to vector<1x16xf32>
      tpu.vector_store %arg9[%swap3A_1728, %swap3A_1729], %swap3A_1732 {strides = array<i32>} : memref<512x128xf32, #tpu.memory_space<vmem>>, vector<1x16xf32>,
    }
    %scan3A_34 = arith.constant 16 : i32
    "tpu.region"() ({
      %run_scoped3A = tpu.sem_alloc : memref<!tpu.dma_semaphore, #tpu.memory_space<semaphore_mem>>
      %dma_start3A = arith.constant 0 : i32
      %dma_start3A_35 = arith.constant 0 : i32
      %dma_start3A_36 = tpu.memref_slice %arg9[%dma_start3A, %dma_start3A_35] : memref<512x128xf32, #tpu.memory_space<vmem>> -> memref<256x128xf32, #tpu.memory_space<vmem>>
      %dma_start3A_37 = arith.constant 0 : i32
      %dma_start3A_38 = tpu.memref_slice %arg6[%mul3A_2, %dma_start3A_37] : memref<8192x128xf32, #tpu.memory_space<hbm>> -> memref<256x128xf32, #tpu.memory_space<hbm>>
      %dma_start3A_39 = arith.constant 0 : i32
      %dma_start3A_40 = tpu.memref_slice %arg6[%mul3A_2, %dma_start3A_39] : memref<8192x128xf32, #tpu.memory_space<hbm>> -> memref<256x128xf32, #tpu.memory_space<hbm>>
      %dma_start3A_41 = arith.constant 0 : i32
      %dma_start3A_42 = arith.constant 0 : i32
      %dma_start3A_43 = tpu.memref_slice %arg9[%dma_start3A_41, %dma_start3A_42] : memref<512x128xf32, #tpu.memory_space<vmem>> -> memref<256x128xf32, #tpu.memory_space<vmem>>
      tpu.enqueue_dma source(%dma_start3A_43 : memref<256x128xf32, #tpu.memory_space<vmem>>) target(%dma_start3A_40 : memref<256x128xf32, #tpu.memory_space<hbm>>) target_semaphore(%run_scoped3A : memref<!tpu.dma_semaphore, #tpu.memory_space<semaphore_mem>>)
      %dma_wait3A_44 = arith.constant 0 : i32
      %dma_wait3A_45 = arith.constant 0 : i32
      %dma_wait3A_46 = tpu.memref_slice %arg9[%dma_wait3A_44, %dma_wait3A_45] : memref<512x128xf32, #tpu.memory_space<vmem>> -> memref<256x128xf32, #tpu.memory_space<vmem>>
      %dma_wait3A_47 = arith.constant 0 : i32
      %dma_wait3A_48 = tpu.memref_slice %arg6[%mul3A_2, %dma_wait3A_47] : memref<8192x128xf32, #tpu.memory_space<hbm>> -> memref<256x128xf32, #tpu.memory_space<hbm>>
      %dma_wait3A_49 = arith.constant 0 : i32
      %dma_wait3A_50 = tpu.memref_slice %arg6[%mul3A_2, %dma_wait3A_49] : memref<8192x128xf32, #tpu.memory_space<hbm>> -> memref<256x128xf32, #tpu.memory_space<hbm>>
      %dma_wait3A_51 = arith.constant 0 : i32
      %dma_wait3A_52 = arith.constant 0 : i32
      %dma_wait3A_53 = tpu.memref_slice %arg9[%dma_wait3A_51, %dma_wait3A_52] : memref<512x128xf32, #tpu.memory_space<vmem>> -> memref<256x128xf32, #tpu.memory_space<vmem>>
      tpu.wait_dma2 semaphore(%run_scoped3A : memref<!tpu.dma_semaphore, #tpu.memory_space<semaphore_mem>>) src(%dma_wait3A_53 : memref<256x128xf32, #tpu.memory_space<vmem>>) dst(%dma_wait3A_50 : memref<256x128xf32, #tpu.memory_space<hbm>>)
      tpu.yield
    }) : () -> ()
    return
  }
}

module attributes {stable_mosaic.version = 14 : i64} {
  func.func @_pack_body(%arg0: i32, %arg1: memref<64x10240xf32, #tpu.memory_space<vmem>>, %arg2: memref<64x10240xf32, #tpu.memory_space<vmem>>, %arg3: memref<10240x128xf32, #tpu.memory_space<vmem>>) attributes {dimension_semantics = [#tpu.dimension_semantics<arbitrary>], iteration_bounds = array<i64: 50>, scalar_prefetch = 0 : i64, scratch_operands = 0 : i64, tpu.core_type = #tpu.core_type<tc>, window_params = [{transform_indices = @transform_0, window_bounds = array<i64: 64, 10240>}, {transform_indices = @transform_1, window_bounds = array<i64: 64, 10240>}, {transform_indices = @transform_2, window_bounds = array<i64: 10240, 128>}]} {
    %get3A = arith.constant 0 : index
    %get3A_0 = arith.constant 0 : index
    %get3A_1 = vector.load %arg1[%get3A, %get3A_0] : memref<64x10240xf32, #tpu.memory_space<vmem>>, vector<64x10240xf32>
    %get3A_2 = arith.constant 0 : index
    %get3A_3 = arith.constant 0 : index
    %get3A_4 = vector.load %arg2[%get3A_2, %get3A_3] : memref<64x10240xf32, #tpu.memory_space<vmem>>, vector<64x10240xf32>
    %iota3A = tpu.iota {dimensions = array<i32: 0>} : vector<64x64xi32>
    %iota3A_5 = tpu.iota {dimensions = array<i32: 1>} : vector<64x64xi32>
    %add3A = arith.constant 0 : i32
    %add3A_6 = vector.broadcast %add3A : i32 to vector<64x64xi32>
    %add3A_7 = arith.addi %iota3A, %add3A_6 : vector<64x64xi32>
    %eq3A = arith.cmpi eq, %add3A_7, %iota3A_5 : vector<64x64xi32>
    %convert_element_type3A = arith.extui %eq3A : vector<64x64xi1> to vector<64x64xi32>
    %convert_element_type3A_8 = arith.sitofp %convert_element_type3A : vector<64x64xi32> to vector<64x64xf32>
    %dot_general3A = arith.constant dense<0.000000e+00> : vector<10240x64xf32>
    %dot_general3A_9 = tpu.matmul %get3A_1, %convert_element_type3A_8, %dot_general3A {dimension_numbers = #tpu.dot_dimension_numbers<[0], [0], [1], [1], [0, 1, 1, 1], [], []>, transpose_lhs_hint = false} : vector<64x10240xf32>, vector<64x64xf32>, vector<10240x64xf32> -> vector<10240x64xf32>
    %dot_general3A_10 = arith.constant dense<0.000000e+00> : vector<10240x64xf32>
    %dot_general3A_11 = tpu.matmul %get3A_4, %convert_element_type3A_8, %dot_general3A_10 {dimension_numbers = #tpu.dot_dimension_numbers<[0], [0], [1], [1], [0, 1, 1, 1], [], []>, transpose_lhs_hint = false} : vector<64x10240xf32>, vector<64x64xf32>, vector<10240x64xf32> -> vector<10240x64xf32>
    %concatenate3A = tpu.concatenate %dot_general3A_9, %dot_general3A_11 in 1 : vector<10240x64xf32>, vector<10240x64xf32> -> vector<10240x128xf32>
    %swap3A = arith.constant 0 : index
    %swap3A_12 = arith.constant 0 : index
    %swap3A_13 = vector.load %arg3[%swap3A, %swap3A_12] : memref<10240x128xf32, #tpu.memory_space<vmem>>, vector<10240x128xf32>
    tpu.vector_store %arg3[%swap3A, %swap3A_12], %concatenate3A {strides = array<i32>} : memref<10240x128xf32, #tpu.memory_space<vmem>>, vector<10240x128xf32>,
    return
  }
  func.func @transform_0(%arg0: i32) -> (i32, i32) {
    %c0_i32 = arith.constant 0 : i32
    %c0_i32_0 = arith.constant 0 : i32
    return %c0_i32, %arg0 : i32, i32
  }
  func.func @transform_1(%arg0: i32) -> (i32, i32) {
    %add3A = arith.constant 50 : i32
    %add3A_0 = arith.addi %add3A, %arg0 : i32
    %min3A = arith.constant 97 : i32
    %min3A_1 = arith.minsi %add3A_0, %min3A : i32
    %c0_i32 = arith.constant 0 : i32
    %c0_i32_2 = arith.constant 0 : i32
    return %c0_i32, %min3A_1 : i32, i32
  }
  func.func @transform_2(%arg0: i32) -> (i32, i32) {
    %c0_i32 = arith.constant 0 : i32
    %c0_i32_0 = arith.constant 0 : i32
    return %arg0, %c0_i32 : i32, i32
  }
}

module attributes {stable_mosaic.version = 14 : i64} {
  func.func @_mlp_body(%arg0: i32, %arg1: memref<1024x128xf32, #tpu.memory_space<vmem>>, %arg2: memref<128x128xf32, #tpu.memory_space<vmem>>, %arg3: memref<1x128xf32, #tpu.memory_space<vmem>>, %arg4: memref<128x128xf32, #tpu.memory_space<vmem>>, %arg5: memref<1x128xf32, #tpu.memory_space<vmem>>, %arg6: memref<1x128xf32, #tpu.memory_space<vmem>>, %arg7: memref<1x1xf32, #tpu.memory_space<smem>>, %arg8: memref<1024x2xf32, #tpu.memory_space<vmem>>) attributes {dimension_semantics = [#tpu.dimension_semantics<arbitrary>], iteration_bounds = array<i64: 8>, scalar_prefetch = 0 : i64, scratch_operands = 0 : i64, tpu.core_type = #tpu.core_type<tc>, window_params = [{transform_indices = @transform_0, window_bounds = array<i64: 1024, 128>}, {pipeline_mode = #tpu.pipeline_mode<synchronous>, transform_indices = @transform_1, window_bounds = array<i64: 128, 128>}, {pipeline_mode = #tpu.pipeline_mode<synchronous>, transform_indices = @transform_2, window_bounds = array<i64: 1, 128>}, {pipeline_mode = #tpu.pipeline_mode<synchronous>, transform_indices = @transform_3, window_bounds = array<i64: 128, 128>}, {pipeline_mode = #tpu.pipeline_mode<synchronous>, transform_indices = @transform_4, window_bounds = array<i64: 1, 128>}, {pipeline_mode = #tpu.pipeline_mode<synchronous>, transform_indices = @transform_5, window_bounds = array<i64: 1, 128>}, {transform_indices = @transform_6, window_bounds = array<i64: 1, 1>}, {transform_indices = @transform_7, window_bounds = array<i64: 1024, 2>}]} {
    %get3A = arith.constant 0 : index
    %get3A_0 = arith.constant 0 : index
    %get3A_1 = vector.load %arg1[%get3A, %get3A_0] : memref<1024x128xf32, #tpu.memory_space<vmem>>, vector<1024x128xf32>
    %get3A_2 = arith.constant 0 : index
    %get3A_3 = arith.constant 0 : index
    %get3A_4 = vector.load %arg2[%get3A_2, %get3A_3] : memref<128x128xf32, #tpu.memory_space<vmem>>, vector<128x128xf32>
    %dot_general3A = arith.constant dense<0.000000e+00> : vector<1024x128xf32>
    %dot_general3A_5 = tpu.matmul %get3A_1, %get3A_4, %dot_general3A {dimension_numbers = #tpu.dot_dimension_numbers<[1], [0], [0], [1], [0, 0, 1, 1], [], []>, transpose_lhs_hint = false} : vector<1024x128xf32>, vector<128x128xf32>, vector<1024x128xf32> -> vector<1024x128xf32>
    %get3A_6 = arith.constant 0 : index
    %get3A_7 = arith.constant 0 : index
    %get3A_8 = vector.load %arg3[%get3A_6, %get3A_7] : memref<1x128xf32, #tpu.memory_space<vmem>>, vector<1x128xf32>
    %add3A = vector.broadcast %get3A_8 : vector<1x128xf32> to vector<1024x128xf32>
    %add3A_9 = arith.addf %dot_general3A_5, %add3A : vector<1024x128xf32>
    %max3A = arith.constant 0.000000e+00 : f32
    %max3A_10 = vector.broadcast %max3A : f32 to vector<1024x128xf32>
    %max3A_11 = arith.maximumf %add3A_9, %max3A_10 : vector<1024x128xf32>
    %get3A_12 = arith.constant 0 : index
    %get3A_13 = arith.constant 0 : index
    %get3A_14 = vector.load %arg4[%get3A_12, %get3A_13] : memref<128x128xf32, #tpu.memory_space<vmem>>, vector<128x128xf32>
    %dot_general3A_15 = arith.constant dense<0.000000e+00> : vector<1024x128xf32>
    %dot_general3A_16 = tpu.matmul %max3A_11, %get3A_14, %dot_general3A_15 {dimension_numbers = #tpu.dot_dimension_numbers<[1], [0], [0], [1], [0, 0, 1, 1], [], []>, transpose_lhs_hint = false} : vector<1024x128xf32>, vector<128x128xf32>, vector<1024x128xf32> -> vector<1024x128xf32>
    %get3A_17 = arith.constant 0 : index
    %get3A_18 = arith.constant 0 : index
    %get3A_19 = vector.load %arg5[%get3A_17, %get3A_18] : memref<1x128xf32, #tpu.memory_space<vmem>>, vector<1x128xf32>
    %add3A_20 = vector.broadcast %get3A_19 : vector<1x128xf32> to vector<1024x128xf32>
    %add3A_21 = arith.addf %dot_general3A_16, %add3A_20 : vector<1024x128xf32>
    %max3A_22 = arith.constant 0.000000e+00 : f32
    %max3A_23 = vector.broadcast %max3A_22 : f32 to vector<1024x128xf32>
    %max3A_24 = arith.maximumf %add3A_21, %max3A_23 : vector<1024x128xf32>
    %get3A_25 = arith.constant 0 : index
    %get3A_26 = arith.constant 0 : index
    %get3A_27 = vector.load %arg6[%get3A_25, %get3A_26] : memref<1x128xf32, #tpu.memory_space<vmem>>, vector<1x128xf32>
    %mul3A = vector.broadcast %get3A_27 : vector<1x128xf32> to vector<1024x128xf32>
    %mul3A_28 = arith.mulf %max3A_24, %mul3A : vector<1024x128xf32>
    %slice3A = vector.extract_strided_slice %mul3A_28 {offsets = [0, 0], sizes = [1024, 64], strides = [1, 1]} : vector<1024x128xf32> to vector<1024x64xf32>
    %reduce_sum3A = arith.constant dense<0.000000e+00> : vector<1024xf32>
    %reduce_sum3A_29 = vector.multi_reduction <add>, %slice3A, %reduce_sum3A [1] : vector<1024x64xf32> to vector<1024xf32>
    %broadcast_in_dim3A = vector.shape_cast %reduce_sum3A_29 : vector<1024xf32> to vector<1024x1xf32>
    %slice3A_30 = vector.extract_strided_slice %mul3A_28 {offsets = [0, 64], sizes = [1024, 64], strides = [1, 1]} : vector<1024x128xf32> to vector<1024x64xf32>
    %reduce_sum3A_31 = arith.constant dense<0.000000e+00> : vector<1024xf32>
    %reduce_sum3A_32 = vector.multi_reduction <add>, %slice3A_30, %reduce_sum3A_31 [1] : vector<1024x64xf32> to vector<1024xf32>
    %broadcast_in_dim3A_33 = vector.shape_cast %reduce_sum3A_32 : vector<1024xf32> to vector<1024x1xf32>
    %concatenate3A = tpu.concatenate %broadcast_in_dim3A, %broadcast_in_dim3A_33 in 1 : vector<1024x1xf32>, vector<1024x1xf32> -> vector<1024x2xf32>
    %get3A_34 = arith.constant 0 : index
    %get3A_35 = arith.constant 0 : index
    %get3A_36 = memref.load %arg7[%get3A_34, %get3A_35] : memref<1x1xf32, #tpu.memory_space<smem>>
    %add3A_37 = vector.broadcast %get3A_36 : f32 to vector<1024x2xf32>
    %add3A_38 = arith.addf %concatenate3A, %add3A_37 : vector<1024x2xf32>
    %swap3A = arith.constant 0 : index
    %swap3A_39 = arith.constant 0 : index
    %swap3A_40 = vector.load %arg8[%swap3A, %swap3A_39] : memref<1024x2xf32, #tpu.memory_space<vmem>>, vector<1024x2xf32>
    tpu.vector_store %arg8[%swap3A, %swap3A_39], %add3A_38 {strides = array<i32>} : memref<1024x2xf32, #tpu.memory_space<vmem>>, vector<1024x2xf32>,
    return
  }
  func.func @transform_0(%arg0: i32) -> (i32, i32) {
    %c0_i32 = arith.constant 0 : i32
    %c0_i32_0 = arith.constant 0 : i32
    return %arg0, %c0_i32 : i32, i32
  }
  func.func @transform_1(%arg0: i32) -> (i32, i32) {
    %c0_i32 = arith.constant 0 : i32
    %c0_i32_0 = arith.constant 0 : i32
    %c0_i32_1 = arith.constant 0 : i32
    return %c0_i32, %c0_i32_0 : i32, i32
  }
  func.func @transform_2(%arg0: i32) -> (i32, i32) {
    %c0_i32 = arith.constant 0 : i32
    %c0_i32_0 = arith.constant 0 : i32
    %c0_i32_1 = arith.constant 0 : i32
    return %c0_i32, %c0_i32_0 : i32, i32
  }
  func.func @transform_3(%arg0: i32) -> (i32, i32) {
    %c0_i32 = arith.constant 0 : i32
    %c0_i32_0 = arith.constant 0 : i32
    %c0_i32_1 = arith.constant 0 : i32
    return %c0_i32, %c0_i32_0 : i32, i32
  }
  func.func @transform_4(%arg0: i32) -> (i32, i32) {
    %c0_i32 = arith.constant 0 : i32
    %c0_i32_0 = arith.constant 0 : i32
    %c0_i32_1 = arith.constant 0 : i32
    return %c0_i32, %c0_i32_0 : i32, i32
  }
  func.func @transform_5(%arg0: i32) -> (i32, i32) {
    %c0_i32 = arith.constant 0 : i32
    %c0_i32_0 = arith.constant 0 : i32
    %c0_i32_1 = arith.constant 0 : i32
    return %c0_i32, %c0_i32_0 : i32, i32
  }
  func.func @transform_6(%arg0: i32) -> (i32, i32) {
    %c0_i32 = arith.constant 0 : i32
    %c0_i32_0 = arith.constant 0 : i32
    %c0_i32_1 = arith.constant 0 : i32
    return %c0_i32, %c0_i32_0 : i32, i32
  }
  func.func @transform_7(%arg0: i32) -> (i32, i32) {
    %c0_i32 = arith.constant 0 : i32
    %c0_i32_0 = arith.constant 0 : i32
    return %arg0, %c0_i32 : i32, i32
  }
}

</mosaic_0001>

<sc_bundles>
// kernel: kernel.5.cloned.1.call-start
scs
__scs_entry_jumppad:
0x0: {  	(pc) =	sbr.rel $0x88, $3  }
0x1: {  	(tag) =	ssettag $0x0;
	lr =	simm.s32 $0x1  }
0x2: {  	[smem:$0x3F97] =	sst lr;
	_ =	strace $0xD0000000  }
0x3: {  	_ = 	snop  }
0x4: {  	_ = 	snop  }
0x5: {  	_ = 	snop  }
0x6: {  	_ = 	snop  }
0x7: {  	_ = 	snop  }
__scs_overlays_trampoline_lowered:
0x8: {  	[smem:$0x3FA6] =	sst s0  }
0x9: {  	[smem:$0x3FA7] =	sst s1  }
0xa: {  	[smem:$0x3FA8] =	sst s2  }
0xb: {  	[smem:$0x3FA9] =	sst s3  }
0xc: {  	[smem:$0x3FAA] =	sst s4  }
0xd: {  	[smem:$0x3FAB] =	sst s5  }
0xe: {  	[smem:$0x3FAC] =	sst s6  }
0xf: {  	[smem:$0x3FAD] =	sst s7  }
0x10: {  	[smem:$0x3FAE] =	sst s8  }
0x11: {  	[smem:$0x3FAF] =	sst s9;
	s0 =	simm.s32 @!p0 $0x0  }
0x12: {  	s1 =	sld [smem:$0x3F95];
	s0 =	simm.s32 @p0 $0x1  }
0x13: {  	[smem:$0x3FB0] =	sst s0;
	s0 =	simm.s32 @!p1 $0x0  }
0x14: {  	s2 =	sld [smem:$0x3F94];
	s0 =	simm.s32 @p1 $0x1  }
0x15: {  	[smem:$0x3FB1] =	sst s0;
	s0 =	simm.s32 @!p2 $0x0  }
0x16: {  	s3 =	sld [smem:$0x3FDB];
	s0 =	simm.s32 @p2 $0x1  }
0x17: {  	s4 =	simm.s32 $0x1BF5;
	[smem:$0x3FB3] =	sst s0  }
0x18: {  	s0 =	sld [smem:$0x3F96];
	_ =	swait.ge [sflag:s4], $0x0  }
0x19: {  	s7 =	sld [smem:$0x3F97]  }
0x1a: {  	s8 =	sadd.s32 $0xFFFFE003, lr  }
0x1b: {  	s9 =	sadd.s32 $0xFFFFFEF7, lr;
	s5 =	simm.s32 $0xFFFFFFFF;
	p2 =	slt.u32 s8, $0xFFFFF086  }
0x1c: {  	p1 =	slt.u32 s9, $0xF7A;
	s5 =	simm.s32 @!p2 $0x0  }
0x1d: {  	s5 =	simm.s32 @p1 $0x1;
	p0 =	seq.s32 s7, s2  }
0x1e: {  	s7 =	smul.u32 @!p0 $0xF7A, s2;
	p2 =	seq.s32 @!p0 s5, $0x0  }
0x1f: {  	s9 =	smul.u32 $0xF7A, s1;
	s8 =	simm.s32 @!p0 $0x1BF5;
	p2 =	por !p2, p0  }
0x20: {  	[sflag:s8] =	ssyncset.s32 @!p0 $0xFFFFF086;
	s6 =	sadd.s32 @!p0 s3, s7;
	s7 =	simm.s32 @!p0 $0x108  }
0x21: {  	s3 =	sadd.s32 s3, s9;
	s6 =	sadd.s32 @!p0 $0x88, s6;
	s7 =	simm.s32 @p2 $0x1082  }
0x22: {  	[simem:s7], [sflag:s8] =	dma.local @!p0 [hbm:s6], $0xF7A  }
0x23: {  	s9 =	sor.u32 $0xD0000000, s2;
	s6 =	simm.s32 $0x108;
	_ =	swait.ge @!p0 [sflag:s8], $0x0  }
0x24: {  	s3 =	sadd.s32 $0x88, s3;
	s6 =	simm.s32 @!p1 $0x1082;
	[sflag:s4] =	ssyncset.s32 $0xFFFFF086  }
0x25: {  	[simem:s6], [sflag:s4] =	dma.local [hbm:s3], $0xF7A  }
0x26: {  	[smem:$0x3F97] =	sst s1;
	(tag) =	ssettag s2;
	_ =	strace s9  }
0x27: {  	s1 =	sld [smem:$0x3FA7]  }
0x28: {  	s2 =	sld [smem:$0x3FA8]  }
0x29: {  	s4 =	sld [smem:$0x3FAA]  }
0x2a: {  	p0 =	seq.s32 s5, $0x0;
	s5 =	sld [smem:$0x3FAB]  }
0x2b: {  	s6 =	sld [smem:$0x3FAC]  }
0x2c: {  	s7 =	sld [smem:$0x3FAD]  }
0x2d: {  	s3 =	simm.s32 $0x108;
	s8 =	sld [smem:$0x3FAE]  }
0x2e: {  	s3 =	simm.s32 @!p0 $0x1082;
	s9 =	sld [smem:$0x3FAF]  }
0x2f: {  	lr =	sadd.s32 s0, s3;
	s0 =	sld [smem:$0x3FA6]  }
0x30: {  	s3 =	sld [smem:$0x3FA9]  }
0x31: {  	[smem:$0x3FB2] =	sst s10  }
0x32: {  	s10 =	sld [smem:$0x3FB0];
	_ =	sdelay $0x3  }
0x33: {  	p0 =	seq.s32 s10, $0x1;
	s10 =	sld [smem:$0x3FB2];
	_ =	sdelay $0x3  }
0x34: {  	[smem:$0x3FB2] =	sst s10  }
0x35: {  	s10 =	sld [smem:$0x3FB1];
	_ =	sdelay $0x3  }
0x36: {  	p1 =	seq.s32 s10, $0x1;
	s10 =	sld [smem:$0x3FB2];
	_ =	sdelay $0x3  }
0x37: {  	[smem:$0x3FB2] =	sst s10  }
0x38: {  	s10 =	sld [smem:$0x3FB3]  }
0x39: {  	_ = 	snop;
	(pc) =	sbr.ind lr, $3  }
0x3a: {  	_ = 	snop  }
0x3b: {  	_ = 	snop  }
0x3c: {  	p2 =	seq.s32 s10, $0x1;
	s10 =	sld [smem:$0x3FB2]  }
0x3d: {  	_ =	shalt  }
0x3e: {  	_ =	shalt  }
0x3f: {  	_ =	shalt  }
0x40: {  	_ =	shalt  }
0x41: {  	_ =	shalt  }
0x42: {  	_ =	shalt  }
0x43: {  	_ =	shalt  }
0x44: {  	_ =	shalt  }
0x45: {  	_ =	shalt  }
0x46: {  	_ =	shalt  }
0x47: {  	_ =	shalt  }
0x48: {  	_ =	shalt  }
0x49: {  	_ =	shalt  }
0x4a: {  	_ =	shalt  }
0x4b: {  	_ =	shalt  }
0x4c: {  	_ =	shalt  }
0x4d: {  	_ =	shalt  }
0x4e: {  	_ =	shalt  }
0x4f: {  	_ =	shalt  }
0x50: {  	_ =	shalt  }
0x51: {  	_ =	shalt  }
0x52: {  	_ =	shalt  }
0x53: {  	_ =	shalt  }
0x54: {  	_ =	shalt  }
0x55: {  	_ =	shalt  }
0x56: {  	_ =	shalt  }
0x57: {  	_ =	shalt  }
0x58: {  	_ =	shalt  }
0x59: {  	_ =	shalt  }
0x5a: {  	_ =	shalt  }
0x5b: {  	_ =	shalt  }
0x5c: {  	_ =	shalt  }
0x5d: {  	_ =	shalt  }
0x5e: {  	_ =	shalt  }
0x5f: {  	_ =	shalt  }
0x60: {  	_ =	shalt  }
0x61: {  	_ =	shalt  }
0x62: {  	_ =	shalt  }
0x63: {  	_ =	shalt  }
0x64: {  	_ =	shalt  }
0x65: {  	_ =	shalt  }
0x66: {  	_ =	shalt  }
0x67: {  	_ =	shalt  }
0x68: {  	_ =	shalt  }
0x69: {  	_ =	shalt  }
0x6a: {  	_ =	shalt  }
0x6b: {  	_ =	shalt  }
0x6c: {  	_ =	shalt  }
0x6d: {  	_ =	shalt  }
0x6e: {  	_ =	shalt  }
0x6f: {  	_ =	shalt  }
0x70: {  	_ =	shalt  }
0x71: {  	_ =	shalt  }
0x72: {  	_ =	shalt  }
0x73: {  	_ =	shalt  }
0x74: {  	_ =	shalt  }
0x75: {  	_ =	shalt  }
0x76: {  	_ =	shalt  }
0x77: {  	_ =	shalt  }
0x78: {  	_ =	shalt  }
0x79: {  	_ =	shalt  }
0x7a: {  	_ =	shalt  }
0x7b: {  	_ =	shalt  }
0x7c: {  	_ =	shalt  }
0x7d: {  	_ =	shalt  }
0x7e: {  	_ =	shalt  }
0x7f: {  	_ =	shalt  }
0x80: {  	_ =	shalt  }
0x81: {  	_ =	shalt  }
0x82: {  	_ =	shalt  }
0x83: {  	_ =	shalt  }
0x84: {  	_ =	shalt  }
0x85: {  	_ =	shalt  }
0x86: {  	_ =	shalt  }
0x87: {  	_ =	shalt  }
.Lfunc_end0:
.L_simem_size_0:
called_computation_lowered:
.L_overlay_start_0:
0x88: {  	s2 =	sld [smem:$0x3FD9]  }
0x89: {  	s3 =	sld [smem:$0x3FFE];
	_ =	sdelay $0x1  }
0x8a: {  	s1 =	srdreg.scid  }
0x8b: {  	s0 =	sand.u32 $0x1, s1  }
0x8c: {  	s17 =	sshll.u32 s0, $0xA;
	s2 =	sadd.s32 s3, s2  }
0x8d: {  	s2 =	sadd.s32 s2, s17  }
0x8e: {  	[smem:$0x3FBE] =	sst s2  }
0x8f: {  	_ = 	snop  }
0x90: {  	s2 =	sld [smem:$0x3FC9]  }
0x91: {  	s18 =	sld [smem:$0x3FC8];
	(tm) =	ssettm $0x1  }
0x92: {  	s4 =	sld [smem:$0x3FFB];
	_ =	sdelay $0x3  }
0x93: {  	_ =	strace s4  }
0x94: {  	s4 =	sld [smem:$0x3FFC];
	_ =	sdelay $0x3  }
0x95: {  	_ =	strace s4  }
0x96: {  	s4 =	sld [smem:$0x3FFD];
	_ =	sdelay $0x3  }
0x97: {  	_ =	strace s4  }
0x98: {  	_ =	strace $0x8FFFFFFF  }
0x99: {  	s19 =	sld [smem:$0x3FDB];
	_ =	sdelay $0x1  }
0x9a: {  	s5 =	simm.s32 $_scs_section_size  }
0x9b: {  	s6 =	simm.s32 $_size__tile_overlayer_lowered;
	s7 =	simm.s32 $_tile_overlayer_lowered  }
0x9c: {  	s22 =	simm.s32 $0x1BFF;
	s21 =	sshll.u32 s7, $0x1;
	s4 =	sadd.s32 s5, s19  }
0x9d: {  	s8 =	simm.s32 $0x0;
	s20 =	sshll.u32 s6, $0x1;
	s6 =	sadd.s32 s21, s4  }
0x9e: {  	[timem:s8], [sflag:s22] =	dma.local [hbm:s6], s20  }
0x9f: {  	_ =	swait.ge [sflag:s22], s20  }
0xa0: {  	s5 =	ssub.s32 $0x0, s20;
	[sflag:s22] =	ssyncset.done $0x0  }
0xa1: {  	[sflag:s22] =	ssyncadd.s32 s5;
	_ =	sdelay $0x1  }
0xa2: {  	s23 =	simm.s32 $0x1B8B  }
0xa3: {  	_ =	swait.ge [sflag:s23], $0x1  }
0xa4: {  	[sflag:s23] =	ssyncset.done $0x0  }
0xa5: {  	s25 =	simm.s32 $0x1B8E;
	s24 =	sld [smem:$0x3FFE];
	[sflag:s23] =	ssyncadd.s32 $0xFFFFFFFF  }
0xa6: {  	s26 =	simm.s32 $execute0_lowered;
	[smem:$0x3FD2] =	sst s25  }
0xa7: {  	s6 =	sshll.u32 s26, $0x1;
	_ =	strace $0x80000046;
	[dreg:$0x1] =	wrdreg $0xFFFFFFFF  }
0xa8: {  	s28 =	simm.s32 $_size_execute0_lowered;
	s4 =	sadd.s32 s4, s6;
	[dreg:$0x0] =	wrdreg $0x0  }
0xa9: {  	s6 =	sshll.u32 s28, $0x1;
	[dreg:$0x2] =	wrdreg s4  }
0xaa: {  	[dreg:$0x3] =	wrdreg s6  }
0xab: {  	[dreg:$0x4] =	wrdreg $0xC0  }
0xac: {  	_ =	task [dreg:s8], $0x5FFFF  }
0xad: {  	[dreg:$0x1] =	wrdreg $0xFFFFFFFF  }
0xae: {  	[dreg:$0x0] =	wrdreg $0x60  }
0xaf: {  	[dreg:$0x2] =	wrdreg s2  }
0xb0: {  	[dreg:$0x3] =	wrdreg s18  }
0xb1: {  	[dreg:$0x4] =	wrdreg s24  }
0xb2: {  	[dreg:$0x5] =	wrdreg $0x9  }
0xb3: {  	_ =	task.clear_ibuf [dreg:s8], $0x6FFFF;
	_ =	strace $0x90000046  }
0xb4: {  	s29 =	simm.s32 $0x9;
	_ =	strace $0x80000048  }
0xb5: {  	_ =	swait.ge [sflag:s29], $0x1  }
0xb6: {  	[sflag:s29] =	ssyncadd.s32 $0xFFFFFFFF  }
0xb7: {  	_ =	strace $0x90000048  }
0xb8: {  	_ =	sfence  }
0xb9: {  	s30 =	sld [smem:$0x0];
	_ =	sdelay $0x2  }
0xba: {  	s31 =	sshll.u32 s1, $0xD;
	s1 =	sshrl.u32 s1, $0x2  }
0xbb: {  	s3 =	sand.u32 $0x4000, s31;
	s1 =	sadd.s32 s1, s30  }
0xbc: {  	s0 =	sor.u32 s3, s0;
	s1 =	sshll.u32 s1, $0x11  }
0xbd: {  	s0 =	sor.u32 s1, s0  }
0xbe: {  	s0 =	sadd.s32 $0x8F2B, s0  }
0xbf: {  	[sflag:s0] =	ssyncadd.remote.s32 $0x1  }
0xc0: {  	_ =	sfence.sel $0xFFFF  }
0xc1: {  	[dreg:$0x0] =	wrdreg $0xFFFFFFFF;
	(pc) =	sbr.abs _section_cstart, $3  }
0xc2: {  	[dreg:$0x1] =	wrdreg $0xFFFFFFFF  }
0xc3: {  	_ =	task.clear_ibuf [dreg:s8], $0x2FFFF;
	_ =	strace $0x9FFFFFFF  }
0xc4: {  	(tm) =	ssettm $0x7FFFFFFF  }
0xc5: {  	_ =	shalt  }
tec
execute0_lowered:
.L_overlay_start_1:
0x0: {  	(tag) =	ssettag $0x1  }
0x1: {  	s6 =	rddreg [dreg:$0x0]  }
0x2: {  	s8 =	rddreg [dreg:$0x1]  }
0x3: {  	s5 =	rddreg [dreg:$0x2];
	s2 =	simm.s32 $0x0;
	s3 =	srdreg.scid  }
0x4: {  	s0 =	stileid.u32;
	s13 =	simm.s32 $0x300;
	s14 =	simm.s32 $0x80  }
0x5: {  	s15 =	simm.s32 $0x400;
	s16 =	simm.s32 $0x1;
	s17 =	simm.s32 $0x2  }
0x6: {  	s18 =	simm.s32 $0x0;
	[smem:$0x7FF] =	sst s2;
	s7 =	sand.u32 $0x1, s3  }
0x7: {  	s9 =	sshll.u32 s0, $0x9;
	s3 =	sadd.s32 $0x1600, s5;
	s10 =	sshll.u32 s7, $0x8  }
0x8: {  	s4 =	sadd.s32 $0x7D1600, s5;
	s7 =	ssub.s32 $0x2, s7;
	s9 =	sor.u32 s10, s9  }
0x9: {  	_ =	strace $0x80000047;
	s31 =	sshrl.u32 s7, $0x1;
	s10 =	sshll.u32 s9, $0x4  }
0xa: {  	s9 =	sshrl.u32 s9, $0x3;
	s12 =	ssub.s32 s7, s31;
	s10 =	sadd.s32 s10, s5  }
0xb: {  	s11 =	sor.u32 $0x400, s9;
	s5 =	sadd.s32 s6, s9;
	s7 =	sadd.s32 s8, s9  }
0xc: {  	s6 =	sadd.s32 s6, s11;
	s8 =	sadd.s32 s8, s11;
	s9 =	sadd.s32 $0x7D5600, s10  }
0xd: {  	v0 =	vimm.s32 $0x0;
	s10 =	smax.u32 s12, $0x1;
	s11 =	simm.s32 $0x3;
	s12 =	simm.s32 $0x100  }
.LBB2_1:
0xe: {  	[tilespmem:s2], [sflag:$0x3] =	stream.linear.gather [hbm4b:s5+s2], $0x100, $0x38;
	[tilespmem:$0x18400] =	vst v63  }
0xf: {  	_ =	swait.ge [sflag:s11], $0x100  }
0x10: {  	[sflag:s11] =	ssyncset.done $0x0  }
0x11: {  	[sflag:s11] =	ssyncadd.s32 $0xFFFFFF00  }
0x12: {  	[tilespmem:s12], [sflag:$0x3] =	stream.linear.gather [hbm4b:s6+s2], $0x100, $0x38;
	[tilespmem:$0x18400] =	vst v63  }
0x13: {  	_ =	swait.ge [sflag:s11], $0x100  }
0x14: {  	[sflag:s11] =	ssyncset.done $0x0  }
0x15: {  	s19 =	simm.s32 $0x200;
	[sflag:s11] =	ssyncadd.s32 $0xFFFFFF00  }
0x16: {  	[tilespmem:s19], [sflag:$0x3] =	stream.linear.gather [hbm4b:s7+s2], $0x100, $0x38;
	[tilespmem:$0x18400] =	vst v63  }
0x17: {  	_ =	swait.ge [sflag:s11], $0x100  }
0x18: {  	[sflag:s11] =	ssyncset.done $0x0  }
0x19: {  	[sflag:s11] =	ssyncadd.s32 $0xFFFFFF00  }
0x1a: {  	[tilespmem:s13], [sflag:$0x3] =	stream.linear.gather [hbm4b:s8+s2], $0x100, $0x38;
	[tilespmem:$0x18400] =	vst v63  }
0x1b: {  	_ =	swait.ge [sflag:s11], $0x100  }
0x1c: {  	[sflag:s11] =	ssyncset.done $0x0  }
0x1d: {  	[sflag:s11] =	ssyncadd.s32 $0xFFFFFF00  }
0x1e: {  	v1 =	vld [tilespmem:s2+$0x0];
	_ =	sdelay $0x3  }
0x1f: {  	v3 =	vld [tilespmem:s19+$0x0]  }
0x20: {  	vm0 =	vgt.s32 v1, $0x7CFFF;
	v2 =	vadd.s32 $0xFFF83000, v1  }
0x21: {  	v1 =	vsel vm0, v2, v1  }
0x22: {  	v2 =	vshll.u32 v1, $0x4  }
0x23: {  	(v2sf) =	vpush v2, $0x1  }
0x24: {  	v1 =	vshll.u32 v3, $0x4;
	(v2sf) =	vpush v2, $0x0  }
0x25: {  	(v2sf) =	vpush v1, $0x0;
	_ =	sdelay $0x4  }
0x26: {  	(v2sf) =	vpush v1, $0x1;
	_ =	sdelay $0x3  }
0x27: {  	(v2sf) =	vpush v2, $0x2;
	_ =	sdelay $0x1  }
0x28: {  	(v2sf) =	vpush v1, $0x2;
	_ =	sdelay $0x1  }
0x29: {  	s20 =	spop (v2sf)  }
0x2a: {  	s21 =	spop (v2sf)  }
0x2b: {  	(v2sf) =	vpush v2, $0x3;
	s21 =	sand.u32 $0x1FFFFFF0, s21;
	s22 =	spop (v2sf)  }
0x2c: {  	s23 =	simm.s32 $0x400;
	s21 =	sadd.s32 s3, s21;
	s22 =	sand.u32 $0x1FFFFFF0, s22  }
0x2d: {  	(v2sf) =	vpush v1, $0x3;
	[tilespmem:s23], [sflag:$0x1] =	stream.linear.gather [hbm4b:s21+s2], $0x80, $0x38;
	[tilespmem:$0x18400] =	vst v63  }
0x2e: {  	s30 =	simm.s32 $0x10400;
	s22 =	sadd.s32 s4, s22  }
0x2f: {  	[tilespmem:s30], [sflag:$0x2] =	stream.strided.gather [hbm4b:s22+s14], $0x0, s15, s14, $0x38;
	[tilespmem:$0x18400] =	vst v63  }
0x30: {  	s20 =	sand.u32 $0x1FFFFFF0, s20;
	s31 =	spop (v2sf)  }
0x31: {  	(v2sf) =	vpush v2, $0x4;
	[tilespmem:s30], [sflag:$0x2] =	stream.linear.gather [hbm4b:s22+s2], $0x40, $0x38;
	[tilespmem:$0x18400] =	vst v63  }
0x32: {  	s1 =	simm.s32 $0x480;
	s20 =	sadd.s32 s3, s20;
	s0 =	sand.u32 $0x1FFFFFF0, s31  }
0x33: {  	(v2sf) =	vpush v1, $0x4;
	[tilespmem:s1], [sflag:$0x1] =	stream.linear.gather [hbm4b:s20+s2], $0x80, $0x38;
	[tilespmem:$0x18400] =	vst v63  }
0x34: {  	s24 =	simm.s32 $0x10440;
	s23 =	spop (v2sf);
	s21 =	sadd.s32 s4, s0  }
0x35: {  	[tilespmem:s24], [sflag:$0x2] =	stream.strided.gather [hbm4b:s21+s14], $0x0, s15, s14, $0x38;
	[tilespmem:$0x18400] =	vst v63  }
0x36: {  	s25 =	spop (v2sf);
	s20 =	sand.u32 $0x1FFFFFF0, s23  }
0x37: {  	(v2sf) =	vpush v2, $0x5;
	[tilespmem:s24], [sflag:$0x2] =	stream.linear.gather [hbm4b:s21+s2], $0x40, $0x38;
	[tilespmem:$0x18400] =	vst v63  }
0x38: {  	s28 =	simm.s32 $0x500;
	s26 =	sand.u32 $0x1FFFFFF0, s25;
	s20 =	sadd.s32 s3, s20  }
0x39: {  	(v2sf) =	vpush v1, $0x5;
	[tilespmem:s28], [sflag:$0x1] =	stream.linear.gather [hbm4b:s20+s2], $0x80, $0x38;
	[tilespmem:$0x18400] =	vst v63  }
0x3a: {  	s30 =	simm.s32 $0x10480;
	s21 =	sadd.s32 s4, s26;
	s29 =	spop (v2sf)  }
0x3b: {  	[tilespmem:s30], [sflag:$0x2] =	stream.strided.gather [hbm4b:s21+s14], $0x0, s15, s14, $0x38;
	[tilespmem:$0x18400] =	vst v63  }
0x3c: {  	s20 =	sand.u32 $0x1FFFFFF0, s29;
	s31 =	spop (v2sf)  }
0x3d: {  	(v2sf) =	vpush v2, $0x6;
	[tilespmem:s30], [sflag:$0x2] =	stream.linear.gather [hbm4b:s21+s2], $0x40, $0x38;
	[tilespmem:$0x18400] =	vst v63  }
0x3e: {  	s1 =	simm.s32 $0x580;
	s0 =	sand.u32 $0x1FFFFFF0, s31;
	s20 =	sadd.s32 s3, s20  }
0x3f: {  	(v2sf) =	vpush v1, $0x6;
	[tilespmem:s1], [sflag:$0x1] =	stream.linear.gather [hbm4b:s20+s2], $0x80, $0x38;
	[tilespmem:$0x18400] =	vst v63  }
0x40: {  	s24 =	simm.s32 $0x104C0;
	s23 =	spop (v2sf);
	s21 =	sadd.s32 s4, s0  }
0x41: {  	[tilespmem:s24], [sflag:$0x2] =	stream.strided.gather [hbm4b:s21+s14], $0x0, s15, s14, $0x38;
	[tilespmem:$0x18400] =	vst v63  }
0x42: {  	s25 =	spop (v2sf);
	s20 =	sand.u32 $0x1FFFFFF0, s23  }
0x43: {  	(v2sf) =	vpush v2, $0x7;
	[tilespmem:s24], [sflag:$0x2] =	stream.linear.gather [hbm4b:s21+s2], $0x40, $0x38;
	[tilespmem:$0x18400] =	vst v63  }
0x44: {  	s26 =	simm.s32 $0x600;
	s28 =	sand.u32 $0x1FFFFFF0, s25;
	s20 =	sadd.s32 s3, s20  }
0x45: {  	(v2sf) =	vpush v1, $0x7;
	[tilespmem:s26], [sflag:$0x1] =	stream.linear.gather [hbm4b:s20+s2], $0x80, $0x38;
	[tilespmem:$0x18400] =	vst v63  }
0x46: {  	s29 =	spop (v2sf);
	s30 =	simm.s32 $0x10500;
	s22 =	sadd.s32 s4, s28  }
0x47: {  	[tilespmem:s30], [sflag:$0x2] =	stream.strided.gather [hbm4b:s22+s14], $0x0, s15, s14, $0x38;
	[tilespmem:$0x18400] =	vst v63  }
0x48: {  	s31 =	spop (v2sf);
	s20 =	sand.u32 $0x1FFFFFF0, s29  }
0x49: {  	(v2sf) =	vpush v2, $0x8;
	[tilespmem:s30], [sflag:$0x2] =	stream.linear.gather [hbm4b:s22+s2], $0x40, $0x38;
	[tilespmem:$0x18400] =	vst v63  }
0x4a: {  	s0 =	sand.u32 $0x1FFFFFF0, s31;
	s1 =	simm.s32 $0x680;
	s20 =	sadd.s32 s3, s20  }
0x4b: {  	(v2sf) =	vpush v1, $0x8;
	[tilespmem:s1], [sflag:$0x1] =	stream.linear.gather [hbm4b:s20+s2], $0x80, $0x38;
	[tilespmem:$0x18400] =	vst v63  }
0x4c: {  	s24 =	simm.s32 $0x10540;
	s21 =	sadd.s32 s4, s0;
	s23 =	spop (v2sf)  }
0x4d: {  	[tilespmem:s24], [sflag:$0x2] =	stream.strided.gather [hbm4b:s21+s14], $0x0, s15, s14, $0x38;
	[tilespmem:$0x18400] =	vst v63  }
0x4e: {  	s25 =	spop (v2sf);
	s20 =	sand.u32 $0x1FFFFFF0, s23  }
0x4f: {  	(v2sf) =	vpush v2, $0x9;
	[tilespmem:s24], [sflag:$0x2] =	stream.linear.gather [hbm4b:s21+s2], $0x40, $0x38;
	[tilespmem:$0x18400] =	vst v63  }
0x50: {  	s28 =	simm.s32 $0x700;
	s26 =	sand.u32 $0x1FFFFFF0, s25;
	s20 =	sadd.s32 s3, s20  }
0x51: {  	(v2sf) =	vpush v1, $0x9;
	[tilespmem:s28], [sflag:$0x1] =	stream.linear.gather [hbm4b:s20+s2], $0x80, $0x38;
	[tilespmem:$0x18400] =	vst v63  }
0x52: {  	s29 =	spop (v2sf);
	s30 =	simm.s32 $0x10580;
	s21 =	sadd.s32 s4, s26  }
0x53: {  	[tilespmem:s30], [sflag:$0x2] =	stream.strided.gather [hbm4b:s21+s14], $0x0, s15, s14, $0x38;
	[tilespmem:$0x18400] =	vst v63  }
0x54: {  	s31 =	spop (v2sf);
	s20 =	sand.u32 $0x1FFFFFF0, s29  }
0x55: {  	(v2sf) =	vpush v2, $0xA;
	[tilespmem:s30], [sflag:$0x2] =	stream.linear.gather [hbm4b:s21+s2], $0x40, $0x38;
	[tilespmem:$0x18400] =	vst v63  }
0x56: {  	s0 =	sand.u32 $0x1FFFFFF0, s31;
	s1 =	simm.s32 $0x780;
	s20 =	sadd.s32 s3, s20  }
0x57: {  	(v2sf) =	vpush v1, $0xA;
	[tilespmem:s1], [sflag:$0x1] =	stream.linear.gather [hbm4b:s20+s2], $0x80, $0x38;
	[tilespmem:$0x18400] =	vst v63  }
0x58: {  	s23 =	spop (v2sf);
	s24 =	simm.s32 $0x105C0;
	s21 =	sadd.s32 s4, s0  }
0x59: {  	[tilespmem:s24], [sflag:$0x2] =	stream.strided.gather [hbm4b:s21+s14], $0x0, s15, s14, $0x38;
	[tilespmem:$0x18400] =	vst v63  }
0x5a: {  	s25 =	spop (v2sf);
	s20 =	sand.u32 $0x1FFFFFF0, s23  }
0x5b: {  	(v2sf) =	vpush v2, $0xB;
	[tilespmem:s24], [sflag:$0x2] =	stream.linear.gather [hbm4b:s21+s2], $0x40, $0x38;
	[tilespmem:$0x18400] =	vst v63  }
0x5c: {  	s26 =	sand.u32 $0x1FFFFFF0, s25;
	s28 =	simm.s32 $0x800;
	s20 =	sadd.s32 s3, s20  }
0x5d: {  	(v2sf) =	vpush v1, $0xB;
	[tilespmem:s28], [sflag:$0x1] =	stream.linear.gather [hbm4b:s20+s2], $0x80, $0x38;
	[tilespmem:$0x18400] =	vst v63  }
0x5e: {  	s30 =	simm.s32 $0x10600;
	s29 =	spop (v2sf);
	s21 =	sadd.s32 s4, s26  }
0x5f: {  	[tilespmem:s30], [sflag:$0x2] =	stream.strided.gather [hbm4b:s21+s14], $0x0, s15, s14, $0x38;
	[tilespmem:$0x18400] =	vst v63  }
0x60: {  	s31 =	spop (v2sf);
	s20 =	sand.u32 $0x1FFFFFF0, s29  }
0x61: {  	(v2sf) =	vpush v2, $0xC;
	[tilespmem:s30], [sflag:$0x2] =	stream.linear.gather [hbm4b:s21+s2], $0x40, $0x38;
	[tilespmem:$0x18400] =	vst v63  }
0x62: {  	s1 =	simm.s32 $0x880;
	s0 =	sand.u32 $0x1FFFFFF0, s31;
	s20 =	sadd.s32 s3, s20  }
0x63: {  	(v2sf) =	vpush v1, $0xC;
	[tilespmem:s1], [sflag:$0x1] =	stream.linear.gather [hbm4b:s20+s2], $0x80, $0x38;
	[tilespmem:$0x18400] =	vst v63  }
0x64: {  	s23 =	spop (v2sf);
	s24 =	simm.s32 $0x10640;
	s21 =	sadd.s32 s4, s0  }
0x65: {  	[tilespmem:s24], [sflag:$0x2] =	stream.strided.gather [hbm4b:s21+s14], $0x0, s15, s14, $0x38;
	[tilespmem:$0x18400] =	vst v63  }
0x66: {  	s25 =	spop (v2sf);
	s20 =	sand.u32 $0x1FFFFFF0, s23  }
0x67: {  	(v2sf) =	vpush v2, $0xD;
	[tilespmem:s24], [sflag:$0x2] =	stream.linear.gather [hbm4b:s21+s2], $0x40, $0x38;
	[tilespmem:$0x18400] =	vst v63  }
0x68: {  	s26 =	sand.u32 $0x1FFFFFF0, s25;
	s28 =	simm.s32 $0x900;
	s20 =	sadd.s32 s3, s20  }
0x69: {  	(v2sf) =	vpush v1, $0xD;
	[tilespmem:s28], [sflag:$0x1] =	stream.linear.gather [hbm4b:s20+s2], $0x80, $0x38;
	[tilespmem:$0x18400] =	vst v63  }
0x6a: {  	s29 =	spop (v2sf);
	s30 =	simm.s32 $0x10680;
	s21 =	sadd.s32 s4, s26  }
0x6b: {  	[tilespmem:s30], [sflag:$0x2] =	stream.strided.gather [hbm4b:s21+s14], $0x0, s15, s14, $0x38;
	[tilespmem:$0x18400] =	vst v63  }
0x6c: {  	s31 =	spop (v2sf);
	s20 =	sand.u32 $0x1FFFFFF0, s29  }
0x6d: {  	(v2sf) =	vpush v2, $0xE;
	[tilespmem:s30], [sflag:$0x2] =	stream.linear.gather [hbm4b:s21+s2], $0x40, $0x38;
	[tilespmem:$0x18400] =	vst v63  }
0x6e: {  	s0 =	sand.u32 $0x1FFFFFF0, s31;
	s1 =	simm.s32 $0x980;
	s20 =	sadd.s32 s3, s20  }
0x6f: {  	(v2sf) =	vpush v1, $0xE;
	[tilespmem:s1], [sflag:$0x1] =	stream.linear.gather [hbm4b:s20+s2], $0x80, $0x38;
	[tilespmem:$0x18400] =	vst v63  }
0x70: {  	s23 =	spop (v2sf);
	s24 =	simm.s32 $0x106C0;
	s21 =	sadd.s32 s4, s0  }
0x71: {  	(v2sf) =	vpush v2, $0xF;
	[tilespmem:s24], [sflag:$0x2] =	stream.strided.gather [hbm4b:s21+s14], $0x0, s15, s14, $0x38;
	[tilespmem:$0x18400] =	vst v63  }
0x72: {  	s25 =	spop (v2sf);
	s20 =	sand.u32 $0x1FFFFFF0, s23  }
0x73: {  	(v2sf) =	vpush v1, $0xF;
	[tilespmem:s24], [sflag:$0x2] =	stream.linear.gather [hbm4b:s21+s2], $0x40, $0x38;
	[tilespmem:$0x18400] =	vst v63  }
0x74: {  	s26 =	simm.s32 $0xA00;
	s28 =	sand.u32 $0x1FFFFFF0, s25;
	s20 =	sadd.s32 s3, s20  }
0x75: {  	[tilespmem:s26], [sflag:$0x1] =	stream.linear.gather [hbm4b:s20+s2], $0x80, $0x38;
	[tilespmem:$0x18400] =	vst v63  }
0x76: {  	s29 =	spop (v2sf);
	s22 =	sadd.s32 s4, s28;
	s30 =	simm.s32 $0x10700  }
0x77: {  	[tilespmem:s30], [sflag:$0x2] =	stream.strided.gather [hbm4b:s22+s14], $0x0, s15, s14, $0x38;
	[tilespmem:$0x18400] =	vst v63  }
0x78: {  	s31 =	spop (v2sf);
	s20 =	sand.u32 $0x1FFFFFF0, s29  }
0x79: {  	[tilespmem:s30], [sflag:$0x2] =	stream.linear.gather [hbm4b:s22+s2], $0x40, $0x38;
	[tilespmem:$0x18400] =	vst v63  }
0x7a: {  	s0 =	sand.u32 $0x1FFFFFF0, s31;
	s1 =	simm.s32 $0xA80;
	s20 =	sadd.s32 s3, s20  }
0x7b: {  	[tilespmem:s1], [sflag:$0x1] =	stream.linear.gather [hbm4b:s20+s2], $0x80, $0x38;
	[tilespmem:$0x18400] =	vst v63  }
0x7c: {  	s23 =	simm.s32 $0x10740;
	s21 =	sadd.s32 s4, s0;
	s22 =	spop (v2sf)  }
0x7d: {  	[tilespmem:s23], [sflag:$0x2] =	stream.strided.gather [hbm4b:s21+s14], $0x0, s15, s14, $0x38;
	[tilespmem:$0x18400] =	vst v63  }
0x7e: {  	s26 =	simm.s32 $0xB00;
	s24 =	spop (v2sf);
	s20 =	sand.u32 $0x1FFFFFF0, s22  }
0x7f: {  	[tilespmem:s23], [sflag:$0x2] =	stream.linear.gather [hbm4b:s21+s2], $0x40, $0x38;
	[tilespmem:$0x18400] =	vst v63  }
0x80: {  	s25 =	sand.u32 $0x1FFFFFF0, s24;
	s28 =	spop (v2sf);
	s20 =	sadd.s32 s3, s20  }
0x81: {  	[tilespmem:s26], [sflag:$0x1] =	stream.linear.gather [hbm4b:s20+s2], $0x80, $0x38;
	[tilespmem:$0x18400] =	vst v63  }
0x82: {  	s29 =	simm.s32 $0x10780;
	s30 =	spop (v2sf);
	s21 =	sadd.s32 s4, s25  }
0x83: {  	[tilespmem:s29], [sflag:$0x2] =	stream.strided.gather [hbm4b:s21+s14], $0x0, s15, s14, $0x38;
	[tilespmem:$0x18400] =	vst v63  }
0x84: {  	s31 =	simm.s32 $0xB80;
	s22 =	sand.u32 $0x1FFFFFF0, s30;
	s20 =	sand.u32 $0x1FFFFFF0, s28  }
0x85: {  	[tilespmem:s29], [sflag:$0x2] =	stream.linear.gather [hbm4b:s21+s2], $0x40, $0x38;
	[tilespmem:$0x18400] =	vst v63  }
0x86: {  	s25 =	sadd.s32 s4, s22;
	s22 =	simm.s32 $0x10800;
	s20 =	sadd.s32 s3, s20  }
0x87: {  	[tilespmem:s31], [sflag:$0x1] =	stream.linear.gather [hbm4b:s20+s2], $0x80, $0x38;
	[tilespmem:$0x18400] =	vst v63  }
0x88: {  	s23 =	simm.s32 $0x0;
	s21 =	simm.s32 $0x2000;
	s20 =	simm.s32 $0x107C0  }
.LBB2_2:
0x89: {  	s24 =	sadd.s32 $0x3C0, s22;
	s23 =	sadd.s32 $0x10, s23;
	s19 =	sadd.s32 $0x10, s19  }
0x8a: {  	[tilespmem:s20], [sflag:$0x2] =	stream.strided.gather [hbm4b:s25+s14], $0x0, s15, s14, $0x38;
	[tilespmem:$0x18400] =	vst v63  }
0x8b: {  	p0 =	sne.s32 s21, $0x3E000;
	s26 =	smov.u32 s21;
	s21 =	sadd.s32 $0x2000, s21  }
0x8c: {  	[tilespmem:s20], [sflag:$0x2] =	stream.linear.gather [hbm4b:s25+s2], $0x40, $0x38;
	[tilespmem:$0x18400] =	vst v63  }
0x8d: {  	s20 =	smov.u32 s24;
	v1 =	vld [tilespmem:s23+$0x0];
	_ =	sdelay $0x1  }
0x8e: {  	v3 =	vld [tilespmem:s19+$0x0];
	_ =	sdelay $0x2  }
0x8f: {  	vm0 =	vgt.s32 v1, $0x7CFFF;
	v2 =	vadd.s32 $0xFFF83000, v1  }
0x90: {  	v1 =	vsel vm0, v2, v1  }
0x91: {  	v2 =	vshll.u32 v1, $0x4;
	v1 =	vshll.u32 v3, $0x4  }
0x92: {  	(v2sf) =	vpush v2, $0x1  }
0x93: {  	(v2sf) =	vpush v2, $0x0  }
0x94: {  	(v2sf) =	vpush v1, $0x0  }
0x95: {  	(v2sf) =	vpush v1, $0x1;
	_ =	sdelay $0x1  }
0x96: {  	(v2sf) =	vpush v2, $0x2;
	_ =	sdelay $0x1  }
0x97: {  	(v2sf) =	vpush v1, $0x2;
	_ =	sdelay $0x3  }
0x98: {  	(v2sf) =	vpush v2, $0x3;
	_ =	sdelay $0x1  }
0x99: {  	(v2sf) =	vpush v1, $0x3  }
0x9a: {  	s24 =	sshra.s32 s26, $0x2  }
0x9b: {  	s25 =	spop (v2sf)  }
0x9c: {  	s26 =	sadd.s32 $0x400, s24;
	s25 =	sand.u32 $0x1FFFFFF0, s25;
	s28 =	spop (v2sf)  }
0x9d: {  	s28 =	sand.u32 $0x1FFFFFF0, s28;
	s29 =	spop (v2sf);
	(v2sf) =	vpush v2, $0x4  }
0x9e: {  	s28 =	sadd.s32 s3, s28;
	s29 =	sand.u32 $0x1FFFFFF0, s29;
	s30 =	spop (v2sf)  }
0x9f: {  	[tilespmem:s26], [sflag:$0x1] =	stream.linear.gather [hbm4b:s28+s2], $0x80, $0x38;
	(v2sf) =	vpush v1, $0x4;
	[tilespmem:$0x18400] =	vst v63  }
0xa0: {  	s26 =	sadd.s32 s4, s29;
	s28 =	sand.u32 $0x1FFFFFF0, s30;
	s29 =	spop (v2sf)  }
0xa1: {  	[tilespmem:s22], [sflag:$0x2] =	stream.strided.gather [hbm4b:s26+s14], $0x0, s15, s14, $0x38;
	(v2sf) =	vpush v2, $0x5;
	[tilespmem:$0x18400] =	vst v63  }
0xa2: {  	s29 =	sand.u32 $0x1FFFFFF0, s29;
	s30 =	spop (v2sf)  }
0xa3: {  	[tilespmem:s22], [sflag:$0x2] =	stream.linear.gather [hbm4b:s26+s2], $0x40, $0x38;
	(v2sf) =	vpush v1, $0x5;
	[tilespmem:$0x18400] =	vst v63  }
0xa4: {  	s25 =	sadd.s32 s3, s25;
	s26 =	sadd.s32 $0x480, s24;
	s30 =	sand.u32 $0x1FFFFFF0, s30  }
0xa5: {  	[tilespmem:s26], [sflag:$0x1] =	stream.linear.gather [hbm4b:s25+s2], $0x80, $0x38;
	(v2sf) =	vpush v2, $0x6;
	[tilespmem:$0x18400] =	vst v63  }
0xa6: {  	s25 =	sadd.s32 $0x40, s22;
	s26 =	sadd.s32 s4, s28;
	s28 =	spop (v2sf)  }
0xa7: {  	[tilespmem:s25], [sflag:$0x2] =	stream.strided.gather [hbm4b:s26+s14], $0x0, s15, s14, $0x38;
	[tilespmem:$0x18400] =	vst v63  }
0xa8: {  	s28 =	sand.u32 $0x1FFFFFF0, s28;
	s31 =	spop (v2sf)  }
0xa9: {  	[tilespmem:s25], [sflag:$0x2] =	stream.linear.gather [hbm4b:s26+s2], $0x40, $0x38;
	(v2sf) =	vpush v1, $0x6;
	[tilespmem:$0x18400] =	vst v63  }
0xaa: {  	s25 =	sadd.s32 $0x500, s24;
	s26 =	sadd.s32 s3, s29;
	s29 =	sand.u32 $0x1FFFFFF0, s31  }
0xab: {  	[tilespmem:s25], [sflag:$0x1] =	stream.linear.gather [hbm4b:s26+s2], $0x80, $0x38;
	(v2sf) =	vpush v2, $0x7;
	[tilespmem:$0x18400] =	vst v63  }
0xac: {  	s25 =	sadd.s32 $0x80, s22;
	s26 =	sadd.s32 s4, s30;
	s30 =	spop (v2sf)  }
0xad: {  	[tilespmem:s25], [sflag:$0x2] =	stream.strided.gather [hbm4b:s26+s14], $0x0, s15, s14, $0x38;
	[tilespmem:$0x18400] =	vst v63  }
0xae: {  	s31 =	sadd.s32 $0xC0, s22;
	s30 =	sand.u32 $0x1FFFFFF0, s30;
	s0 =	spop (v2sf)  }
0xaf: {  	[tilespmem:s25], [sflag:$0x2] =	stream.linear.gather [hbm4b:s26+s2], $0x40, $0x38;
	(v2sf) =	vpush v1, $0x7;
	[tilespmem:$0x18400] =	vst v63  }
0xb0: {  	s25 =	sadd.s32 $0x580, s24;
	s26 =	sadd.s32 s3, s28;
	s28 =	spop (v2sf)  }
0xb1: {  	[tilespmem:s25], [sflag:$0x1] =	stream.linear.gather [hbm4b:s26+s2], $0x80, $0x38;
	(v2sf) =	vpush v2, $0x8;
	[tilespmem:$0x18400] =	vst v63  }
0xb2: {  	s25 =	sadd.s32 s4, s29;
	s26 =	sand.u32 $0x1FFFFFF0, s28;
	s28 =	spop (v2sf)  }
0xb3: {  	[tilespmem:s31], [sflag:$0x2] =	stream.strided.gather [hbm4b:s25+s14], $0x0, s15, s14, $0x38;
	[tilespmem:$0x18400] =	vst v63  }
0xb4: {  	s29 =	sadd.s32 $0x100, s22;
	s28 =	sand.u32 $0x1FFFFFF0, s28;
	s1 =	spop (v2sf)  }
0xb5: {  	[tilespmem:s31], [sflag:$0x2] =	stream.linear.gather [hbm4b:s25+s2], $0x40, $0x38;
	(v2sf) =	vpush v1, $0x8;
	[tilespmem:$0x18400] =	vst v63  }
0xb6: {  	s30 =	sadd.s32 s3, s30;
	s0 =	sand.u32 $0x1FFFFFF0, s0;
	s25 =	sadd.s32 $0x600, s24  }
0xb7: {  	[tilespmem:s25], [sflag:$0x1] =	stream.linear.gather [hbm4b:s30+s2], $0x80, $0x38;
	(v2sf) =	vpush v2, $0x9;
	[tilespmem:$0x18400] =	vst v63  }
0xb8: {  	s0 =	sadd.s32 s4, s0;
	s1 =	sand.u32 $0x1FFFFFF0, s1;
	s25 =	spop (v2sf)  }
0xb9: {  	[tilespmem:s29], [sflag:$0x2] =	stream.strided.gather [hbm4b:s0+s14], $0x0, s15, s14, $0x38;
	[tilespmem:$0x18400] =	vst v63  }
0xba: {  	s25 =	sand.u32 $0x1FFFFFF0, s25;
	s30 =	spop (v2sf)  }
0xbb: {  	[tilespmem:s29], [sflag:$0x2] =	stream.linear.gather [hbm4b:s0+s2], $0x40, $0x38;
	(v2sf) =	vpush v1, $0x9;
	[tilespmem:$0x18400] =	vst v63  }
0xbc: {  	s26 =	sadd.s32 s3, s26;
	s0 =	sadd.s32 $0x680, s24;
	s29 =	sand.u32 $0x1FFFFFF0, s30  }
0xbd: {  	[tilespmem:s0], [sflag:$0x1] =	stream.linear.gather [hbm4b:s26+s2], $0x80, $0x38;
	(v2sf) =	vpush v2, $0xA;
	[tilespmem:$0x18400] =	vst v63  }
0xbe: {  	s0 =	sadd.s32 $0x140, s22;
	s26 =	sadd.s32 s4, s28;
	s28 =	spop (v2sf)  }
0xbf: {  	[tilespmem:s0], [sflag:$0x2] =	stream.strided.gather [hbm4b:s26+s14], $0x0, s15, s14, $0x38;
	[tilespmem:$0x18400] =	vst v63  }
0xc0: {  	s28 =	sand.u32 $0x1FFFFFF0, s28;
	s30 =	spop (v2sf)  }
0xc1: {  	[tilespmem:s0], [sflag:$0x2] =	stream.linear.gather [hbm4b:s26+s2], $0x40, $0x38;
	(v2sf) =	vpush v1, $0xA;
	[tilespmem:$0x18400] =	vst v63  }
0xc2: {  	s1 =	sadd.s32 s3, s1;
	s0 =	sadd.s32 $0x700, s24;
	s26 =	sand.u32 $0x1FFFFFF0, s30  }
0xc3: {  	[tilespmem:s0], [sflag:$0x1] =	stream.linear.gather [hbm4b:s1+s2], $0x80, $0x38;
	(v2sf) =	vpush v2, $0xB;
	[tilespmem:$0x18400] =	vst v63  }
0xc4: {  	s0 =	sadd.s32 $0x180, s22;
	s1 =	sadd.s32 s4, s25;
	s25 =	spop (v2sf)  }
0xc5: {  	[tilespmem:s0], [sflag:$0x2] =	stream.strided.gather [hbm4b:s1+s14], $0x0, s15, s14, $0x38;
	[tilespmem:$0x18400] =	vst v63  }
0xc6: {  	s25 =	sand.u32 $0x1FFFFFF0, s25;
	s30 =	spop (v2sf)  }
0xc7: {  	[tilespmem:s0], [sflag:$0x2] =	stream.linear.gather [hbm4b:s1+s2], $0x40, $0x38;
	(v2sf) =	vpush v1, $0xB;
	[tilespmem:$0x18400] =	vst v63  }
0xc8: {  	s0 =	sadd.s32 $0x780, s24;
	s1 =	sadd.s32 s3, s29;
	s29 =	sand.u32 $0x1FFFFFF0, s30  }
0xc9: {  	[tilespmem:s0], [sflag:$0x1] =	stream.linear.gather [hbm4b:s1+s2], $0x80, $0x38;
	(v2sf) =	vpush v2, $0xC;
	[tilespmem:$0x18400] =	vst v63  }
0xca: {  	s0 =	sadd.s32 $0x1C0, s22;
	s1 =	sadd.s32 s4, s28;
	s28 =	spop (v2sf)  }
0xcb: {  	[tilespmem:s0], [sflag:$0x2] =	stream.strided.gather [hbm4b:s1+s14], $0x0, s15, s14, $0x38;
	[tilespmem:$0x18400] =	vst v63  }
0xcc: {  	s28 =	sand.u32 $0x1FFFFFF0, s28;
	s30 =	spop (v2sf)  }
0xcd: {  	[tilespmem:s0], [sflag:$0x2] =	stream.linear.gather [hbm4b:s1+s2], $0x40, $0x38;
	(v2sf) =	vpush v1, $0xC;
	[tilespmem:$0x18400] =	vst v63  }
0xce: {  	s0 =	sadd.s32 $0x800, s24;
	s1 =	sadd.s32 s3, s26;
	s26 =	sand.u32 $0x1FFFFFF0, s30  }
0xcf: {  	[tilespmem:s0], [sflag:$0x1] =	stream.linear.gather [hbm4b:s1+s2], $0x80, $0x38;
	(v2sf) =	vpush v2, $0xD;
	[tilespmem:$0x18400] =	vst v63  }
0xd0: {  	s0 =	sadd.s32 $0x200, s22;
	s1 =	sadd.s32 s4, s25;
	s25 =	spop (v2sf)  }
0xd1: {  	[tilespmem:s0], [sflag:$0x2] =	stream.strided.gather [hbm4b:s1+s14], $0x0, s15, s14, $0x38;
	[tilespmem:$0x18400] =	vst v63  }
0xd2: {  	s25 =	sand.u32 $0x1FFFFFF0, s25;
	s30 =	spop (v2sf)  }
0xd3: {  	[tilespmem:s0], [sflag:$0x2] =	stream.linear.gather [hbm4b:s1+s2], $0x40, $0x38;
	(v2sf) =	vpush v1, $0xD;
	[tilespmem:$0x18400] =	vst v63  }
0xd4: {  	s0 =	sadd.s32 $0x880, s24;
	s1 =	sadd.s32 s3, s29;
	s29 =	sand.u32 $0x1FFFFFF0, s30  }
0xd5: {  	[tilespmem:s0], [sflag:$0x1] =	stream.linear.gather [hbm4b:s1+s2], $0x80, $0x38;
	(v2sf) =	vpush v2, $0xE;
	[tilespmem:$0x18400] =	vst v63  }
0xd6: {  	s0 =	sadd.s32 $0x240, s22;
	s1 =	sadd.s32 s4, s28;
	s28 =	spop (v2sf)  }
0xd7: {  	[tilespmem:s0], [sflag:$0x2] =	stream.strided.gather [hbm4b:s1+s14], $0x0, s15, s14, $0x38;
	[tilespmem:$0x18400] =	vst v63  }
0xd8: {  	s28 =	sand.u32 $0x1FFFFFF0, s28;
	s30 =	spop (v2sf)  }
0xd9: {  	[tilespmem:s0], [sflag:$0x2] =	stream.linear.gather [hbm4b:s1+s2], $0x40, $0x38;
	(v2sf) =	vpush v1, $0xE;
	[tilespmem:$0x18400] =	vst v63  }
0xda: {  	s0 =	sadd.s32 $0x900, s24;
	s1 =	sadd.s32 s3, s26;
	s26 =	sand.u32 $0x1FFFFFF0, s30  }
0xdb: {  	[tilespmem:s0], [sflag:$0x1] =	stream.linear.gather [hbm4b:s1+s2], $0x80, $0x38;
	(v2sf) =	vpush v2, $0xF;
	[tilespmem:$0x18400] =	vst v63  }
0xdc: {  	s0 =	sadd.s32 $0x280, s22;
	s1 =	sadd.s32 s4, s25;
	s25 =	spop (v2sf)  }
0xdd: {  	[tilespmem:s0], [sflag:$0x2] =	stream.strided.gather [hbm4b:s1+s14], $0x0, s15, s14, $0x38;
	[tilespmem:$0x18400] =	vst v63  }
0xde: {  	s30 =	spop (v2sf)  }
0xdf: {  	[tilespmem:s0], [sflag:$0x2] =	stream.linear.gather [hbm4b:s1+s2], $0x40, $0x38;
	(v2sf) =	vpush v1, $0xF;
	[tilespmem:$0x18400] =	vst v63  }
0xe0: {  	s0 =	sadd.s32 $0x980, s24;
	s1 =	sadd.s32 s3, s29;
	s29 =	sand.u32 $0x1FFFFFF0, s30  }
0xe1: {  	[tilespmem:s0], [sflag:$0x1] =	stream.linear.gather [hbm4b:s1+s2], $0x80, $0x38;
	[tilespmem:$0x18400] =	vst v63  }
0xe2: {  	s0 =	sadd.s32 $0x2C0, s22;
	s1 =	sadd.s32 s4, s28;
	s28 =	spop (v2sf)  }
0xe3: {  	[tilespmem:s0], [sflag:$0x2] =	stream.strided.gather [hbm4b:s1+s14], $0x0, s15, s14, $0x38;
	[tilespmem:$0x18400] =	vst v63  }
0xe4: {  	s30 =	sadd.s32 $0x300, s22;
	s28 =	sand.u32 $0x1FFFFFF0, s28;
	s31 =	spop (v2sf)  }
0xe5: {  	[tilespmem:s0], [sflag:$0x2] =	stream.linear.gather [hbm4b:s1+s2], $0x40, $0x38;
	[tilespmem:$0x18400] =	vst v63  }
0xe6: {  	s25 =	sand.u32 $0x1FFFFFF0, s25;
	s0 =	sadd.s32 $0xA00, s24;
	s1 =	sadd.s32 s3, s26  }
0xe7: {  	[tilespmem:s0], [sflag:$0x1] =	stream.linear.gather [hbm4b:s1+s2], $0x80, $0x38;
	[tilespmem:$0x18400] =	vst v63  }
0xe8: {  	s0 =	sadd.s32 s4, s25;
	s1 =	sand.u32 $0x1FFFFFF0, s31;
	s25 =	spop (v2sf)  }
0xe9: {  	[tilespmem:s30], [sflag:$0x2] =	stream.strided.gather [hbm4b:s0+s14], $0x0, s15, s14, $0x38;
	[tilespmem:$0x18400] =	vst v63  }
0xea: {  	s26 =	sand.u32 $0x1FFFFFF0, s25;
	s25 =	spop (v2sf)  }
0xeb: {  	[tilespmem:s30], [sflag:$0x2] =	stream.linear.gather [hbm4b:s0+s2], $0x40, $0x38;
	[tilespmem:$0x18400] =	vst v63  }
0xec: {  	s29 =	sadd.s32 s3, s29;
	s0 =	sadd.s32 $0xA80, s24;
	s30 =	sand.u32 $0x1FFFFFF0, s25  }
0xed: {  	[tilespmem:s0], [sflag:$0x1] =	stream.linear.gather [hbm4b:s29+s2], $0x80, $0x38;
	[tilespmem:$0x18400] =	vst v63  }
0xee: {  	s25 =	sadd.s32 s4, s28;
	s0 =	sadd.s32 $0x340, s22;
	s28 =	spop (v2sf)  }
0xef: {  	[tilespmem:s0], [sflag:$0x2] =	stream.strided.gather [hbm4b:s25+s14], $0x0, s15, s14, $0x38;
	[tilespmem:$0x18400] =	vst v63  }
0xf0: {  	s28 =	sand.u32 $0x1FFFFFF0, s28  }
0xf1: {  	[tilespmem:s0], [sflag:$0x2] =	stream.linear.gather [hbm4b:s25+s2], $0x40, $0x38;
	[tilespmem:$0x18400] =	vst v63  }
0xf2: {  	s1 =	sadd.s32 s3, s1;
	s0 =	sadd.s32 $0xB00, s24;
	s25 =	sadd.s32 s4, s28  }
0xf3: {  	[tilespmem:s0], [sflag:$0x1] =	stream.linear.gather [hbm4b:s1+s2], $0x80, $0x38;
	[tilespmem:$0x18400] =	vst v63  }
0xf4: {  	s0 =	sadd.s32 $0x380, s22;
	s1 =	sadd.s32 s4, s26  }
0xf5: {  	[tilespmem:s0], [sflag:$0x2] =	stream.strided.gather [hbm4b:s1+s14], $0x0, s15, s14, $0x38;
	[tilespmem:$0x18400] =	vst v63  }
.Ltmp0:
0xf6: {  	_ = 	snop;
	(pc) =	sbr.rel @p0 .LBB2_2-.Ltmp0, $4  }
0xf7: {  	_ = 	snop  }
0xf8: {  	[tilespmem:s0], [sflag:$0x2] =	stream.linear.gather [hbm4b:s1+s2], $0x40, $0x38;
	[tilespmem:$0x18400] =	vst v63  }
0xf9: {  	s22 =	sadd.s32 $0x400, s22;
	s0 =	sadd.s32 $0xB80, s24;
	s1 =	sadd.s32 s3, s30  }
0xfa: {  	[tilespmem:s0], [sflag:$0x1] =	stream.linear.gather [hbm4b:s1+s2], $0x80, $0x38;
	[tilespmem:$0x18400] =	vst v63  }
0xfb: {  	[tilespmem:s20], [sflag:$0x2] =	stream.strided.gather [hbm4b:s25+s14], $0x0, s15, s14, $0x38;
	[tilespmem:$0x18400] =	vst v63  }
0xfc: {  	_ = 	snop  }
0xfd: {  	[tilespmem:s20], [sflag:$0x2] =	stream.linear.gather [hbm4b:s25+s2], $0x40, $0x38;
	[tilespmem:$0x18400] =	vst v63  }
0xfe: {  	_ =	swait.ge [sflag:s16], $0x10000  }
0xff: {  	[sflag:s16] =	ssyncset.done $0x0  }
0x100: {  	[sflag:s16] =	ssyncadd.s32 $0xFFFF0000  }
0x101: {  	_ =	swait.ge [sflag:s17], $0x8000  }
0x102: {  	s19 =	simm.s32 $0x0;
	s21 =	simm.s32 $0x0;
	[sflag:s17] =	ssyncset.done $0x0  }
0x103: {  	s22 =	simm.s32 $0x0;
	s20 =	simm.s32 $0x10600;
	[sflag:s17] =	ssyncadd.s32 $0xFFFF8000  }
.LBB2_4:
0x104: {  	v1 =	vld [tilespmem:s21+$0x0];
	_ =	sdelay $0x4  }
0x105: {  	s23 =	sshra.s32 s22, $0x2;
	vm0 =	vgt.s32 v1, $0x7CFFF  }
0x106: {  	s0 =	sadd.s32 $0x400, s23;
	v1 =	vsel vm0, $0x40, v0  }
0x107: {  	v1 =	vadd.s32 s0, v1  }
0x108: {  	(v2sf) =	vpush v1, $0x1  }
0x109: {  	(v2sf) =	vpush v1, $0x0;
	_ =	sdelay $0xd  }
0x10a: {  	s31 =	spop (v2sf)  }
0x10b: {  	v3 =	vld [tilespmem:s20+$0xFFFFFE00];
	s1 =	spop (v2sf)  }
0x10c: {  	v2 =	vld [tilespmem:s1+$0x0];
	_ =	sdelay $0x4  }
0x10d: {  	v2 =	vmul.f32 v3, v2;
	_ =	sdelay $0x1  }
0x10e: {  	[tilespmem:s23+$0x400] =	vst v2  }
0x10f: {  	v2 =	vld [tilespmem:s1+$0x10]  }
0x110: {  	v3 =	vld [tilespmem:s20+$0xFFFFFE10];
	_ =	sdelay $0x4  }
0x111: {  	v2 =	vmul.f32 v3, v2;
	_ =	sdelay $0x1  }
0x112: {  	[tilespmem:s23+$0x410] =	vst v2  }
0x113: {  	v2 =	vld [tilespmem:s1+$0x20]  }
0x114: {  	v3 =	vld [tilespmem:s20+$0xFFFFFE20];
	_ =	sdelay $0x4  }
0x115: {  	v2 =	vmul.f32 v3, v2;
	_ =	sdelay $0x1  }
0x116: {  	[tilespmem:s23+$0x420] =	vst v2  }
0x117: {  	v2 =	vld [tilespmem:s1+$0x30]  }
0x118: {  	v3 =	vld [tilespmem:s20+$0xFFFFFE30];
	_ =	sdelay $0x4  }
0x119: {  	v2 =	vmul.f32 v3, v2;
	_ =	sdelay $0x1  }
0x11a: {  	[tilespmem:s23+$0x430] =	vst v2  }
0x11b: {  	v2 =	vld [tilespmem:s31+$0x80]  }
0x11c: {  	v3 =	vld [tilespmem:s20+$0xFFFFFE40];
	_ =	sdelay $0x4  }
0x11d: {  	v2 =	vmul.f32 v3, v2;
	_ =	sdelay $0x1  }
0x11e: {  	[tilespmem:s23+$0x480] =	vst v2  }
0x11f: {  	v2 =	vld [tilespmem:s31+$0x90]  }
0x120: {  	v3 =	vld [tilespmem:s20+$0xFFFFFE50];
	_ =	sdelay $0x4  }
0x121: {  	v2 =	vmul.f32 v3, v2;
	_ =	sdelay $0x1  }
0x122: {  	[tilespmem:s23+$0x490] =	vst v2  }
0x123: {  	v2 =	vld [tilespmem:s31+$0xA0]  }
0x124: {  	(v2sf) =	vpush v1, $0x3;
	v3 =	vld [tilespmem:s20+$0xFFFFFE60]  }
0x125: {  	(v2sf) =	vpush v1, $0x2;
	_ =	sdelay $0x3  }
0x126: {  	v2 =	vmul.f32 v3, v2;
	_ =	sdelay $0x1  }
0x127: {  	[tilespmem:s23+$0x4A0] =	vst v2  }
0x128: {  	v2 =	vld [tilespmem:s31+$0xB0]  }
0x129: {  	v3 =	vld [tilespmem:s20+$0xFFFFFE70];
	_ =	sdelay $0x4  }
0x12a: {  	v2 =	vmul.f32 v3, v2  }
0x12b: {  	s24 =	spop (v2sf)  }
0x12c: {  	s25 =	spop (v2sf);
	[tilespmem:s23+$0x4B0] =	vst v2  }
0x12d: {  	v2 =	vld [tilespmem:s25+$0x100]  }
0x12e: {  	v3 =	vld [tilespmem:s20+$0xFFFFFE80];
	_ =	sdelay $0x4  }
0x12f: {  	v2 =	vmul.f32 v3, v2;
	_ =	sdelay $0x1  }
0x130: {  	[tilespmem:s23+$0x500] =	vst v2  }
0x131: {  	v2 =	vld [tilespmem:s25+$0x110]  }
0x132: {  	v3 =	vld [tilespmem:s20+$0xFFFFFE90];
	_ =	sdelay $0x4  }
0x133: {  	v2 =	vmul.f32 v3, v2;
	_ =	sdelay $0x1  }
0x134: {  	[tilespmem:s23+$0x510] =	vst v2  }
0x135: {  	v2 =	vld [tilespmem:s25+$0x120]  }
0x136: {  	v3 =	vld [tilespmem:s20+$0xFFFFFEA0];
	_ =	sdelay $0x4  }
0x137: {  	v2 =	vmul.f32 v3, v2;
	_ =	sdelay $0x1  }
0x138: {  	[tilespmem:s23+$0x520] =	vst v2  }
0x139: {  	v2 =	vld [tilespmem:s25+$0x130]  }
0x13a: {  	v3 =	vld [tilespmem:s20+$0xFFFFFEB0];
	_ =	sdelay $0x4  }
0x13b: {  	v2 =	vmul.f32 v3, v2;
	_ =	sdelay $0x1  }
0x13c: {  	[tilespmem:s23+$0x530] =	vst v2  }
0x13d: {  	v2 =	vld [tilespmem:s24+$0x180]  }
0x13e: {  	v3 =	vld [tilespmem:s20+$0xFFFFFEC0];
	_ =	sdelay $0x4  }
0x13f: {  	v2 =	vmul.f32 v3, v2;
	_ =	sdelay $0x1  }
0x140: {  	[tilespmem:s23+$0x580] =	vst v2  }
0x141: {  	v2 =	vld [tilespmem:s24+$0x190]  }
0x142: {  	v3 =	vld [tilespmem:s20+$0xFFFFFED0];
	_ =	sdelay $0x4  }
0x143: {  	v2 =	vmul.f32 v3, v2;
	_ =	sdelay $0x1  }
0x144: {  	[tilespmem:s23+$0x590] =	vst v2  }
0x145: {  	v2 =	vld [tilespmem:s24+$0x1A0]  }
0x146: {  	(v2sf) =	vpush v1, $0x5;
	v3 =	vld [tilespmem:s20+$0xFFFFFEE0]  }
0x147: {  	(v2sf) =	vpush v1, $0x4;
	_ =	sdelay $0x3  }
0x148: {  	v2 =	vmul.f32 v3, v2;
	_ =	sdelay $0x1  }
0x149: {  	[tilespmem:s23+$0x5A0] =	vst v2  }
0x14a: {  	v2 =	vld [tilespmem:s24+$0x1B0]  }
0x14b: {  	v3 =	vld [tilespmem:s20+$0xFFFFFEF0];
	_ =	sdelay $0x4  }
0x14c: {  	v2 =	vmul.f32 v3, v2  }
0x14d: {  	s26 =	spop (v2sf)  }
0x14e: {  	s28 =	spop (v2sf);
	[tilespmem:s23+$0x5B0] =	vst v2  }
0x14f: {  	v2 =	vld [tilespmem:s28+$0x200]  }
0x150: {  	v3 =	vld [tilespmem:s20+$0xFFFFFF00];
	_ =	sdelay $0x4  }
0x151: {  	v2 =	vmul.f32 v3, v2;
	_ =	sdelay $0x1  }
0x152: {  	[tilespmem:s23+$0x600] =	vst v2  }
0x153: {  	v2 =	vld [tilespmem:s28+$0x210]  }
0x154: {  	v3 =	vld [tilespmem:s20+$0xFFFFFF10];
	_ =	sdelay $0x4  }
0x155: {  	v2 =	vmul.f32 v3, v2;
	_ =	sdelay $0x1  }
0x156: {  	[tilespmem:s23+$0x610] =	vst v2  }
0x157: {  	v2 =	vld [tilespmem:s28+$0x220]  }
0x158: {  	v3 =	vld [tilespmem:s20+$0xFFFFFF20];
	_ =	sdelay $0x4  }
0x159: {  	v2 =	vmul.f32 v3, v2;
	_ =	sdelay $0x1  }
0x15a: {  	[tilespmem:s23+$0x620] =	vst v2  }
0x15b: {  	v2 =	vld [tilespmem:s28+$0x230]  }
0x15c: {  	v3 =	vld [tilespmem:s20+$0xFFFFFF30];
	_ =	sdelay $0x4  }
0x15d: {  	v2 =	vmul.f32 v3, v2;
	_ =	sdelay $0x1  }
0x15e: {  	[tilespmem:s23+$0x630] =	vst v2  }
0x15f: {  	v2 =	vld [tilespmem:s26+$0x280]  }
0x160: {  	v3 =	vld [tilespmem:s20+$0xFFFFFF40];
	_ =	sdelay $0x4  }
0x161: {  	v2 =	vmul.f32 v3, v2;
	_ =	sdelay $0x1  }
0x162: {  	[tilespmem:s23+$0x680] =	vst v2  }
0x163: {  	v2 =	vld [tilespmem:s26+$0x290]  }
0x164: {  	v3 =	vld [tilespmem:s20+$0xFFFFFF50];
	_ =	sdelay $0x4  }
0x165: {  	v2 =	vmul.f32 v3, v2;
	_ =	sdelay $0x1  }
0x166: {  	[tilespmem:s23+$0x690] =	vst v2  }
0x167: {  	v2 =	vld [tilespmem:s26+$0x2A0]  }
0x168: {  	(v2sf) =	vpush v1, $0x7;
	v3 =	vld [tilespmem:s20+$0xFFFFFF60]  }
0x169: {  	(v2sf) =	vpush v1, $0x6;
	_ =	sdelay $0x3  }
0x16a: {  	v2 =	vmul.f32 v3, v2;
	_ =	sdelay $0x1  }
0x16b: {  	[tilespmem:s23+$0x6A0] =	vst v2  }
0x16c: {  	v2 =	vld [tilespmem:s26+$0x2B0]  }
0x16d: {  	v3 =	vld [tilespmem:s20+$0xFFFFFF70];
	_ =	sdelay $0x4  }
0x16e: {  	v2 =	vmul.f32 v3, v2  }
0x16f: {  	s29 =	spop (v2sf)  }
0x170: {  	s30 =	spop (v2sf);
	[tilespmem:s23+$0x6B0] =	vst v2  }
0x171: {  	v2 =	vld [tilespmem:s30+$0x300]  }
0x172: {  	v3 =	vld [tilespmem:s20+$0xFFFFFF80];
	_ =	sdelay $0x4  }
0x173: {  	v2 =	vmul.f32 v3, v2;
	_ =	sdelay $0x1  }
0x174: {  	[tilespmem:s23+$0x700] =	vst v2  }
0x175: {  	v2 =	vld [tilespmem:s30+$0x310]  }
0x176: {  	v3 =	vld [tilespmem:s20+$0xFFFFFF90];
	_ =	sdelay $0x4  }
0x177: {  	v2 =	vmul.f32 v3, v2;
	_ =	sdelay $0x1  }
0x178: {  	[tilespmem:s23+$0x710] =	vst v2  }
0x179: {  	v2 =	vld [tilespmem:s30+$0x320]  }
0x17a: {  	v3 =	vld [tilespmem:s20+$0xFFFFFFA0];
	_ =	sdelay $0x4  }
0x17b: {  	v2 =	vmul.f32 v3, v2;
	_ =	sdelay $0x1  }
0x17c: {  	[tilespmem:s23+$0x720] =	vst v2  }
0x17d: {  	v2 =	vld [tilespmem:s30+$0x330]  }
0x17e: {  	v3 =	vld [tilespmem:s20+$0xFFFFFFB0];
	_ =	sdelay $0x4  }
0x17f: {  	v2 =	vmul.f32 v3, v2;
	_ =	sdelay $0x1  }
0x180: {  	[tilespmem:s23+$0x730] =	vst v2  }
0x181: {  	v2 =	vld [tilespmem:s29+$0x380]  }
0x182: {  	v3 =	vld [tilespmem:s20+$0xFFFFFFC0];
	_ =	sdelay $0x4  }
0x183: {  	v2 =	vmul.f32 v3, v2;
	_ =	sdelay $0x1  }
0x184: {  	[tilespmem:s23+$0x780] =	vst v2  }
0x185: {  	v2 =	vld [tilespmem:s29+$0x390]  }
0x186: {  	v3 =	vld [tilespmem:s20+$0xFFFFFFD0];
	_ =	sdelay $0x4  }
0x187: {  	v2 =	vmul.f32 v3, v2;
	_ =	sdelay $0x1  }
0x188: {  	[tilespmem:s23+$0x790] =	vst v2  }
0x189: {  	v2 =	vld [tilespmem:s29+$0x3A0]  }
0x18a: {  	(v2sf) =	vpush v1, $0x9;
	v3 =	vld [tilespmem:s20+$0xFFFFFFE0]  }
0x18b: {  	(v2sf) =	vpush v1, $0x8;
	_ =	sdelay $0x3  }
0x18c: {  	v2 =	vmul.f32 v3, v2;
	_ =	sdelay $0x1  }
0x18d: {  	[tilespmem:s23+$0x7A0] =	vst v2  }
0x18e: {  	v2 =	vld [tilespmem:s29+$0x3B0]  }
0x18f: {  	v3 =	vld [tilespmem:s20+$0xFFFFFFF0];
	_ =	sdelay $0x4  }
0x190: {  	v2 =	vmul.f32 v3, v2  }
0x191: {  	s31 =	spop (v2sf)  }
0x192: {  	s24 =	spop (v2sf);
	[tilespmem:s23+$0x7B0] =	vst v2  }
0x193: {  	v2 =	vld [tilespmem:s24+$0x400]  }
0x194: {  	v3 =	vld [tilespmem:s20+$0x0];
	_ =	sdelay $0x4  }
0x195: {  	v2 =	vmul.f32 v3, v2;
	_ =	sdelay $0x1  }
0x196: {  	[tilespmem:s23+$0x800] =	vst v2  }
0x197: {  	v2 =	vld [tilespmem:s24+$0x410]  }
0x198: {  	v3 =	vld [tilespmem:s20+$0x10];
	_ =	sdelay $0x4  }
0x199: {  	v2 =	vmul.f32 v3, v2;
	_ =	sdelay $0x1  }
0x19a: {  	[tilespmem:s23+$0x810] =	vst v2  }
0x19b: {  	v2 =	vld [tilespmem:s24+$0x420]  }
0x19c: {  	v3 =	vld [tilespmem:s20+$0x20];
	_ =	sdelay $0x4  }
0x19d: {  	v2 =	vmul.f32 v3, v2;
	_ =	sdelay $0x1  }
0x19e: {  	[tilespmem:s23+$0x820] =	vst v2  }
0x19f: {  	v2 =	vld [tilespmem:s24+$0x430]  }
0x1a0: {  	v3 =	vld [tilespmem:s20+$0x30];
	_ =	sdelay $0x4  }
0x1a1: {  	v2 =	vmul.f32 v3, v2;
	_ =	sdelay $0x1  }
0x1a2: {  	[tilespmem:s23+$0x830] =	vst v2  }
0x1a3: {  	v2 =	vld [tilespmem:s31+$0x480]  }
0x1a4: {  	v3 =	vld [tilespmem:s20+$0x40];
	_ =	sdelay $0x4  }
0x1a5: {  	v2 =	vmul.f32 v3, v2;
	_ =	sdelay $0x1  }
0x1a6: {  	[tilespmem:s23+$0x880] =	vst v2  }
0x1a7: {  	v2 =	vld [tilespmem:s31+$0x490]  }
0x1a8: {  	v3 =	vld [tilespmem:s20+$0x50];
	_ =	sdelay $0x4  }
0x1a9: {  	v2 =	vmul.f32 v3, v2;
	_ =	sdelay $0x1  }
0x1aa: {  	[tilespmem:s23+$0x890] =	vst v2  }
0x1ab: {  	v2 =	vld [tilespmem:s31+$0x4A0]  }
0x1ac: {  	(v2sf) =	vpush v1, $0xB;
	v3 =	vld [tilespmem:s20+$0x60]  }
0x1ad: {  	(v2sf) =	vpush v1, $0xA;
	_ =	sdelay $0x3  }
0x1ae: {  	v2 =	vmul.f32 v3, v2;
	_ =	sdelay $0x1  }
0x1af: {  	[tilespmem:s23+$0x8A0] =	vst v2  }
0x1b0: {  	v2 =	vld [tilespmem:s31+$0x4B0]  }
0x1b1: {  	v3 =	vld [tilespmem:s20+$0x70];
	_ =	sdelay $0x4  }
0x1b2: {  	v2 =	vmul.f32 v3, v2  }
0x1b3: {  	s25 =	spop (v2sf)  }
0x1b4: {  	s26 =	spop (v2sf);
	[tilespmem:s23+$0x8B0] =	vst v2  }
0x1b5: {  	v2 =	vld [tilespmem:s26+$0x500]  }
0x1b6: {  	v3 =	vld [tilespmem:s20+$0x80];
	_ =	sdelay $0x4  }
0x1b7: {  	v2 =	vmul.f32 v3, v2;
	_ =	sdelay $0x1  }
0x1b8: {  	[tilespmem:s23+$0x900] =	vst v2  }
0x1b9: {  	v2 =	vld [tilespmem:s26+$0x510]  }
0x1ba: {  	v3 =	vld [tilespmem:s20+$0x90];
	_ =	sdelay $0x4  }
0x1bb: {  	v2 =	vmul.f32 v3, v2;
	_ =	sdelay $0x1  }
0x1bc: {  	[tilespmem:s23+$0x910] =	vst v2  }
0x1bd: {  	v2 =	vld [tilespmem:s26+$0x520]  }
0x1be: {  	v3 =	vld [tilespmem:s20+$0xA0];
	_ =	sdelay $0x4  }
0x1bf: {  	v2 =	vmul.f32 v3, v2;
	_ =	sdelay $0x1  }
0x1c0: {  	[tilespmem:s23+$0x920] =	vst v2  }
0x1c1: {  	v2 =	vld [tilespmem:s26+$0x530]  }
0x1c2: {  	v3 =	vld [tilespmem:s20+$0xB0];
	_ =	sdelay $0x4  }
0x1c3: {  	v2 =	vmul.f32 v3, v2;
	_ =	sdelay $0x1  }
0x1c4: {  	[tilespmem:s23+$0x930] =	vst v2  }
0x1c5: {  	v2 =	vld [tilespmem:s25+$0x580]  }
0x1c6: {  	v3 =	vld [tilespmem:s20+$0xC0];
	_ =	sdelay $0x4  }
0x1c7: {  	v2 =	vmul.f32 v3, v2;
	_ =	sdelay $0x1  }
0x1c8: {  	[tilespmem:s23+$0x980] =	vst v2  }
0x1c9: {  	v2 =	vld [tilespmem:s25+$0x590]  }
0x1ca: {  	v3 =	vld [tilespmem:s20+$0xD0];
	_ =	sdelay $0x4  }
0x1cb: {  	v2 =	vmul.f32 v3, v2;
	_ =	sdelay $0x1  }
0x1cc: {  	[tilespmem:s23+$0x990] =	vst v2  }
0x1cd: {  	v2 =	vld [tilespmem:s25+$0x5A0]  }
0x1ce: {  	(v2sf) =	vpush v1, $0xD;
	v3 =	vld [tilespmem:s20+$0xE0]  }
0x1cf: {  	(v2sf) =	vpush v1, $0xC;
	_ =	sdelay $0x3  }
0x1d0: {  	v2 =	vmul.f32 v3, v2;
	_ =	sdelay $0x1  }
0x1d1: {  	[tilespmem:s23+$0x9A0] =	vst v2  }
0x1d2: {  	v2 =	vld [tilespmem:s25+$0x5B0]  }
0x1d3: {  	v3 =	vld [tilespmem:s20+$0xF0];
	_ =	sdelay $0x4  }
0x1d4: {  	v2 =	vmul.f32 v3, v2  }
0x1d5: {  	s28 =	spop (v2sf)  }
0x1d6: {  	s29 =	spop (v2sf);
	[tilespmem:s23+$0x9B0] =	vst v2  }
0x1d7: {  	v2 =	vld [tilespmem:s29+$0x600]  }
0x1d8: {  	v3 =	vld [tilespmem:s20+$0x100];
	_ =	sdelay $0x4  }
0x1d9: {  	v2 =	vmul.f32 v3, v2;
	_ =	sdelay $0x1  }
0x1da: {  	[tilespmem:s23+$0xA00] =	vst v2  }
0x1db: {  	v2 =	vld [tilespmem:s29+$0x610]  }
0x1dc: {  	v3 =	vld [tilespmem:s20+$0x110];
	_ =	sdelay $0x4  }
0x1dd: {  	v2 =	vmul.f32 v3, v2;
	_ =	sdelay $0x1  }
0x1de: {  	[tilespmem:s23+$0xA10] =	vst v2  }
0x1df: {  	v2 =	vld [tilespmem:s29+$0x620]  }
0x1e0: {  	v3 =	vld [tilespmem:s20+$0x120];
	_ =	sdelay $0x4  }
0x1e1: {  	v2 =	vmul.f32 v3, v2;
	_ =	sdelay $0x1  }
0x1e2: {  	[tilespmem:s23+$0xA20] =	vst v2  }
0x1e3: {  	v2 =	vld [tilespmem:s29+$0x630]  }
0x1e4: {  	v3 =	vld [tilespmem:s20+$0x130];
	_ =	sdelay $0x4  }
0x1e5: {  	v2 =	vmul.f32 v3, v2;
	_ =	sdelay $0x1  }
0x1e6: {  	[tilespmem:s23+$0xA30] =	vst v2  }
0x1e7: {  	v2 =	vld [tilespmem:s28+$0x680]  }
0x1e8: {  	v3 =	vld [tilespmem:s20+$0x140];
	_ =	sdelay $0x4  }
0x1e9: {  	v2 =	vmul.f32 v3, v2;
	_ =	sdelay $0x1  }
0x1ea: {  	[tilespmem:s23+$0xA80] =	vst v2  }
0x1eb: {  	v2 =	vld [tilespmem:s28+$0x690]  }
0x1ec: {  	v3 =	vld [tilespmem:s20+$0x150];
	_ =	sdelay $0x4  }
0x1ed: {  	v2 =	vmul.f32 v3, v2;
	_ =	sdelay $0x1  }
0x1ee: {  	[tilespmem:s23+$0xA90] =	vst v2  }
0x1ef: {  	v2 =	vld [tilespmem:s28+$0x6A0]  }
0x1f0: {  	(v2sf) =	vpush v1, $0xF;
	v3 =	vld [tilespmem:s20+$0x160]  }
0x1f1: {  	(v2sf) =	vpush v1, $0xE;
	_ =	sdelay $0x3  }
0x1f2: {  	v1 =	vmul.f32 v3, v2;
	_ =	sdelay $0x1  }
0x1f3: {  	[tilespmem:s23+$0xAA0] =	vst v1  }
0x1f4: {  	v1 =	vld [tilespmem:s28+$0x6B0]  }
0x1f5: {  	v2 =	vld [tilespmem:s20+$0x170];
	_ =	sdelay $0x4  }
0x1f6: {  	v1 =	vmul.f32 v2, v1  }
0x1f7: {  	s30 =	spop (v2sf)  }
0x1f8: {  	s31 =	spop (v2sf);
	[tilespmem:s23+$0xAB0] =	vst v1  }
0x1f9: {  	v1 =	vld [tilespmem:s31+$0x700]  }
0x1fa: {  	v2 =	vld [tilespmem:s20+$0x180];
	_ =	sdelay $0x4  }
0x1fb: {  	v1 =	vmul.f32 v2, v1;
	_ =	sdelay $0x1  }
0x1fc: {  	[tilespmem:s23+$0xB00] =	vst v1  }
0x1fd: {  	v1 =	vld [tilespmem:s31+$0x710]  }
0x1fe: {  	v2 =	vld [tilespmem:s20+$0x190];
	_ =	sdelay $0x4  }
0x1ff: {  	v1 =	vmul.f32 v2, v1;
	_ =	sdelay $0x1  }
0x200: {  	[tilespmem:s23+$0xB10] =	vst v1  }
0x201: {  	v1 =	vld [tilespmem:s31+$0x720]  }
0x202: {  	v2 =	vld [tilespmem:s20+$0x1A0];
	_ =	sdelay $0x4  }
0x203: {  	v1 =	vmul.f32 v2, v1;
	_ =	sdelay $0x1  }
0x204: {  	[tilespmem:s23+$0xB20] =	vst v1  }
0x205: {  	v1 =	vld [tilespmem:s31+$0x730]  }
0x206: {  	v2 =	vld [tilespmem:s20+$0x1B0];
	_ =	sdelay $0x4  }
0x207: {  	v1 =	vmul.f32 v2, v1;
	_ =	sdelay $0x1  }
0x208: {  	[tilespmem:s23+$0xB30] =	vst v1  }
0x209: {  	v1 =	vld [tilespmem:s30+$0x780]  }
0x20a: {  	v2 =	vld [tilespmem:s20+$0x1C0];
	_ =	sdelay $0x4  }
0x20b: {  	v1 =	vmul.f32 v2, v1;
	_ =	sdelay $0x1  }
0x20c: {  	[tilespmem:s23+$0xB80] =	vst v1  }
0x20d: {  	v1 =	vld [tilespmem:s30+$0x790]  }
0x20e: {  	v2 =	vld [tilespmem:s20+$0x1D0];
	_ =	sdelay $0x4  }
0x20f: {  	v1 =	vmul.f32 v2, v1;
	_ =	sdelay $0x1  }
0x210: {  	[tilespmem:s23+$0xB90] =	vst v1  }
0x211: {  	v1 =	vld [tilespmem:s30+$0x7A0]  }
0x212: {  	v2 =	vld [tilespmem:s20+$0x1E0];
	_ =	sdelay $0x4  }
0x213: {  	v1 =	vmul.f32 v2, v1;
	_ =	sdelay $0x1  }
0x214: {  	[tilespmem:s23+$0xBA0] =	vst v1  }
0x215: {  	v1 =	vld [tilespmem:s30+$0x7B0]  }
0x216: {  	v2 =	vld [tilespmem:s20+$0x1F0];
	_ =	sdelay $0x1  }
0x217: {  	p0 =	sne.s32 s22, $0x1E000  }
.Ltmp1:
0x218: {  	_ = 	snop;
	(pc) =	sbr.rel @p0 .LBB2_4-.Ltmp1, $3  }
0x219: {  	_ = 	snop  }
0x21a: {  	v1 =	vmul.f32 v2, v1;
	_ =	sdelay $0x1  }
0x21b: {  	s21 =	sadd.s32 $0x10, s21;
	s22 =	sadd.s32 $0x2000, s22;
	s20 =	sadd.s32 $0x400, s20;
	[tilespmem:s23+$0xBB0] =	vst v1  }
0x21c: {  	s20 =	simm.s32 $0x147F0;
	s21 =	simm.s32 $0x100  }
.LBB2_6:
0x21d: {  	s0 =	sadd.s32 $0xFFFFFF00, s21  }
0x21e: {  	s1 =	sand.u32 $0x180, s21;
	s0 =	sand.u32 $0x70, s0  }
0x21f: {  	s0 =	sor.u32 s0, s1  }
0x220: {  	v1 =	vld [tilespmem:s0+$0x0];
	_ =	sdelay $0x4  }
0x221: {  	vm0 =	vgt.s32 v1, $0x7CFFF  }
0x222: {  	s22 =	sshra.s32 s19, $0x2;
	v1 =	vsel vm0, $0x40, v0  }
0x223: {  	v1 =	vadd.s32 s22, v1  }
0x224: {  	(v2sf) =	vpush v1, $0x1  }
0x225: {  	(v2sf) =	vpush v1, $0x0;
	_ =	sdelay $0xd  }
0x226: {  	s23 =	spop (v2sf)  }
0x227: {  	v3 =	vld [tilespmem:s20+$0xFFFFFC10];
	s24 =	spop (v2sf)  }
0x228: {  	v2 =	vld [tilespmem:s24+$0x8400];
	_ =	sdelay $0x4  }
0x229: {  	v2 =	vmul.f32 v3, v2;
	_ =	sdelay $0x1  }
0x22a: {  	[tilespmem:s22+$0x440] =	vst v2  }
0x22b: {  	v2 =	vld [tilespmem:s24+$0x8410]  }
0x22c: {  	v3 =	vld [tilespmem:s20+$0xFFFFFC20];
	_ =	sdelay $0x4  }
0x22d: {  	v2 =	vmul.f32 v3, v2;
	_ =	sdelay $0x1  }
0x22e: {  	[tilespmem:s22+$0x450] =	vst v2  }
0x22f: {  	v2 =	vld [tilespmem:s24+$0x8420]  }
0x230: {  	v3 =	vld [tilespmem:s20+$0xFFFFFC30];
	_ =	sdelay $0x4  }
0x231: {  	v2 =	vmul.f32 v3, v2;
	_ =	sdelay $0x1  }
0x232: {  	[tilespmem:s22+$0x460] =	vst v2  }
0x233: {  	v2 =	vld [tilespmem:s24+$0x8430]  }
0x234: {  	v3 =	vld [tilespmem:s20+$0xFFFFFC40];
	_ =	sdelay $0x4  }
0x235: {  	v2 =	vmul.f32 v3, v2;
	_ =	sdelay $0x1  }
0x236: {  	[tilespmem:s22+$0x470] =	vst v2  }
0x237: {  	v2 =	vld [tilespmem:s23+$0x8480]  }
0x238: {  	v3 =	vld [tilespmem:s20+$0xFFFFFC50];
	_ =	sdelay $0x4  }
0x239: {  	v2 =	vmul.f32 v3, v2;
	_ =	sdelay $0x1  }
0x23a: {  	[tilespmem:s22+$0x4C0] =	vst v2  }
0x23b: {  	v2 =	vld [tilespmem:s23+$0x8490]  }
0x23c: {  	v3 =	vld [tilespmem:s20+$0xFFFFFC60];
	_ =	sdelay $0x4  }
0x23d: {  	v2 =	vmul.f32 v3, v2;
	_ =	sdelay $0x1  }
0x23e: {  	[tilespmem:s22+$0x4D0] =	vst v2  }
0x23f: {  	v2 =	vld [tilespmem:s23+$0x84A0]  }
0x240: {  	(v2sf) =	vpush v1, $0x3;
	v3 =	vld [tilespmem:s20+$0xFFFFFC70]  }
0x241: {  	(v2sf) =	vpush v1, $0x2;
	_ =	sdelay $0x3  }
0x242: {  	v2 =	vmul.f32 v3, v2;
	_ =	sdelay $0x1  }
0x243: {  	[tilespmem:s22+$0x4E0] =	vst v2  }
0x244: {  	v2 =	vld [tilespmem:s23+$0x84B0]  }
0x245: {  	v3 =	vld [tilespmem:s20+$0xFFFFFC80];
	_ =	sdelay $0x4  }
0x246: {  	v2 =	vmul.f32 v3, v2  }
0x247: {  	s25 =	spop (v2sf)  }
0x248: {  	s26 =	spop (v2sf);
	[tilespmem:s22+$0x4F0] =	vst v2  }
0x249: {  	v2 =	vld [tilespmem:s26+$0x8500]  }
0x24a: {  	v3 =	vld [tilespmem:s20+$0xFFFFFC90];
	_ =	sdelay $0x4  }
0x24b: {  	v2 =	vmul.f32 v3, v2;
	_ =	sdelay $0x1  }
0x24c: {  	[tilespmem:s22+$0x540] =	vst v2  }
0x24d: {  	v2 =	vld [tilespmem:s26+$0x8510]  }
0x24e: {  	v3 =	vld [tilespmem:s20+$0xFFFFFCA0];
	_ =	sdelay $0x4  }
0x24f: {  	v2 =	vmul.f32 v3, v2;
	_ =	sdelay $0x1  }
0x250: {  	[tilespmem:s22+$0x550] =	vst v2  }
0x251: {  	v2 =	vld [tilespmem:s26+$0x8520]  }
0x252: {  	v3 =	vld [tilespmem:s20+$0xFFFFFCB0];
	_ =	sdelay $0x4  }
0x253: {  	v2 =	vmul.f32 v3, v2;
	_ =	sdelay $0x1  }
0x254: {  	[tilespmem:s22+$0x560] =	vst v2  }
0x255: {  	v2 =	vld [tilespmem:s26+$0x8530]  }
0x256: {  	v3 =	vld [tilespmem:s20+$0xFFFFFCC0];
	_ =	sdelay $0x4  }
0x257: {  	v2 =	vmul.f32 v3, v2;
	_ =	sdelay $0x1  }
0x258: {  	[tilespmem:s22+$0x570] =	vst v2  }
0x259: {  	v2 =	vld [tilespmem:s25+$0x8580]  }
0x25a: {  	v3 =	vld [tilespmem:s20+$0xFFFFFCD0];
	_ =	sdelay $0x4  }
0x25b: {  	v2 =	vmul.f32 v3, v2;
	_ =	sdelay $0x1  }
0x25c: {  	[tilespmem:s22+$0x5C0] =	vst v2  }
0x25d: {  	v2 =	vld [tilespmem:s25+$0x8590]  }
0x25e: {  	v3 =	vld [tilespmem:s20+$0xFFFFFCE0];
	_ =	sdelay $0x4  }
0x25f: {  	v2 =	vmul.f32 v3, v2;
	_ =	sdelay $0x1  }
0x260: {  	[tilespmem:s22+$0x5D0] =	vst v2  }
0x261: {  	v2 =	vld [tilespmem:s25+$0x85A0]  }
0x262: {  	(v2sf) =	vpush v1, $0x5;
	v3 =	vld [tilespmem:s20+$0xFFFFFCF0]  }
0x263: {  	(v2sf) =	vpush v1, $0x4;
	_ =	sdelay $0x3  }
0x264: {  	v2 =	vmul.f32 v3, v2;
	_ =	sdelay $0x1  }
0x265: {  	[tilespmem:s22+$0x5E0] =	vst v2  }
0x266: {  	v2 =	vld [tilespmem:s25+$0x85B0]  }
0x267: {  	v3 =	vld [tilespmem:s20+$0xFFFFFD00];
	_ =	sdelay $0x4  }
0x268: {  	v2 =	vmul.f32 v3, v2  }
0x269: {  	s28 =	spop (v2sf)  }
0x26a: {  	s29 =	spop (v2sf);
	[tilespmem:s22+$0x5F0] =	vst v2  }
0x26b: {  	v2 =	vld [tilespmem:s29+$0x8600]  }
0x26c: {  	v3 =	vld [tilespmem:s20+$0xFFFFFD10];
	_ =	sdelay $0x4  }
0x26d: {  	v2 =	vmul.f32 v3, v2;
	_ =	sdelay $0x1  }
0x26e: {  	[tilespmem:s22+$0x640] =	vst v2  }
0x26f: {  	v2 =	vld [tilespmem:s29+$0x8610]  }
0x270: {  	v3 =	vld [tilespmem:s20+$0xFFFFFD20];
	_ =	sdelay $0x4  }
0x271: {  	v2 =	vmul.f32 v3, v2;
	_ =	sdelay $0x1  }
0x272: {  	[tilespmem:s22+$0x650] =	vst v2  }
0x273: {  	v2 =	vld [tilespmem:s29+$0x8620]  }
0x274: {  	v3 =	vld [tilespmem:s20+$0xFFFFFD30];
	_ =	sdelay $0x4  }
0x275: {  	v2 =	vmul.f32 v3, v2;
	_ =	sdelay $0x1  }
0x276: {  	[tilespmem:s22+$0x660] =	vst v2  }
0x277: {  	v2 =	vld [tilespmem:s29+$0x8630]  }
0x278: {  	v3 =	vld [tilespmem:s20+$0xFFFFFD40];
	_ =	sdelay $0x4  }
0x279: {  	v2 =	vmul.f32 v3, v2;
	_ =	sdelay $0x1  }
0x27a: {  	[tilespmem:s22+$0x670] =	vst v2  }
0x27b: {  	v2 =	vld [tilespmem:s28+$0x8680]  }
0x27c: {  	v3 =	vld [tilespmem:s20+$0xFFFFFD50];
	_ =	sdelay $0x4  }
0x27d: {  	v2 =	vmul.f32 v3, v2;
	_ =	sdelay $0x1  }
0x27e: {  	[tilespmem:s22+$0x6C0] =	vst v2  }
0x27f: {  	v2 =	vld [tilespmem:s28+$0x8690]  }
0x280: {  	v3 =	vld [tilespmem:s20+$0xFFFFFD60];
	_ =	sdelay $0x4  }
0x281: {  	v2 =	vmul.f32 v3, v2;
	_ =	sdelay $0x1  }
0x282: {  	[tilespmem:s22+$0x6D0] =	vst v2  }
0x283: {  	v2 =	vld [tilespmem:s28+$0x86A0]  }
0x284: {  	(v2sf) =	vpush v1, $0x7;
	v3 =	vld [tilespmem:s20+$0xFFFFFD70]  }
0x285: {  	(v2sf) =	vpush v1, $0x6;
	_ =	sdelay $0x3  }
0x286: {  	v2 =	vmul.f32 v3, v2;
	_ =	sdelay $0x1  }
0x287: {  	[tilespmem:s22+$0x6E0] =	vst v2  }
0x288: {  	v2 =	vld [tilespmem:s28+$0x86B0]  }
0x289: {  	v3 =	vld [tilespmem:s20+$0xFFFFFD80];
	_ =	sdelay $0x4  }
0x28a: {  	v2 =	vmul.f32 v3, v2  }
0x28b: {  	s30 =	spop (v2sf)  }
0x28c: {  	s31 =	spop (v2sf);
	[tilespmem:s22+$0x6F0] =	vst v2  }
0x28d: {  	v2 =	vld [tilespmem:s31+$0x8700]  }
0x28e: {  	v3 =	vld [tilespmem:s20+$0xFFFFFD90];
	_ =	sdelay $0x4  }
0x28f: {  	v2 =	vmul.f32 v3, v2;
	_ =	sdelay $0x1  }
0x290: {  	[tilespmem:s22+$0x740] =	vst v2  }
0x291: {  	v2 =	vld [tilespmem:s31+$0x8710]  }
0x292: {  	v3 =	vld [tilespmem:s20+$0xFFFFFDA0];
	_ =	sdelay $0x4  }
0x293: {  	v2 =	vmul.f32 v3, v2;
	_ =	sdelay $0x1  }
0x294: {  	[tilespmem:s22+$0x750] =	vst v2  }
0x295: {  	v2 =	vld [tilespmem:s31+$0x8720]  }
0x296: {  	v3 =	vld [tilespmem:s20+$0xFFFFFDB0];
	_ =	sdelay $0x4  }
0x297: {  	v2 =	vmul.f32 v3, v2;
	_ =	sdelay $0x1  }
0x298: {  	[tilespmem:s22+$0x760] =	vst v2  }
0x299: {  	v2 =	vld [tilespmem:s31+$0x8730]  }
0x29a: {  	v3 =	vld [tilespmem:s20+$0xFFFFFDC0];
	_ =	sdelay $0x4  }
0x29b: {  	v2 =	vmul.f32 v3, v2;
	_ =	sdelay $0x1  }
0x29c: {  	[tilespmem:s22+$0x770] =	vst v2  }
0x29d: {  	v2 =	vld [tilespmem:s30+$0x8780]  }
0x29e: {  	v3 =	vld [tilespmem:s20+$0xFFFFFDD0];
	_ =	sdelay $0x4  }
0x29f: {  	v2 =	vmul.f32 v3, v2;
	_ =	sdelay $0x1  }
0x2a0: {  	[tilespmem:s22+$0x7C0] =	vst v2  }
0x2a1: {  	v2 =	vld [tilespmem:s30+$0x8790]  }
0x2a2: {  	v3 =	vld [tilespmem:s20+$0xFFFFFDE0];
	_ =	sdelay $0x4  }
0x2a3: {  	v2 =	vmul.f32 v3, v2;
	_ =	sdelay $0x1  }
0x2a4: {  	[tilespmem:s22+$0x7D0] =	vst v2  }
0x2a5: {  	v2 =	vld [tilespmem:s30+$0x87A0]  }
0x2a6: {  	(v2sf) =	vpush v1, $0x9;
	v3 =	vld [tilespmem:s20+$0xFFFFFDF0]  }
0x2a7: {  	(v2sf) =	vpush v1, $0x8;
	_ =	sdelay $0x3  }
0x2a8: {  	v2 =	vmul.f32 v3, v2;
	_ =	sdelay $0x1  }
0x2a9: {  	[tilespmem:s22+$0x7E0] =	vst v2  }
0x2aa: {  	v2 =	vld [tilespmem:s30+$0x87B0]  }
0x2ab: {  	v3 =	vld [tilespmem:s20+$0xFFFFFE00];
	_ =	sdelay $0x4  }
0x2ac: {  	v2 =	vmul.f32 v3, v2  }
0x2ad: {  	s23 =	spop (v2sf)  }
0x2ae: {  	s24 =	spop (v2sf);
	[tilespmem:s22+$0x7F0] =	vst v2  }
0x2af: {  	v2 =	vld [tilespmem:s24+$0x8800]  }
0x2b0: {  	v3 =	vld [tilespmem:s20+$0xFFFFFE10];
	_ =	sdelay $0x4  }
0x2b1: {  	v2 =	vmul.f32 v3, v2;
	_ =	sdelay $0x1  }
0x2b2: {  	[tilespmem:s22+$0x840] =	vst v2  }
0x2b3: {  	v2 =	vld [tilespmem:s24+$0x8810]  }
0x2b4: {  	v3 =	vld [tilespmem:s20+$0xFFFFFE20];
	_ =	sdelay $0x4  }
0x2b5: {  	v2 =	vmul.f32 v3, v2;
	_ =	sdelay $0x1  }
0x2b6: {  	[tilespmem:s22+$0x850] =	vst v2  }
0x2b7: {  	v2 =	vld [tilespmem:s24+$0x8820]  }
0x2b8: {  	v3 =	vld [tilespmem:s20+$0xFFFFFE30];
	_ =	sdelay $0x4  }
0x2b9: {  	v2 =	vmul.f32 v3, v2;
	_ =	sdelay $0x1  }
0x2ba: {  	[tilespmem:s22+$0x860] =	vst v2  }
0x2bb: {  	v2 =	vld [tilespmem:s24+$0x8830]  }
0x2bc: {  	v3 =	vld [tilespmem:s20+$0xFFFFFE40];
	_ =	sdelay $0x4  }
0x2bd: {  	v2 =	vmul.f32 v3, v2;
	_ =	sdelay $0x1  }
0x2be: {  	[tilespmem:s22+$0x870] =	vst v2  }
0x2bf: {  	v2 =	vld [tilespmem:s23+$0x8880]  }
0x2c0: {  	v3 =	vld [tilespmem:s20+$0xFFFFFE50];
	_ =	sdelay $0x4  }
0x2c1: {  	v2 =	vmul.f32 v3, v2;
	_ =	sdelay $0x1  }
0x2c2: {  	[tilespmem:s22+$0x8C0] =	vst v2  }
0x2c3: {  	v2 =	vld [tilespmem:s23+$0x8890]  }
0x2c4: {  	v3 =	vld [tilespmem:s20+$0xFFFFFE60];
	_ =	sdelay $0x4  }
0x2c5: {  	v2 =	vmul.f32 v3, v2;
	_ =	sdelay $0x1  }
0x2c6: {  	[tilespmem:s22+$0x8D0] =	vst v2  }
0x2c7: {  	v2 =	vld [tilespmem:s23+$0x88A0]  }
0x2c8: {  	(v2sf) =	vpush v1, $0xB;
	v3 =	vld [tilespmem:s20+$0xFFFFFE70]  }
0x2c9: {  	(v2sf) =	vpush v1, $0xA;
	_ =	sdelay $0x3  }
0x2ca: {  	v2 =	vmul.f32 v3, v2;
	_ =	sdelay $0x1  }
0x2cb: {  	[tilespmem:s22+$0x8E0] =	vst v2  }
0x2cc: {  	v2 =	vld [tilespmem:s23+$0x88B0]  }
0x2cd: {  	v3 =	vld [tilespmem:s20+$0xFFFFFE80];
	_ =	sdelay $0x4  }
0x2ce: {  	v2 =	vmul.f32 v3, v2  }
0x2cf: {  	s25 =	spop (v2sf)  }
0x2d0: {  	s26 =	spop (v2sf);
	[tilespmem:s22+$0x8F0] =	vst v2  }
0x2d1: {  	v2 =	vld [tilespmem:s26+$0x8900]  }
0x2d2: {  	v3 =	vld [tilespmem:s20+$0xFFFFFE90];
	_ =	sdelay $0x4  }
0x2d3: {  	v2 =	vmul.f32 v3, v2;
	_ =	sdelay $0x1  }
0x2d4: {  	[tilespmem:s22+$0x940] =	vst v2  }
0x2d5: {  	v2 =	vld [tilespmem:s26+$0x8910]  }
0x2d6: {  	v3 =	vld [tilespmem:s20+$0xFFFFFEA0];
	_ =	sdelay $0x4  }
0x2d7: {  	v2 =	vmul.f32 v3, v2;
	_ =	sdelay $0x1  }
0x2d8: {  	[tilespmem:s22+$0x950] =	vst v2  }
0x2d9: {  	v2 =	vld [tilespmem:s26+$0x8920]  }
0x2da: {  	v3 =	vld [tilespmem:s20+$0xFFFFFEB0];
	_ =	sdelay $0x4  }
0x2db: {  	v2 =	vmul.f32 v3, v2;
	_ =	sdelay $0x1  }
0x2dc: {  	[tilespmem:s22+$0x960] =	vst v2  }
0x2dd: {  	v2 =	vld [tilespmem:s26+$0x8930]  }
0x2de: {  	v3 =	vld [tilespmem:s20+$0xFFFFFEC0];
	_ =	sdelay $0x4  }
0x2df: {  	v2 =	vmul.f32 v3, v2;
	_ =	sdelay $0x1  }
0x2e0: {  	[tilespmem:s22+$0x970] =	vst v2  }
0x2e1: {  	v2 =	vld [tilespmem:s25+$0x8980]  }
0x2e2: {  	v3 =	vld [tilespmem:s20+$0xFFFFFED0];
	_ =	sdelay $0x4  }
0x2e3: {  	v2 =	vmul.f32 v3, v2;
	_ =	sdelay $0x1  }
0x2e4: {  	[tilespmem:s22+$0x9C0] =	vst v2  }
0x2e5: {  	v2 =	vld [tilespmem:s25+$0x8990]  }
0x2e6: {  	v3 =	vld [tilespmem:s20+$0xFFFFFEE0];
	_ =	sdelay $0x4  }
0x2e7: {  	v2 =	vmul.f32 v3, v2;
	_ =	sdelay $0x1  }
0x2e8: {  	[tilespmem:s22+$0x9D0] =	vst v2  }
0x2e9: {  	v2 =	vld [tilespmem:s25+$0x89A0]  }
0x2ea: {  	(v2sf) =	vpush v1, $0xD;
	v3 =	vld [tilespmem:s20+$0xFFFFFEF0]  }
0x2eb: {  	(v2sf) =	vpush v1, $0xC;
	_ =	sdelay $0x3  }
0x2ec: {  	v2 =	vmul.f32 v3, v2;
	_ =	sdelay $0x1  }
0x2ed: {  	[tilespmem:s22+$0x9E0] =	vst v2  }
0x2ee: {  	v2 =	vld [tilespmem:s25+$0x89B0]  }
0x2ef: {  	v3 =	vld [tilespmem:s20+$0xFFFFFF00];
	_ =	sdelay $0x4  }
0x2f0: {  	v2 =	vmul.f32 v3, v2  }
0x2f1: {  	s28 =	spop (v2sf)  }
0x2f2: {  	s29 =	spop (v2sf);
	[tilespmem:s22+$0x9F0] =	vst v2  }
0x2f3: {  	v2 =	vld [tilespmem:s29+$0x8A00]  }
0x2f4: {  	v3 =	vld [tilespmem:s20+$0xFFFFFF10];
	_ =	sdelay $0x4  }
0x2f5: {  	v2 =	vmul.f32 v3, v2;
	_ =	sdelay $0x1  }
0x2f6: {  	[tilespmem:s22+$0xA40] =	vst v2  }
0x2f7: {  	v2 =	vld [tilespmem:s29+$0x8A10]  }
0x2f8: {  	v3 =	vld [tilespmem:s20+$0xFFFFFF20];
	_ =	sdelay $0x4  }
0x2f9: {  	v2 =	vmul.f32 v3, v2;
	_ =	sdelay $0x1  }
0x2fa: {  	[tilespmem:s22+$0xA50] =	vst v2  }
0x2fb: {  	v2 =	vld [tilespmem:s29+$0x8A20]  }
0x2fc: {  	v3 =	vld [tilespmem:s20+$0xFFFFFF30];
	_ =	sdelay $0x4  }
0x2fd: {  	v2 =	vmul.f32 v3, v2;
	_ =	sdelay $0x1  }
0x2fe: {  	[tilespmem:s22+$0xA60] =	vst v2  }
0x2ff: {  	v2 =	vld [tilespmem:s29+$0x8A30]  }
0x300: {  	v3 =	vld [tilespmem:s20+$0xFFFFFF40];
	_ =	sdelay $0x4  }
0x301: {  	v2 =	vmul.f32 v3, v2;
	_ =	sdelay $0x1  }
0x302: {  	[tilespmem:s22+$0xA70] =	vst v2  }
0x303: {  	v2 =	vld [tilespmem:s28+$0x8A80]  }
0x304: {  	v3 =	vld [tilespmem:s20+$0xFFFFFF50];
	_ =	sdelay $0x4  }
0x305: {  	v2 =	vmul.f32 v3, v2;
	_ =	sdelay $0x1  }
0x306: {  	[tilespmem:s22+$0xAC0] =	vst v2  }
0x307: {  	v2 =	vld [tilespmem:s28+$0x8A90]  }
0x308: {  	v3 =	vld [tilespmem:s20+$0xFFFFFF60];
	_ =	sdelay $0x4  }
0x309: {  	v2 =	vmul.f32 v3, v2;
	_ =	sdelay $0x1  }
0x30a: {  	[tilespmem:s22+$0xAD0] =	vst v2  }
0x30b: {  	v2 =	vld [tilespmem:s28+$0x8AA0]  }
0x30c: {  	(v2sf) =	vpush v1, $0xF;
	v3 =	vld [tilespmem:s20+$0xFFFFFF70]  }
0x30d: {  	(v2sf) =	vpush v1, $0xE;
	_ =	sdelay $0x3  }
0x30e: {  	v1 =	vmul.f32 v3, v2;
	_ =	sdelay $0x1  }
0x30f: {  	[tilespmem:s22+$0xAE0] =	vst v1  }
0x310: {  	v1 =	vld [tilespmem:s28+$0x8AB0]  }
0x311: {  	v2 =	vld [tilespmem:s20+$0xFFFFFF80];
	_ =	sdelay $0x4  }
0x312: {  	v1 =	vmul.f32 v2, v1  }
0x313: {  	s30 =	spop (v2sf)  }
0x314: {  	s31 =	spop (v2sf);
	[tilespmem:s22+$0xAF0] =	vst v1  }
0x315: {  	v1 =	vld [tilespmem:s31+$0x8B00]  }
0x316: {  	v2 =	vld [tilespmem:s20+$0xFFFFFF90];
	_ =	sdelay $0x4  }
0x317: {  	v1 =	vmul.f32 v2, v1;
	_ =	sdelay $0x1  }
0x318: {  	[tilespmem:s22+$0xB40] =	vst v1  }
0x319: {  	v1 =	vld [tilespmem:s31+$0x8B10]  }
0x31a: {  	v2 =	vld [tilespmem:s20+$0xFFFFFFA0];
	_ =	sdelay $0x4  }
0x31b: {  	v1 =	vmul.f32 v2, v1;
	_ =	sdelay $0x1  }
0x31c: {  	[tilespmem:s22+$0xB50] =	vst v1  }
0x31d: {  	v1 =	vld [tilespmem:s31+$0x8B20]  }
0x31e: {  	v2 =	vld [tilespmem:s20+$0xFFFFFFB0];
	_ =	sdelay $0x4  }
0x31f: {  	v1 =	vmul.f32 v2, v1;
	_ =	sdelay $0x1  }
0x320: {  	[tilespmem:s22+$0xB60] =	vst v1  }
0x321: {  	v1 =	vld [tilespmem:s31+$0x8B30]  }
0x322: {  	v2 =	vld [tilespmem:s20+$0xFFFFFFC0];
	_ =	sdelay $0x4  }
0x323: {  	v1 =	vmul.f32 v2, v1;
	_ =	sdelay $0x1  }
0x324: {  	[tilespmem:s22+$0xB70] =	vst v1  }
0x325: {  	v1 =	vld [tilespmem:s30+$0x8B80]  }
0x326: {  	v2 =	vld [tilespmem:s20+$0xFFFFFFD0];
	_ =	sdelay $0x4  }
0x327: {  	v1 =	vmul.f32 v2, v1;
	_ =	sdelay $0x1  }
0x328: {  	[tilespmem:s22+$0xBC0] =	vst v1  }
0x329: {  	v1 =	vld [tilespmem:s30+$0x8B90]  }
0x32a: {  	v2 =	vld [tilespmem:s20+$0xFFFFFFE0];
	_ =	sdelay $0x4  }
0x32b: {  	v1 =	vmul.f32 v2, v1;
	_ =	sdelay $0x1  }
0x32c: {  	[tilespmem:s22+$0xBD0] =	vst v1  }
0x32d: {  	v1 =	vld [tilespmem:s30+$0x8BA0]  }
0x32e: {  	v2 =	vld [tilespmem:s20+$0xFFFFFFF0];
	_ =	sdelay $0x4  }
0x32f: {  	v1 =	vmul.f32 v2, v1;
	_ =	sdelay $0x1  }
0x330: {  	[tilespmem:s22+$0xBE0] =	vst v1  }
0x331: {  	v1 =	vld [tilespmem:s30+$0x8BB0]  }
0x332: {  	v2 =	vld [tilespmem:s20+$0x0];
	_ =	sdelay $0x1  }
0x333: {  	p0 =	sne.s32 s19, $0x1E000  }
.Ltmp2:
0x334: {  	_ = 	snop;
	(pc) =	sbr.rel @p0 .LBB2_6-.Ltmp2, $3  }
0x335: {  	_ = 	snop  }
0x336: {  	v1 =	vmul.f32 v2, v1;
	_ =	sdelay $0x1  }
0x337: {  	s21 =	sadd.s32 $0x10, s21;
	s19 =	sadd.s32 $0x2000, s19;
	s20 =	sadd.s32 $0x400, s20;
	[tilespmem:s22+$0xBF0] =	vst v1  }
0x338: {  	s18 =	sadd.s32 $0x1, s18  }
0x339: {  	p0 =	sne.s32 s18, s10  }
.Ltmp3:
0x33a: {  	_ = 	snop;
	(pc) =	sbr.rel @p0 .LBB2_1-.Ltmp3, $4  }
0x33b: {  	[hbm4b:s9+s2] =	stream.linear.scatter [tilespmem:s15], [sflag:$0x3], $0x8000, $0x38;
	[tilespmem:$0x18400] =	vst v63  }
0x33c: {  	_ =	swait.ge [sflag:s11], $0x8000  }
0x33d: {  	[sflag:s11] =	ssyncset.done $0x0  }
0x33e: {  	[sflag:s11] =	ssyncadd.s32 $0xFFFF8000  }
0x33f: {  	_ =	sfence.sel $0x180000  }
0x340: {  	[bflag:$0x0] =	sbarrier.arrive $0xFFFF  }
0x341: {  	_ =	strace $0x90000047  }
0x342: {  	s0 =	stileid.u32;
	[bflag:$0x2] =	sbarrier.arrive $0xFFFF  }
0x343: {  	p0 =	sne.s32 s0, $0x0;
	s0 =	rddreg [dreg:$0x3]  }
0x344: {  	s0 =	sadd.s32 @!p0 $0x100000, s0  }
0x345: {  	[sflag:s0] =	ssyncadd.tile.s32 @!p0 $0x1;
	_ =	shalt  }
.Lfunc_end2:
_tile_overlayer_lowered:
.L_overlay_start_2:
0x346: {  	(tag) =	ssettag $0x2  }
0x347: {  	s0 =	rddreg [dreg:$0x0];
	s2 =	stileid.u32  }
0x348: {  	s1 =	rddreg [dreg:$0x1];
	p0 =	sne.s32 s2, $0x0  }
0x349: {  	s3 =	rddreg [dreg:$0x2];
	[bflag:$0x3] =	sbarrier.arrive $0xFFFF;
	s2 =	simm.s32 @!p0 $0x1C03  }
0x34a: {  	[timem:s3], [sflag:s2] =	dma.local @!p0 [hbm:s0], s1  }
0x34b: {  	s0 =	simm.s32 @!p0 $0x3  }
0x34c: {  	_ =	swait.ge @!p0 [sflag:s0], s1  }
0x34d: {  	s1 =	ssub.s32 @!p0 $0x0, s1;
	[sflag:s0] =	ssyncset.done @!p0 $0x0  }
0x34e: {  	[sflag:s0] =	ssyncadd.s32 @!p0 s1  }
0x34f: {  	[bflag:$0x3] =	sbarrier.arrive $0xFFFF  }
0x350: {  	_ =	shalt  }

</sc_bundles>
